<compile_context>
chip_gen: v7x
topology: tpu7x:2x2x1
jax: 0.10.2.dev20260603
libtpu: 0.0.44.dev20260713+nightly
codegen_flags: <defaults>
</compile_context>

<pallas_src>
import functools

import jax
import jax.numpy as jnp
from jax import lax
from jax.experimental import pallas as pl
from jax.experimental.pallas import tpu as pltpu
from jax.experimental.pallas import tpu_sc as plsc

_NC = 2
_NS = 16
_NW = _NC * _NS
_CH = 128
_NEG = -3.0e38


def _make_sc_scatter(n2, epad):
    epw = epad // _NW
    nchunks = epw // _CH
    rps = n2 // _NS
    mesh = plsc.VectorSubcoreMesh(
        core_axis_name="c", subcore_axis_name="s",
        num_cores=_NC, num_subcores=_NS)
    n_trash = n2 - 8

    def body(row_hbm, col_hbm, table_hbm, zeros_hbm, out_hbm,
             rowv, colv, col2v, rowsv, shared, sem):
        cid = lax.axis_index("c")
        sid = lax.axis_index("s")
        wid = sid * _NC + cid
        base = wid * epw
        pltpu.sync_copy(zeros_hbm.at[pl.ds(sid * rps, rps)],
                        shared.at[pl.ds(sid * rps, rps)])
        plsc.subcore_barrier()

        def chunk(i, carry):
            off = base + i * _CH
            pltpu.sync_copy(row_hbm.at[pl.ds(off, _CH)], rowv)
            pltpu.sync_copy(col_hbm.at[pl.ds(off, _CH)], colv)
            for q in range(_CH // 16):
                r = rowv[pl.ds(q * 16, 16)]
                c = colv[pl.ds(q * 16, 16)]
                col2v[pl.ds(q * 16, 16)] = jnp.where(r == c, n_trash, c)
            pltpu.async_copy(table_hbm.at[rowv], rowsv, sem).wait()
            pltpu.sync_copy(rowsv, shared.at[col2v], add=True)
            return carry

        lax.fori_loop(0, nchunks, chunk, 0)
        plsc.subcore_barrier()
        pltpu.sync_copy(shared.at[pl.ds(sid * rps, rps)],
                        out_hbm.at[cid, pl.ds(sid * rps, rps)])

    return pl.kernel(
        body,
        out_type=jax.ShapeDtypeStruct((_NC, n2, 32), jnp.float32),
        mesh=mesh,
        compiler_params=pltpu.CompilerParams(use_tc_tiling_on_sc=False),
        scratch_types=[
            pltpu.VMEM((_CH,), jnp.int32),
            pltpu.VMEM((_CH,), jnp.int32),
            pltpu.VMEM((_CH,), jnp.int32),
            pltpu.VMEM((_CH, 32), jnp.float32),
            pltpu.VMEM_SHARED((n2, 32), jnp.float32),
            pltpu.SemaphoreType.DMA,
        ],
    )


def _dis_body(p_ref, o_ref):
    deg = 1.0 + p_ref[0, :, 0:1] + p_ref[1, :, 0:1]
    o_ref[...] = lax.rsqrt(deg)


def _hd_body(x_ref, w_ref, dis_ref, o_ref):
    o_ref[...] = dis_ref[...] * jnp.dot(
        x_ref[...], w_ref[...], preferred_element_type=jnp.float32)


def _post_body(p_ref, hd_ref, dis_ref, b_ref, o_ref):
    s = p_ref[0] + p_ref[1] + hd_ref[...]
    o_ref[...] = jnp.tanh(dis_ref[...] * s + b_ref[...])


def _read_body(xc_ref, bt_ref, lv_ref, c5w_ref, c5b_ref, c6w_ref, c6b_ref,
               f1w_ref, f1b_ref, f2w_ref, f2b_ref, o_ref):
    g = pl.program_id(0)
    bt = bt_ref[...]
    mask = bt == g
    cnt = jnp.sum(mask.astype(jnp.int32))
    v = jnp.where(mask, lv_ref[...], _NEG)
    iota = lax.broadcasted_iota(jnp.int32, v.shape, 1)
    big = jnp.int32(2 ** 30)
    ohs = []
    for j in range(30):
        m = jnp.max(v)
        idx = jnp.min(jnp.where(v == m, iota, big))
        oh = iota == idx
        valid = jnp.where(j < cnt, 1.0, 0.0)
        ohs.append(oh.astype(jnp.float32) * valid)
        v = jnp.where(oh, _NEG, v)
    ohm = jnp.concatenate(ohs, axis=0)
    kept = jnp.dot(ohm, xc_ref[...], preferred_element_type=jnp.float32)
    h1 = jnp.maximum(
        jnp.dot(kept, c5w_ref[...], preferred_element_type=jnp.float32)
        + c5b_ref[...], 0.0)
    pool = jnp.concatenate(
        [jnp.maximum(h1[2 * t:2 * t + 1, :], h1[2 * t + 1:2 * t + 2, :])
         for t in range(15)], axis=0)
    acc = None
    for dt in range(5):
        part = jnp.dot(pool[dt:dt + 11, :], c6w_ref[dt],
                       preferred_element_type=jnp.float32)
        acc = part if acc is None else acc + part
    h2 = jnp.maximum(acc + c6b_ref[...], 0.0)
    f = None
    for t in range(11):
        ft = jnp.dot(h2[t:t + 1, :], f1w_ref[t],
                     preferred_element_type=jnp.float32)
        f = ft if f is None else f + ft
    f = jnp.maximum(f + f1b_ref[...], 0.0)
    lg = jnp.dot(f, f2w_ref[...], preferred_element_type=jnp.float32) \
        + f2b_ref[...]
    m2 = jnp.max(lg, axis=1, keepdims=True)
    lg = lg - m2
    ls = lg - jnp.log(jnp.sum(jnp.exp(lg), axis=1, keepdims=True))
    o_ref[...] = jnp.broadcast_to(ls[:, None, :], o_ref.shape)


def _full(shape):
    nd = len(shape)
    return pl.BlockSpec(shape, lambda g, _n=nd: (0,) * _n)


def kernel(x, edge_index, batch, W1, b1, W2, b2, W3, b3, W4, b4,
           c5w, c5b, c6w, c6b, f1w, f1b, f2w, f2b):
    N, F = x.shape
    E = edge_index.shape[1]
    B = 100
    C = f2b.shape[0]
    n2 = ((N + 16 + 127) // 128) * 128
    np3 = ((n2 + 127) // 128) * 128
    epad = ((E + _NW * _CH - 1) // (_NW * _CH)) * (_NW * _CH)

    row = edge_index[0]
    col = edge_index[1]
    if epad > E:
        zpad = jnp.zeros((epad - E,), row.dtype)
        row = jnp.concatenate([row, zpad])
        col = jnp.concatenate([col, zpad])
    row = row.astype(jnp.int32)
    col = col.astype(jnp.int32)

    zeros_tab = jnp.zeros((n2, 32), jnp.float32)
    ones_tab = jnp.ones((n2, 32), jnp.float32)
    sc = _make_sc_scatter(n2, epad)

    p_deg = sc(row, col, ones_tab, zeros_tab)
    dis = pl.pallas_call(
        _dis_body,
        out_shape=jax.ShapeDtypeStruct((n2, 1), jnp.float32),
    )(p_deg)

    def layer(h_in, W, b, width):
        hd = pl.pallas_call(
            _hd_body,
            out_shape=jax.ShapeDtypeStruct((n2, width), jnp.float32),
        )(h_in, W, dis)
        hd32 = hd if width == 32 else jnp.pad(hd, ((0, 0), (0, 32 - width)))
        p = sc(row, col, hd32, zeros_tab)
        pc = p if width == 32 else p[:, :, :width]
        return pl.pallas_call(
            _post_body,
            out_shape=jax.ShapeDtypeStruct((n2, width), jnp.float32),
        )(pc, hd, dis, b.reshape(1, width))

    xp = jnp.pad(x, ((0, n2 - N), (0, 0)))
    x1 = layer(xp, W1, b1, 32)
    x2 = layer(x1, W2, b2, 32)
    x3 = layer(x2, W3, b3, 32)
    x4 = layer(x3, W4, b4, 1)

    xc = jnp.concatenate([x1, x2, x3, x4], axis=-1)
    D = xc.shape[1]
    xcp = jnp.pad(xc, ((0, np3 - n2), (0, 128 - D)))
    lastv = jnp.pad(x4[:, 0], (0, np3 - n2),
                    constant_values=_NEG).reshape(1, np3)
    batchv = jnp.pad(batch.astype(jnp.int32), (0, np3 - N),
                     constant_values=B).reshape(1, np3)

    c5p = jnp.pad(c5w.reshape(16, D).T, ((0, 128 - D), (0, 0)))
    c6p = jnp.transpose(c6w, (2, 1, 0))
    f1p = jnp.transpose(f1w.reshape(32, 11, 128), (1, 0, 2))

    out = pl.pallas_call(
        _read_body,
        grid=(B,),
        in_specs=[
            _full((np3, 128)), _full((1, np3)), _full((1, np3)),
            _full((128, 16)), _full((1, 16)),
            _full((5, 16, 32)), _full((1, 32)),
            _full((11, 32, 128)), _full((1, 128)),
            _full((128, C)), _full((1, C)),
        ],
        out_specs=pl.BlockSpec((1, 8, C), lambda g: (g, 0, 0)),
        out_shape=jax.ShapeDtypeStruct((B, 8, C), jnp.float32),
    )(xcp, batchv, lastv, c5p, c5b.reshape(1, 16), c6p, c6b.reshape(1, 32),
      f1p, f1b.reshape(1, 128), f2w, f2b.reshape(1, C))
    return out[:, 0, :]

# --- scband reference (transcript-rebuilt; emitter-appended) ---
"""Pipeline reference for scband-model-4312147165864 (READ-ONLY COPY).

The authoritative reference and input builder live on the scoring server;
editing this copy changes nothing except your own understanding.
"""

import jax, jax.numpy as jnp
import numpy as np


def _gcn_conv(x, row, col, w, W, b, n):
    h = x @ W
    deg = jnp.zeros((n,), h.dtype).at[col].add(w.astype(h.dtype))
    dis = jnp.where(deg > 0, 1.0 / jnp.sqrt(deg), 0.0)
    norm = dis[row] * dis[col] * w.astype(h.dtype)
    msg = norm[:, None] * h[row]
    out = jnp.zeros_like(h).at[col].add(msg)
    return out + b


def _forward(x, edge_index, batch, params):
    (W1, b1, W2, b2, W3, b3, W4, b4, c5w, c5b, c6w, c6b, f1w, f1b, f2w, f2b) = params
    N = x.shape[0]
    row, col = edge_index[0], edge_index[1]
    ew = (row != col).astype(x.dtype)
    loop = jnp.arange(N, dtype=row.dtype)
    row = jnp.concatenate([row, loop])
    col = jnp.concatenate([col, loop])
    w = jnp.concatenate([ew, jnp.ones((N,), x.dtype)])
    x1 = jnp.tanh(_gcn_conv(x, row, col, w, W1, b1, N))
    x2 = jnp.tanh(_gcn_conv(x1, row, col, w, W2, b2, N))
    x3 = jnp.tanh(_gcn_conv(x2, row, col, w, W3, b3, N))
    x4 = jnp.tanh(_gcn_conv(x3, row, col, w, W4, b4, N))
    xc = jnp.concatenate([x1, x2, x3, x4], axis=-1)
    D = xc.shape[1]
    B = 100
    counts = jnp.bincount(batch, length=B)
    max_nodes = N
    offsets = jnp.concatenate([jnp.zeros((1,), counts.dtype), jnp.cumsum(counts)[:-1]])
    pos = jnp.arange(N) - offsets[batch]
    fill = xc.min() - 1.0
    dense = jnp.full((B, max_nodes, D), fill, xc.dtype).at[batch, pos].set(xc)
    perm = jnp.argsort(-dense[:, :, -1], axis=1)
    dense = jnp.take_along_axis(dense, perm[:, :, None], axis=1)
    k = 30
    if max_nodes >= k:
        dense = dense[:, :k]
    else:
        pad = jnp.full((B, k - max_nodes, D), fill, xc.dtype)
        dense = jnp.concatenate([dense, pad], axis=1)
    dense = jnp.where(dense == fill, 0.0, dense)
    h = dense.reshape(B, 1, k * D)
    dn = ('NCH', 'OIH', 'NCH')
    h = jax.lax.conv_general_dilated(h, c5w, (97,), 'VALID', dimension_numbers=dn) + c5b[None, :, None]
    h = jax.nn.relu(h)
    h = jax.lax.reduce_window(h, -jnp.inf, jax.lax.max, (1, 1, 2), (1, 1, 2), 'VALID')
    h = jax.lax.conv_general_dilated(h, c6w, (1,), 'VALID', dimension_numbers=dn) + c6b[None, :, None]
    h = jax.nn.relu(h)
    h = h.reshape(B, -1)
    h = jax.nn.relu(h @ f1w + f1b)
    logits = h @ f2w + f2b
    return jax.nn.log_softmax(logits, axis=-1)


def setup_inputs(seed: int = 0):
    key = jax.random.key(seed)
    ks = jax.random.split(key, 24)
    N, F, E, B, C = 10000, 128, 320000, 100, 10
    x = jax.random.normal(ks[0], (N, F), jnp.float32)
    edge_index = jax.random.randint(ks[1], (2, E), 0, N, dtype=jnp.int32)
    batch = jnp.sort(jax.random.randint(ks[2], (N,), 0, B, dtype=jnp.int32))
    batch = batch.at[-1].set(B - 1)

    def u(k, shape, fan_in):
        s = 1.0 / np.sqrt(fan_in)
        return jax.random.uniform(k, shape, jnp.float32, -s, s)

    params = dict(
        W1=u(ks[3], (F, 32), F), b1=u(ks[4], (32,), F),
        W2=u(ks[5], (32, 32), 32), b2=u(ks[6], (32,), 32),
        W3=u(ks[7], (32, 32), 32), b3=u(ks[8], (32,), 32),
        W4=u(ks[9], (32, 1), 32), b4=u(ks[10], (1,), 32),
        c5w=u(ks[11], (16, 1, 97), 97), c5b=u(ks[12], (16,), 97),
        c6w=u(ks[13], (32, 16, 5), 80), c6b=u(ks[14], (32,), 80),
        f1w=u(ks[15], (352, 128), 352), f1b=u(ks[16], (128,), 352),
        f2w=u(ks[17], (128, C), 128), f2b=u(ks[18], (C,), 128),
    )
    out = {"x": x, "edge_index": edge_index, "batch": batch}
    out.update(params)
    return out


def reference(x, edge_index, batch, W1, b1, W2, b2, W3, b3, W4, b4, c5w, c5b, c6w, c6b, f1w, f1b, f2w, f2b):
    params = (W1, b1, W2, b2, W3, b3, W4, b4, c5w, c5b, c6w, c6b, f1w, f1b, f2w, f2b)
    return _forward(x, edge_index, batch, params)

if __name__ == "__main__":
    import jax
    _d = setup_inputs()
    print(jax.jit(kernel)(*tuple(_d.values())))

</pallas_src>

<mosaic_0001>
#map = affine_map<(d0, d1) -> (0)>
#map1 = affine_map<(d0, d1) -> (0, 0)>
#map2 = affine_map<(d0, d1) -> (0, 0, 0)>
module attributes {stable_mosaic.version = 14 : i64} {
  func.func @body(%arg0: i32, %arg1: i32, %arg2: memref<323584xi32, #tpu.memory_space<hbm>>, %arg3: memref<323584xi32, #tpu.memory_space<hbm>>, %arg4: memref<10112x32xf32, #tpu.memory_space<hbm>>, %arg5: memref<10112x32xf32, #tpu.memory_space<hbm>>, %arg6: memref<2x10112x32xf32, #tpu.memory_space<hbm>>, %arg7: memref<128xi32, #tpu.memory_space<vmem>>, %arg8: memref<128xi32, #tpu.memory_space<vmem>>, %arg9: memref<128xi32, #tpu.memory_space<vmem>>, %arg10: memref<128x32xf32, #tpu.memory_space<vmem>>, %arg11: memref<10112x32xf32, #tpu.memory_space<vmem_shared>>, %arg12: memref<!tpu.dma_semaphore, #tpu.memory_space<semaphore_mem>>) attributes {dimension_semantics = [#tpu.dimension_semantics<core_parallel>, #tpu.dimension_semantics<subcore_parallel>], iteration_bounds = array<i64: 2, 16>, scalar_prefetch = 0 : i64, scratch_operands = 6 : i64, tpu.core_type = #tpu.core_type<sc_vector_subcore>, window_params = [{transform_indices = #map}, {transform_indices = #map}, {transform_indices = #map1}, {transform_indices = #map1}, {transform_indices = #map2}]} {
    %mul3A = arith.constant 2 : i32
    %mul3A_0 = arith.muli %arg1, %mul3A : i32
    %add3A = arith.addi %mul3A_0, %arg0 : i32
    %mul3A_1 = arith.constant 10112 : i32
    %mul3A_2 = arith.muli %add3A, %mul3A_1 : i32
    %mul3A_3 = arith.constant 632 : i32
    %mul3A_4 = arith.muli %arg1, %mul3A_3 : i32
    %mul3A_5 = arith.constant 632 : i32
    %mul3A_6 = arith.muli %arg1, %mul3A_5 : i32
    "tpu.region"() ({
      %run_scoped3A = tpu.sem_alloc : memref<!tpu.dma_semaphore, #tpu.memory_space<semaphore_mem>>
      %dma_start3A = arith.constant 0 : i32
      %dma_start3A_17 = tpu.memref_slice %arg11[%mul3A_6, %dma_start3A] : memref<10112x32xf32, #tpu.memory_space<vmem_shared>> -> memref<632x32xf32, #tpu.memory_space<vmem_shared>>
      %dma_start3A_18 = arith.constant 0 : i32
      %dma_start3A_19 = tpu.memref_slice %arg5[%mul3A_4, %dma_start3A_18] : memref<10112x32xf32, #tpu.memory_space<hbm>> -> memref<632x32xf32, #tpu.memory_space<hbm>>
      tpu.enqueue_dma source(%dma_start3A_19 : memref<632x32xf32, #tpu.memory_space<hbm>>) target(%dma_start3A_17 : memref<632x32xf32, #tpu.memory_space<vmem_shared>>) target_semaphore(%run_scoped3A : memref<!tpu.dma_semaphore, #tpu.memory_space<semaphore_mem>>)
      %dma_wait3A = arith.constant 0 : i32
      %dma_wait3A_20 = tpu.memref_slice %arg11[%mul3A_6, %dma_wait3A] : memref<10112x32xf32, #tpu.memory_space<vmem_shared>> -> memref<632x32xf32, #tpu.memory_space<vmem_shared>>
      %dma_wait3A_21 = arith.constant 0 : i32
      %dma_wait3A_22 = tpu.memref_slice %arg5[%mul3A_4, %dma_wait3A_21] : memref<10112x32xf32, #tpu.memory_space<hbm>> -> memref<632x32xf32, #tpu.memory_space<hbm>>
      tpu.wait_dma2 semaphore(%run_scoped3A : memref<!tpu.dma_semaphore, #tpu.memory_space<semaphore_mem>>) src(%dma_wait3A_22 : memref<632x32xf32, #tpu.memory_space<hbm>>) dst(%dma_wait3A_20 : memref<632x32xf32, #tpu.memory_space<vmem_shared>>)
      tpu.yield
    }) : () -> ()
    %barrier3A = arith.constant 0 : index
    tpu.barrier barrier_id(%barrier3A)
    %scan3A = arith.constant 0 : i32
    %scan3A_7 = arith.constant 0 : i32
    %scan3A_8 = arith.constant 79 : i32
    %scan3A_9 = arith.addi %scan3A_7, %scan3A_8 : i32
    %scan3A_10 = arith.constant 1 : i32
    scf.for %scan3A_17 = %scan3A_7 to %scan3A_9 step %scan3A_10  : i32 {
      %mul3A_18 = arith.constant 128 : i32
      %mul3A_19 = arith.muli %scan3A_17, %mul3A_18 : i32
      %add3A_20 = arith.addi %mul3A_2, %mul3A_19 : i32
      "tpu.region"() ({
        %run_scoped3A = tpu.sem_alloc : memref<!tpu.dma_semaphore, #tpu.memory_space<semaphore_mem>>
        %dma_start3A_131 = tpu.memref_slice %arg2[%add3A_20] : memref<323584xi32, #tpu.memory_space<hbm>> -> memref<128xi32, #tpu.memory_space<hbm>>
        %dma_start3A_132 = tpu.memref_slice %arg2[%add3A_20] : memref<323584xi32, #tpu.memory_space<hbm>> -> memref<128xi32, #tpu.memory_space<hbm>>
        tpu.enqueue_dma source(%dma_start3A_132 : memref<128xi32, #tpu.memory_space<hbm>>) target(%arg7 : memref<128xi32, #tpu.memory_space<vmem>>) target_semaphore(%run_scoped3A : memref<!tpu.dma_semaphore, #tpu.memory_space<semaphore_mem>>)
        %dma_wait3A_133 = tpu.memref_slice %arg2[%add3A_20] : memref<323584xi32, #tpu.memory_space<hbm>> -> memref<128xi32, #tpu.memory_space<hbm>>
        %dma_wait3A_134 = tpu.memref_slice %arg2[%add3A_20] : memref<323584xi32, #tpu.memory_space<hbm>> -> memref<128xi32, #tpu.memory_space<hbm>>
        tpu.wait_dma2 semaphore(%run_scoped3A : memref<!tpu.dma_semaphore, #tpu.memory_space<semaphore_mem>>) src(%dma_wait3A_134 : memref<128xi32, #tpu.memory_space<hbm>>) dst(%arg7 : memref<128xi32, #tpu.memory_space<vmem>>)
        tpu.yield
      }) : () -> ()
      "tpu.region"() ({
        %run_scoped3A = tpu.sem_alloc : memref<!tpu.dma_semaphore, #tpu.memory_space<semaphore_mem>>
        %dma_start3A_131 = tpu.memref_slice %arg3[%add3A_20] : memref<323584xi32, #tpu.memory_space<hbm>> -> memref<128xi32, #tpu.memory_space<hbm>>
        %dma_start3A_132 = tpu.memref_slice %arg3[%add3A_20] : memref<323584xi32, #tpu.memory_space<hbm>> -> memref<128xi32, #tpu.memory_space<hbm>>
        tpu.enqueue_dma source(%dma_start3A_132 : memref<128xi32, #tpu.memory_space<hbm>>) target(%arg8 : memref<128xi32, #tpu.memory_space<vmem>>) target_semaphore(%run_scoped3A : memref<!tpu.dma_semaphore, #tpu.memory_space<semaphore_mem>>)
        %dma_wait3A_133 = tpu.memref_slice %arg3[%add3A_20] : memref<323584xi32, #tpu.memory_space<hbm>> -> memref<128xi32, #tpu.memory_space<hbm>>
        %dma_wait3A_134 = tpu.memref_slice %arg3[%add3A_20] : memref<323584xi32, #tpu.memory_space<hbm>> -> memref<128xi32, #tpu.memory_space<hbm>>
        tpu.wait_dma2 semaphore(%run_scoped3A : memref<!tpu.dma_semaphore, #tpu.memory_space<semaphore_mem>>) src(%dma_wait3A_134 : memref<128xi32, #tpu.memory_space<hbm>>) dst(%arg8 : memref<128xi32, #tpu.memory_space<vmem>>)
        tpu.yield
      }) : () -> ()
      %get3A = arith.constant 0 : index
      %get3A_21 = tpu.vector_load %arg7[%get3A] {strides = array<i32>} : memref<128xi32, #tpu.memory_space<vmem>>, vector<16xi32>,
      %get3A_22 = vector.shape_cast %get3A_21 : vector<16xi32> to vector<16xi32>
      %get3A_23 = arith.constant 0 : index
      %get3A_24 = tpu.vector_load %arg8[%get3A_23] {strides = array<i32>} : memref<128xi32, #tpu.memory_space<vmem>>, vector<16xi32>,
      %get3A_25 = vector.shape_cast %get3A_24 : vector<16xi32> to vector<16xi32>
      %eq3A = arith.cmpi eq, %get3A_22, %get3A_25 : vector<16xi32>
      %jit3A = arith.constant 10104 : i32
      %broadcast_in_dim3A = vector.broadcast %jit3A : i32 to vector<16xi32>
      %select_n3A = arith.select %eq3A, %broadcast_in_dim3A, %get3A_25 : vector<16xi1>, vector<16xi32>
      %swap3A = arith.constant 0 : index
      %swap3A_26 = tpu.vector_load %arg9[%swap3A] {strides = array<i32>} : memref<128xi32, #tpu.memory_space<vmem>>, vector<16xi32>,
      %swap3A_27 = vector.shape_cast %swap3A_26 : vector<16xi32> to vector<16xi32>
      %swap3A_28 = vector.shape_cast %select_n3A : vector<16xi32> to vector<16xi32>
      tpu.vector_store %arg9[%swap3A], %swap3A_28 {strides = array<i32>} : memref<128xi32, #tpu.memory_space<vmem>>, vector<16xi32>,
      %get3A_29 = arith.constant 16 : index
      %get3A_30 = tpu.vector_load %arg7[%get3A_29] {strides = array<i32>} : memref<128xi32, #tpu.memory_space<vmem>>, vector<16xi32>,
      %get3A_31 = vector.shape_cast %get3A_30 : vector<16xi32> to vector<16xi32>
      %get3A_32 = arith.constant 16 : index
      %get3A_33 = tpu.vector_load %arg8[%get3A_32] {strides = array<i32>} : memref<128xi32, #tpu.memory_space<vmem>>, vector<16xi32>,
      %get3A_34 = vector.shape_cast %get3A_33 : vector<16xi32> to vector<16xi32>
      %eq3A_35 = arith.cmpi eq, %get3A_31, %get3A_34 : vector<16xi32>
      %jit3A_36 = arith.constant 10104 : i32
      %broadcast_in_dim3A_37 = vector.broadcast %jit3A_36 : i32 to vector<16xi32>
      %select_n3A_38 = arith.select %eq3A_35, %broadcast_in_dim3A_37, %get3A_34 : vector<16xi1>, vector<16xi32>
      %swap3A_39 = arith.constant 16 : index
      %swap3A_40 = tpu.vector_load %arg9[%swap3A_39] {strides = array<i32>} : memref<128xi32, #tpu.memory_space<vmem>>, vector<16xi32>,
      %swap3A_41 = vector.shape_cast %swap3A_40 : vector<16xi32> to vector<16xi32>
      %swap3A_42 = vector.shape_cast %select_n3A_38 : vector<16xi32> to vector<16xi32>
      tpu.vector_store %arg9[%swap3A_39], %swap3A_42 {strides = array<i32>} : memref<128xi32, #tpu.memory_space<vmem>>, vector<16xi32>,
      %get3A_43 = arith.constant 32 : index
      %get3A_44 = tpu.vector_load %arg7[%get3A_43] {strides = array<i32>} : memref<128xi32, #tpu.memory_space<vmem>>, vector<16xi32>,
      %get3A_45 = vector.shape_cast %get3A_44 : vector<16xi32> to vector<16xi32>
      %get3A_46 = arith.constant 32 : index
      %get3A_47 = tpu.vector_load %arg8[%get3A_46] {strides = array<i32>} : memref<128xi32, #tpu.memory_space<vmem>>, vector<16xi32>,
      %get3A_48 = vector.shape_cast %get3A_47 : vector<16xi32> to vector<16xi32>
      %eq3A_49 = arith.cmpi eq, %get3A_45, %get3A_48 : vector<16xi32>
      %jit3A_50 = arith.constant 10104 : i32
      %broadcast_in_dim3A_51 = vector.broadcast %jit3A_50 : i32 to vector<16xi32>
      %select_n3A_52 = arith.select %eq3A_49, %broadcast_in_dim3A_51, %get3A_48 : vector<16xi1>, vector<16xi32>
      %swap3A_53 = arith.constant 32 : index
      %swap3A_54 = tpu.vector_load %arg9[%swap3A_53] {strides = array<i32>} : memref<128xi32, #tpu.memory_space<vmem>>, vector<16xi32>,
      %swap3A_55 = vector.shape_cast %swap3A_54 : vector<16xi32> to vector<16xi32>
      %swap3A_56 = vector.shape_cast %select_n3A_52 : vector<16xi32> to vector<16xi32>
      tpu.vector_store %arg9[%swap3A_53], %swap3A_56 {strides = array<i32>} : memref<128xi32, #tpu.memory_space<vmem>>, vector<16xi32>,
      %get3A_57 = arith.constant 48 : index
      %get3A_58 = tpu.vector_load %arg7[%get3A_57] {strides = array<i32>} : memref<128xi32, #tpu.memory_space<vmem>>, vector<16xi32>,
      %get3A_59 = vector.shape_cast %get3A_58 : vector<16xi32> to vector<16xi32>
      %get3A_60 = arith.constant 48 : index
      %get3A_61 = tpu.vector_load %arg8[%get3A_60] {strides = array<i32>} : memref<128xi32, #tpu.memory_space<vmem>>, vector<16xi32>,
      %get3A_62 = vector.shape_cast %get3A_61 : vector<16xi32> to vector<16xi32>
      %eq3A_63 = arith.cmpi eq, %get3A_59, %get3A_62 : vector<16xi32>
      %jit3A_64 = arith.constant 10104 : i32
      %broadcast_in_dim3A_65 = vector.broadcast %jit3A_64 : i32 to vector<16xi32>
      %select_n3A_66 = arith.select %eq3A_63, %broadcast_in_dim3A_65, %get3A_62 : vector<16xi1>, vector<16xi32>
      %swap3A_67 = arith.constant 48 : index
      %swap3A_68 = tpu.vector_load %arg9[%swap3A_67] {strides = array<i32>} : memref<128xi32, #tpu.memory_space<vmem>>, vector<16xi32>,
      %swap3A_69 = vector.shape_cast %swap3A_68 : vector<16xi32> to vector<16xi32>
      %swap3A_70 = vector.shape_cast %select_n3A_66 : vector<16xi32> to vector<16xi32>
      tpu.vector_store %arg9[%swap3A_67], %swap3A_70 {strides = array<i32>} : memref<128xi32, #tpu.memory_space<vmem>>, vector<16xi32>,
      %get3A_71 = arith.constant 64 : index
      %get3A_72 = tpu.vector_load %arg7[%get3A_71] {strides = array<i32>} : memref<128xi32, #tpu.memory_space<vmem>>, vector<16xi32>,
      %get3A_73 = vector.shape_cast %get3A_72 : vector<16xi32> to vector<16xi32>
      %get3A_74 = arith.constant 64 : index
      %get3A_75 = tpu.vector_load %arg8[%get3A_74] {strides = array<i32>} : memref<128xi32, #tpu.memory_space<vmem>>, vector<16xi32>,
      %get3A_76 = vector.shape_cast %get3A_75 : vector<16xi32> to vector<16xi32>
      %eq3A_77 = arith.cmpi eq, %get3A_73, %get3A_76 : vector<16xi32>
      %jit3A_78 = arith.constant 10104 : i32
      %broadcast_in_dim3A_79 = vector.broadcast %jit3A_78 : i32 to vector<16xi32>
      %select_n3A_80 = arith.select %eq3A_77, %broadcast_in_dim3A_79, %get3A_76 : vector<16xi1>, vector<16xi32>
      %swap3A_81 = arith.constant 64 : index
      %swap3A_82 = tpu.vector_load %arg9[%swap3A_81] {strides = array<i32>} : memref<128xi32, #tpu.memory_space<vmem>>, vector<16xi32>,
      %swap3A_83 = vector.shape_cast %swap3A_82 : vector<16xi32> to vector<16xi32>
      %swap3A_84 = vector.shape_cast %select_n3A_80 : vector<16xi32> to vector<16xi32>
      tpu.vector_store %arg9[%swap3A_81], %swap3A_84 {strides = array<i32>} : memref<128xi32, #tpu.memory_space<vmem>>, vector<16xi32>,
      %get3A_85 = arith.constant 80 : index
      %get3A_86 = tpu.vector_load %arg7[%get3A_85] {strides = array<i32>} : memref<128xi32, #tpu.memory_space<vmem>>, vector<16xi32>,
      %get3A_87 = vector.shape_cast %get3A_86 : vector<16xi32> to vector<16xi32>
      %get3A_88 = arith.constant 80 : index
      %get3A_89 = tpu.vector_load %arg8[%get3A_88] {strides = array<i32>} : memref<128xi32, #tpu.memory_space<vmem>>, vector<16xi32>,
      %get3A_90 = vector.shape_cast %get3A_89 : vector<16xi32> to vector<16xi32>
      %eq3A_91 = arith.cmpi eq, %get3A_87, %get3A_90 : vector<16xi32>
      %jit3A_92 = arith.constant 10104 : i32
      %broadcast_in_dim3A_93 = vector.broadcast %jit3A_92 : i32 to vector<16xi32>
      %select_n3A_94 = arith.select %eq3A_91, %broadcast_in_dim3A_93, %get3A_90 : vector<16xi1>, vector<16xi32>
      %swap3A_95 = arith.constant 80 : index
      %swap3A_96 = tpu.vector_load %arg9[%swap3A_95] {strides = array<i32>} : memref<128xi32, #tpu.memory_space<vmem>>, vector<16xi32>,
      %swap3A_97 = vector.shape_cast %swap3A_96 : vector<16xi32> to vector<16xi32>
      %swap3A_98 = vector.shape_cast %select_n3A_94 : vector<16xi32> to vector<16xi32>
      tpu.vector_store %arg9[%swap3A_95], %swap3A_98 {strides = array<i32>} : memref<128xi32, #tpu.memory_space<vmem>>, vector<16xi32>,
      %get3A_99 = arith.constant 96 : index
      %get3A_100 = tpu.vector_load %arg7[%get3A_99] {strides = array<i32>} : memref<128xi32, #tpu.memory_space<vmem>>, vector<16xi32>,
      %get3A_101 = vector.shape_cast %get3A_100 : vector<16xi32> to vector<16xi32>
      %get3A_102 = arith.constant 96 : index
      %get3A_103 = tpu.vector_load %arg8[%get3A_102] {strides = array<i32>} : memref<128xi32, #tpu.memory_space<vmem>>, vector<16xi32>,
      %get3A_104 = vector.shape_cast %get3A_103 : vector<16xi32> to vector<16xi32>
      %eq3A_105 = arith.cmpi eq, %get3A_101, %get3A_104 : vector<16xi32>
      %jit3A_106 = arith.constant 10104 : i32
      %broadcast_in_dim3A_107 = vector.broadcast %jit3A_106 : i32 to vector<16xi32>
      %select_n3A_108 = arith.select %eq3A_105, %broadcast_in_dim3A_107, %get3A_104 : vector<16xi1>, vector<16xi32>
      %swap3A_109 = arith.constant 96 : index
      %swap3A_110 = tpu.vector_load %arg9[%swap3A_109] {strides = array<i32>} : memref<128xi32, #tpu.memory_space<vmem>>, vector<16xi32>,
      %swap3A_111 = vector.shape_cast %swap3A_110 : vector<16xi32> to vector<16xi32>
      %swap3A_112 = vector.shape_cast %select_n3A_108 : vector<16xi32> to vector<16xi32>
      tpu.vector_store %arg9[%swap3A_109], %swap3A_112 {strides = array<i32>} : memref<128xi32, #tpu.memory_space<vmem>>, vector<16xi32>,
      %get3A_113 = arith.constant 112 : index
      %get3A_114 = tpu.vector_load %arg7[%get3A_113] {strides = array<i32>} : memref<128xi32, #tpu.memory_space<vmem>>, vector<16xi32>,
      %get3A_115 = vector.shape_cast %get3A_114 : vector<16xi32> to vector<16xi32>
      %get3A_116 = arith.constant 112 : index
      %get3A_117 = tpu.vector_load %arg8[%get3A_116] {strides = array<i32>} : memref<128xi32, #tpu.memory_space<vmem>>, vector<16xi32>,
      %get3A_118 = vector.shape_cast %get3A_117 : vector<16xi32> to vector<16xi32>
      %eq3A_119 = arith.cmpi eq, %get3A_115, %get3A_118 : vector<16xi32>
      %jit3A_120 = arith.constant 10104 : i32
      %broadcast_in_dim3A_121 = vector.broadcast %jit3A_120 : i32 to vector<16xi32>
      %select_n3A_122 = arith.select %eq3A_119, %broadcast_in_dim3A_121, %get3A_118 : vector<16xi1>, vector<16xi32>
      %swap3A_123 = arith.constant 112 : index
      %swap3A_124 = tpu.vector_load %arg9[%swap3A_123] {strides = array<i32>} : memref<128xi32, #tpu.memory_space<vmem>>, vector<16xi32>,
      %swap3A_125 = vector.shape_cast %swap3A_124 : vector<16xi32> to vector<16xi32>
      %swap3A_126 = vector.shape_cast %select_n3A_122 : vector<16xi32> to vector<16xi32>
      tpu.vector_store %arg9[%swap3A_123], %swap3A_126 {strides = array<i32>} : memref<128xi32, #tpu.memory_space<vmem>>, vector<16xi32>,
      %dma_start3A = arith.constant 0 : i32
      %dma_start3A_127 = arith.constant 0 : i32
      %dma_start3A_128 = tpu.memref_slice %arg4[%dma_start3A, %dma_start3A_127] : memref<10112x32xf32, #tpu.memory_space<hbm>> -> memref<10112x32xf32, #tpu.memory_space<hbm>>
      tpu.enqueue_indirect_dma source(%dma_start3A_128 : memref<10112x32xf32, #tpu.memory_space<hbm>>) target(%arg10 : memref<128x32xf32, #tpu.memory_space<vmem>>) offsets(%arg7 : memref<128xi32, #tpu.memory_space<vmem>>) semaphore(%arg12 : memref<!tpu.dma_semaphore, #tpu.memory_space<semaphore_mem>>)
      %dma_wait3A = arith.constant 0 : i32
      %dma_wait3A_129 = arith.constant 0 : i32
      %dma_wait3A_130 = tpu.memref_slice %arg4[%dma_wait3A, %dma_wait3A_129] : memref<10112x32xf32, #tpu.memory_space<hbm>> -> memref<10112x32xf32, #tpu.memory_space<hbm>>
      tpu.wait_indirect_dma semaphore(%arg12 : memref<!tpu.dma_semaphore, #tpu.memory_space<semaphore_mem>>) src(%dma_wait3A_130 : memref<10112x32xf32, #tpu.memory_space<hbm>>) dst(%arg10 : memref<128x32xf32, #tpu.memory_space<vmem>>)
      "tpu.region"() ({
        %run_scoped3A = tpu.sem_alloc : memref<!tpu.dma_semaphore, #tpu.memory_space<semaphore_mem>>
        %dma_start3A_131 = arith.constant 0 : i32
        %dma_start3A_132 = arith.constant 0 : i32
        %dma_start3A_133 = tpu.memref_slice %arg11[%dma_start3A_131, %dma_start3A_132] : memref<10112x32xf32, #tpu.memory_space<vmem_shared>> -> memref<10112x32xf32, #tpu.memory_space<vmem_shared>>
        tpu.enqueue_indirect_dma source(%arg10 : memref<128x32xf32, #tpu.memory_space<vmem>>) target(%dma_start3A_133 : memref<10112x32xf32, #tpu.memory_space<vmem_shared>>) offsets(%arg9 : memref<128xi32, #tpu.memory_space<vmem>>) semaphore(%run_scoped3A : memref<!tpu.dma_semaphore, #tpu.memory_space<semaphore_mem>>) {add = true}
        %dma_wait3A_134 = arith.constant 0 : i32
        %dma_wait3A_135 = arith.constant 0 : i32
        %dma_wait3A_136 = tpu.memref_slice %arg11[%dma_wait3A_134, %dma_wait3A_135] : memref<10112x32xf32, #tpu.memory_space<vmem_shared>> -> memref<10112x32xf32, #tpu.memory_space<vmem_shared>>
        tpu.wait_indirect_dma semaphore(%run_scoped3A : memref<!tpu.dma_semaphore, #tpu.memory_space<semaphore_mem>>) src(%arg10 : memref<128x32xf32, #tpu.memory_space<vmem>>) dst(%dma_wait3A_136 : memref<10112x32xf32, #tpu.memory_space<vmem_shared>>)
        tpu.yield
      }) : () -> ()
    }
    %scan3A_11 = arith.constant 79 : i32
    %barrier3A_12 = arith.constant 0 : index
    tpu.barrier barrier_id(%barrier3A_12)
    %mul3A_13 = arith.constant 632 : i32
    %mul3A_14 = arith.muli %arg1, %mul3A_13 : i32
    %mul3A_15 = arith.constant 632 : i32
    %mul3A_16 = arith.muli %arg1, %mul3A_15 : i32
    "tpu.region"() ({
      %run_scoped3A = tpu.sem_alloc : memref<!tpu.dma_semaphore, #tpu.memory_space<semaphore_mem>>
      %dma_start3A = arith.constant 0 : i32
      %dma_start3A_17 = tpu.memref_slice %arg6[%arg0, %mul3A_16, %dma_start3A] : memref<2x10112x32xf32, #tpu.memory_space<hbm>> -> memref<1x632x32xf32, #tpu.memory_space<hbm>>
      %dma_start3A_18 = tpu.memref_squeeze %dma_start3A_17 : memref<1x632x32xf32, #tpu.memory_space<hbm>> -> memref<632x32xf32, #tpu.memory_space<hbm>>
      %dma_start3A_19 = arith.constant 0 : i32
      %dma_start3A_20 = tpu.memref_slice %arg11[%mul3A_14, %dma_start3A_19] : memref<10112x32xf32, #tpu.memory_space<vmem_shared>> -> memref<632x32xf32, #tpu.memory_space<vmem_shared>>
      tpu.enqueue_dma source(%dma_start3A_20 : memref<632x32xf32, #tpu.memory_space<vmem_shared>>) target(%dma_start3A_18 : memref<632x32xf32, #tpu.memory_space<hbm>>) target_semaphore(%run_scoped3A : memref<!tpu.dma_semaphore, #tpu.memory_space<semaphore_mem>>)
      %dma_wait3A = arith.constant 0 : i32
      %dma_wait3A_21 = tpu.memref_slice %arg6[%arg0, %mul3A_16, %dma_wait3A] : memref<2x10112x32xf32, #tpu.memory_space<hbm>> -> memref<1x632x32xf32, #tpu.memory_space<hbm>>
      %dma_wait3A_22 = tpu.memref_squeeze %dma_wait3A_21 : memref<1x632x32xf32, #tpu.memory_space<hbm>> -> memref<632x32xf32, #tpu.memory_space<hbm>>
      %dma_wait3A_23 = arith.constant 0 : i32
      %dma_wait3A_24 = tpu.memref_slice %arg11[%mul3A_14, %dma_wait3A_23] : memref<10112x32xf32, #tpu.memory_space<vmem_shared>> -> memref<632x32xf32, #tpu.memory_space<vmem_shared>>
      tpu.wait_dma2 semaphore(%run_scoped3A : memref<!tpu.dma_semaphore, #tpu.memory_space<semaphore_mem>>) src(%dma_wait3A_24 : memref<632x32xf32, #tpu.memory_space<vmem_shared>>) dst(%dma_wait3A_22 : memref<632x32xf32, #tpu.memory_space<hbm>>)
      tpu.yield
    }) : () -> ()
    return
  }
}

#map = affine_map<(d0, d1) -> (0)>
#map1 = affine_map<(d0, d1) -> (0, 0)>
#map2 = affine_map<(d0, d1) -> (0, 0, 0)>
module attributes {stable_mosaic.version = 14 : i64} {
  func.func @body(%arg0: i32, %arg1: i32, %arg2: memref<323584xi32, #tpu.memory_space<hbm>>, %arg3: memref<323584xi32, #tpu.memory_space<hbm>>, %arg4: memref<10112x32xf32, #tpu.memory_space<hbm>>, %arg5: memref<10112x32xf32, #tpu.memory_space<hbm>>, %arg6: memref<2x10112x32xf32, #tpu.memory_space<hbm>>, %arg7: memref<128xi32, #tpu.memory_space<vmem>>, %arg8: memref<128xi32, #tpu.memory_space<vmem>>, %arg9: memref<128xi32, #tpu.memory_space<vmem>>, %arg10: memref<128x32xf32, #tpu.memory_space<vmem>>, %arg11: memref<10112x32xf32, #tpu.memory_space<vmem_shared>>, %arg12: memref<!tpu.dma_semaphore, #tpu.memory_space<semaphore_mem>>) attributes {dimension_semantics = [#tpu.dimension_semantics<core_parallel>, #tpu.dimension_semantics<subcore_parallel>], iteration_bounds = array<i64: 2, 16>, scalar_prefetch = 0 : i64, scratch_operands = 6 : i64, tpu.core_type = #tpu.core_type<sc_vector_subcore>, window_params = [{transform_indices = #map}, {transform_indices = #map}, {transform_indices = #map1}, {transform_indices = #map1}, {transform_indices = #map2}]} {
    %mul3A = arith.constant 2 : i32
    %mul3A_0 = arith.muli %arg1, %mul3A : i32
    %add3A = arith.addi %mul3A_0, %arg0 : i32
    %mul3A_1 = arith.constant 10112 : i32
    %mul3A_2 = arith.muli %add3A, %mul3A_1 : i32
    %mul3A_3 = arith.constant 632 : i32
    %mul3A_4 = arith.muli %arg1, %mul3A_3 : i32
    %mul3A_5 = arith.constant 632 : i32
    %mul3A_6 = arith.muli %arg1, %mul3A_5 : i32
    "tpu.region"() ({
      %run_scoped3A = tpu.sem_alloc : memref<!tpu.dma_semaphore, #tpu.memory_space<semaphore_mem>>
      %dma_start3A = arith.constant 0 : i32
      %dma_start3A_17 = tpu.memref_slice %arg11[%mul3A_6, %dma_start3A] : memref<10112x32xf32, #tpu.memory_space<vmem_shared>> -> memref<632x32xf32, #tpu.memory_space<vmem_shared>>
      %dma_start3A_18 = arith.constant 0 : i32
      %dma_start3A_19 = tpu.memref_slice %arg5[%mul3A_4, %dma_start3A_18] : memref<10112x32xf32, #tpu.memory_space<hbm>> -> memref<632x32xf32, #tpu.memory_space<hbm>>
      tpu.enqueue_dma source(%dma_start3A_19 : memref<632x32xf32, #tpu.memory_space<hbm>>) target(%dma_start3A_17 : memref<632x32xf32, #tpu.memory_space<vmem_shared>>) target_semaphore(%run_scoped3A : memref<!tpu.dma_semaphore, #tpu.memory_space<semaphore_mem>>)
      %dma_wait3A = arith.constant 0 : i32
      %dma_wait3A_20 = tpu.memref_slice %arg11[%mul3A_6, %dma_wait3A] : memref<10112x32xf32, #tpu.memory_space<vmem_shared>> -> memref<632x32xf32, #tpu.memory_space<vmem_shared>>
      %dma_wait3A_21 = arith.constant 0 : i32
      %dma_wait3A_22 = tpu.memref_slice %arg5[%mul3A_4, %dma_wait3A_21] : memref<10112x32xf32, #tpu.memory_space<hbm>> -> memref<632x32xf32, #tpu.memory_space<hbm>>
      tpu.wait_dma2 semaphore(%run_scoped3A : memref<!tpu.dma_semaphore, #tpu.memory_space<semaphore_mem>>) src(%dma_wait3A_22 : memref<632x32xf32, #tpu.memory_space<hbm>>) dst(%dma_wait3A_20 : memref<632x32xf32, #tpu.memory_space<vmem_shared>>)
      tpu.yield
    }) : () -> ()
    %barrier3A = arith.constant 0 : index
    tpu.barrier barrier_id(%barrier3A)
    %scan3A = arith.constant 0 : i32
    %scan3A_7 = arith.constant 0 : i32
    %scan3A_8 = arith.constant 79 : i32
    %scan3A_9 = arith.addi %scan3A_7, %scan3A_8 : i32
    %scan3A_10 = arith.constant 1 : i32
    scf.for %scan3A_17 = %scan3A_7 to %scan3A_9 step %scan3A_10  : i32 {
      %mul3A_18 = arith.constant 128 : i32
      %mul3A_19 = arith.muli %scan3A_17, %mul3A_18 : i32
      %add3A_20 = arith.addi %mul3A_2, %mul3A_19 : i32
      "tpu.region"() ({
        %run_scoped3A = tpu.sem_alloc : memref<!tpu.dma_semaphore, #tpu.memory_space<semaphore_mem>>
        %dma_start3A_131 = tpu.memref_slice %arg2[%add3A_20] : memref<323584xi32, #tpu.memory_space<hbm>> -> memref<128xi32, #tpu.memory_space<hbm>>
        %dma_start3A_132 = tpu.memref_slice %arg2[%add3A_20] : memref<323584xi32, #tpu.memory_space<hbm>> -> memref<128xi32, #tpu.memory_space<hbm>>
        tpu.enqueue_dma source(%dma_start3A_132 : memref<128xi32, #tpu.memory_space<hbm>>) target(%arg7 : memref<128xi32, #tpu.memory_space<vmem>>) target_semaphore(%run_scoped3A : memref<!tpu.dma_semaphore, #tpu.memory_space<semaphore_mem>>)
        %dma_wait3A_133 = tpu.memref_slice %arg2[%add3A_20] : memref<323584xi32, #tpu.memory_space<hbm>> -> memref<128xi32, #tpu.memory_space<hbm>>
        %dma_wait3A_134 = tpu.memref_slice %arg2[%add3A_20] : memref<323584xi32, #tpu.memory_space<hbm>> -> memref<128xi32, #tpu.memory_space<hbm>>
        tpu.wait_dma2 semaphore(%run_scoped3A : memref<!tpu.dma_semaphore, #tpu.memory_space<semaphore_mem>>) src(%dma_wait3A_134 : memref<128xi32, #tpu.memory_space<hbm>>) dst(%arg7 : memref<128xi32, #tpu.memory_space<vmem>>)
        tpu.yield
      }) : () -> ()
      "tpu.region"() ({
        %run_scoped3A = tpu.sem_alloc : memref<!tpu.dma_semaphore, #tpu.memory_space<semaphore_mem>>
        %dma_start3A_131 = tpu.memref_slice %arg3[%add3A_20] : memref<323584xi32, #tpu.memory_space<hbm>> -> memref<128xi32, #tpu.memory_space<hbm>>
        %dma_start3A_132 = tpu.memref_slice %arg3[%add3A_20] : memref<323584xi32, #tpu.memory_space<hbm>> -> memref<128xi32, #tpu.memory_space<hbm>>
        tpu.enqueue_dma source(%dma_start3A_132 : memref<128xi32, #tpu.memory_space<hbm>>) target(%arg8 : memref<128xi32, #tpu.memory_space<vmem>>) target_semaphore(%run_scoped3A : memref<!tpu.dma_semaphore, #tpu.memory_space<semaphore_mem>>)
        %dma_wait3A_133 = tpu.memref_slice %arg3[%add3A_20] : memref<323584xi32, #tpu.memory_space<hbm>> -> memref<128xi32, #tpu.memory_space<hbm>>
        %dma_wait3A_134 = tpu.memref_slice %arg3[%add3A_20] : memref<323584xi32, #tpu.memory_space<hbm>> -> memref<128xi32, #tpu.memory_space<hbm>>
        tpu.wait_dma2 semaphore(%run_scoped3A : memref<!tpu.dma_semaphore, #tpu.memory_space<semaphore_mem>>) src(%dma_wait3A_134 : memref<128xi32, #tpu.memory_space<hbm>>) dst(%arg8 : memref<128xi32, #tpu.memory_space<vmem>>)
        tpu.yield
      }) : () -> ()
      %get3A = arith.constant 0 : index
      %get3A_21 = tpu.vector_load %arg7[%get3A] {strides = array<i32>} : memref<128xi32, #tpu.memory_space<vmem>>, vector<16xi32>,
      %get3A_22 = vector.shape_cast %get3A_21 : vector<16xi32> to vector<16xi32>
      %get3A_23 = arith.constant 0 : index
      %get3A_24 = tpu.vector_load %arg8[%get3A_23] {strides = array<i32>} : memref<128xi32, #tpu.memory_space<vmem>>, vector<16xi32>,
      %get3A_25 = vector.shape_cast %get3A_24 : vector<16xi32> to vector<16xi32>
      %eq3A = arith.cmpi eq, %get3A_22, %get3A_25 : vector<16xi32>
      %jit3A = arith.constant 10104 : i32
      %broadcast_in_dim3A = vector.broadcast %jit3A : i32 to vector<16xi32>
      %select_n3A = arith.select %eq3A, %broadcast_in_dim3A, %get3A_25 : vector<16xi1>, vector<16xi32>
      %swap3A = arith.constant 0 : index
      %swap3A_26 = tpu.vector_load %arg9[%swap3A] {strides = array<i32>} : memref<128xi32, #tpu.memory_space<vmem>>, vector<16xi32>,
      %swap3A_27 = vector.shape_cast %swap3A_26 : vector<16xi32> to vector<16xi32>
      %swap3A_28 = vector.shape_cast %select_n3A : vector<16xi32> to vector<16xi32>
      tpu.vector_store %arg9[%swap3A], %swap3A_28 {strides = array<i32>} : memref<128xi32, #tpu.memory_space<vmem>>, vector<16xi32>,
      %get3A_29 = arith.constant 16 : index
      %get3A_30 = tpu.vector_load %arg7[%get3A_29] {strides = array<i32>} : memref<128xi32, #tpu.memory_space<vmem>>, vector<16xi32>,
      %get3A_31 = vector.shape_cast %get3A_30 : vector<16xi32> to vector<16xi32>
      %get3A_32 = arith.constant 16 : index
      %get3A_33 = tpu.vector_load %arg8[%get3A_32] {strides = array<i32>} : memref<128xi32, #tpu.memory_space<vmem>>, vector<16xi32>,
      %get3A_34 = vector.shape_cast %get3A_33 : vector<16xi32> to vector<16xi32>
      %eq3A_35 = arith.cmpi eq, %get3A_31, %get3A_34 : vector<16xi32>
      %jit3A_36 = arith.constant 10104 : i32
      %broadcast_in_dim3A_37 = vector.broadcast %jit3A_36 : i32 to vector<16xi32>
      %select_n3A_38 = arith.select %eq3A_35, %broadcast_in_dim3A_37, %get3A_34 : vector<16xi1>, vector<16xi32>
      %swap3A_39 = arith.constant 16 : index
      %swap3A_40 = tpu.vector_load %arg9[%swap3A_39] {strides = array<i32>} : memref<128xi32, #tpu.memory_space<vmem>>, vector<16xi32>,
      %swap3A_41 = vector.shape_cast %swap3A_40 : vector<16xi32> to vector<16xi32>
      %swap3A_42 = vector.shape_cast %select_n3A_38 : vector<16xi32> to vector<16xi32>
      tpu.vector_store %arg9[%swap3A_39], %swap3A_42 {strides = array<i32>} : memref<128xi32, #tpu.memory_space<vmem>>, vector<16xi32>,
      %get3A_43 = arith.constant 32 : index
      %get3A_44 = tpu.vector_load %arg7[%get3A_43] {strides = array<i32>} : memref<128xi32, #tpu.memory_space<vmem>>, vector<16xi32>,
      %get3A_45 = vector.shape_cast %get3A_44 : vector<16xi32> to vector<16xi32>
      %get3A_46 = arith.constant 32 : index
      %get3A_47 = tpu.vector_load %arg8[%get3A_46] {strides = array<i32>} : memref<128xi32, #tpu.memory_space<vmem>>, vector<16xi32>,
      %get3A_48 = vector.shape_cast %get3A_47 : vector<16xi32> to vector<16xi32>
      %eq3A_49 = arith.cmpi eq, %get3A_45, %get3A_48 : vector<16xi32>
      %jit3A_50 = arith.constant 10104 : i32
      %broadcast_in_dim3A_51 = vector.broadcast %jit3A_50 : i32 to vector<16xi32>
      %select_n3A_52 = arith.select %eq3A_49, %broadcast_in_dim3A_51, %get3A_48 : vector<16xi1>, vector<16xi32>
      %swap3A_53 = arith.constant 32 : index
      %swap3A_54 = tpu.vector_load %arg9[%swap3A_53] {strides = array<i32>} : memref<128xi32, #tpu.memory_space<vmem>>, vector<16xi32>,
      %swap3A_55 = vector.shape_cast %swap3A_54 : vector<16xi32> to vector<16xi32>
      %swap3A_56 = vector.shape_cast %select_n3A_52 : vector<16xi32> to vector<16xi32>
      tpu.vector_store %arg9[%swap3A_53], %swap3A_56 {strides = array<i32>} : memref<128xi32, #tpu.memory_space<vmem>>, vector<16xi32>,
      %get3A_57 = arith.constant 48 : index
      %get3A_58 = tpu.vector_load %arg7[%get3A_57] {strides = array<i32>} : memref<128xi32, #tpu.memory_space<vmem>>, vector<16xi32>,
      %get3A_59 = vector.shape_cast %get3A_58 : vector<16xi32> to vector<16xi32>
      %get3A_60 = arith.constant 48 : index
      %get3A_61 = tpu.vector_load %arg8[%get3A_60] {strides = array<i32>} : memref<128xi32, #tpu.memory_space<vmem>>, vector<16xi32>,
      %get3A_62 = vector.shape_cast %get3A_61 : vector<16xi32> to vector<16xi32>
      %eq3A_63 = arith.cmpi eq, %get3A_59, %get3A_62 : vector<16xi32>
      %jit3A_64 = arith.constant 10104 : i32
      %broadcast_in_dim3A_65 = vector.broadcast %jit3A_64 : i32 to vector<16xi32>
      %select_n3A_66 = arith.select %eq3A_63, %broadcast_in_dim3A_65, %get3A_62 : vector<16xi1>, vector<16xi32>
      %swap3A_67 = arith.constant 48 : index
      %swap3A_68 = tpu.vector_load %arg9[%swap3A_67] {strides = array<i32>} : memref<128xi32, #tpu.memory_space<vmem>>, vector<16xi32>,
      %swap3A_69 = vector.shape_cast %swap3A_68 : vector<16xi32> to vector<16xi32>
      %swap3A_70 = vector.shape_cast %select_n3A_66 : vector<16xi32> to vector<16xi32>
      tpu.vector_store %arg9[%swap3A_67], %swap3A_70 {strides = array<i32>} : memref<128xi32, #tpu.memory_space<vmem>>, vector<16xi32>,
      %get3A_71 = arith.constant 64 : index
      %get3A_72 = tpu.vector_load %arg7[%get3A_71] {strides = array<i32>} : memref<128xi32, #tpu.memory_space<vmem>>, vector<16xi32>,
      %get3A_73 = vector.shape_cast %get3A_72 : vector<16xi32> to vector<16xi32>
      %get3A_74 = arith.constant 64 : index
      %get3A_75 = tpu.vector_load %arg8[%get3A_74] {strides = array<i32>} : memref<128xi32, #tpu.memory_space<vmem>>, vector<16xi32>,
      %get3A_76 = vector.shape_cast %get3A_75 : vector<16xi32> to vector<16xi32>
      %eq3A_77 = arith.cmpi eq, %get3A_73, %get3A_76 : vector<16xi32>
      %jit3A_78 = arith.constant 10104 : i32
      %broadcast_in_dim3A_79 = vector.broadcast %jit3A_78 : i32 to vector<16xi32>
      %select_n3A_80 = arith.select %eq3A_77, %broadcast_in_dim3A_79, %get3A_76 : vector<16xi1>, vector<16xi32>
      %swap3A_81 = arith.constant 64 : index
      %swap3A_82 = tpu.vector_load %arg9[%swap3A_81] {strides = array<i32>} : memref<128xi32, #tpu.memory_space<vmem>>, vector<16xi32>,
      %swap3A_83 = vector.shape_cast %swap3A_82 : vector<16xi32> to vector<16xi32>
      %swap3A_84 = vector.shape_cast %select_n3A_80 : vector<16xi32> to vector<16xi32>
      tpu.vector_store %arg9[%swap3A_81], %swap3A_84 {strides = array<i32>} : memref<128xi32, #tpu.memory_space<vmem>>, vector<16xi32>,
      %get3A_85 = arith.constant 80 : index
      %get3A_86 = tpu.vector_load %arg7[%get3A_85] {strides = array<i32>} : memref<128xi32, #tpu.memory_space<vmem>>, vector<16xi32>,
      %get3A_87 = vector.shape_cast %get3A_86 : vector<16xi32> to vector<16xi32>
      %get3A_88 = arith.constant 80 : index
      %get3A_89 = tpu.vector_load %arg8[%get3A_88] {strides = array<i32>} : memref<128xi32, #tpu.memory_space<vmem>>, vector<16xi32>,
      %get3A_90 = vector.shape_cast %get3A_89 : vector<16xi32> to vector<16xi32>
      %eq3A_91 = arith.cmpi eq, %get3A_87, %get3A_90 : vector<16xi32>
      %jit3A_92 = arith.constant 10104 : i32
      %broadcast_in_dim3A_93 = vector.broadcast %jit3A_92 : i32 to vector<16xi32>
      %select_n3A_94 = arith.select %eq3A_91, %broadcast_in_dim3A_93, %get3A_90 : vector<16xi1>, vector<16xi32>
      %swap3A_95 = arith.constant 80 : index
      %swap3A_96 = tpu.vector_load %arg9[%swap3A_95] {strides = array<i32>} : memref<128xi32, #tpu.memory_space<vmem>>, vector<16xi32>,
      %swap3A_97 = vector.shape_cast %swap3A_96 : vector<16xi32> to vector<16xi32>
      %swap3A_98 = vector.shape_cast %select_n3A_94 : vector<16xi32> to vector<16xi32>
      tpu.vector_store %arg9[%swap3A_95], %swap3A_98 {strides = array<i32>} : memref<128xi32, #tpu.memory_space<vmem>>, vector<16xi32>,
      %get3A_99 = arith.constant 96 : index
      %get3A_100 = tpu.vector_load %arg7[%get3A_99] {strides = array<i32>} : memref<128xi32, #tpu.memory_space<vmem>>, vector<16xi32>,
      %get3A_101 = vector.shape_cast %get3A_100 : vector<16xi32> to vector<16xi32>
      %get3A_102 = arith.constant 96 : index
      %get3A_103 = tpu.vector_load %arg8[%get3A_102] {strides = array<i32>} : memref<128xi32, #tpu.memory_space<vmem>>, vector<16xi32>,
      %get3A_104 = vector.shape_cast %get3A_103 : vector<16xi32> to vector<16xi32>
      %eq3A_105 = arith.cmpi eq, %get3A_101, %get3A_104 : vector<16xi32>
      %jit3A_106 = arith.constant 10104 : i32
      %broadcast_in_dim3A_107 = vector.broadcast %jit3A_106 : i32 to vector<16xi32>
      %select_n3A_108 = arith.select %eq3A_105, %broadcast_in_dim3A_107, %get3A_104 : vector<16xi1>, vector<16xi32>
      %swap3A_109 = arith.constant 96 : index
      %swap3A_110 = tpu.vector_load %arg9[%swap3A_109] {strides = array<i32>} : memref<128xi32, #tpu.memory_space<vmem>>, vector<16xi32>,
      %swap3A_111 = vector.shape_cast %swap3A_110 : vector<16xi32> to vector<16xi32>
      %swap3A_112 = vector.shape_cast %select_n3A_108 : vector<16xi32> to vector<16xi32>
      tpu.vector_store %arg9[%swap3A_109], %swap3A_112 {strides = array<i32>} : memref<128xi32, #tpu.memory_space<vmem>>, vector<16xi32>,
      %get3A_113 = arith.constant 112 : index
      %get3A_114 = tpu.vector_load %arg7[%get3A_113] {strides = array<i32>} : memref<128xi32, #tpu.memory_space<vmem>>, vector<16xi32>,
      %get3A_115 = vector.shape_cast %get3A_114 : vector<16xi32> to vector<16xi32>
      %get3A_116 = arith.constant 112 : index
      %get3A_117 = tpu.vector_load %arg8[%get3A_116] {strides = array<i32>} : memref<128xi32, #tpu.memory_space<vmem>>, vector<16xi32>,
      %get3A_118 = vector.shape_cast %get3A_117 : vector<16xi32> to vector<16xi32>
      %eq3A_119 = arith.cmpi eq, %get3A_115, %get3A_118 : vector<16xi32>
      %jit3A_120 = arith.constant 10104 : i32
      %broadcast_in_dim3A_121 = vector.broadcast %jit3A_120 : i32 to vector<16xi32>
      %select_n3A_122 = arith.select %eq3A_119, %broadcast_in_dim3A_121, %get3A_118 : vector<16xi1>, vector<16xi32>
      %swap3A_123 = arith.constant 112 : index
      %swap3A_124 = tpu.vector_load %arg9[%swap3A_123] {strides = array<i32>} : memref<128xi32, #tpu.memory_space<vmem>>, vector<16xi32>,
      %swap3A_125 = vector.shape_cast %swap3A_124 : vector<16xi32> to vector<16xi32>
      %swap3A_126 = vector.shape_cast %select_n3A_122 : vector<16xi32> to vector<16xi32>
      tpu.vector_store %arg9[%swap3A_123], %swap3A_126 {strides = array<i32>} : memref<128xi32, #tpu.memory_space<vmem>>, vector<16xi32>,
      %dma_start3A = arith.constant 0 : i32
      %dma_start3A_127 = arith.constant 0 : i32
      %dma_start3A_128 = tpu.memref_slice %arg4[%dma_start3A, %dma_start3A_127] : memref<10112x32xf32, #tpu.memory_space<hbm>> -> memref<10112x32xf32, #tpu.memory_space<hbm>>
      tpu.enqueue_indirect_dma source(%dma_start3A_128 : memref<10112x32xf32, #tpu.memory_space<hbm>>) target(%arg10 : memref<128x32xf32, #tpu.memory_space<vmem>>) offsets(%arg7 : memref<128xi32, #tpu.memory_space<vmem>>) semaphore(%arg12 : memref<!tpu.dma_semaphore, #tpu.memory_space<semaphore_mem>>)
      %dma_wait3A = arith.constant 0 : i32
      %dma_wait3A_129 = arith.constant 0 : i32
      %dma_wait3A_130 = tpu.memref_slice %arg4[%dma_wait3A, %dma_wait3A_129] : memref<10112x32xf32, #tpu.memory_space<hbm>> -> memref<10112x32xf32, #tpu.memory_space<hbm>>
      tpu.wait_indirect_dma semaphore(%arg12 : memref<!tpu.dma_semaphore, #tpu.memory_space<semaphore_mem>>) src(%dma_wait3A_130 : memref<10112x32xf32, #tpu.memory_space<hbm>>) dst(%arg10 : memref<128x32xf32, #tpu.memory_space<vmem>>)
      "tpu.region"() ({
        %run_scoped3A = tpu.sem_alloc : memref<!tpu.dma_semaphore, #tpu.memory_space<semaphore_mem>>
        %dma_start3A_131 = arith.constant 0 : i32
        %dma_start3A_132 = arith.constant 0 : i32
        %dma_start3A_133 = tpu.memref_slice %arg11[%dma_start3A_131, %dma_start3A_132] : memref<10112x32xf32, #tpu.memory_space<vmem_shared>> -> memref<10112x32xf32, #tpu.memory_space<vmem_shared>>
        tpu.enqueue_indirect_dma source(%arg10 : memref<128x32xf32, #tpu.memory_space<vmem>>) target(%dma_start3A_133 : memref<10112x32xf32, #tpu.memory_space<vmem_shared>>) offsets(%arg9 : memref<128xi32, #tpu.memory_space<vmem>>) semaphore(%run_scoped3A : memref<!tpu.dma_semaphore, #tpu.memory_space<semaphore_mem>>) {add = true}
        %dma_wait3A_134 = arith.constant 0 : i32
        %dma_wait3A_135 = arith.constant 0 : i32
        %dma_wait3A_136 = tpu.memref_slice %arg11[%dma_wait3A_134, %dma_wait3A_135] : memref<10112x32xf32, #tpu.memory_space<vmem_shared>> -> memref<10112x32xf32, #tpu.memory_space<vmem_shared>>
        tpu.wait_indirect_dma semaphore(%run_scoped3A : memref<!tpu.dma_semaphore, #tpu.memory_space<semaphore_mem>>) src(%arg10 : memref<128x32xf32, #tpu.memory_space<vmem>>) dst(%dma_wait3A_136 : memref<10112x32xf32, #tpu.memory_space<vmem_shared>>)
        tpu.yield
      }) : () -> ()
    }
    %scan3A_11 = arith.constant 79 : i32
    %barrier3A_12 = arith.constant 0 : index
    tpu.barrier barrier_id(%barrier3A_12)
    %mul3A_13 = arith.constant 632 : i32
    %mul3A_14 = arith.muli %arg1, %mul3A_13 : i32
    %mul3A_15 = arith.constant 632 : i32
    %mul3A_16 = arith.muli %arg1, %mul3A_15 : i32
    "tpu.region"() ({
      %run_scoped3A = tpu.sem_alloc : memref<!tpu.dma_semaphore, #tpu.memory_space<semaphore_mem>>
      %dma_start3A = arith.constant 0 : i32
      %dma_start3A_17 = tpu.memref_slice %arg6[%arg0, %mul3A_16, %dma_start3A] : memref<2x10112x32xf32, #tpu.memory_space<hbm>> -> memref<1x632x32xf32, #tpu.memory_space<hbm>>
      %dma_start3A_18 = tpu.memref_squeeze %dma_start3A_17 : memref<1x632x32xf32, #tpu.memory_space<hbm>> -> memref<632x32xf32, #tpu.memory_space<hbm>>
      %dma_start3A_19 = arith.constant 0 : i32
      %dma_start3A_20 = tpu.memref_slice %arg11[%mul3A_14, %dma_start3A_19] : memref<10112x32xf32, #tpu.memory_space<vmem_shared>> -> memref<632x32xf32, #tpu.memory_space<vmem_shared>>
      tpu.enqueue_dma source(%dma_start3A_20 : memref<632x32xf32, #tpu.memory_space<vmem_shared>>) target(%dma_start3A_18 : memref<632x32xf32, #tpu.memory_space<hbm>>) target_semaphore(%run_scoped3A : memref<!tpu.dma_semaphore, #tpu.memory_space<semaphore_mem>>)
      %dma_wait3A = arith.constant 0 : i32
      %dma_wait3A_21 = tpu.memref_slice %arg6[%arg0, %mul3A_16, %dma_wait3A] : memref<2x10112x32xf32, #tpu.memory_space<hbm>> -> memref<1x632x32xf32, #tpu.memory_space<hbm>>
      %dma_wait3A_22 = tpu.memref_squeeze %dma_wait3A_21 : memref<1x632x32xf32, #tpu.memory_space<hbm>> -> memref<632x32xf32, #tpu.memory_space<hbm>>
      %dma_wait3A_23 = arith.constant 0 : i32
      %dma_wait3A_24 = tpu.memref_slice %arg11[%mul3A_14, %dma_wait3A_23] : memref<10112x32xf32, #tpu.memory_space<vmem_shared>> -> memref<632x32xf32, #tpu.memory_space<vmem_shared>>
      tpu.wait_dma2 semaphore(%run_scoped3A : memref<!tpu.dma_semaphore, #tpu.memory_space<semaphore_mem>>) src(%dma_wait3A_24 : memref<632x32xf32, #tpu.memory_space<vmem_shared>>) dst(%dma_wait3A_22 : memref<632x32xf32, #tpu.memory_space<hbm>>)
      tpu.yield
    }) : () -> ()
    return
  }
}

#map = affine_map<(d0, d1) -> (0)>
#map1 = affine_map<(d0, d1) -> (0, 0)>
#map2 = affine_map<(d0, d1) -> (0, 0, 0)>
module attributes {stable_mosaic.version = 14 : i64} {
  func.func @body(%arg0: i32, %arg1: i32, %arg2: memref<323584xi32, #tpu.memory_space<hbm>>, %arg3: memref<323584xi32, #tpu.memory_space<hbm>>, %arg4: memref<10112x32xf32, #tpu.memory_space<hbm>>, %arg5: memref<10112x32xf32, #tpu.memory_space<hbm>>, %arg6: memref<2x10112x32xf32, #tpu.memory_space<hbm>>, %arg7: memref<128xi32, #tpu.memory_space<vmem>>, %arg8: memref<128xi32, #tpu.memory_space<vmem>>, %arg9: memref<128xi32, #tpu.memory_space<vmem>>, %arg10: memref<128x32xf32, #tpu.memory_space<vmem>>, %arg11: memref<10112x32xf32, #tpu.memory_space<vmem_shared>>, %arg12: memref<!tpu.dma_semaphore, #tpu.memory_space<semaphore_mem>>) attributes {dimension_semantics = [#tpu.dimension_semantics<core_parallel>, #tpu.dimension_semantics<subcore_parallel>], iteration_bounds = array<i64: 2, 16>, scalar_prefetch = 0 : i64, scratch_operands = 6 : i64, tpu.core_type = #tpu.core_type<sc_vector_subcore>, window_params = [{transform_indices = #map}, {transform_indices = #map}, {transform_indices = #map1}, {transform_indices = #map1}, {transform_indices = #map2}]} {
    %mul3A = arith.constant 2 : i32
    %mul3A_0 = arith.muli %arg1, %mul3A : i32
    %add3A = arith.addi %mul3A_0, %arg0 : i32
    %mul3A_1 = arith.constant 10112 : i32
    %mul3A_2 = arith.muli %add3A, %mul3A_1 : i32
    %mul3A_3 = arith.constant 632 : i32
    %mul3A_4 = arith.muli %arg1, %mul3A_3 : i32
    %mul3A_5 = arith.constant 632 : i32
    %mul3A_6 = arith.muli %arg1, %mul3A_5 : i32
    "tpu.region"() ({
      %run_scoped3A = tpu.sem_alloc : memref<!tpu.dma_semaphore, #tpu.memory_space<semaphore_mem>>
      %dma_start3A = arith.constant 0 : i32
      %dma_start3A_17 = tpu.memref_slice %arg11[%mul3A_6, %dma_start3A] : memref<10112x32xf32, #tpu.memory_space<vmem_shared>> -> memref<632x32xf32, #tpu.memory_space<vmem_shared>>
      %dma_start3A_18 = arith.constant 0 : i32
      %dma_start3A_19 = tpu.memref_slice %arg5[%mul3A_4, %dma_start3A_18] : memref<10112x32xf32, #tpu.memory_space<hbm>> -> memref<632x32xf32, #tpu.memory_space<hbm>>
      tpu.enqueue_dma source(%dma_start3A_19 : memref<632x32xf32, #tpu.memory_space<hbm>>) target(%dma_start3A_17 : memref<632x32xf32, #tpu.memory_space<vmem_shared>>) target_semaphore(%run_scoped3A : memref<!tpu.dma_semaphore, #tpu.memory_space<semaphore_mem>>)
      %dma_wait3A = arith.constant 0 : i32
      %dma_wait3A_20 = tpu.memref_slice %arg11[%mul3A_6, %dma_wait3A] : memref<10112x32xf32, #tpu.memory_space<vmem_shared>> -> memref<632x32xf32, #tpu.memory_space<vmem_shared>>
      %dma_wait3A_21 = arith.constant 0 : i32
      %dma_wait3A_22 = tpu.memref_slice %arg5[%mul3A_4, %dma_wait3A_21] : memref<10112x32xf32, #tpu.memory_space<hbm>> -> memref<632x32xf32, #tpu.memory_space<hbm>>
      tpu.wait_dma2 semaphore(%run_scoped3A : memref<!tpu.dma_semaphore, #tpu.memory_space<semaphore_mem>>) src(%dma_wait3A_22 : memref<632x32xf32, #tpu.memory_space<hbm>>) dst(%dma_wait3A_20 : memref<632x32xf32, #tpu.memory_space<vmem_shared>>)
      tpu.yield
    }) : () -> ()
    %barrier3A = arith.constant 0 : index
    tpu.barrier barrier_id(%barrier3A)
    %scan3A = arith.constant 0 : i32
    %scan3A_7 = arith.constant 0 : i32
    %scan3A_8 = arith.constant 79 : i32
    %scan3A_9 = arith.addi %scan3A_7, %scan3A_8 : i32
    %scan3A_10 = arith.constant 1 : i32
    scf.for %scan3A_17 = %scan3A_7 to %scan3A_9 step %scan3A_10  : i32 {
      %mul3A_18 = arith.constant 128 : i32
      %mul3A_19 = arith.muli %scan3A_17, %mul3A_18 : i32
      %add3A_20 = arith.addi %mul3A_2, %mul3A_19 : i32
      "tpu.region"() ({
        %run_scoped3A = tpu.sem_alloc : memref<!tpu.dma_semaphore, #tpu.memory_space<semaphore_mem>>
        %dma_start3A_131 = tpu.memref_slice %arg2[%add3A_20] : memref<323584xi32, #tpu.memory_space<hbm>> -> memref<128xi32, #tpu.memory_space<hbm>>
        %dma_start3A_132 = tpu.memref_slice %arg2[%add3A_20] : memref<323584xi32, #tpu.memory_space<hbm>> -> memref<128xi32, #tpu.memory_space<hbm>>
        tpu.enqueue_dma source(%dma_start3A_132 : memref<128xi32, #tpu.memory_space<hbm>>) target(%arg7 : memref<128xi32, #tpu.memory_space<vmem>>) target_semaphore(%run_scoped3A : memref<!tpu.dma_semaphore, #tpu.memory_space<semaphore_mem>>)
        %dma_wait3A_133 = tpu.memref_slice %arg2[%add3A_20] : memref<323584xi32, #tpu.memory_space<hbm>> -> memref<128xi32, #tpu.memory_space<hbm>>
        %dma_wait3A_134 = tpu.memref_slice %arg2[%add3A_20] : memref<323584xi32, #tpu.memory_space<hbm>> -> memref<128xi32, #tpu.memory_space<hbm>>
        tpu.wait_dma2 semaphore(%run_scoped3A : memref<!tpu.dma_semaphore, #tpu.memory_space<semaphore_mem>>) src(%dma_wait3A_134 : memref<128xi32, #tpu.memory_space<hbm>>) dst(%arg7 : memref<128xi32, #tpu.memory_space<vmem>>)
        tpu.yield
      }) : () -> ()
      "tpu.region"() ({
        %run_scoped3A = tpu.sem_alloc : memref<!tpu.dma_semaphore, #tpu.memory_space<semaphore_mem>>
        %dma_start3A_131 = tpu.memref_slice %arg3[%add3A_20] : memref<323584xi32, #tpu.memory_space<hbm>> -> memref<128xi32, #tpu.memory_space<hbm>>
        %dma_start3A_132 = tpu.memref_slice %arg3[%add3A_20] : memref<323584xi32, #tpu.memory_space<hbm>> -> memref<128xi32, #tpu.memory_space<hbm>>
        tpu.enqueue_dma source(%dma_start3A_132 : memref<128xi32, #tpu.memory_space<hbm>>) target(%arg8 : memref<128xi32, #tpu.memory_space<vmem>>) target_semaphore(%run_scoped3A : memref<!tpu.dma_semaphore, #tpu.memory_space<semaphore_mem>>)
        %dma_wait3A_133 = tpu.memref_slice %arg3[%add3A_20] : memref<323584xi32, #tpu.memory_space<hbm>> -> memref<128xi32, #tpu.memory_space<hbm>>
        %dma_wait3A_134 = tpu.memref_slice %arg3[%add3A_20] : memref<323584xi32, #tpu.memory_space<hbm>> -> memref<128xi32, #tpu.memory_space<hbm>>
        tpu.wait_dma2 semaphore(%run_scoped3A : memref<!tpu.dma_semaphore, #tpu.memory_space<semaphore_mem>>) src(%dma_wait3A_134 : memref<128xi32, #tpu.memory_space<hbm>>) dst(%arg8 : memref<128xi32, #tpu.memory_space<vmem>>)
        tpu.yield
      }) : () -> ()
      %get3A = arith.constant 0 : index
      %get3A_21 = tpu.vector_load %arg7[%get3A] {strides = array<i32>} : memref<128xi32, #tpu.memory_space<vmem>>, vector<16xi32>,
      %get3A_22 = vector.shape_cast %get3A_21 : vector<16xi32> to vector<16xi32>
      %get3A_23 = arith.constant 0 : index
      %get3A_24 = tpu.vector_load %arg8[%get3A_23] {strides = array<i32>} : memref<128xi32, #tpu.memory_space<vmem>>, vector<16xi32>,
      %get3A_25 = vector.shape_cast %get3A_24 : vector<16xi32> to vector<16xi32>
      %eq3A = arith.cmpi eq, %get3A_22, %get3A_25 : vector<16xi32>
      %jit3A = arith.constant 10104 : i32
      %broadcast_in_dim3A = vector.broadcast %jit3A : i32 to vector<16xi32>
      %select_n3A = arith.select %eq3A, %broadcast_in_dim3A, %get3A_25 : vector<16xi1>, vector<16xi32>
      %swap3A = arith.constant 0 : index
      %swap3A_26 = tpu.vector_load %arg9[%swap3A] {strides = array<i32>} : memref<128xi32, #tpu.memory_space<vmem>>, vector<16xi32>,
      %swap3A_27 = vector.shape_cast %swap3A_26 : vector<16xi32> to vector<16xi32>
      %swap3A_28 = vector.shape_cast %select_n3A : vector<16xi32> to vector<16xi32>
      tpu.vector_store %arg9[%swap3A], %swap3A_28 {strides = array<i32>} : memref<128xi32, #tpu.memory_space<vmem>>, vector<16xi32>,
      %get3A_29 = arith.constant 16 : index
      %get3A_30 = tpu.vector_load %arg7[%get3A_29] {strides = array<i32>} : memref<128xi32, #tpu.memory_space<vmem>>, vector<16xi32>,
      %get3A_31 = vector.shape_cast %get3A_30 : vector<16xi32> to vector<16xi32>
      %get3A_32 = arith.constant 16 : index
      %get3A_33 = tpu.vector_load %arg8[%get3A_32] {strides = array<i32>} : memref<128xi32, #tpu.memory_space<vmem>>, vector<16xi32>,
      %get3A_34 = vector.shape_cast %get3A_33 : vector<16xi32> to vector<16xi32>
      %eq3A_35 = arith.cmpi eq, %get3A_31, %get3A_34 : vector<16xi32>
      %jit3A_36 = arith.constant 10104 : i32
      %broadcast_in_dim3A_37 = vector.broadcast %jit3A_36 : i32 to vector<16xi32>
      %select_n3A_38 = arith.select %eq3A_35, %broadcast_in_dim3A_37, %get3A_34 : vector<16xi1>, vector<16xi32>
      %swap3A_39 = arith.constant 16 : index
      %swap3A_40 = tpu.vector_load %arg9[%swap3A_39] {strides = array<i32>} : memref<128xi32, #tpu.memory_space<vmem>>, vector<16xi32>,
      %swap3A_41 = vector.shape_cast %swap3A_40 : vector<16xi32> to vector<16xi32>
      %swap3A_42 = vector.shape_cast %select_n3A_38 : vector<16xi32> to vector<16xi32>
      tpu.vector_store %arg9[%swap3A_39], %swap3A_42 {strides = array<i32>} : memref<128xi32, #tpu.memory_space<vmem>>, vector<16xi32>,
      %get3A_43 = arith.constant 32 : index
      %get3A_44 = tpu.vector_load %arg7[%get3A_43] {strides = array<i32>} : memref<128xi32, #tpu.memory_space<vmem>>, vector<16xi32>,
      %get3A_45 = vector.shape_cast %get3A_44 : vector<16xi32> to vector<16xi32>
      %get3A_46 = arith.constant 32 : index
      %get3A_47 = tpu.vector_load %arg8[%get3A_46] {strides = array<i32>} : memref<128xi32, #tpu.memory_space<vmem>>, vector<16xi32>,
      %get3A_48 = vector.shape_cast %get3A_47 : vector<16xi32> to vector<16xi32>
      %eq3A_49 = arith.cmpi eq, %get3A_45, %get3A_48 : vector<16xi32>
      %jit3A_50 = arith.constant 10104 : i32
      %broadcast_in_dim3A_51 = vector.broadcast %jit3A_50 : i32 to vector<16xi32>
      %select_n3A_52 = arith.select %eq3A_49, %broadcast_in_dim3A_51, %get3A_48 : vector<16xi1>, vector<16xi32>
      %swap3A_53 = arith.constant 32 : index
      %swap3A_54 = tpu.vector_load %arg9[%swap3A_53] {strides = array<i32>} : memref<128xi32, #tpu.memory_space<vmem>>, vector<16xi32>,
      %swap3A_55 = vector.shape_cast %swap3A_54 : vector<16xi32> to vector<16xi32>
      %swap3A_56 = vector.shape_cast %select_n3A_52 : vector<16xi32> to vector<16xi32>
      tpu.vector_store %arg9[%swap3A_53], %swap3A_56 {strides = array<i32>} : memref<128xi32, #tpu.memory_space<vmem>>, vector<16xi32>,
      %get3A_57 = arith.constant 48 : index
      %get3A_58 = tpu.vector_load %arg7[%get3A_57] {strides = array<i32>} : memref<128xi32, #tpu.memory_space<vmem>>, vector<16xi32>,
      %get3A_59 = vector.shape_cast %get3A_58 : vector<16xi32> to vector<16xi32>
      %get3A_60 = arith.constant 48 : index
      %get3A_61 = tpu.vector_load %arg8[%get3A_60] {strides = array<i32>} : memref<128xi32, #tpu.memory_space<vmem>>, vector<16xi32>,
      %get3A_62 = vector.shape_cast %get3A_61 : vector<16xi32> to vector<16xi32>
      %eq3A_63 = arith.cmpi eq, %get3A_59, %get3A_62 : vector<16xi32>
      %jit3A_64 = arith.constant 10104 : i32
      %broadcast_in_dim3A_65 = vector.broadcast %jit3A_64 : i32 to vector<16xi32>
      %select_n3A_66 = arith.select %eq3A_63, %broadcast_in_dim3A_65, %get3A_62 : vector<16xi1>, vector<16xi32>
      %swap3A_67 = arith.constant 48 : index
      %swap3A_68 = tpu.vector_load %arg9[%swap3A_67] {strides = array<i32>} : memref<128xi32, #tpu.memory_space<vmem>>, vector<16xi32>,
      %swap3A_69 = vector.shape_cast %swap3A_68 : vector<16xi32> to vector<16xi32>
      %swap3A_70 = vector.shape_cast %select_n3A_66 : vector<16xi32> to vector<16xi32>
      tpu.vector_store %arg9[%swap3A_67], %swap3A_70 {strides = array<i32>} : memref<128xi32, #tpu.memory_space<vmem>>, vector<16xi32>,
      %get3A_71 = arith.constant 64 : index
      %get3A_72 = tpu.vector_load %arg7[%get3A_71] {strides = array<i32>} : memref<128xi32, #tpu.memory_space<vmem>>, vector<16xi32>,
      %get3A_73 = vector.shape_cast %get3A_72 : vector<16xi32> to vector<16xi32>
      %get3A_74 = arith.constant 64 : index
      %get3A_75 = tpu.vector_load %arg8[%get3A_74] {strides = array<i32>} : memref<128xi32, #tpu.memory_space<vmem>>, vector<16xi32>,
      %get3A_76 = vector.shape_cast %get3A_75 : vector<16xi32> to vector<16xi32>
      %eq3A_77 = arith.cmpi eq, %get3A_73, %get3A_76 : vector<16xi32>
      %jit3A_78 = arith.constant 10104 : i32
      %broadcast_in_dim3A_79 = vector.broadcast %jit3A_78 : i32 to vector<16xi32>
      %select_n3A_80 = arith.select %eq3A_77, %broadcast_in_dim3A_79, %get3A_76 : vector<16xi1>, vector<16xi32>
      %swap3A_81 = arith.constant 64 : index
      %swap3A_82 = tpu.vector_load %arg9[%swap3A_81] {strides = array<i32>} : memref<128xi32, #tpu.memory_space<vmem>>, vector<16xi32>,
      %swap3A_83 = vector.shape_cast %swap3A_82 : vector<16xi32> to vector<16xi32>
      %swap3A_84 = vector.shape_cast %select_n3A_80 : vector<16xi32> to vector<16xi32>
      tpu.vector_store %arg9[%swap3A_81], %swap3A_84 {strides = array<i32>} : memref<128xi32, #tpu.memory_space<vmem>>, vector<16xi32>,
      %get3A_85 = arith.constant 80 : index
      %get3A_86 = tpu.vector_load %arg7[%get3A_85] {strides = array<i32>} : memref<128xi32, #tpu.memory_space<vmem>>, vector<16xi32>,
      %get3A_87 = vector.shape_cast %get3A_86 : vector<16xi32> to vector<16xi32>
      %get3A_88 = arith.constant 80 : index
      %get3A_89 = tpu.vector_load %arg8[%get3A_88] {strides = array<i32>} : memref<128xi32, #tpu.memory_space<vmem>>, vector<16xi32>,
      %get3A_90 = vector.shape_cast %get3A_89 : vector<16xi32> to vector<16xi32>
      %eq3A_91 = arith.cmpi eq, %get3A_87, %get3A_90 : vector<16xi32>
      %jit3A_92 = arith.constant 10104 : i32
      %broadcast_in_dim3A_93 = vector.broadcast %jit3A_92 : i32 to vector<16xi32>
      %select_n3A_94 = arith.select %eq3A_91, %broadcast_in_dim3A_93, %get3A_90 : vector<16xi1>, vector<16xi32>
      %swap3A_95 = arith.constant 80 : index
      %swap3A_96 = tpu.vector_load %arg9[%swap3A_95] {strides = array<i32>} : memref<128xi32, #tpu.memory_space<vmem>>, vector<16xi32>,
      %swap3A_97 = vector.shape_cast %swap3A_96 : vector<16xi32> to vector<16xi32>
      %swap3A_98 = vector.shape_cast %select_n3A_94 : vector<16xi32> to vector<16xi32>
      tpu.vector_store %arg9[%swap3A_95], %swap3A_98 {strides = array<i32>} : memref<128xi32, #tpu.memory_space<vmem>>, vector<16xi32>,
      %get3A_99 = arith.constant 96 : index
      %get3A_100 = tpu.vector_load %arg7[%get3A_99] {strides = array<i32>} : memref<128xi32, #tpu.memory_space<vmem>>, vector<16xi32>,
      %get3A_101 = vector.shape_cast %get3A_100 : vector<16xi32> to vector<16xi32>
      %get3A_102 = arith.constant 96 : index
      %get3A_103 = tpu.vector_load %arg8[%get3A_102] {strides = array<i32>} : memref<128xi32, #tpu.memory_space<vmem>>, vector<16xi32>,
      %get3A_104 = vector.shape_cast %get3A_103 : vector<16xi32> to vector<16xi32>
      %eq3A_105 = arith.cmpi eq, %get3A_101, %get3A_104 : vector<16xi32>
      %jit3A_106 = arith.constant 10104 : i32
      %broadcast_in_dim3A_107 = vector.broadcast %jit3A_106 : i32 to vector<16xi32>
      %select_n3A_108 = arith.select %eq3A_105, %broadcast_in_dim3A_107, %get3A_104 : vector<16xi1>, vector<16xi32>
      %swap3A_109 = arith.constant 96 : index
      %swap3A_110 = tpu.vector_load %arg9[%swap3A_109] {strides = array<i32>} : memref<128xi32, #tpu.memory_space<vmem>>, vector<16xi32>,
      %swap3A_111 = vector.shape_cast %swap3A_110 : vector<16xi32> to vector<16xi32>
      %swap3A_112 = vector.shape_cast %select_n3A_108 : vector<16xi32> to vector<16xi32>
      tpu.vector_store %arg9[%swap3A_109], %swap3A_112 {strides = array<i32>} : memref<128xi32, #tpu.memory_space<vmem>>, vector<16xi32>,
      %get3A_113 = arith.constant 112 : index
      %get3A_114 = tpu.vector_load %arg7[%get3A_113] {strides = array<i32>} : memref<128xi32, #tpu.memory_space<vmem>>, vector<16xi32>,
      %get3A_115 = vector.shape_cast %get3A_114 : vector<16xi32> to vector<16xi32>
      %get3A_116 = arith.constant 112 : index
      %get3A_117 = tpu.vector_load %arg8[%get3A_116] {strides = array<i32>} : memref<128xi32, #tpu.memory_space<vmem>>, vector<16xi32>,
      %get3A_118 = vector.shape_cast %get3A_117 : vector<16xi32> to vector<16xi32>
      %eq3A_119 = arith.cmpi eq, %get3A_115, %get3A_118 : vector<16xi32>
      %jit3A_120 = arith.constant 10104 : i32
      %broadcast_in_dim3A_121 = vector.broadcast %jit3A_120 : i32 to vector<16xi32>
      %select_n3A_122 = arith.select %eq3A_119, %broadcast_in_dim3A_121, %get3A_118 : vector<16xi1>, vector<16xi32>
      %swap3A_123 = arith.constant 112 : index
      %swap3A_124 = tpu.vector_load %arg9[%swap3A_123] {strides = array<i32>} : memref<128xi32, #tpu.memory_space<vmem>>, vector<16xi32>,
      %swap3A_125 = vector.shape_cast %swap3A_124 : vector<16xi32> to vector<16xi32>
      %swap3A_126 = vector.shape_cast %select_n3A_122 : vector<16xi32> to vector<16xi32>
      tpu.vector_store %arg9[%swap3A_123], %swap3A_126 {strides = array<i32>} : memref<128xi32, #tpu.memory_space<vmem>>, vector<16xi32>,
      %dma_start3A = arith.constant 0 : i32
      %dma_start3A_127 = arith.constant 0 : i32
      %dma_start3A_128 = tpu.memref_slice %arg4[%dma_start3A, %dma_start3A_127] : memref<10112x32xf32, #tpu.memory_space<hbm>> -> memref<10112x32xf32, #tpu.memory_space<hbm>>
      tpu.enqueue_indirect_dma source(%dma_start3A_128 : memref<10112x32xf32, #tpu.memory_space<hbm>>) target(%arg10 : memref<128x32xf32, #tpu.memory_space<vmem>>) offsets(%arg7 : memref<128xi32, #tpu.memory_space<vmem>>) semaphore(%arg12 : memref<!tpu.dma_semaphore, #tpu.memory_space<semaphore_mem>>)
      %dma_wait3A = arith.constant 0 : i32
      %dma_wait3A_129 = arith.constant 0 : i32
      %dma_wait3A_130 = tpu.memref_slice %arg4[%dma_wait3A, %dma_wait3A_129] : memref<10112x32xf32, #tpu.memory_space<hbm>> -> memref<10112x32xf32, #tpu.memory_space<hbm>>
      tpu.wait_indirect_dma semaphore(%arg12 : memref<!tpu.dma_semaphore, #tpu.memory_space<semaphore_mem>>) src(%dma_wait3A_130 : memref<10112x32xf32, #tpu.memory_space<hbm>>) dst(%arg10 : memref<128x32xf32, #tpu.memory_space<vmem>>)
      "tpu.region"() ({
        %run_scoped3A = tpu.sem_alloc : memref<!tpu.dma_semaphore, #tpu.memory_space<semaphore_mem>>
        %dma_start3A_131 = arith.constant 0 : i32
        %dma_start3A_132 = arith.constant 0 : i32
        %dma_start3A_133 = tpu.memref_slice %arg11[%dma_start3A_131, %dma_start3A_132] : memref<10112x32xf32, #tpu.memory_space<vmem_shared>> -> memref<10112x32xf32, #tpu.memory_space<vmem_shared>>
        tpu.enqueue_indirect_dma source(%arg10 : memref<128x32xf32, #tpu.memory_space<vmem>>) target(%dma_start3A_133 : memref<10112x32xf32, #tpu.memory_space<vmem_shared>>) offsets(%arg9 : memref<128xi32, #tpu.memory_space<vmem>>) semaphore(%run_scoped3A : memref<!tpu.dma_semaphore, #tpu.memory_space<semaphore_mem>>) {add = true}
        %dma_wait3A_134 = arith.constant 0 : i32
        %dma_wait3A_135 = arith.constant 0 : i32
        %dma_wait3A_136 = tpu.memref_slice %arg11[%dma_wait3A_134, %dma_wait3A_135] : memref<10112x32xf32, #tpu.memory_space<vmem_shared>> -> memref<10112x32xf32, #tpu.memory_space<vmem_shared>>
        tpu.wait_indirect_dma semaphore(%run_scoped3A : memref<!tpu.dma_semaphore, #tpu.memory_space<semaphore_mem>>) src(%arg10 : memref<128x32xf32, #tpu.memory_space<vmem>>) dst(%dma_wait3A_136 : memref<10112x32xf32, #tpu.memory_space<vmem_shared>>)
        tpu.yield
      }) : () -> ()
    }
    %scan3A_11 = arith.constant 79 : i32
    %barrier3A_12 = arith.constant 0 : index
    tpu.barrier barrier_id(%barrier3A_12)
    %mul3A_13 = arith.constant 632 : i32
    %mul3A_14 = arith.muli %arg1, %mul3A_13 : i32
    %mul3A_15 = arith.constant 632 : i32
    %mul3A_16 = arith.muli %arg1, %mul3A_15 : i32
    "tpu.region"() ({
      %run_scoped3A = tpu.sem_alloc : memref<!tpu.dma_semaphore, #tpu.memory_space<semaphore_mem>>
      %dma_start3A = arith.constant 0 : i32
      %dma_start3A_17 = tpu.memref_slice %arg6[%arg0, %mul3A_16, %dma_start3A] : memref<2x10112x32xf32, #tpu.memory_space<hbm>> -> memref<1x632x32xf32, #tpu.memory_space<hbm>>
      %dma_start3A_18 = tpu.memref_squeeze %dma_start3A_17 : memref<1x632x32xf32, #tpu.memory_space<hbm>> -> memref<632x32xf32, #tpu.memory_space<hbm>>
      %dma_start3A_19 = arith.constant 0 : i32
      %dma_start3A_20 = tpu.memref_slice %arg11[%mul3A_14, %dma_start3A_19] : memref<10112x32xf32, #tpu.memory_space<vmem_shared>> -> memref<632x32xf32, #tpu.memory_space<vmem_shared>>
      tpu.enqueue_dma source(%dma_start3A_20 : memref<632x32xf32, #tpu.memory_space<vmem_shared>>) target(%dma_start3A_18 : memref<632x32xf32, #tpu.memory_space<hbm>>) target_semaphore(%run_scoped3A : memref<!tpu.dma_semaphore, #tpu.memory_space<semaphore_mem>>)
      %dma_wait3A = arith.constant 0 : i32
      %dma_wait3A_21 = tpu.memref_slice %arg6[%arg0, %mul3A_16, %dma_wait3A] : memref<2x10112x32xf32, #tpu.memory_space<hbm>> -> memref<1x632x32xf32, #tpu.memory_space<hbm>>
      %dma_wait3A_22 = tpu.memref_squeeze %dma_wait3A_21 : memref<1x632x32xf32, #tpu.memory_space<hbm>> -> memref<632x32xf32, #tpu.memory_space<hbm>>
      %dma_wait3A_23 = arith.constant 0 : i32
      %dma_wait3A_24 = tpu.memref_slice %arg11[%mul3A_14, %dma_wait3A_23] : memref<10112x32xf32, #tpu.memory_space<vmem_shared>> -> memref<632x32xf32, #tpu.memory_space<vmem_shared>>
      tpu.wait_dma2 semaphore(%run_scoped3A : memref<!tpu.dma_semaphore, #tpu.memory_space<semaphore_mem>>) src(%dma_wait3A_24 : memref<632x32xf32, #tpu.memory_space<vmem_shared>>) dst(%dma_wait3A_22 : memref<632x32xf32, #tpu.memory_space<hbm>>)
      tpu.yield
    }) : () -> ()
    return
  }
}

#map = affine_map<(d0, d1) -> (0)>
#map1 = affine_map<(d0, d1) -> (0, 0)>
#map2 = affine_map<(d0, d1) -> (0, 0, 0)>
module attributes {stable_mosaic.version = 14 : i64} {
  func.func @body(%arg0: i32, %arg1: i32, %arg2: memref<323584xi32, #tpu.memory_space<hbm>>, %arg3: memref<323584xi32, #tpu.memory_space<hbm>>, %arg4: memref<10112x32xf32, #tpu.memory_space<hbm>>, %arg5: memref<10112x32xf32, #tpu.memory_space<hbm>>, %arg6: memref<2x10112x32xf32, #tpu.memory_space<hbm>>, %arg7: memref<128xi32, #tpu.memory_space<vmem>>, %arg8: memref<128xi32, #tpu.memory_space<vmem>>, %arg9: memref<128xi32, #tpu.memory_space<vmem>>, %arg10: memref<128x32xf32, #tpu.memory_space<vmem>>, %arg11: memref<10112x32xf32, #tpu.memory_space<vmem_shared>>, %arg12: memref<!tpu.dma_semaphore, #tpu.memory_space<semaphore_mem>>) attributes {dimension_semantics = [#tpu.dimension_semantics<core_parallel>, #tpu.dimension_semantics<subcore_parallel>], iteration_bounds = array<i64: 2, 16>, scalar_prefetch = 0 : i64, scratch_operands = 6 : i64, tpu.core_type = #tpu.core_type<sc_vector_subcore>, window_params = [{transform_indices = #map}, {transform_indices = #map}, {transform_indices = #map1}, {transform_indices = #map1}, {transform_indices = #map2}]} {
    %mul3A = arith.constant 2 : i32
    %mul3A_0 = arith.muli %arg1, %mul3A : i32
    %add3A = arith.addi %mul3A_0, %arg0 : i32
    %mul3A_1 = arith.constant 10112 : i32
    %mul3A_2 = arith.muli %add3A, %mul3A_1 : i32
    %mul3A_3 = arith.constant 632 : i32
    %mul3A_4 = arith.muli %arg1, %mul3A_3 : i32
    %mul3A_5 = arith.constant 632 : i32
    %mul3A_6 = arith.muli %arg1, %mul3A_5 : i32
    "tpu.region"() ({
      %run_scoped3A = tpu.sem_alloc : memref<!tpu.dma_semaphore, #tpu.memory_space<semaphore_mem>>
      %dma_start3A = arith.constant 0 : i32
      %dma_start3A_17 = tpu.memref_slice %arg11[%mul3A_6, %dma_start3A] : memref<10112x32xf32, #tpu.memory_space<vmem_shared>> -> memref<632x32xf32, #tpu.memory_space<vmem_shared>>
      %dma_start3A_18 = arith.constant 0 : i32
      %dma_start3A_19 = tpu.memref_slice %arg5[%mul3A_4, %dma_start3A_18] : memref<10112x32xf32, #tpu.memory_space<hbm>> -> memref<632x32xf32, #tpu.memory_space<hbm>>
      tpu.enqueue_dma source(%dma_start3A_19 : memref<632x32xf32, #tpu.memory_space<hbm>>) target(%dma_start3A_17 : memref<632x32xf32, #tpu.memory_space<vmem_shared>>) target_semaphore(%run_scoped3A : memref<!tpu.dma_semaphore, #tpu.memory_space<semaphore_mem>>)
      %dma_wait3A = arith.constant 0 : i32
      %dma_wait3A_20 = tpu.memref_slice %arg11[%mul3A_6, %dma_wait3A] : memref<10112x32xf32, #tpu.memory_space<vmem_shared>> -> memref<632x32xf32, #tpu.memory_space<vmem_shared>>
      %dma_wait3A_21 = arith.constant 0 : i32
      %dma_wait3A_22 = tpu.memref_slice %arg5[%mul3A_4, %dma_wait3A_21] : memref<10112x32xf32, #tpu.memory_space<hbm>> -> memref<632x32xf32, #tpu.memory_space<hbm>>
      tpu.wait_dma2 semaphore(%run_scoped3A : memref<!tpu.dma_semaphore, #tpu.memory_space<semaphore_mem>>) src(%dma_wait3A_22 : memref<632x32xf32, #tpu.memory_space<hbm>>) dst(%dma_wait3A_20 : memref<632x32xf32, #tpu.memory_space<vmem_shared>>)
      tpu.yield
    }) : () -> ()
    %barrier3A = arith.constant 0 : index
    tpu.barrier barrier_id(%barrier3A)
    %scan3A = arith.constant 0 : i32
    %scan3A_7 = arith.constant 0 : i32
    %scan3A_8 = arith.constant 79 : i32
    %scan3A_9 = arith.addi %scan3A_7, %scan3A_8 : i32
    %scan3A_10 = arith.constant 1 : i32
    scf.for %scan3A_17 = %scan3A_7 to %scan3A_9 step %scan3A_10  : i32 {
      %mul3A_18 = arith.constant 128 : i32
      %mul3A_19 = arith.muli %scan3A_17, %mul3A_18 : i32
      %add3A_20 = arith.addi %mul3A_2, %mul3A_19 : i32
      "tpu.region"() ({
        %run_scoped3A = tpu.sem_alloc : memref<!tpu.dma_semaphore, #tpu.memory_space<semaphore_mem>>
        %dma_start3A_131 = tpu.memref_slice %arg2[%add3A_20] : memref<323584xi32, #tpu.memory_space<hbm>> -> memref<128xi32, #tpu.memory_space<hbm>>
        %dma_start3A_132 = tpu.memref_slice %arg2[%add3A_20] : memref<323584xi32, #tpu.memory_space<hbm>> -> memref<128xi32, #tpu.memory_space<hbm>>
        tpu.enqueue_dma source(%dma_start3A_132 : memref<128xi32, #tpu.memory_space<hbm>>) target(%arg7 : memref<128xi32, #tpu.memory_space<vmem>>) target_semaphore(%run_scoped3A : memref<!tpu.dma_semaphore, #tpu.memory_space<semaphore_mem>>)
        %dma_wait3A_133 = tpu.memref_slice %arg2[%add3A_20] : memref<323584xi32, #tpu.memory_space<hbm>> -> memref<128xi32, #tpu.memory_space<hbm>>
        %dma_wait3A_134 = tpu.memref_slice %arg2[%add3A_20] : memref<323584xi32, #tpu.memory_space<hbm>> -> memref<128xi32, #tpu.memory_space<hbm>>
        tpu.wait_dma2 semaphore(%run_scoped3A : memref<!tpu.dma_semaphore, #tpu.memory_space<semaphore_mem>>) src(%dma_wait3A_134 : memref<128xi32, #tpu.memory_space<hbm>>) dst(%arg7 : memref<128xi32, #tpu.memory_space<vmem>>)
        tpu.yield
      }) : () -> ()
      "tpu.region"() ({
        %run_scoped3A = tpu.sem_alloc : memref<!tpu.dma_semaphore, #tpu.memory_space<semaphore_mem>>
        %dma_start3A_131 = tpu.memref_slice %arg3[%add3A_20] : memref<323584xi32, #tpu.memory_space<hbm>> -> memref<128xi32, #tpu.memory_space<hbm>>
        %dma_start3A_132 = tpu.memref_slice %arg3[%add3A_20] : memref<323584xi32, #tpu.memory_space<hbm>> -> memref<128xi32, #tpu.memory_space<hbm>>
        tpu.enqueue_dma source(%dma_start3A_132 : memref<128xi32, #tpu.memory_space<hbm>>) target(%arg8 : memref<128xi32, #tpu.memory_space<vmem>>) target_semaphore(%run_scoped3A : memref<!tpu.dma_semaphore, #tpu.memory_space<semaphore_mem>>)
        %dma_wait3A_133 = tpu.memref_slice %arg3[%add3A_20] : memref<323584xi32, #tpu.memory_space<hbm>> -> memref<128xi32, #tpu.memory_space<hbm>>
        %dma_wait3A_134 = tpu.memref_slice %arg3[%add3A_20] : memref<323584xi32, #tpu.memory_space<hbm>> -> memref<128xi32, #tpu.memory_space<hbm>>
        tpu.wait_dma2 semaphore(%run_scoped3A : memref<!tpu.dma_semaphore, #tpu.memory_space<semaphore_mem>>) src(%dma_wait3A_134 : memref<128xi32, #tpu.memory_space<hbm>>) dst(%arg8 : memref<128xi32, #tpu.memory_space<vmem>>)
        tpu.yield
      }) : () -> ()
      %get3A = arith.constant 0 : index
      %get3A_21 = tpu.vector_load %arg7[%get3A] {strides = array<i32>} : memref<128xi32, #tpu.memory_space<vmem>>, vector<16xi32>,
      %get3A_22 = vector.shape_cast %get3A_21 : vector<16xi32> to vector<16xi32>
      %get3A_23 = arith.constant 0 : index
      %get3A_24 = tpu.vector_load %arg8[%get3A_23] {strides = array<i32>} : memref<128xi32, #tpu.memory_space<vmem>>, vector<16xi32>,
      %get3A_25 = vector.shape_cast %get3A_24 : vector<16xi32> to vector<16xi32>
      %eq3A = arith.cmpi eq, %get3A_22, %get3A_25 : vector<16xi32>
      %jit3A = arith.constant 10104 : i32
      %broadcast_in_dim3A = vector.broadcast %jit3A : i32 to vector<16xi32>
      %select_n3A = arith.select %eq3A, %broadcast_in_dim3A, %get3A_25 : vector<16xi1>, vector<16xi32>
      %swap3A = arith.constant 0 : index
      %swap3A_26 = tpu.vector_load %arg9[%swap3A] {strides = array<i32>} : memref<128xi32, #tpu.memory_space<vmem>>, vector<16xi32>,
      %swap3A_27 = vector.shape_cast %swap3A_26 : vector<16xi32> to vector<16xi32>
      %swap3A_28 = vector.shape_cast %select_n3A : vector<16xi32> to vector<16xi32>
      tpu.vector_store %arg9[%swap3A], %swap3A_28 {strides = array<i32>} : memref<128xi32, #tpu.memory_space<vmem>>, vector<16xi32>,
      %get3A_29 = arith.constant 16 : index
      %get3A_30 = tpu.vector_load %arg7[%get3A_29] {strides = array<i32>} : memref<128xi32, #tpu.memory_space<vmem>>, vector<16xi32>,
      %get3A_31 = vector.shape_cast %get3A_30 : vector<16xi32> to vector<16xi32>
      %get3A_32 = arith.constant 16 : index
      %get3A_33 = tpu.vector_load %arg8[%get3A_32] {strides = array<i32>} : memref<128xi32, #tpu.memory_space<vmem>>, vector<16xi32>,
      %get3A_34 = vector.shape_cast %get3A_33 : vector<16xi32> to vector<16xi32>
      %eq3A_35 = arith.cmpi eq, %get3A_31, %get3A_34 : vector<16xi32>
      %jit3A_36 = arith.constant 10104 : i32
      %broadcast_in_dim3A_37 = vector.broadcast %jit3A_36 : i32 to vector<16xi32>
      %select_n3A_38 = arith.select %eq3A_35, %broadcast_in_dim3A_37, %get3A_34 : vector<16xi1>, vector<16xi32>
      %swap3A_39 = arith.constant 16 : index
      %swap3A_40 = tpu.vector_load %arg9[%swap3A_39] {strides = array<i32>} : memref<128xi32, #tpu.memory_space<vmem>>, vector<16xi32>,
      %swap3A_41 = vector.shape_cast %swap3A_40 : vector<16xi32> to vector<16xi32>
      %swap3A_42 = vector.shape_cast %select_n3A_38 : vector<16xi32> to vector<16xi32>
      tpu.vector_store %arg9[%swap3A_39], %swap3A_42 {strides = array<i32>} : memref<128xi32, #tpu.memory_space<vmem>>, vector<16xi32>,
      %get3A_43 = arith.constant 32 : index
      %get3A_44 = tpu.vector_load %arg7[%get3A_43] {strides = array<i32>} : memref<128xi32, #tpu.memory_space<vmem>>, vector<16xi32>,
      %get3A_45 = vector.shape_cast %get3A_44 : vector<16xi32> to vector<16xi32>
      %get3A_46 = arith.constant 32 : index
      %get3A_47 = tpu.vector_load %arg8[%get3A_46] {strides = array<i32>} : memref<128xi32, #tpu.memory_space<vmem>>, vector<16xi32>,
      %get3A_48 = vector.shape_cast %get3A_47 : vector<16xi32> to vector<16xi32>
      %eq3A_49 = arith.cmpi eq, %get3A_45, %get3A_48 : vector<16xi32>
      %jit3A_50 = arith.constant 10104 : i32
      %broadcast_in_dim3A_51 = vector.broadcast %jit3A_50 : i32 to vector<16xi32>
      %select_n3A_52 = arith.select %eq3A_49, %broadcast_in_dim3A_51, %get3A_48 : vector<16xi1>, vector<16xi32>
      %swap3A_53 = arith.constant 32 : index
      %swap3A_54 = tpu.vector_load %arg9[%swap3A_53] {strides = array<i32>} : memref<128xi32, #tpu.memory_space<vmem>>, vector<16xi32>,
      %swap3A_55 = vector.shape_cast %swap3A_54 : vector<16xi32> to vector<16xi32>
      %swap3A_56 = vector.shape_cast %select_n3A_52 : vector<16xi32> to vector<16xi32>
      tpu.vector_store %arg9[%swap3A_53], %swap3A_56 {strides = array<i32>} : memref<128xi32, #tpu.memory_space<vmem>>, vector<16xi32>,
      %get3A_57 = arith.constant 48 : index
      %get3A_58 = tpu.vector_load %arg7[%get3A_57] {strides = array<i32>} : memref<128xi32, #tpu.memory_space<vmem>>, vector<16xi32>,
      %get3A_59 = vector.shape_cast %get3A_58 : vector<16xi32> to vector<16xi32>
      %get3A_60 = arith.constant 48 : index
      %get3A_61 = tpu.vector_load %arg8[%get3A_60] {strides = array<i32>} : memref<128xi32, #tpu.memory_space<vmem>>, vector<16xi32>,
      %get3A_62 = vector.shape_cast %get3A_61 : vector<16xi32> to vector<16xi32>
      %eq3A_63 = arith.cmpi eq, %get3A_59, %get3A_62 : vector<16xi32>
      %jit3A_64 = arith.constant 10104 : i32
      %broadcast_in_dim3A_65 = vector.broadcast %jit3A_64 : i32 to vector<16xi32>
      %select_n3A_66 = arith.select %eq3A_63, %broadcast_in_dim3A_65, %get3A_62 : vector<16xi1>, vector<16xi32>
      %swap3A_67 = arith.constant 48 : index
      %swap3A_68 = tpu.vector_load %arg9[%swap3A_67] {strides = array<i32>} : memref<128xi32, #tpu.memory_space<vmem>>, vector<16xi32>,
      %swap3A_69 = vector.shape_cast %swap3A_68 : vector<16xi32> to vector<16xi32>
      %swap3A_70 = vector.shape_cast %select_n3A_66 : vector<16xi32> to vector<16xi32>
      tpu.vector_store %arg9[%swap3A_67], %swap3A_70 {strides = array<i32>} : memref<128xi32, #tpu.memory_space<vmem>>, vector<16xi32>,
      %get3A_71 = arith.constant 64 : index
      %get3A_72 = tpu.vector_load %arg7[%get3A_71] {strides = array<i32>} : memref<128xi32, #tpu.memory_space<vmem>>, vector<16xi32>,
      %get3A_73 = vector.shape_cast %get3A_72 : vector<16xi32> to vector<16xi32>
      %get3A_74 = arith.constant 64 : index
      %get3A_75 = tpu.vector_load %arg8[%get3A_74] {strides = array<i32>} : memref<128xi32, #tpu.memory_space<vmem>>, vector<16xi32>,
      %get3A_76 = vector.shape_cast %get3A_75 : vector<16xi32> to vector<16xi32>
      %eq3A_77 = arith.cmpi eq, %get3A_73, %get3A_76 : vector<16xi32>
      %jit3A_78 = arith.constant 10104 : i32
      %broadcast_in_dim3A_79 = vector.broadcast %jit3A_78 : i32 to vector<16xi32>
      %select_n3A_80 = arith.select %eq3A_77, %broadcast_in_dim3A_79, %get3A_76 : vector<16xi1>, vector<16xi32>
      %swap3A_81 = arith.constant 64 : index
      %swap3A_82 = tpu.vector_load %arg9[%swap3A_81] {strides = array<i32>} : memref<128xi32, #tpu.memory_space<vmem>>, vector<16xi32>,
      %swap3A_83 = vector.shape_cast %swap3A_82 : vector<16xi32> to vector<16xi32>
      %swap3A_84 = vector.shape_cast %select_n3A_80 : vector<16xi32> to vector<16xi32>
      tpu.vector_store %arg9[%swap3A_81], %swap3A_84 {strides = array<i32>} : memref<128xi32, #tpu.memory_space<vmem>>, vector<16xi32>,
      %get3A_85 = arith.constant 80 : index
      %get3A_86 = tpu.vector_load %arg7[%get3A_85] {strides = array<i32>} : memref<128xi32, #tpu.memory_space<vmem>>, vector<16xi32>,
      %get3A_87 = vector.shape_cast %get3A_86 : vector<16xi32> to vector<16xi32>
      %get3A_88 = arith.constant 80 : index
      %get3A_89 = tpu.vector_load %arg8[%get3A_88] {strides = array<i32>} : memref<128xi32, #tpu.memory_space<vmem>>, vector<16xi32>,
      %get3A_90 = vector.shape_cast %get3A_89 : vector<16xi32> to vector<16xi32>
      %eq3A_91 = arith.cmpi eq, %get3A_87, %get3A_90 : vector<16xi32>
      %jit3A_92 = arith.constant 10104 : i32
      %broadcast_in_dim3A_93 = vector.broadcast %jit3A_92 : i32 to vector<16xi32>
      %select_n3A_94 = arith.select %eq3A_91, %broadcast_in_dim3A_93, %get3A_90 : vector<16xi1>, vector<16xi32>
      %swap3A_95 = arith.constant 80 : index
      %swap3A_96 = tpu.vector_load %arg9[%swap3A_95] {strides = array<i32>} : memref<128xi32, #tpu.memory_space<vmem>>, vector<16xi32>,
      %swap3A_97 = vector.shape_cast %swap3A_96 : vector<16xi32> to vector<16xi32>
      %swap3A_98 = vector.shape_cast %select_n3A_94 : vector<16xi32> to vector<16xi32>
      tpu.vector_store %arg9[%swap3A_95], %swap3A_98 {strides = array<i32>} : memref<128xi32, #tpu.memory_space<vmem>>, vector<16xi32>,
      %get3A_99 = arith.constant 96 : index
      %get3A_100 = tpu.vector_load %arg7[%get3A_99] {strides = array<i32>} : memref<128xi32, #tpu.memory_space<vmem>>, vector<16xi32>,
      %get3A_101 = vector.shape_cast %get3A_100 : vector<16xi32> to vector<16xi32>
      %get3A_102 = arith.constant 96 : index
      %get3A_103 = tpu.vector_load %arg8[%get3A_102] {strides = array<i32>} : memref<128xi32, #tpu.memory_space<vmem>>, vector<16xi32>,
      %get3A_104 = vector.shape_cast %get3A_103 : vector<16xi32> to vector<16xi32>
      %eq3A_105 = arith.cmpi eq, %get3A_101, %get3A_104 : vector<16xi32>
      %jit3A_106 = arith.constant 10104 : i32
      %broadcast_in_dim3A_107 = vector.broadcast %jit3A_106 : i32 to vector<16xi32>
      %select_n3A_108 = arith.select %eq3A_105, %broadcast_in_dim3A_107, %get3A_104 : vector<16xi1>, vector<16xi32>
      %swap3A_109 = arith.constant 96 : index
      %swap3A_110 = tpu.vector_load %arg9[%swap3A_109] {strides = array<i32>} : memref<128xi32, #tpu.memory_space<vmem>>, vector<16xi32>,
      %swap3A_111 = vector.shape_cast %swap3A_110 : vector<16xi32> to vector<16xi32>
      %swap3A_112 = vector.shape_cast %select_n3A_108 : vector<16xi32> to vector<16xi32>
      tpu.vector_store %arg9[%swap3A_109], %swap3A_112 {strides = array<i32>} : memref<128xi32, #tpu.memory_space<vmem>>, vector<16xi32>,
      %get3A_113 = arith.constant 112 : index
      %get3A_114 = tpu.vector_load %arg7[%get3A_113] {strides = array<i32>} : memref<128xi32, #tpu.memory_space<vmem>>, vector<16xi32>,
      %get3A_115 = vector.shape_cast %get3A_114 : vector<16xi32> to vector<16xi32>
      %get3A_116 = arith.constant 112 : index
      %get3A_117 = tpu.vector_load %arg8[%get3A_116] {strides = array<i32>} : memref<128xi32, #tpu.memory_space<vmem>>, vector<16xi32>,
      %get3A_118 = vector.shape_cast %get3A_117 : vector<16xi32> to vector<16xi32>
      %eq3A_119 = arith.cmpi eq, %get3A_115, %get3A_118 : vector<16xi32>
      %jit3A_120 = arith.constant 10104 : i32
      %broadcast_in_dim3A_121 = vector.broadcast %jit3A_120 : i32 to vector<16xi32>
      %select_n3A_122 = arith.select %eq3A_119, %broadcast_in_dim3A_121, %get3A_118 : vector<16xi1>, vector<16xi32>
      %swap3A_123 = arith.constant 112 : index
      %swap3A_124 = tpu.vector_load %arg9[%swap3A_123] {strides = array<i32>} : memref<128xi32, #tpu.memory_space<vmem>>, vector<16xi32>,
      %swap3A_125 = vector.shape_cast %swap3A_124 : vector<16xi32> to vector<16xi32>
      %swap3A_126 = vector.shape_cast %select_n3A_122 : vector<16xi32> to vector<16xi32>
      tpu.vector_store %arg9[%swap3A_123], %swap3A_126 {strides = array<i32>} : memref<128xi32, #tpu.memory_space<vmem>>, vector<16xi32>,
      %dma_start3A = arith.constant 0 : i32
      %dma_start3A_127 = arith.constant 0 : i32
      %dma_start3A_128 = tpu.memref_slice %arg4[%dma_start3A, %dma_start3A_127] : memref<10112x32xf32, #tpu.memory_space<hbm>> -> memref<10112x32xf32, #tpu.memory_space<hbm>>
      tpu.enqueue_indirect_dma source(%dma_start3A_128 : memref<10112x32xf32, #tpu.memory_space<hbm>>) target(%arg10 : memref<128x32xf32, #tpu.memory_space<vmem>>) offsets(%arg7 : memref<128xi32, #tpu.memory_space<vmem>>) semaphore(%arg12 : memref<!tpu.dma_semaphore, #tpu.memory_space<semaphore_mem>>)
      %dma_wait3A = arith.constant 0 : i32
      %dma_wait3A_129 = arith.constant 0 : i32
      %dma_wait3A_130 = tpu.memref_slice %arg4[%dma_wait3A, %dma_wait3A_129] : memref<10112x32xf32, #tpu.memory_space<hbm>> -> memref<10112x32xf32, #tpu.memory_space<hbm>>
      tpu.wait_indirect_dma semaphore(%arg12 : memref<!tpu.dma_semaphore, #tpu.memory_space<semaphore_mem>>) src(%dma_wait3A_130 : memref<10112x32xf32, #tpu.memory_space<hbm>>) dst(%arg10 : memref<128x32xf32, #tpu.memory_space<vmem>>)
      "tpu.region"() ({
        %run_scoped3A = tpu.sem_alloc : memref<!tpu.dma_semaphore, #tpu.memory_space<semaphore_mem>>
        %dma_start3A_131 = arith.constant 0 : i32
        %dma_start3A_132 = arith.constant 0 : i32
        %dma_start3A_133 = tpu.memref_slice %arg11[%dma_start3A_131, %dma_start3A_132] : memref<10112x32xf32, #tpu.memory_space<vmem_shared>> -> memref<10112x32xf32, #tpu.memory_space<vmem_shared>>
        tpu.enqueue_indirect_dma source(%arg10 : memref<128x32xf32, #tpu.memory_space<vmem>>) target(%dma_start3A_133 : memref<10112x32xf32, #tpu.memory_space<vmem_shared>>) offsets(%arg9 : memref<128xi32, #tpu.memory_space<vmem>>) semaphore(%run_scoped3A : memref<!tpu.dma_semaphore, #tpu.memory_space<semaphore_mem>>) {add = true}
        %dma_wait3A_134 = arith.constant 0 : i32
        %dma_wait3A_135 = arith.constant 0 : i32
        %dma_wait3A_136 = tpu.memref_slice %arg11[%dma_wait3A_134, %dma_wait3A_135] : memref<10112x32xf32, #tpu.memory_space<vmem_shared>> -> memref<10112x32xf32, #tpu.memory_space<vmem_shared>>
        tpu.wait_indirect_dma semaphore(%run_scoped3A : memref<!tpu.dma_semaphore, #tpu.memory_space<semaphore_mem>>) src(%arg10 : memref<128x32xf32, #tpu.memory_space<vmem>>) dst(%dma_wait3A_136 : memref<10112x32xf32, #tpu.memory_space<vmem_shared>>)
        tpu.yield
      }) : () -> ()
    }
    %scan3A_11 = arith.constant 79 : i32
    %barrier3A_12 = arith.constant 0 : index
    tpu.barrier barrier_id(%barrier3A_12)
    %mul3A_13 = arith.constant 632 : i32
    %mul3A_14 = arith.muli %arg1, %mul3A_13 : i32
    %mul3A_15 = arith.constant 632 : i32
    %mul3A_16 = arith.muli %arg1, %mul3A_15 : i32
    "tpu.region"() ({
      %run_scoped3A = tpu.sem_alloc : memref<!tpu.dma_semaphore, #tpu.memory_space<semaphore_mem>>
      %dma_start3A = arith.constant 0 : i32
      %dma_start3A_17 = tpu.memref_slice %arg6[%arg0, %mul3A_16, %dma_start3A] : memref<2x10112x32xf32, #tpu.memory_space<hbm>> -> memref<1x632x32xf32, #tpu.memory_space<hbm>>
      %dma_start3A_18 = tpu.memref_squeeze %dma_start3A_17 : memref<1x632x32xf32, #tpu.memory_space<hbm>> -> memref<632x32xf32, #tpu.memory_space<hbm>>
      %dma_start3A_19 = arith.constant 0 : i32
      %dma_start3A_20 = tpu.memref_slice %arg11[%mul3A_14, %dma_start3A_19] : memref<10112x32xf32, #tpu.memory_space<vmem_shared>> -> memref<632x32xf32, #tpu.memory_space<vmem_shared>>
      tpu.enqueue_dma source(%dma_start3A_20 : memref<632x32xf32, #tpu.memory_space<vmem_shared>>) target(%dma_start3A_18 : memref<632x32xf32, #tpu.memory_space<hbm>>) target_semaphore(%run_scoped3A : memref<!tpu.dma_semaphore, #tpu.memory_space<semaphore_mem>>)
      %dma_wait3A = arith.constant 0 : i32
      %dma_wait3A_21 = tpu.memref_slice %arg6[%arg0, %mul3A_16, %dma_wait3A] : memref<2x10112x32xf32, #tpu.memory_space<hbm>> -> memref<1x632x32xf32, #tpu.memory_space<hbm>>
      %dma_wait3A_22 = tpu.memref_squeeze %dma_wait3A_21 : memref<1x632x32xf32, #tpu.memory_space<hbm>> -> memref<632x32xf32, #tpu.memory_space<hbm>>
      %dma_wait3A_23 = arith.constant 0 : i32
      %dma_wait3A_24 = tpu.memref_slice %arg11[%mul3A_14, %dma_wait3A_23] : memref<10112x32xf32, #tpu.memory_space<vmem_shared>> -> memref<632x32xf32, #tpu.memory_space<vmem_shared>>
      tpu.wait_dma2 semaphore(%run_scoped3A : memref<!tpu.dma_semaphore, #tpu.memory_space<semaphore_mem>>) src(%dma_wait3A_24 : memref<632x32xf32, #tpu.memory_space<vmem_shared>>) dst(%dma_wait3A_22 : memref<632x32xf32, #tpu.memory_space<hbm>>)
      tpu.yield
    }) : () -> ()
    return
  }
}

#map = affine_map<(d0, d1) -> (0)>
#map1 = affine_map<(d0, d1) -> (0, 0)>
#map2 = affine_map<(d0, d1) -> (0, 0, 0)>
module attributes {stable_mosaic.version = 14 : i64} {
  func.func @body(%arg0: i32, %arg1: i32, %arg2: memref<323584xi32, #tpu.memory_space<hbm>>, %arg3: memref<323584xi32, #tpu.memory_space<hbm>>, %arg4: memref<10112x32xf32, #tpu.memory_space<hbm>>, %arg5: memref<10112x32xf32, #tpu.memory_space<hbm>>, %arg6: memref<2x10112x32xf32, #tpu.memory_space<hbm>>, %arg7: memref<128xi32, #tpu.memory_space<vmem>>, %arg8: memref<128xi32, #tpu.memory_space<vmem>>, %arg9: memref<128xi32, #tpu.memory_space<vmem>>, %arg10: memref<128x32xf32, #tpu.memory_space<vmem>>, %arg11: memref<10112x32xf32, #tpu.memory_space<vmem_shared>>, %arg12: memref<!tpu.dma_semaphore, #tpu.memory_space<semaphore_mem>>) attributes {dimension_semantics = [#tpu.dimension_semantics<core_parallel>, #tpu.dimension_semantics<subcore_parallel>], iteration_bounds = array<i64: 2, 16>, scalar_prefetch = 0 : i64, scratch_operands = 6 : i64, tpu.core_type = #tpu.core_type<sc_vector_subcore>, window_params = [{transform_indices = #map}, {transform_indices = #map}, {transform_indices = #map1}, {transform_indices = #map1}, {transform_indices = #map2}]} {
    %mul3A = arith.constant 2 : i32
    %mul3A_0 = arith.muli %arg1, %mul3A : i32
    %add3A = arith.addi %mul3A_0, %arg0 : i32
    %mul3A_1 = arith.constant 10112 : i32
    %mul3A_2 = arith.muli %add3A, %mul3A_1 : i32
    %mul3A_3 = arith.constant 632 : i32
    %mul3A_4 = arith.muli %arg1, %mul3A_3 : i32
    %mul3A_5 = arith.constant 632 : i32
    %mul3A_6 = arith.muli %arg1, %mul3A_5 : i32
    "tpu.region"() ({
      %run_scoped3A = tpu.sem_alloc : memref<!tpu.dma_semaphore, #tpu.memory_space<semaphore_mem>>
      %dma_start3A = arith.constant 0 : i32
      %dma_start3A_17 = tpu.memref_slice %arg11[%mul3A_6, %dma_start3A] : memref<10112x32xf32, #tpu.memory_space<vmem_shared>> -> memref<632x32xf32, #tpu.memory_space<vmem_shared>>
      %dma_start3A_18 = arith.constant 0 : i32
      %dma_start3A_19 = tpu.memref_slice %arg5[%mul3A_4, %dma_start3A_18] : memref<10112x32xf32, #tpu.memory_space<hbm>> -> memref<632x32xf32, #tpu.memory_space<hbm>>
      tpu.enqueue_dma source(%dma_start3A_19 : memref<632x32xf32, #tpu.memory_space<hbm>>) target(%dma_start3A_17 : memref<632x32xf32, #tpu.memory_space<vmem_shared>>) target_semaphore(%run_scoped3A : memref<!tpu.dma_semaphore, #tpu.memory_space<semaphore_mem>>)
      %dma_wait3A = arith.constant 0 : i32
      %dma_wait3A_20 = tpu.memref_slice %arg11[%mul3A_6, %dma_wait3A] : memref<10112x32xf32, #tpu.memory_space<vmem_shared>> -> memref<632x32xf32, #tpu.memory_space<vmem_shared>>
      %dma_wait3A_21 = arith.constant 0 : i32
      %dma_wait3A_22 = tpu.memref_slice %arg5[%mul3A_4, %dma_wait3A_21] : memref<10112x32xf32, #tpu.memory_space<hbm>> -> memref<632x32xf32, #tpu.memory_space<hbm>>
      tpu.wait_dma2 semaphore(%run_scoped3A : memref<!tpu.dma_semaphore, #tpu.memory_space<semaphore_mem>>) src(%dma_wait3A_22 : memref<632x32xf32, #tpu.memory_space<hbm>>) dst(%dma_wait3A_20 : memref<632x32xf32, #tpu.memory_space<vmem_shared>>)
      tpu.yield
    }) : () -> ()
    %barrier3A = arith.constant 0 : index
    tpu.barrier barrier_id(%barrier3A)
    %scan3A = arith.constant 0 : i32
    %scan3A_7 = arith.constant 0 : i32
    %scan3A_8 = arith.constant 79 : i32
    %scan3A_9 = arith.addi %scan3A_7, %scan3A_8 : i32
    %scan3A_10 = arith.constant 1 : i32
    scf.for %scan3A_17 = %scan3A_7 to %scan3A_9 step %scan3A_10  : i32 {
      %mul3A_18 = arith.constant 128 : i32
      %mul3A_19 = arith.muli %scan3A_17, %mul3A_18 : i32
      %add3A_20 = arith.addi %mul3A_2, %mul3A_19 : i32
      "tpu.region"() ({
        %run_scoped3A = tpu.sem_alloc : memref<!tpu.dma_semaphore, #tpu.memory_space<semaphore_mem>>
        %dma_start3A_131 = tpu.memref_slice %arg2[%add3A_20] : memref<323584xi32, #tpu.memory_space<hbm>> -> memref<128xi32, #tpu.memory_space<hbm>>
        %dma_start3A_132 = tpu.memref_slice %arg2[%add3A_20] : memref<323584xi32, #tpu.memory_space<hbm>> -> memref<128xi32, #tpu.memory_space<hbm>>
        tpu.enqueue_dma source(%dma_start3A_132 : memref<128xi32, #tpu.memory_space<hbm>>) target(%arg7 : memref<128xi32, #tpu.memory_space<vmem>>) target_semaphore(%run_scoped3A : memref<!tpu.dma_semaphore, #tpu.memory_space<semaphore_mem>>)
        %dma_wait3A_133 = tpu.memref_slice %arg2[%add3A_20] : memref<323584xi32, #tpu.memory_space<hbm>> -> memref<128xi32, #tpu.memory_space<hbm>>
        %dma_wait3A_134 = tpu.memref_slice %arg2[%add3A_20] : memref<323584xi32, #tpu.memory_space<hbm>> -> memref<128xi32, #tpu.memory_space<hbm>>
        tpu.wait_dma2 semaphore(%run_scoped3A : memref<!tpu.dma_semaphore, #tpu.memory_space<semaphore_mem>>) src(%dma_wait3A_134 : memref<128xi32, #tpu.memory_space<hbm>>) dst(%arg7 : memref<128xi32, #tpu.memory_space<vmem>>)
        tpu.yield
      }) : () -> ()
      "tpu.region"() ({
        %run_scoped3A = tpu.sem_alloc : memref<!tpu.dma_semaphore, #tpu.memory_space<semaphore_mem>>
        %dma_start3A_131 = tpu.memref_slice %arg3[%add3A_20] : memref<323584xi32, #tpu.memory_space<hbm>> -> memref<128xi32, #tpu.memory_space<hbm>>
        %dma_start3A_132 = tpu.memref_slice %arg3[%add3A_20] : memref<323584xi32, #tpu.memory_space<hbm>> -> memref<128xi32, #tpu.memory_space<hbm>>
        tpu.enqueue_dma source(%dma_start3A_132 : memref<128xi32, #tpu.memory_space<hbm>>) target(%arg8 : memref<128xi32, #tpu.memory_space<vmem>>) target_semaphore(%run_scoped3A : memref<!tpu.dma_semaphore, #tpu.memory_space<semaphore_mem>>)
        %dma_wait3A_133 = tpu.memref_slice %arg3[%add3A_20] : memref<323584xi32, #tpu.memory_space<hbm>> -> memref<128xi32, #tpu.memory_space<hbm>>
        %dma_wait3A_134 = tpu.memref_slice %arg3[%add3A_20] : memref<323584xi32, #tpu.memory_space<hbm>> -> memref<128xi32, #tpu.memory_space<hbm>>
        tpu.wait_dma2 semaphore(%run_scoped3A : memref<!tpu.dma_semaphore, #tpu.memory_space<semaphore_mem>>) src(%dma_wait3A_134 : memref<128xi32, #tpu.memory_space<hbm>>) dst(%arg8 : memref<128xi32, #tpu.memory_space<vmem>>)
        tpu.yield
      }) : () -> ()
      %get3A = arith.constant 0 : index
      %get3A_21 = tpu.vector_load %arg7[%get3A] {strides = array<i32>} : memref<128xi32, #tpu.memory_space<vmem>>, vector<16xi32>,
      %get3A_22 = vector.shape_cast %get3A_21 : vector<16xi32> to vector<16xi32>
      %get3A_23 = arith.constant 0 : index
      %get3A_24 = tpu.vector_load %arg8[%get3A_23] {strides = array<i32>} : memref<128xi32, #tpu.memory_space<vmem>>, vector<16xi32>,
      %get3A_25 = vector.shape_cast %get3A_24 : vector<16xi32> to vector<16xi32>
      %eq3A = arith.cmpi eq, %get3A_22, %get3A_25 : vector<16xi32>
      %jit3A = arith.constant 10104 : i32
      %broadcast_in_dim3A = vector.broadcast %jit3A : i32 to vector<16xi32>
      %select_n3A = arith.select %eq3A, %broadcast_in_dim3A, %get3A_25 : vector<16xi1>, vector<16xi32>
      %swap3A = arith.constant 0 : index
      %swap3A_26 = tpu.vector_load %arg9[%swap3A] {strides = array<i32>} : memref<128xi32, #tpu.memory_space<vmem>>, vector<16xi32>,
      %swap3A_27 = vector.shape_cast %swap3A_26 : vector<16xi32> to vector<16xi32>
      %swap3A_28 = vector.shape_cast %select_n3A : vector<16xi32> to vector<16xi32>
      tpu.vector_store %arg9[%swap3A], %swap3A_28 {strides = array<i32>} : memref<128xi32, #tpu.memory_space<vmem>>, vector<16xi32>,
      %get3A_29 = arith.constant 16 : index
      %get3A_30 = tpu.vector_load %arg7[%get3A_29] {strides = array<i32>} : memref<128xi32, #tpu.memory_space<vmem>>, vector<16xi32>,
      %get3A_31 = vector.shape_cast %get3A_30 : vector<16xi32> to vector<16xi32>
      %get3A_32 = arith.constant 16 : index
      %get3A_33 = tpu.vector_load %arg8[%get3A_32] {strides = array<i32>} : memref<128xi32, #tpu.memory_space<vmem>>, vector<16xi32>,
      %get3A_34 = vector.shape_cast %get3A_33 : vector<16xi32> to vector<16xi32>
      %eq3A_35 = arith.cmpi eq, %get3A_31, %get3A_34 : vector<16xi32>
      %jit3A_36 = arith.constant 10104 : i32
      %broadcast_in_dim3A_37 = vector.broadcast %jit3A_36 : i32 to vector<16xi32>
      %select_n3A_38 = arith.select %eq3A_35, %broadcast_in_dim3A_37, %get3A_34 : vector<16xi1>, vector<16xi32>
      %swap3A_39 = arith.constant 16 : index
      %swap3A_40 = tpu.vector_load %arg9[%swap3A_39] {strides = array<i32>} : memref<128xi32, #tpu.memory_space<vmem>>, vector<16xi32>,
      %swap3A_41 = vector.shape_cast %swap3A_40 : vector<16xi32> to vector<16xi32>
      %swap3A_42 = vector.shape_cast %select_n3A_38 : vector<16xi32> to vector<16xi32>
      tpu.vector_store %arg9[%swap3A_39], %swap3A_42 {strides = array<i32>} : memref<128xi32, #tpu.memory_space<vmem>>, vector<16xi32>,
      %get3A_43 = arith.constant 32 : index
      %get3A_44 = tpu.vector_load %arg7[%get3A_43] {strides = array<i32>} : memref<128xi32, #tpu.memory_space<vmem>>, vector<16xi32>,
      %get3A_45 = vector.shape_cast %get3A_44 : vector<16xi32> to vector<16xi32>
      %get3A_46 = arith.constant 32 : index
      %get3A_47 = tpu.vector_load %arg8[%get3A_46] {strides = array<i32>} : memref<128xi32, #tpu.memory_space<vmem>>, vector<16xi32>,
      %get3A_48 = vector.shape_cast %get3A_47 : vector<16xi32> to vector<16xi32>
      %eq3A_49 = arith.cmpi eq, %get3A_45, %get3A_48 : vector<16xi32>
      %jit3A_50 = arith.constant 10104 : i32
      %broadcast_in_dim3A_51 = vector.broadcast %jit3A_50 : i32 to vector<16xi32>
      %select_n3A_52 = arith.select %eq3A_49, %broadcast_in_dim3A_51, %get3A_48 : vector<16xi1>, vector<16xi32>
      %swap3A_53 = arith.constant 32 : index
      %swap3A_54 = tpu.vector_load %arg9[%swap3A_53] {strides = array<i32>} : memref<128xi32, #tpu.memory_space<vmem>>, vector<16xi32>,
      %swap3A_55 = vector.shape_cast %swap3A_54 : vector<16xi32> to vector<16xi32>
      %swap3A_56 = vector.shape_cast %select_n3A_52 : vector<16xi32> to vector<16xi32>
      tpu.vector_store %arg9[%swap3A_53], %swap3A_56 {strides = array<i32>} : memref<128xi32, #tpu.memory_space<vmem>>, vector<16xi32>,
      %get3A_57 = arith.constant 48 : index
      %get3A_58 = tpu.vector_load %arg7[%get3A_57] {strides = array<i32>} : memref<128xi32, #tpu.memory_space<vmem>>, vector<16xi32>,
      %get3A_59 = vector.shape_cast %get3A_58 : vector<16xi32> to vector<16xi32>
      %get3A_60 = arith.constant 48 : index
      %get3A_61 = tpu.vector_load %arg8[%get3A_60] {strides = array<i32>} : memref<128xi32, #tpu.memory_space<vmem>>, vector<16xi32>,
      %get3A_62 = vector.shape_cast %get3A_61 : vector<16xi32> to vector<16xi32>
      %eq3A_63 = arith.cmpi eq, %get3A_59, %get3A_62 : vector<16xi32>
      %jit3A_64 = arith.constant 10104 : i32
      %broadcast_in_dim3A_65 = vector.broadcast %jit3A_64 : i32 to vector<16xi32>
      %select_n3A_66 = arith.select %eq3A_63, %broadcast_in_dim3A_65, %get3A_62 : vector<16xi1>, vector<16xi32>
      %swap3A_67 = arith.constant 48 : index
      %swap3A_68 = tpu.vector_load %arg9[%swap3A_67] {strides = array<i32>} : memref<128xi32, #tpu.memory_space<vmem>>, vector<16xi32>,
      %swap3A_69 = vector.shape_cast %swap3A_68 : vector<16xi32> to vector<16xi32>
      %swap3A_70 = vector.shape_cast %select_n3A_66 : vector<16xi32> to vector<16xi32>
      tpu.vector_store %arg9[%swap3A_67], %swap3A_70 {strides = array<i32>} : memref<128xi32, #tpu.memory_space<vmem>>, vector<16xi32>,
      %get3A_71 = arith.constant 64 : index
      %get3A_72 = tpu.vector_load %arg7[%get3A_71] {strides = array<i32>} : memref<128xi32, #tpu.memory_space<vmem>>, vector<16xi32>,
      %get3A_73 = vector.shape_cast %get3A_72 : vector<16xi32> to vector<16xi32>
      %get3A_74 = arith.constant 64 : index
      %get3A_75 = tpu.vector_load %arg8[%get3A_74] {strides = array<i32>} : memref<128xi32, #tpu.memory_space<vmem>>, vector<16xi32>,
      %get3A_76 = vector.shape_cast %get3A_75 : vector<16xi32> to vector<16xi32>
      %eq3A_77 = arith.cmpi eq, %get3A_73, %get3A_76 : vector<16xi32>
      %jit3A_78 = arith.constant 10104 : i32
      %broadcast_in_dim3A_79 = vector.broadcast %jit3A_78 : i32 to vector<16xi32>
      %select_n3A_80 = arith.select %eq3A_77, %broadcast_in_dim3A_79, %get3A_76 : vector<16xi1>, vector<16xi32>
      %swap3A_81 = arith.constant 64 : index
      %swap3A_82 = tpu.vector_load %arg9[%swap3A_81] {strides = array<i32>} : memref<128xi32, #tpu.memory_space<vmem>>, vector<16xi32>,
      %swap3A_83 = vector.shape_cast %swap3A_82 : vector<16xi32> to vector<16xi32>
      %swap3A_84 = vector.shape_cast %select_n3A_80 : vector<16xi32> to vector<16xi32>
      tpu.vector_store %arg9[%swap3A_81], %swap3A_84 {strides = array<i32>} : memref<128xi32, #tpu.memory_space<vmem>>, vector<16xi32>,
      %get3A_85 = arith.constant 80 : index
      %get3A_86 = tpu.vector_load %arg7[%get3A_85] {strides = array<i32>} : memref<128xi32, #tpu.memory_space<vmem>>, vector<16xi32>,
      %get3A_87 = vector.shape_cast %get3A_86 : vector<16xi32> to vector<16xi32>
      %get3A_88 = arith.constant 80 : index
      %get3A_89 = tpu.vector_load %arg8[%get3A_88] {strides = array<i32>} : memref<128xi32, #tpu.memory_space<vmem>>, vector<16xi32>,
      %get3A_90 = vector.shape_cast %get3A_89 : vector<16xi32> to vector<16xi32>
      %eq3A_91 = arith.cmpi eq, %get3A_87, %get3A_90 : vector<16xi32>
      %jit3A_92 = arith.constant 10104 : i32
      %broadcast_in_dim3A_93 = vector.broadcast %jit3A_92 : i32 to vector<16xi32>
      %select_n3A_94 = arith.select %eq3A_91, %broadcast_in_dim3A_93, %get3A_90 : vector<16xi1>, vector<16xi32>
      %swap3A_95 = arith.constant 80 : index
      %swap3A_96 = tpu.vector_load %arg9[%swap3A_95] {strides = array<i32>} : memref<128xi32, #tpu.memory_space<vmem>>, vector<16xi32>,
      %swap3A_97 = vector.shape_cast %swap3A_96 : vector<16xi32> to vector<16xi32>
      %swap3A_98 = vector.shape_cast %select_n3A_94 : vector<16xi32> to vector<16xi32>
      tpu.vector_store %arg9[%swap3A_95], %swap3A_98 {strides = array<i32>} : memref<128xi32, #tpu.memory_space<vmem>>, vector<16xi32>,
      %get3A_99 = arith.constant 96 : index
      %get3A_100 = tpu.vector_load %arg7[%get3A_99] {strides = array<i32>} : memref<128xi32, #tpu.memory_space<vmem>>, vector<16xi32>,
      %get3A_101 = vector.shape_cast %get3A_100 : vector<16xi32> to vector<16xi32>
      %get3A_102 = arith.constant 96 : index
      %get3A_103 = tpu.vector_load %arg8[%get3A_102] {strides = array<i32>} : memref<128xi32, #tpu.memory_space<vmem>>, vector<16xi32>,
      %get3A_104 = vector.shape_cast %get3A_103 : vector<16xi32> to vector<16xi32>
      %eq3A_105 = arith.cmpi eq, %get3A_101, %get3A_104 : vector<16xi32>
      %jit3A_106 = arith.constant 10104 : i32
      %broadcast_in_dim3A_107 = vector.broadcast %jit3A_106 : i32 to vector<16xi32>
      %select_n3A_108 = arith.select %eq3A_105, %broadcast_in_dim3A_107, %get3A_104 : vector<16xi1>, vector<16xi32>
      %swap3A_109 = arith.constant 96 : index
      %swap3A_110 = tpu.vector_load %arg9[%swap3A_109] {strides = array<i32>} : memref<128xi32, #tpu.memory_space<vmem>>, vector<16xi32>,
      %swap3A_111 = vector.shape_cast %swap3A_110 : vector<16xi32> to vector<16xi32>
      %swap3A_112 = vector.shape_cast %select_n3A_108 : vector<16xi32> to vector<16xi32>
      tpu.vector_store %arg9[%swap3A_109], %swap3A_112 {strides = array<i32>} : memref<128xi32, #tpu.memory_space<vmem>>, vector<16xi32>,
      %get3A_113 = arith.constant 112 : index
      %get3A_114 = tpu.vector_load %arg7[%get3A_113] {strides = array<i32>} : memref<128xi32, #tpu.memory_space<vmem>>, vector<16xi32>,
      %get3A_115 = vector.shape_cast %get3A_114 : vector<16xi32> to vector<16xi32>
      %get3A_116 = arith.constant 112 : index
      %get3A_117 = tpu.vector_load %arg8[%get3A_116] {strides = array<i32>} : memref<128xi32, #tpu.memory_space<vmem>>, vector<16xi32>,
      %get3A_118 = vector.shape_cast %get3A_117 : vector<16xi32> to vector<16xi32>
      %eq3A_119 = arith.cmpi eq, %get3A_115, %get3A_118 : vector<16xi32>
      %jit3A_120 = arith.constant 10104 : i32
      %broadcast_in_dim3A_121 = vector.broadcast %jit3A_120 : i32 to vector<16xi32>
      %select_n3A_122 = arith.select %eq3A_119, %broadcast_in_dim3A_121, %get3A_118 : vector<16xi1>, vector<16xi32>
      %swap3A_123 = arith.constant 112 : index
      %swap3A_124 = tpu.vector_load %arg9[%swap3A_123] {strides = array<i32>} : memref<128xi32, #tpu.memory_space<vmem>>, vector<16xi32>,
      %swap3A_125 = vector.shape_cast %swap3A_124 : vector<16xi32> to vector<16xi32>
      %swap3A_126 = vector.shape_cast %select_n3A_122 : vector<16xi32> to vector<16xi32>
      tpu.vector_store %arg9[%swap3A_123], %swap3A_126 {strides = array<i32>} : memref<128xi32, #tpu.memory_space<vmem>>, vector<16xi32>,
      %dma_start3A = arith.constant 0 : i32
      %dma_start3A_127 = arith.constant 0 : i32
      %dma_start3A_128 = tpu.memref_slice %arg4[%dma_start3A, %dma_start3A_127] : memref<10112x32xf32, #tpu.memory_space<hbm>> -> memref<10112x32xf32, #tpu.memory_space<hbm>>
      tpu.enqueue_indirect_dma source(%dma_start3A_128 : memref<10112x32xf32, #tpu.memory_space<hbm>>) target(%arg10 : memref<128x32xf32, #tpu.memory_space<vmem>>) offsets(%arg7 : memref<128xi32, #tpu.memory_space<vmem>>) semaphore(%arg12 : memref<!tpu.dma_semaphore, #tpu.memory_space<semaphore_mem>>)
      %dma_wait3A = arith.constant 0 : i32
      %dma_wait3A_129 = arith.constant 0 : i32
      %dma_wait3A_130 = tpu.memref_slice %arg4[%dma_wait3A, %dma_wait3A_129] : memref<10112x32xf32, #tpu.memory_space<hbm>> -> memref<10112x32xf32, #tpu.memory_space<hbm>>
      tpu.wait_indirect_dma semaphore(%arg12 : memref<!tpu.dma_semaphore, #tpu.memory_space<semaphore_mem>>) src(%dma_wait3A_130 : memref<10112x32xf32, #tpu.memory_space<hbm>>) dst(%arg10 : memref<128x32xf32, #tpu.memory_space<vmem>>)
      "tpu.region"() ({
        %run_scoped3A = tpu.sem_alloc : memref<!tpu.dma_semaphore, #tpu.memory_space<semaphore_mem>>
        %dma_start3A_131 = arith.constant 0 : i32
        %dma_start3A_132 = arith.constant 0 : i32
        %dma_start3A_133 = tpu.memref_slice %arg11[%dma_start3A_131, %dma_start3A_132] : memref<10112x32xf32, #tpu.memory_space<vmem_shared>> -> memref<10112x32xf32, #tpu.memory_space<vmem_shared>>
        tpu.enqueue_indirect_dma source(%arg10 : memref<128x32xf32, #tpu.memory_space<vmem>>) target(%dma_start3A_133 : memref<10112x32xf32, #tpu.memory_space<vmem_shared>>) offsets(%arg9 : memref<128xi32, #tpu.memory_space<vmem>>) semaphore(%run_scoped3A : memref<!tpu.dma_semaphore, #tpu.memory_space<semaphore_mem>>) {add = true}
        %dma_wait3A_134 = arith.constant 0 : i32
        %dma_wait3A_135 = arith.constant 0 : i32
        %dma_wait3A_136 = tpu.memref_slice %arg11[%dma_wait3A_134, %dma_wait3A_135] : memref<10112x32xf32, #tpu.memory_space<vmem_shared>> -> memref<10112x32xf32, #tpu.memory_space<vmem_shared>>
        tpu.wait_indirect_dma semaphore(%run_scoped3A : memref<!tpu.dma_semaphore, #tpu.memory_space<semaphore_mem>>) src(%arg10 : memref<128x32xf32, #tpu.memory_space<vmem>>) dst(%dma_wait3A_136 : memref<10112x32xf32, #tpu.memory_space<vmem_shared>>)
        tpu.yield
      }) : () -> ()
    }
    %scan3A_11 = arith.constant 79 : i32
    %barrier3A_12 = arith.constant 0 : index
    tpu.barrier barrier_id(%barrier3A_12)
    %mul3A_13 = arith.constant 632 : i32
    %mul3A_14 = arith.muli %arg1, %mul3A_13 : i32
    %mul3A_15 = arith.constant 632 : i32
    %mul3A_16 = arith.muli %arg1, %mul3A_15 : i32
    "tpu.region"() ({
      %run_scoped3A = tpu.sem_alloc : memref<!tpu.dma_semaphore, #tpu.memory_space<semaphore_mem>>
      %dma_start3A = arith.constant 0 : i32
      %dma_start3A_17 = tpu.memref_slice %arg6[%arg0, %mul3A_16, %dma_start3A] : memref<2x10112x32xf32, #tpu.memory_space<hbm>> -> memref<1x632x32xf32, #tpu.memory_space<hbm>>
      %dma_start3A_18 = tpu.memref_squeeze %dma_start3A_17 : memref<1x632x32xf32, #tpu.memory_space<hbm>> -> memref<632x32xf32, #tpu.memory_space<hbm>>
      %dma_start3A_19 = arith.constant 0 : i32
      %dma_start3A_20 = tpu.memref_slice %arg11[%mul3A_14, %dma_start3A_19] : memref<10112x32xf32, #tpu.memory_space<vmem_shared>> -> memref<632x32xf32, #tpu.memory_space<vmem_shared>>
      tpu.enqueue_dma source(%dma_start3A_20 : memref<632x32xf32, #tpu.memory_space<vmem_shared>>) target(%dma_start3A_18 : memref<632x32xf32, #tpu.memory_space<hbm>>) target_semaphore(%run_scoped3A : memref<!tpu.dma_semaphore, #tpu.memory_space<semaphore_mem>>)
      %dma_wait3A = arith.constant 0 : i32
      %dma_wait3A_21 = tpu.memref_slice %arg6[%arg0, %mul3A_16, %dma_wait3A] : memref<2x10112x32xf32, #tpu.memory_space<hbm>> -> memref<1x632x32xf32, #tpu.memory_space<hbm>>
      %dma_wait3A_22 = tpu.memref_squeeze %dma_wait3A_21 : memref<1x632x32xf32, #tpu.memory_space<hbm>> -> memref<632x32xf32, #tpu.memory_space<hbm>>
      %dma_wait3A_23 = arith.constant 0 : i32
      %dma_wait3A_24 = tpu.memref_slice %arg11[%mul3A_14, %dma_wait3A_23] : memref<10112x32xf32, #tpu.memory_space<vmem_shared>> -> memref<632x32xf32, #tpu.memory_space<vmem_shared>>
      tpu.wait_dma2 semaphore(%run_scoped3A : memref<!tpu.dma_semaphore, #tpu.memory_space<semaphore_mem>>) src(%dma_wait3A_24 : memref<632x32xf32, #tpu.memory_space<vmem_shared>>) dst(%dma_wait3A_22 : memref<632x32xf32, #tpu.memory_space<hbm>>)
      tpu.yield
    }) : () -> ()
    return
  }
}

module attributes {stable_mosaic.version = 14 : i64} {
  func.func @_dis_body(%arg0: memref<2x10112x32xf32, #tpu.memory_space<vmem>>, %arg1: memref<10112x1xf32, #tpu.memory_space<vmem>>) attributes {dimension_semantics = [], scalar_prefetch = 0 : i64, scratch_operands = 0 : i64, tpu.core_type = #tpu.core_type<tc>} {
    %get3A = arith.constant 0 : index
    %get3A_0 = arith.constant 0 : index
    %get3A_1 = arith.constant 0 : index
    %get3A_2 = vector.load %arg0[%get3A, %get3A_0, %get3A_1] : memref<2x10112x32xf32, #tpu.memory_space<vmem>>, vector<1x10112x1xf32>
    %get3A_3 = vector.shape_cast %get3A_2 : vector<1x10112x1xf32> to vector<10112x1xf32>
    %add3A = arith.constant 1.000000e+00 : f32
    %add3A_4 = vector.broadcast %add3A : f32 to vector<10112x1xf32>
    %add3A_5 = arith.addf %add3A_4, %get3A_3 : vector<10112x1xf32>
    %get3A_6 = arith.constant 1 : index
    %get3A_7 = arith.constant 0 : index
    %get3A_8 = arith.constant 0 : index
    %get3A_9 = vector.load %arg0[%get3A_6, %get3A_7, %get3A_8] : memref<2x10112x32xf32, #tpu.memory_space<vmem>>, vector<1x10112x1xf32>
    %get3A_10 = vector.shape_cast %get3A_9 : vector<1x10112x1xf32> to vector<10112x1xf32>
    %add3A_11 = arith.addf %add3A_5, %get3A_10 : vector<10112x1xf32>
    %rsqrt3A = math.rsqrt %add3A_11 : vector<10112x1xf32>
    %swap3A = arith.constant 0 : index
    %swap3A_12 = arith.constant 0 : index
    %swap3A_13 = vector.load %arg1[%swap3A, %swap3A_12] : memref<10112x1xf32, #tpu.memory_space<vmem>>, vector<10112x1xf32>
    tpu.vector_store %arg1[%swap3A, %swap3A_12], %rsqrt3A {strides = array<i32>} : memref<10112x1xf32, #tpu.memory_space<vmem>>, vector<10112x1xf32>,
    return
  }
}

module attributes {stable_mosaic.version = 14 : i64} {
  func.func @_hd_body(%arg0: memref<10112x128xf32, #tpu.memory_space<vmem>>, %arg1: memref<128x32xf32, #tpu.memory_space<vmem>>, %arg2: memref<10112x1xf32, #tpu.memory_space<vmem>>, %arg3: memref<10112x32xf32, #tpu.memory_space<vmem>>) attributes {dimension_semantics = [], scalar_prefetch = 0 : i64, scratch_operands = 0 : i64, tpu.core_type = #tpu.core_type<tc>} {
    %get3A = arith.constant 0 : index
    %get3A_0 = arith.constant 0 : index
    %get3A_1 = vector.load %arg2[%get3A, %get3A_0] : memref<10112x1xf32, #tpu.memory_space<vmem>>, vector<10112x1xf32>
    %get3A_2 = arith.constant 0 : index
    %get3A_3 = arith.constant 0 : index
    %get3A_4 = vector.load %arg0[%get3A_2, %get3A_3] : memref<10112x128xf32, #tpu.memory_space<vmem>>, vector<10112x128xf32>
    %get3A_5 = arith.constant 0 : index
    %get3A_6 = arith.constant 0 : index
    %get3A_7 = vector.load %arg1[%get3A_5, %get3A_6] : memref<128x32xf32, #tpu.memory_space<vmem>>, vector<128x32xf32>
    %dot_general3A = arith.constant dense<0.000000e+00> : vector<10112x32xf32>
    %dot_general3A_8 = tpu.matmul %get3A_4, %get3A_7, %dot_general3A {dimension_numbers = #tpu.dot_dimension_numbers<[1], [0], [0], [1], [0, 0, 1, 1], [], []>, transpose_lhs_hint = false} : vector<10112x128xf32>, vector<128x32xf32>, vector<10112x32xf32> -> vector<10112x32xf32>
    %mul3A = vector.broadcast %get3A_1 : vector<10112x1xf32> to vector<10112x32xf32>
    %mul3A_9 = arith.mulf %mul3A, %dot_general3A_8 : vector<10112x32xf32>
    %swap3A = arith.constant 0 : index
    %swap3A_10 = arith.constant 0 : index
    %swap3A_11 = vector.load %arg3[%swap3A, %swap3A_10] : memref<10112x32xf32, #tpu.memory_space<vmem>>, vector<10112x32xf32>
    tpu.vector_store %arg3[%swap3A, %swap3A_10], %mul3A_9 {strides = array<i32>} : memref<10112x32xf32, #tpu.memory_space<vmem>>, vector<10112x32xf32>,
    return
  }
}

module attributes {stable_mosaic.version = 14 : i64} {
  func.func @_post_body(%arg0: memref<2x10112x32xf32, #tpu.memory_space<vmem>>, %arg1: memref<10112x32xf32, #tpu.memory_space<vmem>>, %arg2: memref<10112x1xf32, #tpu.memory_space<vmem>>, %arg3: memref<1x32xf32, #tpu.memory_space<vmem>>, %arg4: memref<10112x32xf32, #tpu.memory_space<vmem>>) attributes {dimension_semantics = [], scalar_prefetch = 0 : i64, scratch_operands = 0 : i64, tpu.core_type = #tpu.core_type<tc>} {
    %get3A = arith.constant 0 : index
    %get3A_0 = arith.constant 0 : index
    %get3A_1 = arith.constant 0 : index
    %get3A_2 = vector.load %arg0[%get3A, %get3A_0, %get3A_1] : memref<2x10112x32xf32, #tpu.memory_space<vmem>>, vector<1x10112x32xf32>
    %get3A_3 = vector.shape_cast %get3A_2 : vector<1x10112x32xf32> to vector<10112x32xf32>
    %get3A_4 = arith.constant 1 : index
    %get3A_5 = arith.constant 0 : index
    %get3A_6 = arith.constant 0 : index
    %get3A_7 = vector.load %arg0[%get3A_4, %get3A_5, %get3A_6] : memref<2x10112x32xf32, #tpu.memory_space<vmem>>, vector<1x10112x32xf32>
    %get3A_8 = vector.shape_cast %get3A_7 : vector<1x10112x32xf32> to vector<10112x32xf32>
    %add3A = arith.addf %get3A_3, %get3A_8 : vector<10112x32xf32>
    %get3A_9 = arith.constant 0 : index
    %get3A_10 = arith.constant 0 : index
    %get3A_11 = vector.load %arg1[%get3A_9, %get3A_10] : memref<10112x32xf32, #tpu.memory_space<vmem>>, vector<10112x32xf32>
    %add3A_12 = arith.addf %add3A, %get3A_11 : vector<10112x32xf32>
    %get3A_13 = arith.constant 0 : index
    %get3A_14 = arith.constant 0 : index
    %get3A_15 = vector.load %arg2[%get3A_13, %get3A_14] : memref<10112x1xf32, #tpu.memory_space<vmem>>, vector<10112x1xf32>
    %mul3A = vector.broadcast %get3A_15 : vector<10112x1xf32> to vector<10112x32xf32>
    %mul3A_16 = arith.mulf %mul3A, %add3A_12 : vector<10112x32xf32>
    %get3A_17 = arith.constant 0 : index
    %get3A_18 = arith.constant 0 : index
    %get3A_19 = vector.load %arg3[%get3A_17, %get3A_18] : memref<1x32xf32, #tpu.memory_space<vmem>>, vector<1x32xf32>
    %add3A_20 = vector.broadcast %get3A_19 : vector<1x32xf32> to vector<10112x32xf32>
    %add3A_21 = arith.addf %mul3A_16, %add3A_20 : vector<10112x32xf32>
    %tanh3A = math.tanh %add3A_21 : vector<10112x32xf32>
    %swap3A = arith.constant 0 : index
    %swap3A_22 = arith.constant 0 : index
    %swap3A_23 = vector.load %arg4[%swap3A, %swap3A_22] : memref<10112x32xf32, #tpu.memory_space<vmem>>, vector<10112x32xf32>
    tpu.vector_store %arg4[%swap3A, %swap3A_22], %tanh3A {strides = array<i32>} : memref<10112x32xf32, #tpu.memory_space<vmem>>, vector<10112x32xf32>,
    return
  }
}

module attributes {stable_mosaic.version = 14 : i64} {
  func.func @_hd_body(%arg0: memref<10112x32xf32, #tpu.memory_space<vmem>>, %arg1: memref<32x32xf32, #tpu.memory_space<vmem>>, %arg2: memref<10112x1xf32, #tpu.memory_space<vmem>>, %arg3: memref<10112x32xf32, #tpu.memory_space<vmem>>) attributes {dimension_semantics = [], scalar_prefetch = 0 : i64, scratch_operands = 0 : i64, tpu.core_type = #tpu.core_type<tc>} {
    %get3A = arith.constant 0 : index
    %get3A_0 = arith.constant 0 : index
    %get3A_1 = vector.load %arg2[%get3A, %get3A_0] : memref<10112x1xf32, #tpu.memory_space<vmem>>, vector<10112x1xf32>
    %get3A_2 = arith.constant 0 : index
    %get3A_3 = arith.constant 0 : index
    %get3A_4 = vector.load %arg0[%get3A_2, %get3A_3] : memref<10112x32xf32, #tpu.memory_space<vmem>>, vector<10112x32xf32>
    %get3A_5 = arith.constant 0 : index
    %get3A_6 = arith.constant 0 : index
    %get3A_7 = vector.load %arg1[%get3A_5, %get3A_6] : memref<32x32xf32, #tpu.memory_space<vmem>>, vector<32x32xf32>
    %dot_general3A = arith.constant dense<0.000000e+00> : vector<10112x32xf32>
    %dot_general3A_8 = tpu.matmul %get3A_4, %get3A_7, %dot_general3A {dimension_numbers = #tpu.dot_dimension_numbers<[1], [0], [0], [1], [0, 0, 1, 1], [], []>, transpose_lhs_hint = false} : vector<10112x32xf32>, vector<32x32xf32>, vector<10112x32xf32> -> vector<10112x32xf32>
    %mul3A = vector.broadcast %get3A_1 : vector<10112x1xf32> to vector<10112x32xf32>
    %mul3A_9 = arith.mulf %mul3A, %dot_general3A_8 : vector<10112x32xf32>
    %swap3A = arith.constant 0 : index
    %swap3A_10 = arith.constant 0 : index
    %swap3A_11 = vector.load %arg3[%swap3A, %swap3A_10] : memref<10112x32xf32, #tpu.memory_space<vmem>>, vector<10112x32xf32>
    tpu.vector_store %arg3[%swap3A, %swap3A_10], %mul3A_9 {strides = array<i32>} : memref<10112x32xf32, #tpu.memory_space<vmem>>, vector<10112x32xf32>,
    return
  }
}

module attributes {stable_mosaic.version = 14 : i64} {
  func.func @_hd_body(%arg0: memref<10112x32xf32, #tpu.memory_space<vmem>>, %arg1: memref<32x1xf32, #tpu.memory_space<vmem>>, %arg2: memref<10112x1xf32, #tpu.memory_space<vmem>>, %arg3: memref<10112x1xf32, #tpu.memory_space<vmem>>) attributes {dimension_semantics = [], scalar_prefetch = 0 : i64, scratch_operands = 0 : i64, tpu.core_type = #tpu.core_type<tc>} {
    %get3A = arith.constant 0 : index
    %get3A_0 = arith.constant 0 : index
    %get3A_1 = vector.load %arg2[%get3A, %get3A_0] : memref<10112x1xf32, #tpu.memory_space<vmem>>, vector<10112x1xf32>
    %get3A_2 = arith.constant 0 : index
    %get3A_3 = arith.constant 0 : index
    %get3A_4 = vector.load %arg0[%get3A_2, %get3A_3] : memref<10112x32xf32, #tpu.memory_space<vmem>>, vector<10112x32xf32>
    %get3A_5 = arith.constant 0 : index
    %get3A_6 = arith.constant 0 : index
    %get3A_7 = vector.load %arg1[%get3A_5, %get3A_6] : memref<32x1xf32, #tpu.memory_space<vmem>>, vector<32x1xf32>
    %dot_general3A = arith.constant dense<0.000000e+00> : vector<10112x1xf32>
    %dot_general3A_8 = tpu.matmul %get3A_4, %get3A_7, %dot_general3A {dimension_numbers = #tpu.dot_dimension_numbers<[1], [0], [0], [1], [0, 0, 1, 1], [], []>, transpose_lhs_hint = false} : vector<10112x32xf32>, vector<32x1xf32>, vector<10112x1xf32> -> vector<10112x1xf32>
    %mul3A = arith.mulf %get3A_1, %dot_general3A_8 : vector<10112x1xf32>
    %swap3A = arith.constant 0 : index
    %swap3A_9 = arith.constant 0 : index
    %swap3A_10 = vector.load %arg3[%swap3A, %swap3A_9] : memref<10112x1xf32, #tpu.memory_space<vmem>>, vector<10112x1xf32>
    tpu.vector_store %arg3[%swap3A, %swap3A_9], %mul3A {strides = array<i32>} : memref<10112x1xf32, #tpu.memory_space<vmem>>, vector<10112x1xf32>,
    return
  }
}

module attributes {stable_mosaic.version = 14 : i64} {
  func.func @_post_body(%arg0: memref<2x10112x1xf32, #tpu.memory_space<vmem>>, %arg1: memref<10112x1xf32, #tpu.memory_space<vmem>>, %arg2: memref<10112x1xf32, #tpu.memory_space<vmem>>, %arg3: memref<1x1xf32, #tpu.memory_space<vmem>>, %arg4: memref<10112x1xf32, #tpu.memory_space<vmem>>) attributes {dimension_semantics = [], scalar_prefetch = 0 : i64, scratch_operands = 0 : i64, tpu.core_type = #tpu.core_type<tc>} {
    %get3A = arith.constant 0 : index
    %get3A_0 = arith.constant 0 : index
    %get3A_1 = arith.constant 0 : index
    %get3A_2 = vector.load %arg0[%get3A, %get3A_0, %get3A_1] : memref<2x10112x1xf32, #tpu.memory_space<vmem>>, vector<1x10112x1xf32>
    %get3A_3 = vector.shape_cast %get3A_2 : vector<1x10112x1xf32> to vector<10112x1xf32>
    %get3A_4 = arith.constant 1 : index
    %get3A_5 = arith.constant 0 : index
    %get3A_6 = arith.constant 0 : index
    %get3A_7 = vector.load %arg0[%get3A_4, %get3A_5, %get3A_6] : memref<2x10112x1xf32, #tpu.memory_space<vmem>>, vector<1x10112x1xf32>
    %get3A_8 = vector.shape_cast %get3A_7 : vector<1x10112x1xf32> to vector<10112x1xf32>
    %add3A = arith.addf %get3A_3, %get3A_8 : vector<10112x1xf32>
    %get3A_9 = arith.constant 0 : index
    %get3A_10 = arith.constant 0 : index
    %get3A_11 = vector.load %arg1[%get3A_9, %get3A_10] : memref<10112x1xf32, #tpu.memory_space<vmem>>, vector<10112x1xf32>
    %add3A_12 = arith.addf %add3A, %get3A_11 : vector<10112x1xf32>
    %get3A_13 = arith.constant 0 : index
    %get3A_14 = arith.constant 0 : index
    %get3A_15 = vector.load %arg2[%get3A_13, %get3A_14] : memref<10112x1xf32, #tpu.memory_space<vmem>>, vector<10112x1xf32>
    %mul3A = arith.mulf %get3A_15, %add3A_12 : vector<10112x1xf32>
    %get3A_16 = arith.constant 0 : index
    %get3A_17 = arith.constant 0 : index
    %get3A_18 = vector.load %arg3[%get3A_16, %get3A_17] : memref<1x1xf32, #tpu.memory_space<vmem>>, vector<1x1xf32>
    %add3A_19 = vector.broadcast %get3A_18 : vector<1x1xf32> to vector<10112x1xf32>
    %add3A_20 = arith.addf %mul3A, %add3A_19 : vector<10112x1xf32>
    %tanh3A = math.tanh %add3A_20 : vector<10112x1xf32>
    %swap3A = arith.constant 0 : index
    %swap3A_21 = arith.constant 0 : index
    %swap3A_22 = vector.load %arg4[%swap3A, %swap3A_21] : memref<10112x1xf32, #tpu.memory_space<vmem>>, vector<10112x1xf32>
    tpu.vector_store %arg4[%swap3A, %swap3A_21], %tanh3A {strides = array<i32>} : memref<10112x1xf32, #tpu.memory_space<vmem>>, vector<10112x1xf32>,
    return
  }
}

module attributes {stable_mosaic.version = 14 : i64} {
  func.func @_read_body(%arg0: i32, %arg1: memref<10112x128xf32, #tpu.memory_space<vmem>>, %arg2: memref<1x10112xi32, #tpu.memory_space<vmem>>, %arg3: memref<1x10112xf32, #tpu.memory_space<vmem>>, %arg4: memref<128x16xf32, #tpu.memory_space<vmem>>, %arg5: memref<1x16xf32, #tpu.memory_space<vmem>>, %arg6: memref<5x16x32xf32, #tpu.memory_space<vmem>>, %arg7: memref<1x32xf32, #tpu.memory_space<vmem>>, %arg8: memref<11x32x128xf32, #tpu.memory_space<vmem>>, %arg9: memref<1x128xf32, #tpu.memory_space<vmem>>, %arg10: memref<128x10xf32, #tpu.memory_space<vmem>>, %arg11: memref<1x10xf32, #tpu.memory_space<vmem>>, %arg12: memref<1x8x10xf32, #tpu.memory_space<vmem>>) attributes {dimension_semantics = [#tpu.dimension_semantics<arbitrary>], iteration_bounds = array<i64: 100>, scalar_prefetch = 0 : i64, scratch_operands = 0 : i64, tpu.core_type = #tpu.core_type<tc>, window_params = [{pipeline_mode = #tpu.pipeline_mode<synchronous>, transform_indices = @transform_0, window_bounds = array<i64: 10112, 128>}, {pipeline_mode = #tpu.pipeline_mode<synchronous>, transform_indices = @transform_1, window_bounds = array<i64: 1, 10112>}, {pipeline_mode = #tpu.pipeline_mode<synchronous>, transform_indices = @transform_2, window_bounds = array<i64: 1, 10112>}, {pipeline_mode = #tpu.pipeline_mode<synchronous>, transform_indices = @transform_3, window_bounds = array<i64: 128, 16>}, {pipeline_mode = #tpu.pipeline_mode<synchronous>, transform_indices = @transform_4, window_bounds = array<i64: 1, 16>}, {pipeline_mode = #tpu.pipeline_mode<synchronous>, transform_indices = @transform_5, window_bounds = array<i64: 5, 16, 32>}, {pipeline_mode = #tpu.pipeline_mode<synchronous>, transform_indices = @transform_6, window_bounds = array<i64: 1, 32>}, {pipeline_mode = #tpu.pipeline_mode<synchronous>, transform_indices = @transform_7, window_bounds = array<i64: 11, 32, 128>}, {pipeline_mode = #tpu.pipeline_mode<synchronous>, transform_indices = @transform_8, window_bounds = array<i64: 1, 128>}, {pipeline_mode = #tpu.pipeline_mode<synchronous>, transform_indices = @transform_9, window_bounds = array<i64: 128, 10>}, {pipeline_mode = #tpu.pipeline_mode<synchronous>, transform_indices = @transform_10, window_bounds = array<i64: 1, 10>}, {transform_indices = @transform_11, window_bounds = array<i64: 1, 8, 10>}]} {
    %get3A = arith.constant 0 : index
    %get3A_0 = arith.constant 0 : index
    %get3A_1 = vector.load %arg2[%get3A, %get3A_0] : memref<1x10112xi32, #tpu.memory_space<vmem>>, vector<1x10112xi32>
    %eq3A = vector.broadcast %arg0 : i32 to vector<1x10112xi32>
    %eq3A_2 = arith.cmpi eq, %get3A_1, %eq3A : vector<1x10112xi32>
    %convert_element_type3A = arith.extui %eq3A_2 : vector<1x10112xi1> to vector<1x10112xi32>
    %reduce_sum3A = vector.shape_cast %convert_element_type3A : vector<1x10112xi32> to vector<1x1x10112xi32>
    %reduce_sum3A_3 = arith.constant dense<0> : vector<1xi32>
    %reduce_sum3A_4 = vector.multi_reduction <add>, %reduce_sum3A, %reduce_sum3A_3 [1, 2] : vector<1x1x10112xi32> to vector<1xi32>
    %reduce_sum3A_5 = vector.shape_cast %reduce_sum3A_4 : vector<1xi32> to vector<1x1x1xi32>
    %reduce_sum3A_6 = vector.extract %reduce_sum3A_5[0, 0, 0] : i32 from vector<1x1x1xi32>
    %get3A_7 = arith.constant 0 : index
    %get3A_8 = arith.constant 0 : index
    %get3A_9 = vector.load %arg3[%get3A_7, %get3A_8] : memref<1x10112xf32, #tpu.memory_space<vmem>>, vector<1x10112xf32>
    %jit3A = arith.constant -3.000000e+38 : f32
    %broadcast_in_dim3A = vector.broadcast %jit3A : f32 to vector<1x10112xf32>
    %select_n3A = arith.select %eq3A_2, %get3A_9, %broadcast_in_dim3A : vector<1x10112xi1>, vector<1x10112xf32>
    %iota3A = tpu.iota {dimensions = array<i32: 1>} : vector<1x10112xi32>
    %reduce_max3A = vector.shape_cast %select_n3A : vector<1x10112xf32> to vector<1x1x10112xf32>
    %reduce_max3A_10 = arith.constant dense<0xFF800000> : vector<1xf32>
    %reduce_max3A_11 = vector.multi_reduction <maximumf>, %reduce_max3A, %reduce_max3A_10 [1, 2] : vector<1x1x10112xf32> to vector<1xf32>
    %reduce_max3A_12 = vector.shape_cast %reduce_max3A_11 : vector<1xf32> to vector<1x1x1xf32>
    %reduce_max3A_13 = vector.extract %reduce_max3A_12[0, 0, 0] : f32 from vector<1x1x1xf32>
    %eq3A_14 = vector.broadcast %reduce_max3A_13 : f32 to vector<1x10112xf32>
    %eq3A_15 = arith.cmpf oeq, %select_n3A, %eq3A_14 : vector<1x10112xf32>
    %jit3A_16 = arith.constant 1073741824 : i32
    %broadcast_in_dim3A_17 = vector.broadcast %jit3A_16 : i32 to vector<1x10112xi32>
    %select_n3A_18 = arith.select %eq3A_15, %iota3A, %broadcast_in_dim3A_17 : vector<1x10112xi1>, vector<1x10112xi32>
    %reduce_min3A = vector.shape_cast %select_n3A_18 : vector<1x10112xi32> to vector<1x1x10112xi32>
    %reduce_min3A_19 = arith.constant dense<2147483647> : vector<1xi32>
    %reduce_min3A_20 = vector.multi_reduction <minsi>, %reduce_min3A, %reduce_min3A_19 [1, 2] : vector<1x1x10112xi32> to vector<1xi32>
    %reduce_min3A_21 = vector.shape_cast %reduce_min3A_20 : vector<1xi32> to vector<1x1x1xi32>
    %reduce_min3A_22 = vector.extract %reduce_min3A_21[0, 0, 0] : i32 from vector<1x1x1xi32>
    %eq3A_23 = vector.broadcast %reduce_min3A_22 : i32 to vector<1x10112xi32>
    %eq3A_24 = arith.cmpi eq, %iota3A, %eq3A_23 : vector<1x10112xi32>
    %gt3A = arith.constant 0 : i32
    %gt3A_25 = arith.cmpi sgt, %reduce_sum3A_6, %gt3A : i32
    %jit3A_26 = arith.constant 1.000000e+00 : f32
    %jit3A_27 = arith.constant 0.000000e+00 : f32
    %select_n3A_28 = arith.select %gt3A_25, %jit3A_26, %jit3A_27 : f32
    %convert_element_type3A_29 = arith.extui %eq3A_24 : vector<1x10112xi1> to vector<1x10112xi32>
    %convert_element_type3A_30 = arith.sitofp %convert_element_type3A_29 : vector<1x10112xi32> to vector<1x10112xf32>
    %mul3A = vector.broadcast %select_n3A_28 : f32 to vector<1x10112xf32>
    %mul3A_31 = arith.mulf %convert_element_type3A_30, %mul3A : vector<1x10112xf32>
    %jit3A_32 = arith.constant -3.000000e+38 : f32
    %broadcast_in_dim3A_33 = vector.broadcast %jit3A_32 : f32 to vector<1x10112xf32>
    %select_n3A_34 = arith.select %eq3A_24, %broadcast_in_dim3A_33, %select_n3A : vector<1x10112xi1>, vector<1x10112xf32>
    %reduce_max3A_35 = vector.shape_cast %select_n3A_34 : vector<1x10112xf32> to vector<1x1x10112xf32>
    %reduce_max3A_36 = arith.constant dense<0xFF800000> : vector<1xf32>
    %reduce_max3A_37 = vector.multi_reduction <maximumf>, %reduce_max3A_35, %reduce_max3A_36 [1, 2] : vector<1x1x10112xf32> to vector<1xf32>
    %reduce_max3A_38 = vector.shape_cast %reduce_max3A_37 : vector<1xf32> to vector<1x1x1xf32>
    %reduce_max3A_39 = vector.extract %reduce_max3A_38[0, 0, 0] : f32 from vector<1x1x1xf32>
    %eq3A_40 = vector.broadcast %reduce_max3A_39 : f32 to vector<1x10112xf32>
    %eq3A_41 = arith.cmpf oeq, %select_n3A_34, %eq3A_40 : vector<1x10112xf32>
    %jit3A_42 = arith.constant 1073741824 : i32
    %broadcast_in_dim3A_43 = vector.broadcast %jit3A_42 : i32 to vector<1x10112xi32>
    %select_n3A_44 = arith.select %eq3A_41, %iota3A, %broadcast_in_dim3A_43 : vector<1x10112xi1>, vector<1x10112xi32>
    %reduce_min3A_45 = vector.shape_cast %select_n3A_44 : vector<1x10112xi32> to vector<1x1x10112xi32>
    %reduce_min3A_46 = arith.constant dense<2147483647> : vector<1xi32>
    %reduce_min3A_47 = vector.multi_reduction <minsi>, %reduce_min3A_45, %reduce_min3A_46 [1, 2] : vector<1x1x10112xi32> to vector<1xi32>
    %reduce_min3A_48 = vector.shape_cast %reduce_min3A_47 : vector<1xi32> to vector<1x1x1xi32>
    %reduce_min3A_49 = vector.extract %reduce_min3A_48[0, 0, 0] : i32 from vector<1x1x1xi32>
    %eq3A_50 = vector.broadcast %reduce_min3A_49 : i32 to vector<1x10112xi32>
    %eq3A_51 = arith.cmpi eq, %iota3A, %eq3A_50 : vector<1x10112xi32>
    %gt3A_52 = arith.constant 1 : i32
    %gt3A_53 = arith.cmpi sgt, %reduce_sum3A_6, %gt3A_52 : i32
    %jit3A_54 = arith.constant 1.000000e+00 : f32
    %jit3A_55 = arith.constant 0.000000e+00 : f32
    %select_n3A_56 = arith.select %gt3A_53, %jit3A_54, %jit3A_55 : f32
    %convert_element_type3A_57 = arith.extui %eq3A_51 : vector<1x10112xi1> to vector<1x10112xi32>
    %convert_element_type3A_58 = arith.sitofp %convert_element_type3A_57 : vector<1x10112xi32> to vector<1x10112xf32>
    %mul3A_59 = vector.broadcast %select_n3A_56 : f32 to vector<1x10112xf32>
    %mul3A_60 = arith.mulf %convert_element_type3A_58, %mul3A_59 : vector<1x10112xf32>
    %jit3A_61 = arith.constant -3.000000e+38 : f32
    %broadcast_in_dim3A_62 = vector.broadcast %jit3A_61 : f32 to vector<1x10112xf32>
    %select_n3A_63 = arith.select %eq3A_51, %broadcast_in_dim3A_62, %select_n3A_34 : vector<1x10112xi1>, vector<1x10112xf32>
    %reduce_max3A_64 = vector.shape_cast %select_n3A_63 : vector<1x10112xf32> to vector<1x1x10112xf32>
    %reduce_max3A_65 = arith.constant dense<0xFF800000> : vector<1xf32>
    %reduce_max3A_66 = vector.multi_reduction <maximumf>, %reduce_max3A_64, %reduce_max3A_65 [1, 2] : vector<1x1x10112xf32> to vector<1xf32>
    %reduce_max3A_67 = vector.shape_cast %reduce_max3A_66 : vector<1xf32> to vector<1x1x1xf32>
    %reduce_max3A_68 = vector.extract %reduce_max3A_67[0, 0, 0] : f32 from vector<1x1x1xf32>
    %eq3A_69 = vector.broadcast %reduce_max3A_68 : f32 to vector<1x10112xf32>
    %eq3A_70 = arith.cmpf oeq, %select_n3A_63, %eq3A_69 : vector<1x10112xf32>
    %jit3A_71 = arith.constant 1073741824 : i32
    %broadcast_in_dim3A_72 = vector.broadcast %jit3A_71 : i32 to vector<1x10112xi32>
    %select_n3A_73 = arith.select %eq3A_70, %iota3A, %broadcast_in_dim3A_72 : vector<1x10112xi1>, vector<1x10112xi32>
    %reduce_min3A_74 = vector.shape_cast %select_n3A_73 : vector<1x10112xi32> to vector<1x1x10112xi32>
    %reduce_min3A_75 = arith.constant dense<2147483647> : vector<1xi32>
    %reduce_min3A_76 = vector.multi_reduction <minsi>, %reduce_min3A_74, %reduce_min3A_75 [1, 2] : vector<1x1x10112xi32> to vector<1xi32>
    %reduce_min3A_77 = vector.shape_cast %reduce_min3A_76 : vector<1xi32> to vector<1x1x1xi32>
    %reduce_min3A_78 = vector.extract %reduce_min3A_77[0, 0, 0] : i32 from vector<1x1x1xi32>
    %eq3A_79 = vector.broadcast %reduce_min3A_78 : i32 to vector<1x10112xi32>
    %eq3A_80 = arith.cmpi eq, %iota3A, %eq3A_79 : vector<1x10112xi32>
    %gt3A_81 = arith.constant 2 : i32
    %gt3A_82 = arith.cmpi sgt, %reduce_sum3A_6, %gt3A_81 : i32
    %jit3A_83 = arith.constant 1.000000e+00 : f32
    %jit3A_84 = arith.constant 0.000000e+00 : f32
    %select_n3A_85 = arith.select %gt3A_82, %jit3A_83, %jit3A_84 : f32
    %convert_element_type3A_86 = arith.extui %eq3A_80 : vector<1x10112xi1> to vector<1x10112xi32>
    %convert_element_type3A_87 = arith.sitofp %convert_element_type3A_86 : vector<1x10112xi32> to vector<1x10112xf32>
    %mul3A_88 = vector.broadcast %select_n3A_85 : f32 to vector<1x10112xf32>
    %mul3A_89 = arith.mulf %convert_element_type3A_87, %mul3A_88 : vector<1x10112xf32>
    %jit3A_90 = arith.constant -3.000000e+38 : f32
    %broadcast_in_dim3A_91 = vector.broadcast %jit3A_90 : f32 to vector<1x10112xf32>
    %select_n3A_92 = arith.select %eq3A_80, %broadcast_in_dim3A_91, %select_n3A_63 : vector<1x10112xi1>, vector<1x10112xf32>
    %reduce_max3A_93 = vector.shape_cast %select_n3A_92 : vector<1x10112xf32> to vector<1x1x10112xf32>
    %reduce_max3A_94 = arith.constant dense<0xFF800000> : vector<1xf32>
    %reduce_max3A_95 = vector.multi_reduction <maximumf>, %reduce_max3A_93, %reduce_max3A_94 [1, 2] : vector<1x1x10112xf32> to vector<1xf32>
    %reduce_max3A_96 = vector.shape_cast %reduce_max3A_95 : vector<1xf32> to vector<1x1x1xf32>
    %reduce_max3A_97 = vector.extract %reduce_max3A_96[0, 0, 0] : f32 from vector<1x1x1xf32>
    %eq3A_98 = vector.broadcast %reduce_max3A_97 : f32 to vector<1x10112xf32>
    %eq3A_99 = arith.cmpf oeq, %select_n3A_92, %eq3A_98 : vector<1x10112xf32>
    %jit3A_100 = arith.constant 1073741824 : i32
    %broadcast_in_dim3A_101 = vector.broadcast %jit3A_100 : i32 to vector<1x10112xi32>
    %select_n3A_102 = arith.select %eq3A_99, %iota3A, %broadcast_in_dim3A_101 : vector<1x10112xi1>, vector<1x10112xi32>
    %reduce_min3A_103 = vector.shape_cast %select_n3A_102 : vector<1x10112xi32> to vector<1x1x10112xi32>
    %reduce_min3A_104 = arith.constant dense<2147483647> : vector<1xi32>
    %reduce_min3A_105 = vector.multi_reduction <minsi>, %reduce_min3A_103, %reduce_min3A_104 [1, 2] : vector<1x1x10112xi32> to vector<1xi32>
    %reduce_min3A_106 = vector.shape_cast %reduce_min3A_105 : vector<1xi32> to vector<1x1x1xi32>
    %reduce_min3A_107 = vector.extract %reduce_min3A_106[0, 0, 0] : i32 from vector<1x1x1xi32>
    %eq3A_108 = vector.broadcast %reduce_min3A_107 : i32 to vector<1x10112xi32>
    %eq3A_109 = arith.cmpi eq, %iota3A, %eq3A_108 : vector<1x10112xi32>
    %gt3A_110 = arith.constant 3 : i32
    %gt3A_111 = arith.cmpi sgt, %reduce_sum3A_6, %gt3A_110 : i32
    %jit3A_112 = arith.constant 1.000000e+00 : f32
    %jit3A_113 = arith.constant 0.000000e+00 : f32
    %select_n3A_114 = arith.select %gt3A_111, %jit3A_112, %jit3A_113 : f32
    %convert_element_type3A_115 = arith.extui %eq3A_109 : vector<1x10112xi1> to vector<1x10112xi32>
    %convert_element_type3A_116 = arith.sitofp %convert_element_type3A_115 : vector<1x10112xi32> to vector<1x10112xf32>
    %mul3A_117 = vector.broadcast %select_n3A_114 : f32 to vector<1x10112xf32>
    %mul3A_118 = arith.mulf %convert_element_type3A_116, %mul3A_117 : vector<1x10112xf32>
    %jit3A_119 = arith.constant -3.000000e+38 : f32
    %broadcast_in_dim3A_120 = vector.broadcast %jit3A_119 : f32 to vector<1x10112xf32>
    %select_n3A_121 = arith.select %eq3A_109, %broadcast_in_dim3A_120, %select_n3A_92 : vector<1x10112xi1>, vector<1x10112xf32>
    %reduce_max3A_122 = vector.shape_cast %select_n3A_121 : vector<1x10112xf32> to vector<1x1x10112xf32>
    %reduce_max3A_123 = arith.constant dense<0xFF800000> : vector<1xf32>
    %reduce_max3A_124 = vector.multi_reduction <maximumf>, %reduce_max3A_122, %reduce_max3A_123 [1, 2] : vector<1x1x10112xf32> to vector<1xf32>
    %reduce_max3A_125 = vector.shape_cast %reduce_max3A_124 : vector<1xf32> to vector<1x1x1xf32>
    %reduce_max3A_126 = vector.extract %reduce_max3A_125[0, 0, 0] : f32 from vector<1x1x1xf32>
    %eq3A_127 = vector.broadcast %reduce_max3A_126 : f32 to vector<1x10112xf32>
    %eq3A_128 = arith.cmpf oeq, %select_n3A_121, %eq3A_127 : vector<1x10112xf32>
    %jit3A_129 = arith.constant 1073741824 : i32
    %broadcast_in_dim3A_130 = vector.broadcast %jit3A_129 : i32 to vector<1x10112xi32>
    %select_n3A_131 = arith.select %eq3A_128, %iota3A, %broadcast_in_dim3A_130 : vector<1x10112xi1>, vector<1x10112xi32>
    %reduce_min3A_132 = vector.shape_cast %select_n3A_131 : vector<1x10112xi32> to vector<1x1x10112xi32>
    %reduce_min3A_133 = arith.constant dense<2147483647> : vector<1xi32>
    %reduce_min3A_134 = vector.multi_reduction <minsi>, %reduce_min3A_132, %reduce_min3A_133 [1, 2] : vector<1x1x10112xi32> to vector<1xi32>
    %reduce_min3A_135 = vector.shape_cast %reduce_min3A_134 : vector<1xi32> to vector<1x1x1xi32>
    %reduce_min3A_136 = vector.extract %reduce_min3A_135[0, 0, 0] : i32 from vector<1x1x1xi32>
    %eq3A_137 = vector.broadcast %reduce_min3A_136 : i32 to vector<1x10112xi32>
    %eq3A_138 = arith.cmpi eq, %iota3A, %eq3A_137 : vector<1x10112xi32>
    %gt3A_139 = arith.constant 4 : i32
    %gt3A_140 = arith.cmpi sgt, %reduce_sum3A_6, %gt3A_139 : i32
    %jit3A_141 = arith.constant 1.000000e+00 : f32
    %jit3A_142 = arith.constant 0.000000e+00 : f32
    %select_n3A_143 = arith.select %gt3A_140, %jit3A_141, %jit3A_142 : f32
    %convert_element_type3A_144 = arith.extui %eq3A_138 : vector<1x10112xi1> to vector<1x10112xi32>
    %convert_element_type3A_145 = arith.sitofp %convert_element_type3A_144 : vector<1x10112xi32> to vector<1x10112xf32>
    %mul3A_146 = vector.broadcast %select_n3A_143 : f32 to vector<1x10112xf32>
    %mul3A_147 = arith.mulf %convert_element_type3A_145, %mul3A_146 : vector<1x10112xf32>
    %jit3A_148 = arith.constant -3.000000e+38 : f32
    %broadcast_in_dim3A_149 = vector.broadcast %jit3A_148 : f32 to vector<1x10112xf32>
    %select_n3A_150 = arith.select %eq3A_138, %broadcast_in_dim3A_149, %select_n3A_121 : vector<1x10112xi1>, vector<1x10112xf32>
    %reduce_max3A_151 = vector.shape_cast %select_n3A_150 : vector<1x10112xf32> to vector<1x1x10112xf32>
    %reduce_max3A_152 = arith.constant dense<0xFF800000> : vector<1xf32>
    %reduce_max3A_153 = vector.multi_reduction <maximumf>, %reduce_max3A_151, %reduce_max3A_152 [1, 2] : vector<1x1x10112xf32> to vector<1xf32>
    %reduce_max3A_154 = vector.shape_cast %reduce_max3A_153 : vector<1xf32> to vector<1x1x1xf32>
    %reduce_max3A_155 = vector.extract %reduce_max3A_154[0, 0, 0] : f32 from vector<1x1x1xf32>
    %eq3A_156 = vector.broadcast %reduce_max3A_155 : f32 to vector<1x10112xf32>
    %eq3A_157 = arith.cmpf oeq, %select_n3A_150, %eq3A_156 : vector<1x10112xf32>
    %jit3A_158 = arith.constant 1073741824 : i32
    %broadcast_in_dim3A_159 = vector.broadcast %jit3A_158 : i32 to vector<1x10112xi32>
    %select_n3A_160 = arith.select %eq3A_157, %iota3A, %broadcast_in_dim3A_159 : vector<1x10112xi1>, vector<1x10112xi32>
    %reduce_min3A_161 = vector.shape_cast %select_n3A_160 : vector<1x10112xi32> to vector<1x1x10112xi32>
    %reduce_min3A_162 = arith.constant dense<2147483647> : vector<1xi32>
    %reduce_min3A_163 = vector.multi_reduction <minsi>, %reduce_min3A_161, %reduce_min3A_162 [1, 2] : vector<1x1x10112xi32> to vector<1xi32>
    %reduce_min3A_164 = vector.shape_cast %reduce_min3A_163 : vector<1xi32> to vector<1x1x1xi32>
    %reduce_min3A_165 = vector.extract %reduce_min3A_164[0, 0, 0] : i32 from vector<1x1x1xi32>
    %eq3A_166 = vector.broadcast %reduce_min3A_165 : i32 to vector<1x10112xi32>
    %eq3A_167 = arith.cmpi eq, %iota3A, %eq3A_166 : vector<1x10112xi32>
    %gt3A_168 = arith.constant 5 : i32
    %gt3A_169 = arith.cmpi sgt, %reduce_sum3A_6, %gt3A_168 : i32
    %jit3A_170 = arith.constant 1.000000e+00 : f32
    %jit3A_171 = arith.constant 0.000000e+00 : f32
    %select_n3A_172 = arith.select %gt3A_169, %jit3A_170, %jit3A_171 : f32
    %convert_element_type3A_173 = arith.extui %eq3A_167 : vector<1x10112xi1> to vector<1x10112xi32>
    %convert_element_type3A_174 = arith.sitofp %convert_element_type3A_173 : vector<1x10112xi32> to vector<1x10112xf32>
    %mul3A_175 = vector.broadcast %select_n3A_172 : f32 to vector<1x10112xf32>
    %mul3A_176 = arith.mulf %convert_element_type3A_174, %mul3A_175 : vector<1x10112xf32>
    %jit3A_177 = arith.constant -3.000000e+38 : f32
    %broadcast_in_dim3A_178 = vector.broadcast %jit3A_177 : f32 to vector<1x10112xf32>
    %select_n3A_179 = arith.select %eq3A_167, %broadcast_in_dim3A_178, %select_n3A_150 : vector<1x10112xi1>, vector<1x10112xf32>
    %reduce_max3A_180 = vector.shape_cast %select_n3A_179 : vector<1x10112xf32> to vector<1x1x10112xf32>
    %reduce_max3A_181 = arith.constant dense<0xFF800000> : vector<1xf32>
    %reduce_max3A_182 = vector.multi_reduction <maximumf>, %reduce_max3A_180, %reduce_max3A_181 [1, 2] : vector<1x1x10112xf32> to vector<1xf32>
    %reduce_max3A_183 = vector.shape_cast %reduce_max3A_182 : vector<1xf32> to vector<1x1x1xf32>
    %reduce_max3A_184 = vector.extract %reduce_max3A_183[0, 0, 0] : f32 from vector<1x1x1xf32>
    %eq3A_185 = vector.broadcast %reduce_max3A_184 : f32 to vector<1x10112xf32>
    %eq3A_186 = arith.cmpf oeq, %select_n3A_179, %eq3A_185 : vector<1x10112xf32>
    %jit3A_187 = arith.constant 1073741824 : i32
    %broadcast_in_dim3A_188 = vector.broadcast %jit3A_187 : i32 to vector<1x10112xi32>
    %select_n3A_189 = arith.select %eq3A_186, %iota3A, %broadcast_in_dim3A_188 : vector<1x10112xi1>, vector<1x10112xi32>
    %reduce_min3A_190 = vector.shape_cast %select_n3A_189 : vector<1x10112xi32> to vector<1x1x10112xi32>
    %reduce_min3A_191 = arith.constant dense<2147483647> : vector<1xi32>
    %reduce_min3A_192 = vector.multi_reduction <minsi>, %reduce_min3A_190, %reduce_min3A_191 [1, 2] : vector<1x1x10112xi32> to vector<1xi32>
    %reduce_min3A_193 = vector.shape_cast %reduce_min3A_192 : vector<1xi32> to vector<1x1x1xi32>
    %reduce_min3A_194 = vector.extract %reduce_min3A_193[0, 0, 0] : i32 from vector<1x1x1xi32>
    %eq3A_195 = vector.broadcast %reduce_min3A_194 : i32 to vector<1x10112xi32>
    %eq3A_196 = arith.cmpi eq, %iota3A, %eq3A_195 : vector<1x10112xi32>
    %gt3A_197 = arith.constant 6 : i32
    %gt3A_198 = arith.cmpi sgt, %reduce_sum3A_6, %gt3A_197 : i32
    %jit3A_199 = arith.constant 1.000000e+00 : f32
    %jit3A_200 = arith.constant 0.000000e+00 : f32
    %select_n3A_201 = arith.select %gt3A_198, %jit3A_199, %jit3A_200 : f32
    %convert_element_type3A_202 = arith.extui %eq3A_196 : vector<1x10112xi1> to vector<1x10112xi32>
    %convert_element_type3A_203 = arith.sitofp %convert_element_type3A_202 : vector<1x10112xi32> to vector<1x10112xf32>
    %mul3A_204 = vector.broadcast %select_n3A_201 : f32 to vector<1x10112xf32>
    %mul3A_205 = arith.mulf %convert_element_type3A_203, %mul3A_204 : vector<1x10112xf32>
    %jit3A_206 = arith.constant -3.000000e+38 : f32
    %broadcast_in_dim3A_207 = vector.broadcast %jit3A_206 : f32 to vector<1x10112xf32>
    %select_n3A_208 = arith.select %eq3A_196, %broadcast_in_dim3A_207, %select_n3A_179 : vector<1x10112xi1>, vector<1x10112xf32>
    %reduce_max3A_209 = vector.shape_cast %select_n3A_208 : vector<1x10112xf32> to vector<1x1x10112xf32>
    %reduce_max3A_210 = arith.constant dense<0xFF800000> : vector<1xf32>
    %reduce_max3A_211 = vector.multi_reduction <maximumf>, %reduce_max3A_209, %reduce_max3A_210 [1, 2] : vector<1x1x10112xf32> to vector<1xf32>
    %reduce_max3A_212 = vector.shape_cast %reduce_max3A_211 : vector<1xf32> to vector<1x1x1xf32>
    %reduce_max3A_213 = vector.extract %reduce_max3A_212[0, 0, 0] : f32 from vector<1x1x1xf32>
    %eq3A_214 = vector.broadcast %reduce_max3A_213 : f32 to vector<1x10112xf32>
    %eq3A_215 = arith.cmpf oeq, %select_n3A_208, %eq3A_214 : vector<1x10112xf32>
    %jit3A_216 = arith.constant 1073741824 : i32
    %broadcast_in_dim3A_217 = vector.broadcast %jit3A_216 : i32 to vector<1x10112xi32>
    %select_n3A_218 = arith.select %eq3A_215, %iota3A, %broadcast_in_dim3A_217 : vector<1x10112xi1>, vector<1x10112xi32>
    %reduce_min3A_219 = vector.shape_cast %select_n3A_218 : vector<1x10112xi32> to vector<1x1x10112xi32>
    %reduce_min3A_220 = arith.constant dense<2147483647> : vector<1xi32>
    %reduce_min3A_221 = vector.multi_reduction <minsi>, %reduce_min3A_219, %reduce_min3A_220 [1, 2] : vector<1x1x10112xi32> to vector<1xi32>
    %reduce_min3A_222 = vector.shape_cast %reduce_min3A_221 : vector<1xi32> to vector<1x1x1xi32>
    %reduce_min3A_223 = vector.extract %reduce_min3A_222[0, 0, 0] : i32 from vector<1x1x1xi32>
    %eq3A_224 = vector.broadcast %reduce_min3A_223 : i32 to vector<1x10112xi32>
    %eq3A_225 = arith.cmpi eq, %iota3A, %eq3A_224 : vector<1x10112xi32>
    %gt3A_226 = arith.constant 7 : i32
    %gt3A_227 = arith.cmpi sgt, %reduce_sum3A_6, %gt3A_226 : i32
    %jit3A_228 = arith.constant 1.000000e+00 : f32
    %jit3A_229 = arith.constant 0.000000e+00 : f32
    %select_n3A_230 = arith.select %gt3A_227, %jit3A_228, %jit3A_229 : f32
    %convert_element_type3A_231 = arith.extui %eq3A_225 : vector<1x10112xi1> to vector<1x10112xi32>
    %convert_element_type3A_232 = arith.sitofp %convert_element_type3A_231 : vector<1x10112xi32> to vector<1x10112xf32>
    %mul3A_233 = vector.broadcast %select_n3A_230 : f32 to vector<1x10112xf32>
    %mul3A_234 = arith.mulf %convert_element_type3A_232, %mul3A_233 : vector<1x10112xf32>
    %jit3A_235 = arith.constant -3.000000e+38 : f32
    %broadcast_in_dim3A_236 = vector.broadcast %jit3A_235 : f32 to vector<1x10112xf32>
    %select_n3A_237 = arith.select %eq3A_225, %broadcast_in_dim3A_236, %select_n3A_208 : vector<1x10112xi1>, vector<1x10112xf32>
    %reduce_max3A_238 = vector.shape_cast %select_n3A_237 : vector<1x10112xf32> to vector<1x1x10112xf32>
    %reduce_max3A_239 = arith.constant dense<0xFF800000> : vector<1xf32>
    %reduce_max3A_240 = vector.multi_reduction <maximumf>, %reduce_max3A_238, %reduce_max3A_239 [1, 2] : vector<1x1x10112xf32> to vector<1xf32>
    %reduce_max3A_241 = vector.shape_cast %reduce_max3A_240 : vector<1xf32> to vector<1x1x1xf32>
    %reduce_max3A_242 = vector.extract %reduce_max3A_241[0, 0, 0] : f32 from vector<1x1x1xf32>
    %eq3A_243 = vector.broadcast %reduce_max3A_242 : f32 to vector<1x10112xf32>
    %eq3A_244 = arith.cmpf oeq, %select_n3A_237, %eq3A_243 : vector<1x10112xf32>
    %jit3A_245 = arith.constant 1073741824 : i32
    %broadcast_in_dim3A_246 = vector.broadcast %jit3A_245 : i32 to vector<1x10112xi32>
    %select_n3A_247 = arith.select %eq3A_244, %iota3A, %broadcast_in_dim3A_246 : vector<1x10112xi1>, vector<1x10112xi32>
    %reduce_min3A_248 = vector.shape_cast %select_n3A_247 : vector<1x10112xi32> to vector<1x1x10112xi32>
    %reduce_min3A_249 = arith.constant dense<2147483647> : vector<1xi32>
    %reduce_min3A_250 = vector.multi_reduction <minsi>, %reduce_min3A_248, %reduce_min3A_249 [1, 2] : vector<1x1x10112xi32> to vector<1xi32>
    %reduce_min3A_251 = vector.shape_cast %reduce_min3A_250 : vector<1xi32> to vector<1x1x1xi32>
    %reduce_min3A_252 = vector.extract %reduce_min3A_251[0, 0, 0] : i32 from vector<1x1x1xi32>
    %eq3A_253 = vector.broadcast %reduce_min3A_252 : i32 to vector<1x10112xi32>
    %eq3A_254 = arith.cmpi eq, %iota3A, %eq3A_253 : vector<1x10112xi32>
    %gt3A_255 = arith.constant 8 : i32
    %gt3A_256 = arith.cmpi sgt, %reduce_sum3A_6, %gt3A_255 : i32
    %jit3A_257 = arith.constant 1.000000e+00 : f32
    %jit3A_258 = arith.constant 0.000000e+00 : f32
    %select_n3A_259 = arith.select %gt3A_256, %jit3A_257, %jit3A_258 : f32
    %convert_element_type3A_260 = arith.extui %eq3A_254 : vector<1x10112xi1> to vector<1x10112xi32>
    %convert_element_type3A_261 = arith.sitofp %convert_element_type3A_260 : vector<1x10112xi32> to vector<1x10112xf32>
    %mul3A_262 = vector.broadcast %select_n3A_259 : f32 to vector<1x10112xf32>
    %mul3A_263 = arith.mulf %convert_element_type3A_261, %mul3A_262 : vector<1x10112xf32>
    %jit3A_264 = arith.constant -3.000000e+38 : f32
    %broadcast_in_dim3A_265 = vector.broadcast %jit3A_264 : f32 to vector<1x10112xf32>
    %select_n3A_266 = arith.select %eq3A_254, %broadcast_in_dim3A_265, %select_n3A_237 : vector<1x10112xi1>, vector<1x10112xf32>
    %reduce_max3A_267 = vector.shape_cast %select_n3A_266 : vector<1x10112xf32> to vector<1x1x10112xf32>
    %reduce_max3A_268 = arith.constant dense<0xFF800000> : vector<1xf32>
    %reduce_max3A_269 = vector.multi_reduction <maximumf>, %reduce_max3A_267, %reduce_max3A_268 [1, 2] : vector<1x1x10112xf32> to vector<1xf32>
    %reduce_max3A_270 = vector.shape_cast %reduce_max3A_269 : vector<1xf32> to vector<1x1x1xf32>
    %reduce_max3A_271 = vector.extract %reduce_max3A_270[0, 0, 0] : f32 from vector<1x1x1xf32>
    %eq3A_272 = vector.broadcast %reduce_max3A_271 : f32 to vector<1x10112xf32>
    %eq3A_273 = arith.cmpf oeq, %select_n3A_266, %eq3A_272 : vector<1x10112xf32>
    %jit3A_274 = arith.constant 1073741824 : i32
    %broadcast_in_dim3A_275 = vector.broadcast %jit3A_274 : i32 to vector<1x10112xi32>
    %select_n3A_276 = arith.select %eq3A_273, %iota3A, %broadcast_in_dim3A_275 : vector<1x10112xi1>, vector<1x10112xi32>
    %reduce_min3A_277 = vector.shape_cast %select_n3A_276 : vector<1x10112xi32> to vector<1x1x10112xi32>
    %reduce_min3A_278 = arith.constant dense<2147483647> : vector<1xi32>
    %reduce_min3A_279 = vector.multi_reduction <minsi>, %reduce_min3A_277, %reduce_min3A_278 [1, 2] : vector<1x1x10112xi32> to vector<1xi32>
    %reduce_min3A_280 = vector.shape_cast %reduce_min3A_279 : vector<1xi32> to vector<1x1x1xi32>
    %reduce_min3A_281 = vector.extract %reduce_min3A_280[0, 0, 0] : i32 from vector<1x1x1xi32>
    %eq3A_282 = vector.broadcast %reduce_min3A_281 : i32 to vector<1x10112xi32>
    %eq3A_283 = arith.cmpi eq, %iota3A, %eq3A_282 : vector<1x10112xi32>
    %gt3A_284 = arith.constant 9 : i32
    %gt3A_285 = arith.cmpi sgt, %reduce_sum3A_6, %gt3A_284 : i32
    %jit3A_286 = arith.constant 1.000000e+00 : f32
    %jit3A_287 = arith.constant 0.000000e+00 : f32
    %select_n3A_288 = arith.select %gt3A_285, %jit3A_286, %jit3A_287 : f32
    %convert_element_type3A_289 = arith.extui %eq3A_283 : vector<1x10112xi1> to vector<1x10112xi32>
    %convert_element_type3A_290 = arith.sitofp %convert_element_type3A_289 : vector<1x10112xi32> to vector<1x10112xf32>
    %mul3A_291 = vector.broadcast %select_n3A_288 : f32 to vector<1x10112xf32>
    %mul3A_292 = arith.mulf %convert_element_type3A_290, %mul3A_291 : vector<1x10112xf32>
    %jit3A_293 = arith.constant -3.000000e+38 : f32
    %broadcast_in_dim3A_294 = vector.broadcast %jit3A_293 : f32 to vector<1x10112xf32>
    %select_n3A_295 = arith.select %eq3A_283, %broadcast_in_dim3A_294, %select_n3A_266 : vector<1x10112xi1>, vector<1x10112xf32>
    %reduce_max3A_296 = vector.shape_cast %select_n3A_295 : vector<1x10112xf32> to vector<1x1x10112xf32>
    %reduce_max3A_297 = arith.constant dense<0xFF800000> : vector<1xf32>
    %reduce_max3A_298 = vector.multi_reduction <maximumf>, %reduce_max3A_296, %reduce_max3A_297 [1, 2] : vector<1x1x10112xf32> to vector<1xf32>
    %reduce_max3A_299 = vector.shape_cast %reduce_max3A_298 : vector<1xf32> to vector<1x1x1xf32>
    %reduce_max3A_300 = vector.extract %reduce_max3A_299[0, 0, 0] : f32 from vector<1x1x1xf32>
    %eq3A_301 = vector.broadcast %reduce_max3A_300 : f32 to vector<1x10112xf32>
    %eq3A_302 = arith.cmpf oeq, %select_n3A_295, %eq3A_301 : vector<1x10112xf32>
    %jit3A_303 = arith.constant 1073741824 : i32
    %broadcast_in_dim3A_304 = vector.broadcast %jit3A_303 : i32 to vector<1x10112xi32>
    %select_n3A_305 = arith.select %eq3A_302, %iota3A, %broadcast_in_dim3A_304 : vector<1x10112xi1>, vector<1x10112xi32>
    %reduce_min3A_306 = vector.shape_cast %select_n3A_305 : vector<1x10112xi32> to vector<1x1x10112xi32>
    %reduce_min3A_307 = arith.constant dense<2147483647> : vector<1xi32>
    %reduce_min3A_308 = vector.multi_reduction <minsi>, %reduce_min3A_306, %reduce_min3A_307 [1, 2] : vector<1x1x10112xi32> to vector<1xi32>
    %reduce_min3A_309 = vector.shape_cast %reduce_min3A_308 : vector<1xi32> to vector<1x1x1xi32>
    %reduce_min3A_310 = vector.extract %reduce_min3A_309[0, 0, 0] : i32 from vector<1x1x1xi32>
    %eq3A_311 = vector.broadcast %reduce_min3A_310 : i32 to vector<1x10112xi32>
    %eq3A_312 = arith.cmpi eq, %iota3A, %eq3A_311 : vector<1x10112xi32>
    %gt3A_313 = arith.constant 10 : i32
    %gt3A_314 = arith.cmpi sgt, %reduce_sum3A_6, %gt3A_313 : i32
    %jit3A_315 = arith.constant 1.000000e+00 : f32
    %jit3A_316 = arith.constant 0.000000e+00 : f32
    %select_n3A_317 = arith.select %gt3A_314, %jit3A_315, %jit3A_316 : f32
    %convert_element_type3A_318 = arith.extui %eq3A_312 : vector<1x10112xi1> to vector<1x10112xi32>
    %convert_element_type3A_319 = arith.sitofp %convert_element_type3A_318 : vector<1x10112xi32> to vector<1x10112xf32>
    %mul3A_320 = vector.broadcast %select_n3A_317 : f32 to vector<1x10112xf32>
    %mul3A_321 = arith.mulf %convert_element_type3A_319, %mul3A_320 : vector<1x10112xf32>
    %jit3A_322 = arith.constant -3.000000e+38 : f32
    %broadcast_in_dim3A_323 = vector.broadcast %jit3A_322 : f32 to vector<1x10112xf32>
    %select_n3A_324 = arith.select %eq3A_312, %broadcast_in_dim3A_323, %select_n3A_295 : vector<1x10112xi1>, vector<1x10112xf32>
    %reduce_max3A_325 = vector.shape_cast %select_n3A_324 : vector<1x10112xf32> to vector<1x1x10112xf32>
    %reduce_max3A_326 = arith.constant dense<0xFF800000> : vector<1xf32>
    %reduce_max3A_327 = vector.multi_reduction <maximumf>, %reduce_max3A_325, %reduce_max3A_326 [1, 2] : vector<1x1x10112xf32> to vector<1xf32>
    %reduce_max3A_328 = vector.shape_cast %reduce_max3A_327 : vector<1xf32> to vector<1x1x1xf32>
    %reduce_max3A_329 = vector.extract %reduce_max3A_328[0, 0, 0] : f32 from vector<1x1x1xf32>
    %eq3A_330 = vector.broadcast %reduce_max3A_329 : f32 to vector<1x10112xf32>
    %eq3A_331 = arith.cmpf oeq, %select_n3A_324, %eq3A_330 : vector<1x10112xf32>
    %jit3A_332 = arith.constant 1073741824 : i32
    %broadcast_in_dim3A_333 = vector.broadcast %jit3A_332 : i32 to vector<1x10112xi32>
    %select_n3A_334 = arith.select %eq3A_331, %iota3A, %broadcast_in_dim3A_333 : vector<1x10112xi1>, vector<1x10112xi32>
    %reduce_min3A_335 = vector.shape_cast %select_n3A_334 : vector<1x10112xi32> to vector<1x1x10112xi32>
    %reduce_min3A_336 = arith.constant dense<2147483647> : vector<1xi32>
    %reduce_min3A_337 = vector.multi_reduction <minsi>, %reduce_min3A_335, %reduce_min3A_336 [1, 2] : vector<1x1x10112xi32> to vector<1xi32>
    %reduce_min3A_338 = vector.shape_cast %reduce_min3A_337 : vector<1xi32> to vector<1x1x1xi32>
    %reduce_min3A_339 = vector.extract %reduce_min3A_338[0, 0, 0] : i32 from vector<1x1x1xi32>
    %eq3A_340 = vector.broadcast %reduce_min3A_339 : i32 to vector<1x10112xi32>
    %eq3A_341 = arith.cmpi eq, %iota3A, %eq3A_340 : vector<1x10112xi32>
    %gt3A_342 = arith.constant 11 : i32
    %gt3A_343 = arith.cmpi sgt, %reduce_sum3A_6, %gt3A_342 : i32
    %jit3A_344 = arith.constant 1.000000e+00 : f32
    %jit3A_345 = arith.constant 0.000000e+00 : f32
    %select_n3A_346 = arith.select %gt3A_343, %jit3A_344, %jit3A_345 : f32
    %convert_element_type3A_347 = arith.extui %eq3A_341 : vector<1x10112xi1> to vector<1x10112xi32>
    %convert_element_type3A_348 = arith.sitofp %convert_element_type3A_347 : vector<1x10112xi32> to vector<1x10112xf32>
    %mul3A_349 = vector.broadcast %select_n3A_346 : f32 to vector<1x10112xf32>
    %mul3A_350 = arith.mulf %convert_element_type3A_348, %mul3A_349 : vector<1x10112xf32>
    %jit3A_351 = arith.constant -3.000000e+38 : f32
    %broadcast_in_dim3A_352 = vector.broadcast %jit3A_351 : f32 to vector<1x10112xf32>
    %select_n3A_353 = arith.select %eq3A_341, %broadcast_in_dim3A_352, %select_n3A_324 : vector<1x10112xi1>, vector<1x10112xf32>
    %reduce_max3A_354 = vector.shape_cast %select_n3A_353 : vector<1x10112xf32> to vector<1x1x10112xf32>
    %reduce_max3A_355 = arith.constant dense<0xFF800000> : vector<1xf32>
    %reduce_max3A_356 = vector.multi_reduction <maximumf>, %reduce_max3A_354, %reduce_max3A_355 [1, 2] : vector<1x1x10112xf32> to vector<1xf32>
    %reduce_max3A_357 = vector.shape_cast %reduce_max3A_356 : vector<1xf32> to vector<1x1x1xf32>
    %reduce_max3A_358 = vector.extract %reduce_max3A_357[0, 0, 0] : f32 from vector<1x1x1xf32>
    %eq3A_359 = vector.broadcast %reduce_max3A_358 : f32 to vector<1x10112xf32>
    %eq3A_360 = arith.cmpf oeq, %select_n3A_353, %eq3A_359 : vector<1x10112xf32>
    %jit3A_361 = arith.constant 1073741824 : i32
    %broadcast_in_dim3A_362 = vector.broadcast %jit3A_361 : i32 to vector<1x10112xi32>
    %select_n3A_363 = arith.select %eq3A_360, %iota3A, %broadcast_in_dim3A_362 : vector<1x10112xi1>, vector<1x10112xi32>
    %reduce_min3A_364 = vector.shape_cast %select_n3A_363 : vector<1x10112xi32> to vector<1x1x10112xi32>
    %reduce_min3A_365 = arith.constant dense<2147483647> : vector<1xi32>
    %reduce_min3A_366 = vector.multi_reduction <minsi>, %reduce_min3A_364, %reduce_min3A_365 [1, 2] : vector<1x1x10112xi32> to vector<1xi32>
    %reduce_min3A_367 = vector.shape_cast %reduce_min3A_366 : vector<1xi32> to vector<1x1x1xi32>
    %reduce_min3A_368 = vector.extract %reduce_min3A_367[0, 0, 0] : i32 from vector<1x1x1xi32>
    %eq3A_369 = vector.broadcast %reduce_min3A_368 : i32 to vector<1x10112xi32>
    %eq3A_370 = arith.cmpi eq, %iota3A, %eq3A_369 : vector<1x10112xi32>
    %gt3A_371 = arith.constant 12 : i32
    %gt3A_372 = arith.cmpi sgt, %reduce_sum3A_6, %gt3A_371 : i32
    %jit3A_373 = arith.constant 1.000000e+00 : f32
    %jit3A_374 = arith.constant 0.000000e+00 : f32
    %select_n3A_375 = arith.select %gt3A_372, %jit3A_373, %jit3A_374 : f32
    %convert_element_type3A_376 = arith.extui %eq3A_370 : vector<1x10112xi1> to vector<1x10112xi32>
    %convert_element_type3A_377 = arith.sitofp %convert_element_type3A_376 : vector<1x10112xi32> to vector<1x10112xf32>
    %mul3A_378 = vector.broadcast %select_n3A_375 : f32 to vector<1x10112xf32>
    %mul3A_379 = arith.mulf %convert_element_type3A_377, %mul3A_378 : vector<1x10112xf32>
    %jit3A_380 = arith.constant -3.000000e+38 : f32
    %broadcast_in_dim3A_381 = vector.broadcast %jit3A_380 : f32 to vector<1x10112xf32>
    %select_n3A_382 = arith.select %eq3A_370, %broadcast_in_dim3A_381, %select_n3A_353 : vector<1x10112xi1>, vector<1x10112xf32>
    %reduce_max3A_383 = vector.shape_cast %select_n3A_382 : vector<1x10112xf32> to vector<1x1x10112xf32>
    %reduce_max3A_384 = arith.constant dense<0xFF800000> : vector<1xf32>
    %reduce_max3A_385 = vector.multi_reduction <maximumf>, %reduce_max3A_383, %reduce_max3A_384 [1, 2] : vector<1x1x10112xf32> to vector<1xf32>
    %reduce_max3A_386 = vector.shape_cast %reduce_max3A_385 : vector<1xf32> to vector<1x1x1xf32>
    %reduce_max3A_387 = vector.extract %reduce_max3A_386[0, 0, 0] : f32 from vector<1x1x1xf32>
    %eq3A_388 = vector.broadcast %reduce_max3A_387 : f32 to vector<1x10112xf32>
    %eq3A_389 = arith.cmpf oeq, %select_n3A_382, %eq3A_388 : vector<1x10112xf32>
    %jit3A_390 = arith.constant 1073741824 : i32
    %broadcast_in_dim3A_391 = vector.broadcast %jit3A_390 : i32 to vector<1x10112xi32>
    %select_n3A_392 = arith.select %eq3A_389, %iota3A, %broadcast_in_dim3A_391 : vector<1x10112xi1>, vector<1x10112xi32>
    %reduce_min3A_393 = vector.shape_cast %select_n3A_392 : vector<1x10112xi32> to vector<1x1x10112xi32>
    %reduce_min3A_394 = arith.constant dense<2147483647> : vector<1xi32>
    %reduce_min3A_395 = vector.multi_reduction <minsi>, %reduce_min3A_393, %reduce_min3A_394 [1, 2] : vector<1x1x10112xi32> to vector<1xi32>
    %reduce_min3A_396 = vector.shape_cast %reduce_min3A_395 : vector<1xi32> to vector<1x1x1xi32>
    %reduce_min3A_397 = vector.extract %reduce_min3A_396[0, 0, 0] : i32 from vector<1x1x1xi32>
    %eq3A_398 = vector.broadcast %reduce_min3A_397 : i32 to vector<1x10112xi32>
    %eq3A_399 = arith.cmpi eq, %iota3A, %eq3A_398 : vector<1x10112xi32>
    %gt3A_400 = arith.constant 13 : i32
    %gt3A_401 = arith.cmpi sgt, %reduce_sum3A_6, %gt3A_400 : i32
    %jit3A_402 = arith.constant 1.000000e+00 : f32
    %jit3A_403 = arith.constant 0.000000e+00 : f32
    %select_n3A_404 = arith.select %gt3A_401, %jit3A_402, %jit3A_403 : f32
    %convert_element_type3A_405 = arith.extui %eq3A_399 : vector<1x10112xi1> to vector<1x10112xi32>
    %convert_element_type3A_406 = arith.sitofp %convert_element_type3A_405 : vector<1x10112xi32> to vector<1x10112xf32>
    %mul3A_407 = vector.broadcast %select_n3A_404 : f32 to vector<1x10112xf32>
    %mul3A_408 = arith.mulf %convert_element_type3A_406, %mul3A_407 : vector<1x10112xf32>
    %jit3A_409 = arith.constant -3.000000e+38 : f32
    %broadcast_in_dim3A_410 = vector.broadcast %jit3A_409 : f32 to vector<1x10112xf32>
    %select_n3A_411 = arith.select %eq3A_399, %broadcast_in_dim3A_410, %select_n3A_382 : vector<1x10112xi1>, vector<1x10112xf32>
    %reduce_max3A_412 = vector.shape_cast %select_n3A_411 : vector<1x10112xf32> to vector<1x1x10112xf32>
    %reduce_max3A_413 = arith.constant dense<0xFF800000> : vector<1xf32>
    %reduce_max3A_414 = vector.multi_reduction <maximumf>, %reduce_max3A_412, %reduce_max3A_413 [1, 2] : vector<1x1x10112xf32> to vector<1xf32>
    %reduce_max3A_415 = vector.shape_cast %reduce_max3A_414 : vector<1xf32> to vector<1x1x1xf32>
    %reduce_max3A_416 = vector.extract %reduce_max3A_415[0, 0, 0] : f32 from vector<1x1x1xf32>
    %eq3A_417 = vector.broadcast %reduce_max3A_416 : f32 to vector<1x10112xf32>
    %eq3A_418 = arith.cmpf oeq, %select_n3A_411, %eq3A_417 : vector<1x10112xf32>
    %jit3A_419 = arith.constant 1073741824 : i32
    %broadcast_in_dim3A_420 = vector.broadcast %jit3A_419 : i32 to vector<1x10112xi32>
    %select_n3A_421 = arith.select %eq3A_418, %iota3A, %broadcast_in_dim3A_420 : vector<1x10112xi1>, vector<1x10112xi32>
    %reduce_min3A_422 = vector.shape_cast %select_n3A_421 : vector<1x10112xi32> to vector<1x1x10112xi32>
    %reduce_min3A_423 = arith.constant dense<2147483647> : vector<1xi32>
    %reduce_min3A_424 = vector.multi_reduction <minsi>, %reduce_min3A_422, %reduce_min3A_423 [1, 2] : vector<1x1x10112xi32> to vector<1xi32>
    %reduce_min3A_425 = vector.shape_cast %reduce_min3A_424 : vector<1xi32> to vector<1x1x1xi32>
    %reduce_min3A_426 = vector.extract %reduce_min3A_425[0, 0, 0] : i32 from vector<1x1x1xi32>
    %eq3A_427 = vector.broadcast %reduce_min3A_426 : i32 to vector<1x10112xi32>
    %eq3A_428 = arith.cmpi eq, %iota3A, %eq3A_427 : vector<1x10112xi32>
    %gt3A_429 = arith.constant 14 : i32
    %gt3A_430 = arith.cmpi sgt, %reduce_sum3A_6, %gt3A_429 : i32
    %jit3A_431 = arith.constant 1.000000e+00 : f32
    %jit3A_432 = arith.constant 0.000000e+00 : f32
    %select_n3A_433 = arith.select %gt3A_430, %jit3A_431, %jit3A_432 : f32
    %convert_element_type3A_434 = arith.extui %eq3A_428 : vector<1x10112xi1> to vector<1x10112xi32>
    %convert_element_type3A_435 = arith.sitofp %convert_element_type3A_434 : vector<1x10112xi32> to vector<1x10112xf32>
    %mul3A_436 = vector.broadcast %select_n3A_433 : f32 to vector<1x10112xf32>
    %mul3A_437 = arith.mulf %convert_element_type3A_435, %mul3A_436 : vector<1x10112xf32>
    %jit3A_438 = arith.constant -3.000000e+38 : f32
    %broadcast_in_dim3A_439 = vector.broadcast %jit3A_438 : f32 to vector<1x10112xf32>
    %select_n3A_440 = arith.select %eq3A_428, %broadcast_in_dim3A_439, %select_n3A_411 : vector<1x10112xi1>, vector<1x10112xf32>
    %reduce_max3A_441 = vector.shape_cast %select_n3A_440 : vector<1x10112xf32> to vector<1x1x10112xf32>
    %reduce_max3A_442 = arith.constant dense<0xFF800000> : vector<1xf32>
    %reduce_max3A_443 = vector.multi_reduction <maximumf>, %reduce_max3A_441, %reduce_max3A_442 [1, 2] : vector<1x1x10112xf32> to vector<1xf32>
    %reduce_max3A_444 = vector.shape_cast %reduce_max3A_443 : vector<1xf32> to vector<1x1x1xf32>
    %reduce_max3A_445 = vector.extract %reduce_max3A_444[0, 0, 0] : f32 from vector<1x1x1xf32>
    %eq3A_446 = vector.broadcast %reduce_max3A_445 : f32 to vector<1x10112xf32>
    %eq3A_447 = arith.cmpf oeq, %select_n3A_440, %eq3A_446 : vector<1x10112xf32>
    %jit3A_448 = arith.constant 1073741824 : i32
    %broadcast_in_dim3A_449 = vector.broadcast %jit3A_448 : i32 to vector<1x10112xi32>
    %select_n3A_450 = arith.select %eq3A_447, %iota3A, %broadcast_in_dim3A_449 : vector<1x10112xi1>, vector<1x10112xi32>
    %reduce_min3A_451 = vector.shape_cast %select_n3A_450 : vector<1x10112xi32> to vector<1x1x10112xi32>
    %reduce_min3A_452 = arith.constant dense<2147483647> : vector<1xi32>
    %reduce_min3A_453 = vector.multi_reduction <minsi>, %reduce_min3A_451, %reduce_min3A_452 [1, 2] : vector<1x1x10112xi32> to vector<1xi32>
    %reduce_min3A_454 = vector.shape_cast %reduce_min3A_453 : vector<1xi32> to vector<1x1x1xi32>
    %reduce_min3A_455 = vector.extract %reduce_min3A_454[0, 0, 0] : i32 from vector<1x1x1xi32>
    %eq3A_456 = vector.broadcast %reduce_min3A_455 : i32 to vector<1x10112xi32>
    %eq3A_457 = arith.cmpi eq, %iota3A, %eq3A_456 : vector<1x10112xi32>
    %gt3A_458 = arith.constant 15 : i32
    %gt3A_459 = arith.cmpi sgt, %reduce_sum3A_6, %gt3A_458 : i32
    %jit3A_460 = arith.constant 1.000000e+00 : f32
    %jit3A_461 = arith.constant 0.000000e+00 : f32
    %select_n3A_462 = arith.select %gt3A_459, %jit3A_460, %jit3A_461 : f32
    %convert_element_type3A_463 = arith.extui %eq3A_457 : vector<1x10112xi1> to vector<1x10112xi32>
    %convert_element_type3A_464 = arith.sitofp %convert_element_type3A_463 : vector<1x10112xi32> to vector<1x10112xf32>
    %mul3A_465 = vector.broadcast %select_n3A_462 : f32 to vector<1x10112xf32>
    %mul3A_466 = arith.mulf %convert_element_type3A_464, %mul3A_465 : vector<1x10112xf32>
    %jit3A_467 = arith.constant -3.000000e+38 : f32
    %broadcast_in_dim3A_468 = vector.broadcast %jit3A_467 : f32 to vector<1x10112xf32>
    %select_n3A_469 = arith.select %eq3A_457, %broadcast_in_dim3A_468, %select_n3A_440 : vector<1x10112xi1>, vector<1x10112xf32>
    %reduce_max3A_470 = vector.shape_cast %select_n3A_469 : vector<1x10112xf32> to vector<1x1x10112xf32>
    %reduce_max3A_471 = arith.constant dense<0xFF800000> : vector<1xf32>
    %reduce_max3A_472 = vector.multi_reduction <maximumf>, %reduce_max3A_470, %reduce_max3A_471 [1, 2] : vector<1x1x10112xf32> to vector<1xf32>
    %reduce_max3A_473 = vector.shape_cast %reduce_max3A_472 : vector<1xf32> to vector<1x1x1xf32>
    %reduce_max3A_474 = vector.extract %reduce_max3A_473[0, 0, 0] : f32 from vector<1x1x1xf32>
    %eq3A_475 = vector.broadcast %reduce_max3A_474 : f32 to vector<1x10112xf32>
    %eq3A_476 = arith.cmpf oeq, %select_n3A_469, %eq3A_475 : vector<1x10112xf32>
    %jit3A_477 = arith.constant 1073741824 : i32
    %broadcast_in_dim3A_478 = vector.broadcast %jit3A_477 : i32 to vector<1x10112xi32>
    %select_n3A_479 = arith.select %eq3A_476, %iota3A, %broadcast_in_dim3A_478 : vector<1x10112xi1>, vector<1x10112xi32>
    %reduce_min3A_480 = vector.shape_cast %select_n3A_479 : vector<1x10112xi32> to vector<1x1x10112xi32>
    %reduce_min3A_481 = arith.constant dense<2147483647> : vector<1xi32>
    %reduce_min3A_482 = vector.multi_reduction <minsi>, %reduce_min3A_480, %reduce_min3A_481 [1, 2] : vector<1x1x10112xi32> to vector<1xi32>
    %reduce_min3A_483 = vector.shape_cast %reduce_min3A_482 : vector<1xi32> to vector<1x1x1xi32>
    %reduce_min3A_484 = vector.extract %reduce_min3A_483[0, 0, 0] : i32 from vector<1x1x1xi32>
    %eq3A_485 = vector.broadcast %reduce_min3A_484 : i32 to vector<1x10112xi32>
    %eq3A_486 = arith.cmpi eq, %iota3A, %eq3A_485 : vector<1x10112xi32>
    %gt3A_487 = arith.constant 16 : i32
    %gt3A_488 = arith.cmpi sgt, %reduce_sum3A_6, %gt3A_487 : i32
    %jit3A_489 = arith.constant 1.000000e+00 : f32
    %jit3A_490 = arith.constant 0.000000e+00 : f32
    %select_n3A_491 = arith.select %gt3A_488, %jit3A_489, %jit3A_490 : f32
    %convert_element_type3A_492 = arith.extui %eq3A_486 : vector<1x10112xi1> to vector<1x10112xi32>
    %convert_element_type3A_493 = arith.sitofp %convert_element_type3A_492 : vector<1x10112xi32> to vector<1x10112xf32>
    %mul3A_494 = vector.broadcast %select_n3A_491 : f32 to vector<1x10112xf32>
    %mul3A_495 = arith.mulf %convert_element_type3A_493, %mul3A_494 : vector<1x10112xf32>
    %jit3A_496 = arith.constant -3.000000e+38 : f32
    %broadcast_in_dim3A_497 = vector.broadcast %jit3A_496 : f32 to vector<1x10112xf32>
    %select_n3A_498 = arith.select %eq3A_486, %broadcast_in_dim3A_497, %select_n3A_469 : vector<1x10112xi1>, vector<1x10112xf32>
    %reduce_max3A_499 = vector.shape_cast %select_n3A_498 : vector<1x10112xf32> to vector<1x1x10112xf32>
    %reduce_max3A_500 = arith.constant dense<0xFF800000> : vector<1xf32>
    %reduce_max3A_501 = vector.multi_reduction <maximumf>, %reduce_max3A_499, %reduce_max3A_500 [1, 2] : vector<1x1x10112xf32> to vector<1xf32>
    %reduce_max3A_502 = vector.shape_cast %reduce_max3A_501 : vector<1xf32> to vector<1x1x1xf32>
    %reduce_max3A_503 = vector.extract %reduce_max3A_502[0, 0, 0] : f32 from vector<1x1x1xf32>
    %eq3A_504 = vector.broadcast %reduce_max3A_503 : f32 to vector<1x10112xf32>
    %eq3A_505 = arith.cmpf oeq, %select_n3A_498, %eq3A_504 : vector<1x10112xf32>
    %jit3A_506 = arith.constant 1073741824 : i32
    %broadcast_in_dim3A_507 = vector.broadcast %jit3A_506 : i32 to vector<1x10112xi32>
    %select_n3A_508 = arith.select %eq3A_505, %iota3A, %broadcast_in_dim3A_507 : vector<1x10112xi1>, vector<1x10112xi32>
    %reduce_min3A_509 = vector.shape_cast %select_n3A_508 : vector<1x10112xi32> to vector<1x1x10112xi32>
    %reduce_min3A_510 = arith.constant dense<2147483647> : vector<1xi32>
    %reduce_min3A_511 = vector.multi_reduction <minsi>, %reduce_min3A_509, %reduce_min3A_510 [1, 2] : vector<1x1x10112xi32> to vector<1xi32>
    %reduce_min3A_512 = vector.shape_cast %reduce_min3A_511 : vector<1xi32> to vector<1x1x1xi32>
    %reduce_min3A_513 = vector.extract %reduce_min3A_512[0, 0, 0] : i32 from vector<1x1x1xi32>
    %eq3A_514 = vector.broadcast %reduce_min3A_513 : i32 to vector<1x10112xi32>
    %eq3A_515 = arith.cmpi eq, %iota3A, %eq3A_514 : vector<1x10112xi32>
    %gt3A_516 = arith.constant 17 : i32
    %gt3A_517 = arith.cmpi sgt, %reduce_sum3A_6, %gt3A_516 : i32
    %jit3A_518 = arith.constant 1.000000e+00 : f32
    %jit3A_519 = arith.constant 0.000000e+00 : f32
    %select_n3A_520 = arith.select %gt3A_517, %jit3A_518, %jit3A_519 : f32
    %convert_element_type3A_521 = arith.extui %eq3A_515 : vector<1x10112xi1> to vector<1x10112xi32>
    %convert_element_type3A_522 = arith.sitofp %convert_element_type3A_521 : vector<1x10112xi32> to vector<1x10112xf32>
    %mul3A_523 = vector.broadcast %select_n3A_520 : f32 to vector<1x10112xf32>
    %mul3A_524 = arith.mulf %convert_element_type3A_522, %mul3A_523 : vector<1x10112xf32>
    %jit3A_525 = arith.constant -3.000000e+38 : f32
    %broadcast_in_dim3A_526 = vector.broadcast %jit3A_525 : f32 to vector<1x10112xf32>
    %select_n3A_527 = arith.select %eq3A_515, %broadcast_in_dim3A_526, %select_n3A_498 : vector<1x10112xi1>, vector<1x10112xf32>
    %reduce_max3A_528 = vector.shape_cast %select_n3A_527 : vector<1x10112xf32> to vector<1x1x10112xf32>
    %reduce_max3A_529 = arith.constant dense<0xFF800000> : vector<1xf32>
    %reduce_max3A_530 = vector.multi_reduction <maximumf>, %reduce_max3A_528, %reduce_max3A_529 [1, 2] : vector<1x1x10112xf32> to vector<1xf32>
    %reduce_max3A_531 = vector.shape_cast %reduce_max3A_530 : vector<1xf32> to vector<1x1x1xf32>
    %reduce_max3A_532 = vector.extract %reduce_max3A_531[0, 0, 0] : f32 from vector<1x1x1xf32>
    %eq3A_533 = vector.broadcast %reduce_max3A_532 : f32 to vector<1x10112xf32>
    %eq3A_534 = arith.cmpf oeq, %select_n3A_527, %eq3A_533 : vector<1x10112xf32>
    %jit3A_535 = arith.constant 1073741824 : i32
    %broadcast_in_dim3A_536 = vector.broadcast %jit3A_535 : i32 to vector<1x10112xi32>
    %select_n3A_537 = arith.select %eq3A_534, %iota3A, %broadcast_in_dim3A_536 : vector<1x10112xi1>, vector<1x10112xi32>
    %reduce_min3A_538 = vector.shape_cast %select_n3A_537 : vector<1x10112xi32> to vector<1x1x10112xi32>
    %reduce_min3A_539 = arith.constant dense<2147483647> : vector<1xi32>
    %reduce_min3A_540 = vector.multi_reduction <minsi>, %reduce_min3A_538, %reduce_min3A_539 [1, 2] : vector<1x1x10112xi32> to vector<1xi32>
    %reduce_min3A_541 = vector.shape_cast %reduce_min3A_540 : vector<1xi32> to vector<1x1x1xi32>
    %reduce_min3A_542 = vector.extract %reduce_min3A_541[0, 0, 0] : i32 from vector<1x1x1xi32>
    %eq3A_543 = vector.broadcast %reduce_min3A_542 : i32 to vector<1x10112xi32>
    %eq3A_544 = arith.cmpi eq, %iota3A, %eq3A_543 : vector<1x10112xi32>
    %gt3A_545 = arith.constant 18 : i32
    %gt3A_546 = arith.cmpi sgt, %reduce_sum3A_6, %gt3A_545 : i32
    %jit3A_547 = arith.constant 1.000000e+00 : f32
    %jit3A_548 = arith.constant 0.000000e+00 : f32
    %select_n3A_549 = arith.select %gt3A_546, %jit3A_547, %jit3A_548 : f32
    %convert_element_type3A_550 = arith.extui %eq3A_544 : vector<1x10112xi1> to vector<1x10112xi32>
    %convert_element_type3A_551 = arith.sitofp %convert_element_type3A_550 : vector<1x10112xi32> to vector<1x10112xf32>
    %mul3A_552 = vector.broadcast %select_n3A_549 : f32 to vector<1x10112xf32>
    %mul3A_553 = arith.mulf %convert_element_type3A_551, %mul3A_552 : vector<1x10112xf32>
    %jit3A_554 = arith.constant -3.000000e+38 : f32
    %broadcast_in_dim3A_555 = vector.broadcast %jit3A_554 : f32 to vector<1x10112xf32>
    %select_n3A_556 = arith.select %eq3A_544, %broadcast_in_dim3A_555, %select_n3A_527 : vector<1x10112xi1>, vector<1x10112xf32>
    %reduce_max3A_557 = vector.shape_cast %select_n3A_556 : vector<1x10112xf32> to vector<1x1x10112xf32>
    %reduce_max3A_558 = arith.constant dense<0xFF800000> : vector<1xf32>
    %reduce_max3A_559 = vector.multi_reduction <maximumf>, %reduce_max3A_557, %reduce_max3A_558 [1, 2] : vector<1x1x10112xf32> to vector<1xf32>
    %reduce_max3A_560 = vector.shape_cast %reduce_max3A_559 : vector<1xf32> to vector<1x1x1xf32>
    %reduce_max3A_561 = vector.extract %reduce_max3A_560[0, 0, 0] : f32 from vector<1x1x1xf32>
    %eq3A_562 = vector.broadcast %reduce_max3A_561 : f32 to vector<1x10112xf32>
    %eq3A_563 = arith.cmpf oeq, %select_n3A_556, %eq3A_562 : vector<1x10112xf32>
    %jit3A_564 = arith.constant 1073741824 : i32
    %broadcast_in_dim3A_565 = vector.broadcast %jit3A_564 : i32 to vector<1x10112xi32>
    %select_n3A_566 = arith.select %eq3A_563, %iota3A, %broadcast_in_dim3A_565 : vector<1x10112xi1>, vector<1x10112xi32>
    %reduce_min3A_567 = vector.shape_cast %select_n3A_566 : vector<1x10112xi32> to vector<1x1x10112xi32>
    %reduce_min3A_568 = arith.constant dense<2147483647> : vector<1xi32>
    %reduce_min3A_569 = vector.multi_reduction <minsi>, %reduce_min3A_567, %reduce_min3A_568 [1, 2] : vector<1x1x10112xi32> to vector<1xi32>
    %reduce_min3A_570 = vector.shape_cast %reduce_min3A_569 : vector<1xi32> to vector<1x1x1xi32>
    %reduce_min3A_571 = vector.extract %reduce_min3A_570[0, 0, 0] : i32 from vector<1x1x1xi32>
    %eq3A_572 = vector.broadcast %reduce_min3A_571 : i32 to vector<1x10112xi32>
    %eq3A_573 = arith.cmpi eq, %iota3A, %eq3A_572 : vector<1x10112xi32>
    %gt3A_574 = arith.constant 19 : i32
    %gt3A_575 = arith.cmpi sgt, %reduce_sum3A_6, %gt3A_574 : i32
    %jit3A_576 = arith.constant 1.000000e+00 : f32
    %jit3A_577 = arith.constant 0.000000e+00 : f32
    %select_n3A_578 = arith.select %gt3A_575, %jit3A_576, %jit3A_577 : f32
    %convert_element_type3A_579 = arith.extui %eq3A_573 : vector<1x10112xi1> to vector<1x10112xi32>
    %convert_element_type3A_580 = arith.sitofp %convert_element_type3A_579 : vector<1x10112xi32> to vector<1x10112xf32>
    %mul3A_581 = vector.broadcast %select_n3A_578 : f32 to vector<1x10112xf32>
    %mul3A_582 = arith.mulf %convert_element_type3A_580, %mul3A_581 : vector<1x10112xf32>
    %jit3A_583 = arith.constant -3.000000e+38 : f32
    %broadcast_in_dim3A_584 = vector.broadcast %jit3A_583 : f32 to vector<1x10112xf32>
    %select_n3A_585 = arith.select %eq3A_573, %broadcast_in_dim3A_584, %select_n3A_556 : vector<1x10112xi1>, vector<1x10112xf32>
    %reduce_max3A_586 = vector.shape_cast %select_n3A_585 : vector<1x10112xf32> to vector<1x1x10112xf32>
    %reduce_max3A_587 = arith.constant dense<0xFF800000> : vector<1xf32>
    %reduce_max3A_588 = vector.multi_reduction <maximumf>, %reduce_max3A_586, %reduce_max3A_587 [1, 2] : vector<1x1x10112xf32> to vector<1xf32>
    %reduce_max3A_589 = vector.shape_cast %reduce_max3A_588 : vector<1xf32> to vector<1x1x1xf32>
    %reduce_max3A_590 = vector.extract %reduce_max3A_589[0, 0, 0] : f32 from vector<1x1x1xf32>
    %eq3A_591 = vector.broadcast %reduce_max3A_590 : f32 to vector<1x10112xf32>
    %eq3A_592 = arith.cmpf oeq, %select_n3A_585, %eq3A_591 : vector<1x10112xf32>
    %jit3A_593 = arith.constant 1073741824 : i32
    %broadcast_in_dim3A_594 = vector.broadcast %jit3A_593 : i32 to vector<1x10112xi32>
    %select_n3A_595 = arith.select %eq3A_592, %iota3A, %broadcast_in_dim3A_594 : vector<1x10112xi1>, vector<1x10112xi32>
    %reduce_min3A_596 = vector.shape_cast %select_n3A_595 : vector<1x10112xi32> to vector<1x1x10112xi32>
    %reduce_min3A_597 = arith.constant dense<2147483647> : vector<1xi32>
    %reduce_min3A_598 = vector.multi_reduction <minsi>, %reduce_min3A_596, %reduce_min3A_597 [1, 2] : vector<1x1x10112xi32> to vector<1xi32>
    %reduce_min3A_599 = vector.shape_cast %reduce_min3A_598 : vector<1xi32> to vector<1x1x1xi32>
    %reduce_min3A_600 = vector.extract %reduce_min3A_599[0, 0, 0] : i32 from vector<1x1x1xi32>
    %eq3A_601 = vector.broadcast %reduce_min3A_600 : i32 to vector<1x10112xi32>
    %eq3A_602 = arith.cmpi eq, %iota3A, %eq3A_601 : vector<1x10112xi32>
    %gt3A_603 = arith.constant 20 : i32
    %gt3A_604 = arith.cmpi sgt, %reduce_sum3A_6, %gt3A_603 : i32
    %jit3A_605 = arith.constant 1.000000e+00 : f32
    %jit3A_606 = arith.constant 0.000000e+00 : f32
    %select_n3A_607 = arith.select %gt3A_604, %jit3A_605, %jit3A_606 : f32
    %convert_element_type3A_608 = arith.extui %eq3A_602 : vector<1x10112xi1> to vector<1x10112xi32>
    %convert_element_type3A_609 = arith.sitofp %convert_element_type3A_608 : vector<1x10112xi32> to vector<1x10112xf32>
    %mul3A_610 = vector.broadcast %select_n3A_607 : f32 to vector<1x10112xf32>
    %mul3A_611 = arith.mulf %convert_element_type3A_609, %mul3A_610 : vector<1x10112xf32>
    %jit3A_612 = arith.constant -3.000000e+38 : f32
    %broadcast_in_dim3A_613 = vector.broadcast %jit3A_612 : f32 to vector<1x10112xf32>
    %select_n3A_614 = arith.select %eq3A_602, %broadcast_in_dim3A_613, %select_n3A_585 : vector<1x10112xi1>, vector<1x10112xf32>
    %reduce_max3A_615 = vector.shape_cast %select_n3A_614 : vector<1x10112xf32> to vector<1x1x10112xf32>
    %reduce_max3A_616 = arith.constant dense<0xFF800000> : vector<1xf32>
    %reduce_max3A_617 = vector.multi_reduction <maximumf>, %reduce_max3A_615, %reduce_max3A_616 [1, 2] : vector<1x1x10112xf32> to vector<1xf32>
    %reduce_max3A_618 = vector.shape_cast %reduce_max3A_617 : vector<1xf32> to vector<1x1x1xf32>
    %reduce_max3A_619 = vector.extract %reduce_max3A_618[0, 0, 0] : f32 from vector<1x1x1xf32>
    %eq3A_620 = vector.broadcast %reduce_max3A_619 : f32 to vector<1x10112xf32>
    %eq3A_621 = arith.cmpf oeq, %select_n3A_614, %eq3A_620 : vector<1x10112xf32>
    %jit3A_622 = arith.constant 1073741824 : i32
    %broadcast_in_dim3A_623 = vector.broadcast %jit3A_622 : i32 to vector<1x10112xi32>
    %select_n3A_624 = arith.select %eq3A_621, %iota3A, %broadcast_in_dim3A_623 : vector<1x10112xi1>, vector<1x10112xi32>
    %reduce_min3A_625 = vector.shape_cast %select_n3A_624 : vector<1x10112xi32> to vector<1x1x10112xi32>
    %reduce_min3A_626 = arith.constant dense<2147483647> : vector<1xi32>
    %reduce_min3A_627 = vector.multi_reduction <minsi>, %reduce_min3A_625, %reduce_min3A_626 [1, 2] : vector<1x1x10112xi32> to vector<1xi32>
    %reduce_min3A_628 = vector.shape_cast %reduce_min3A_627 : vector<1xi32> to vector<1x1x1xi32>
    %reduce_min3A_629 = vector.extract %reduce_min3A_628[0, 0, 0] : i32 from vector<1x1x1xi32>
    %eq3A_630 = vector.broadcast %reduce_min3A_629 : i32 to vector<1x10112xi32>
    %eq3A_631 = arith.cmpi eq, %iota3A, %eq3A_630 : vector<1x10112xi32>
    %gt3A_632 = arith.constant 21 : i32
    %gt3A_633 = arith.cmpi sgt, %reduce_sum3A_6, %gt3A_632 : i32
    %jit3A_634 = arith.constant 1.000000e+00 : f32
    %jit3A_635 = arith.constant 0.000000e+00 : f32
    %select_n3A_636 = arith.select %gt3A_633, %jit3A_634, %jit3A_635 : f32
    %convert_element_type3A_637 = arith.extui %eq3A_631 : vector<1x10112xi1> to vector<1x10112xi32>
    %convert_element_type3A_638 = arith.sitofp %convert_element_type3A_637 : vector<1x10112xi32> to vector<1x10112xf32>
    %mul3A_639 = vector.broadcast %select_n3A_636 : f32 to vector<1x10112xf32>
    %mul3A_640 = arith.mulf %convert_element_type3A_638, %mul3A_639 : vector<1x10112xf32>
    %jit3A_641 = arith.constant -3.000000e+38 : f32
    %broadcast_in_dim3A_642 = vector.broadcast %jit3A_641 : f32 to vector<1x10112xf32>
    %select_n3A_643 = arith.select %eq3A_631, %broadcast_in_dim3A_642, %select_n3A_614 : vector<1x10112xi1>, vector<1x10112xf32>
    %reduce_max3A_644 = vector.shape_cast %select_n3A_643 : vector<1x10112xf32> to vector<1x1x10112xf32>
    %reduce_max3A_645 = arith.constant dense<0xFF800000> : vector<1xf32>
    %reduce_max3A_646 = vector.multi_reduction <maximumf>, %reduce_max3A_644, %reduce_max3A_645 [1, 2] : vector<1x1x10112xf32> to vector<1xf32>
    %reduce_max3A_647 = vector.shape_cast %reduce_max3A_646 : vector<1xf32> to vector<1x1x1xf32>
    %reduce_max3A_648 = vector.extract %reduce_max3A_647[0, 0, 0] : f32 from vector<1x1x1xf32>
    %eq3A_649 = vector.broadcast %reduce_max3A_648 : f32 to vector<1x10112xf32>
    %eq3A_650 = arith.cmpf oeq, %select_n3A_643, %eq3A_649 : vector<1x10112xf32>
    %jit3A_651 = arith.constant 1073741824 : i32
    %broadcast_in_dim3A_652 = vector.broadcast %jit3A_651 : i32 to vector<1x10112xi32>
    %select_n3A_653 = arith.select %eq3A_650, %iota3A, %broadcast_in_dim3A_652 : vector<1x10112xi1>, vector<1x10112xi32>
    %reduce_min3A_654 = vector.shape_cast %select_n3A_653 : vector<1x10112xi32> to vector<1x1x10112xi32>
    %reduce_min3A_655 = arith.constant dense<2147483647> : vector<1xi32>
    %reduce_min3A_656 = vector.multi_reduction <minsi>, %reduce_min3A_654, %reduce_min3A_655 [1, 2] : vector<1x1x10112xi32> to vector<1xi32>
    %reduce_min3A_657 = vector.shape_cast %reduce_min3A_656 : vector<1xi32> to vector<1x1x1xi32>
    %reduce_min3A_658 = vector.extract %reduce_min3A_657[0, 0, 0] : i32 from vector<1x1x1xi32>
    %eq3A_659 = vector.broadcast %reduce_min3A_658 : i32 to vector<1x10112xi32>
    %eq3A_660 = arith.cmpi eq, %iota3A, %eq3A_659 : vector<1x10112xi32>
    %gt3A_661 = arith.constant 22 : i32
    %gt3A_662 = arith.cmpi sgt, %reduce_sum3A_6, %gt3A_661 : i32
    %jit3A_663 = arith.constant 1.000000e+00 : f32
    %jit3A_664 = arith.constant 0.000000e+00 : f32
    %select_n3A_665 = arith.select %gt3A_662, %jit3A_663, %jit3A_664 : f32
    %convert_element_type3A_666 = arith.extui %eq3A_660 : vector<1x10112xi1> to vector<1x10112xi32>
    %convert_element_type3A_667 = arith.sitofp %convert_element_type3A_666 : vector<1x10112xi32> to vector<1x10112xf32>
    %mul3A_668 = vector.broadcast %select_n3A_665 : f32 to vector<1x10112xf32>
    %mul3A_669 = arith.mulf %convert_element_type3A_667, %mul3A_668 : vector<1x10112xf32>
    %jit3A_670 = arith.constant -3.000000e+38 : f32
    %broadcast_in_dim3A_671 = vector.broadcast %jit3A_670 : f32 to vector<1x10112xf32>
    %select_n3A_672 = arith.select %eq3A_660, %broadcast_in_dim3A_671, %select_n3A_643 : vector<1x10112xi1>, vector<1x10112xf32>
    %reduce_max3A_673 = vector.shape_cast %select_n3A_672 : vector<1x10112xf32> to vector<1x1x10112xf32>
    %reduce_max3A_674 = arith.constant dense<0xFF800000> : vector<1xf32>
    %reduce_max3A_675 = vector.multi_reduction <maximumf>, %reduce_max3A_673, %reduce_max3A_674 [1, 2] : vector<1x1x10112xf32> to vector<1xf32>
    %reduce_max3A_676 = vector.shape_cast %reduce_max3A_675 : vector<1xf32> to vector<1x1x1xf32>
    %reduce_max3A_677 = vector.extract %reduce_max3A_676[0, 0, 0] : f32 from vector<1x1x1xf32>
    %eq3A_678 = vector.broadcast %reduce_max3A_677 : f32 to vector<1x10112xf32>
    %eq3A_679 = arith.cmpf oeq, %select_n3A_672, %eq3A_678 : vector<1x10112xf32>
    %jit3A_680 = arith.constant 1073741824 : i32
    %broadcast_in_dim3A_681 = vector.broadcast %jit3A_680 : i32 to vector<1x10112xi32>
    %select_n3A_682 = arith.select %eq3A_679, %iota3A, %broadcast_in_dim3A_681 : vector<1x10112xi1>, vector<1x10112xi32>
    %reduce_min3A_683 = vector.shape_cast %select_n3A_682 : vector<1x10112xi32> to vector<1x1x10112xi32>
    %reduce_min3A_684 = arith.constant dense<2147483647> : vector<1xi32>
    %reduce_min3A_685 = vector.multi_reduction <minsi>, %reduce_min3A_683, %reduce_min3A_684 [1, 2] : vector<1x1x10112xi32> to vector<1xi32>
    %reduce_min3A_686 = vector.shape_cast %reduce_min3A_685 : vector<1xi32> to vector<1x1x1xi32>
    %reduce_min3A_687 = vector.extract %reduce_min3A_686[0, 0, 0] : i32 from vector<1x1x1xi32>
    %eq3A_688 = vector.broadcast %reduce_min3A_687 : i32 to vector<1x10112xi32>
    %eq3A_689 = arith.cmpi eq, %iota3A, %eq3A_688 : vector<1x10112xi32>
    %gt3A_690 = arith.constant 23 : i32
    %gt3A_691 = arith.cmpi sgt, %reduce_sum3A_6, %gt3A_690 : i32
    %jit3A_692 = arith.constant 1.000000e+00 : f32
    %jit3A_693 = arith.constant 0.000000e+00 : f32
    %select_n3A_694 = arith.select %gt3A_691, %jit3A_692, %jit3A_693 : f32
    %convert_element_type3A_695 = arith.extui %eq3A_689 : vector<1x10112xi1> to vector<1x10112xi32>
    %convert_element_type3A_696 = arith.sitofp %convert_element_type3A_695 : vector<1x10112xi32> to vector<1x10112xf32>
    %mul3A_697 = vector.broadcast %select_n3A_694 : f32 to vector<1x10112xf32>
    %mul3A_698 = arith.mulf %convert_element_type3A_696, %mul3A_697 : vector<1x10112xf32>
    %jit3A_699 = arith.constant -3.000000e+38 : f32
    %broadcast_in_dim3A_700 = vector.broadcast %jit3A_699 : f32 to vector<1x10112xf32>
    %select_n3A_701 = arith.select %eq3A_689, %broadcast_in_dim3A_700, %select_n3A_672 : vector<1x10112xi1>, vector<1x10112xf32>
    %reduce_max3A_702 = vector.shape_cast %select_n3A_701 : vector<1x10112xf32> to vector<1x1x10112xf32>
    %reduce_max3A_703 = arith.constant dense<0xFF800000> : vector<1xf32>
    %reduce_max3A_704 = vector.multi_reduction <maximumf>, %reduce_max3A_702, %reduce_max3A_703 [1, 2] : vector<1x1x10112xf32> to vector<1xf32>
    %reduce_max3A_705 = vector.shape_cast %reduce_max3A_704 : vector<1xf32> to vector<1x1x1xf32>
    %reduce_max3A_706 = vector.extract %reduce_max3A_705[0, 0, 0] : f32 from vector<1x1x1xf32>
    %eq3A_707 = vector.broadcast %reduce_max3A_706 : f32 to vector<1x10112xf32>
    %eq3A_708 = arith.cmpf oeq, %select_n3A_701, %eq3A_707 : vector<1x10112xf32>
    %jit3A_709 = arith.constant 1073741824 : i32
    %broadcast_in_dim3A_710 = vector.broadcast %jit3A_709 : i32 to vector<1x10112xi32>
    %select_n3A_711 = arith.select %eq3A_708, %iota3A, %broadcast_in_dim3A_710 : vector<1x10112xi1>, vector<1x10112xi32>
    %reduce_min3A_712 = vector.shape_cast %select_n3A_711 : vector<1x10112xi32> to vector<1x1x10112xi32>
    %reduce_min3A_713 = arith.constant dense<2147483647> : vector<1xi32>
    %reduce_min3A_714 = vector.multi_reduction <minsi>, %reduce_min3A_712, %reduce_min3A_713 [1, 2] : vector<1x1x10112xi32> to vector<1xi32>
    %reduce_min3A_715 = vector.shape_cast %reduce_min3A_714 : vector<1xi32> to vector<1x1x1xi32>
    %reduce_min3A_716 = vector.extract %reduce_min3A_715[0, 0, 0] : i32 from vector<1x1x1xi32>
    %eq3A_717 = vector.broadcast %reduce_min3A_716 : i32 to vector<1x10112xi32>
    %eq3A_718 = arith.cmpi eq, %iota3A, %eq3A_717 : vector<1x10112xi32>
    %gt3A_719 = arith.constant 24 : i32
    %gt3A_720 = arith.cmpi sgt, %reduce_sum3A_6, %gt3A_719 : i32
    %jit3A_721 = arith.constant 1.000000e+00 : f32
    %jit3A_722 = arith.constant 0.000000e+00 : f32
    %select_n3A_723 = arith.select %gt3A_720, %jit3A_721, %jit3A_722 : f32
    %convert_element_type3A_724 = arith.extui %eq3A_718 : vector<1x10112xi1> to vector<1x10112xi32>
    %convert_element_type3A_725 = arith.sitofp %convert_element_type3A_724 : vector<1x10112xi32> to vector<1x10112xf32>
    %mul3A_726 = vector.broadcast %select_n3A_723 : f32 to vector<1x10112xf32>
    %mul3A_727 = arith.mulf %convert_element_type3A_725, %mul3A_726 : vector<1x10112xf32>
    %jit3A_728 = arith.constant -3.000000e+38 : f32
    %broadcast_in_dim3A_729 = vector.broadcast %jit3A_728 : f32 to vector<1x10112xf32>
    %select_n3A_730 = arith.select %eq3A_718, %broadcast_in_dim3A_729, %select_n3A_701 : vector<1x10112xi1>, vector<1x10112xf32>
    %reduce_max3A_731 = vector.shape_cast %select_n3A_730 : vector<1x10112xf32> to vector<1x1x10112xf32>
    %reduce_max3A_732 = arith.constant dense<0xFF800000> : vector<1xf32>
    %reduce_max3A_733 = vector.multi_reduction <maximumf>, %reduce_max3A_731, %reduce_max3A_732 [1, 2] : vector<1x1x10112xf32> to vector<1xf32>
    %reduce_max3A_734 = vector.shape_cast %reduce_max3A_733 : vector<1xf32> to vector<1x1x1xf32>
    %reduce_max3A_735 = vector.extract %reduce_max3A_734[0, 0, 0] : f32 from vector<1x1x1xf32>
    %eq3A_736 = vector.broadcast %reduce_max3A_735 : f32 to vector<1x10112xf32>
    %eq3A_737 = arith.cmpf oeq, %select_n3A_730, %eq3A_736 : vector<1x10112xf32>
    %jit3A_738 = arith.constant 1073741824 : i32
    %broadcast_in_dim3A_739 = vector.broadcast %jit3A_738 : i32 to vector<1x10112xi32>
    %select_n3A_740 = arith.select %eq3A_737, %iota3A, %broadcast_in_dim3A_739 : vector<1x10112xi1>, vector<1x10112xi32>
    %reduce_min3A_741 = vector.shape_cast %select_n3A_740 : vector<1x10112xi32> to vector<1x1x10112xi32>
    %reduce_min3A_742 = arith.constant dense<2147483647> : vector<1xi32>
    %reduce_min3A_743 = vector.multi_reduction <minsi>, %reduce_min3A_741, %reduce_min3A_742 [1, 2] : vector<1x1x10112xi32> to vector<1xi32>
    %reduce_min3A_744 = vector.shape_cast %reduce_min3A_743 : vector<1xi32> to vector<1x1x1xi32>
    %reduce_min3A_745 = vector.extract %reduce_min3A_744[0, 0, 0] : i32 from vector<1x1x1xi32>
    %eq3A_746 = vector.broadcast %reduce_min3A_745 : i32 to vector<1x10112xi32>
    %eq3A_747 = arith.cmpi eq, %iota3A, %eq3A_746 : vector<1x10112xi32>
    %gt3A_748 = arith.constant 25 : i32
    %gt3A_749 = arith.cmpi sgt, %reduce_sum3A_6, %gt3A_748 : i32
    %jit3A_750 = arith.constant 1.000000e+00 : f32
    %jit3A_751 = arith.constant 0.000000e+00 : f32
    %select_n3A_752 = arith.select %gt3A_749, %jit3A_750, %jit3A_751 : f32
    %convert_element_type3A_753 = arith.extui %eq3A_747 : vector<1x10112xi1> to vector<1x10112xi32>
    %convert_element_type3A_754 = arith.sitofp %convert_element_type3A_753 : vector<1x10112xi32> to vector<1x10112xf32>
    %mul3A_755 = vector.broadcast %select_n3A_752 : f32 to vector<1x10112xf32>
    %mul3A_756 = arith.mulf %convert_element_type3A_754, %mul3A_755 : vector<1x10112xf32>
    %jit3A_757 = arith.constant -3.000000e+38 : f32
    %broadcast_in_dim3A_758 = vector.broadcast %jit3A_757 : f32 to vector<1x10112xf32>
    %select_n3A_759 = arith.select %eq3A_747, %broadcast_in_dim3A_758, %select_n3A_730 : vector<1x10112xi1>, vector<1x10112xf32>
    %reduce_max3A_760 = vector.shape_cast %select_n3A_759 : vector<1x10112xf32> to vector<1x1x10112xf32>
    %reduce_max3A_761 = arith.constant dense<0xFF800000> : vector<1xf32>
    %reduce_max3A_762 = vector.multi_reduction <maximumf>, %reduce_max3A_760, %reduce_max3A_761 [1, 2] : vector<1x1x10112xf32> to vector<1xf32>
    %reduce_max3A_763 = vector.shape_cast %reduce_max3A_762 : vector<1xf32> to vector<1x1x1xf32>
    %reduce_max3A_764 = vector.extract %reduce_max3A_763[0, 0, 0] : f32 from vector<1x1x1xf32>
    %eq3A_765 = vector.broadcast %reduce_max3A_764 : f32 to vector<1x10112xf32>
    %eq3A_766 = arith.cmpf oeq, %select_n3A_759, %eq3A_765 : vector<1x10112xf32>
    %jit3A_767 = arith.constant 1073741824 : i32
    %broadcast_in_dim3A_768 = vector.broadcast %jit3A_767 : i32 to vector<1x10112xi32>
    %select_n3A_769 = arith.select %eq3A_766, %iota3A, %broadcast_in_dim3A_768 : vector<1x10112xi1>, vector<1x10112xi32>
    %reduce_min3A_770 = vector.shape_cast %select_n3A_769 : vector<1x10112xi32> to vector<1x1x10112xi32>
    %reduce_min3A_771 = arith.constant dense<2147483647> : vector<1xi32>
    %reduce_min3A_772 = vector.multi_reduction <minsi>, %reduce_min3A_770, %reduce_min3A_771 [1, 2] : vector<1x1x10112xi32> to vector<1xi32>
    %reduce_min3A_773 = vector.shape_cast %reduce_min3A_772 : vector<1xi32> to vector<1x1x1xi32>
    %reduce_min3A_774 = vector.extract %reduce_min3A_773[0, 0, 0] : i32 from vector<1x1x1xi32>
    %eq3A_775 = vector.broadcast %reduce_min3A_774 : i32 to vector<1x10112xi32>
    %eq3A_776 = arith.cmpi eq, %iota3A, %eq3A_775 : vector<1x10112xi32>
    %gt3A_777 = arith.constant 26 : i32
    %gt3A_778 = arith.cmpi sgt, %reduce_sum3A_6, %gt3A_777 : i32
    %jit3A_779 = arith.constant 1.000000e+00 : f32
    %jit3A_780 = arith.constant 0.000000e+00 : f32
    %select_n3A_781 = arith.select %gt3A_778, %jit3A_779, %jit3A_780 : f32
    %convert_element_type3A_782 = arith.extui %eq3A_776 : vector<1x10112xi1> to vector<1x10112xi32>
    %convert_element_type3A_783 = arith.sitofp %convert_element_type3A_782 : vector<1x10112xi32> to vector<1x10112xf32>
    %mul3A_784 = vector.broadcast %select_n3A_781 : f32 to vector<1x10112xf32>
    %mul3A_785 = arith.mulf %convert_element_type3A_783, %mul3A_784 : vector<1x10112xf32>
    %jit3A_786 = arith.constant -3.000000e+38 : f32
    %broadcast_in_dim3A_787 = vector.broadcast %jit3A_786 : f32 to vector<1x10112xf32>
    %select_n3A_788 = arith.select %eq3A_776, %broadcast_in_dim3A_787, %select_n3A_759 : vector<1x10112xi1>, vector<1x10112xf32>
    %reduce_max3A_789 = vector.shape_cast %select_n3A_788 : vector<1x10112xf32> to vector<1x1x10112xf32>
    %reduce_max3A_790 = arith.constant dense<0xFF800000> : vector<1xf32>
    %reduce_max3A_791 = vector.multi_reduction <maximumf>, %reduce_max3A_789, %reduce_max3A_790 [1, 2] : vector<1x1x10112xf32> to vector<1xf32>
    %reduce_max3A_792 = vector.shape_cast %reduce_max3A_791 : vector<1xf32> to vector<1x1x1xf32>
    %reduce_max3A_793 = vector.extract %reduce_max3A_792[0, 0, 0] : f32 from vector<1x1x1xf32>
    %eq3A_794 = vector.broadcast %reduce_max3A_793 : f32 to vector<1x10112xf32>
    %eq3A_795 = arith.cmpf oeq, %select_n3A_788, %eq3A_794 : vector<1x10112xf32>
    %jit3A_796 = arith.constant 1073741824 : i32
    %broadcast_in_dim3A_797 = vector.broadcast %jit3A_796 : i32 to vector<1x10112xi32>
    %select_n3A_798 = arith.select %eq3A_795, %iota3A, %broadcast_in_dim3A_797 : vector<1x10112xi1>, vector<1x10112xi32>
    %reduce_min3A_799 = vector.shape_cast %select_n3A_798 : vector<1x10112xi32> to vector<1x1x10112xi32>
    %reduce_min3A_800 = arith.constant dense<2147483647> : vector<1xi32>
    %reduce_min3A_801 = vector.multi_reduction <minsi>, %reduce_min3A_799, %reduce_min3A_800 [1, 2] : vector<1x1x10112xi32> to vector<1xi32>
    %reduce_min3A_802 = vector.shape_cast %reduce_min3A_801 : vector<1xi32> to vector<1x1x1xi32>
    %reduce_min3A_803 = vector.extract %reduce_min3A_802[0, 0, 0] : i32 from vector<1x1x1xi32>
    %eq3A_804 = vector.broadcast %reduce_min3A_803 : i32 to vector<1x10112xi32>
    %eq3A_805 = arith.cmpi eq, %iota3A, %eq3A_804 : vector<1x10112xi32>
    %gt3A_806 = arith.constant 27 : i32
    %gt3A_807 = arith.cmpi sgt, %reduce_sum3A_6, %gt3A_806 : i32
    %jit3A_808 = arith.constant 1.000000e+00 : f32
    %jit3A_809 = arith.constant 0.000000e+00 : f32
    %select_n3A_810 = arith.select %gt3A_807, %jit3A_808, %jit3A_809 : f32
    %convert_element_type3A_811 = arith.extui %eq3A_805 : vector<1x10112xi1> to vector<1x10112xi32>
    %convert_element_type3A_812 = arith.sitofp %convert_element_type3A_811 : vector<1x10112xi32> to vector<1x10112xf32>
    %mul3A_813 = vector.broadcast %select_n3A_810 : f32 to vector<1x10112xf32>
    %mul3A_814 = arith.mulf %convert_element_type3A_812, %mul3A_813 : vector<1x10112xf32>
    %jit3A_815 = arith.constant -3.000000e+38 : f32
    %broadcast_in_dim3A_816 = vector.broadcast %jit3A_815 : f32 to vector<1x10112xf32>
    %select_n3A_817 = arith.select %eq3A_805, %broadcast_in_dim3A_816, %select_n3A_788 : vector<1x10112xi1>, vector<1x10112xf32>
    %reduce_max3A_818 = vector.shape_cast %select_n3A_817 : vector<1x10112xf32> to vector<1x1x10112xf32>
    %reduce_max3A_819 = arith.constant dense<0xFF800000> : vector<1xf32>
    %reduce_max3A_820 = vector.multi_reduction <maximumf>, %reduce_max3A_818, %reduce_max3A_819 [1, 2] : vector<1x1x10112xf32> to vector<1xf32>
    %reduce_max3A_821 = vector.shape_cast %reduce_max3A_820 : vector<1xf32> to vector<1x1x1xf32>
    %reduce_max3A_822 = vector.extract %reduce_max3A_821[0, 0, 0] : f32 from vector<1x1x1xf32>
    %eq3A_823 = vector.broadcast %reduce_max3A_822 : f32 to vector<1x10112xf32>
    %eq3A_824 = arith.cmpf oeq, %select_n3A_817, %eq3A_823 : vector<1x10112xf32>
    %jit3A_825 = arith.constant 1073741824 : i32
    %broadcast_in_dim3A_826 = vector.broadcast %jit3A_825 : i32 to vector<1x10112xi32>
    %select_n3A_827 = arith.select %eq3A_824, %iota3A, %broadcast_in_dim3A_826 : vector<1x10112xi1>, vector<1x10112xi32>
    %reduce_min3A_828 = vector.shape_cast %select_n3A_827 : vector<1x10112xi32> to vector<1x1x10112xi32>
    %reduce_min3A_829 = arith.constant dense<2147483647> : vector<1xi32>
    %reduce_min3A_830 = vector.multi_reduction <minsi>, %reduce_min3A_828, %reduce_min3A_829 [1, 2] : vector<1x1x10112xi32> to vector<1xi32>
    %reduce_min3A_831 = vector.shape_cast %reduce_min3A_830 : vector<1xi32> to vector<1x1x1xi32>
    %reduce_min3A_832 = vector.extract %reduce_min3A_831[0, 0, 0] : i32 from vector<1x1x1xi32>
    %eq3A_833 = vector.broadcast %reduce_min3A_832 : i32 to vector<1x10112xi32>
    %eq3A_834 = arith.cmpi eq, %iota3A, %eq3A_833 : vector<1x10112xi32>
    %gt3A_835 = arith.constant 28 : i32
    %gt3A_836 = arith.cmpi sgt, %reduce_sum3A_6, %gt3A_835 : i32
    %jit3A_837 = arith.constant 1.000000e+00 : f32
    %jit3A_838 = arith.constant 0.000000e+00 : f32
    %select_n3A_839 = arith.select %gt3A_836, %jit3A_837, %jit3A_838 : f32
    %convert_element_type3A_840 = arith.extui %eq3A_834 : vector<1x10112xi1> to vector<1x10112xi32>
    %convert_element_type3A_841 = arith.sitofp %convert_element_type3A_840 : vector<1x10112xi32> to vector<1x10112xf32>
    %mul3A_842 = vector.broadcast %select_n3A_839 : f32 to vector<1x10112xf32>
    %mul3A_843 = arith.mulf %convert_element_type3A_841, %mul3A_842 : vector<1x10112xf32>
    %jit3A_844 = arith.constant -3.000000e+38 : f32
    %broadcast_in_dim3A_845 = vector.broadcast %jit3A_844 : f32 to vector<1x10112xf32>
    %select_n3A_846 = arith.select %eq3A_834, %broadcast_in_dim3A_845, %select_n3A_817 : vector<1x10112xi1>, vector<1x10112xf32>
    %reduce_max3A_847 = vector.shape_cast %select_n3A_846 : vector<1x10112xf32> to vector<1x1x10112xf32>
    %reduce_max3A_848 = arith.constant dense<0xFF800000> : vector<1xf32>
    %reduce_max3A_849 = vector.multi_reduction <maximumf>, %reduce_max3A_847, %reduce_max3A_848 [1, 2] : vector<1x1x10112xf32> to vector<1xf32>
    %reduce_max3A_850 = vector.shape_cast %reduce_max3A_849 : vector<1xf32> to vector<1x1x1xf32>
    %reduce_max3A_851 = vector.extract %reduce_max3A_850[0, 0, 0] : f32 from vector<1x1x1xf32>
    %eq3A_852 = vector.broadcast %reduce_max3A_851 : f32 to vector<1x10112xf32>
    %eq3A_853 = arith.cmpf oeq, %select_n3A_846, %eq3A_852 : vector<1x10112xf32>
    %jit3A_854 = arith.constant 1073741824 : i32
    %broadcast_in_dim3A_855 = vector.broadcast %jit3A_854 : i32 to vector<1x10112xi32>
    %select_n3A_856 = arith.select %eq3A_853, %iota3A, %broadcast_in_dim3A_855 : vector<1x10112xi1>, vector<1x10112xi32>
    %reduce_min3A_857 = vector.shape_cast %select_n3A_856 : vector<1x10112xi32> to vector<1x1x10112xi32>
    %reduce_min3A_858 = arith.constant dense<2147483647> : vector<1xi32>
    %reduce_min3A_859 = vector.multi_reduction <minsi>, %reduce_min3A_857, %reduce_min3A_858 [1, 2] : vector<1x1x10112xi32> to vector<1xi32>
    %reduce_min3A_860 = vector.shape_cast %reduce_min3A_859 : vector<1xi32> to vector<1x1x1xi32>
    %reduce_min3A_861 = vector.extract %reduce_min3A_860[0, 0, 0] : i32 from vector<1x1x1xi32>
    %eq3A_862 = vector.broadcast %reduce_min3A_861 : i32 to vector<1x10112xi32>
    %eq3A_863 = arith.cmpi eq, %iota3A, %eq3A_862 : vector<1x10112xi32>
    %gt3A_864 = arith.constant 29 : i32
    %gt3A_865 = arith.cmpi sgt, %reduce_sum3A_6, %gt3A_864 : i32
    %jit3A_866 = arith.constant 1.000000e+00 : f32
    %jit3A_867 = arith.constant 0.000000e+00 : f32
    %select_n3A_868 = arith.select %gt3A_865, %jit3A_866, %jit3A_867 : f32
    %convert_element_type3A_869 = arith.extui %eq3A_863 : vector<1x10112xi1> to vector<1x10112xi32>
    %convert_element_type3A_870 = arith.sitofp %convert_element_type3A_869 : vector<1x10112xi32> to vector<1x10112xf32>
    %mul3A_871 = vector.broadcast %select_n3A_868 : f32 to vector<1x10112xf32>
    %mul3A_872 = arith.mulf %convert_element_type3A_870, %mul3A_871 : vector<1x10112xf32>
    %concatenate3A = tpu.concatenate %mul3A_31, %mul3A_60, %mul3A_89, %mul3A_118, %mul3A_147, %mul3A_176, %mul3A_205, %mul3A_234, %mul3A_263, %mul3A_292, %mul3A_321, %mul3A_350, %mul3A_379, %mul3A_408, %mul3A_437, %mul3A_466, %mul3A_495, %mul3A_524, %mul3A_553, %mul3A_582, %mul3A_611, %mul3A_640, %mul3A_669, %mul3A_698, %mul3A_727, %mul3A_756, %mul3A_785, %mul3A_814, %mul3A_843, %mul3A_872 in 0 : vector<1x10112xf32>, vector<1x10112xf32>, vector<1x10112xf32>, vector<1x10112xf32>, vector<1x10112xf32>, vector<1x10112xf32>, vector<1x10112xf32>, vector<1x10112xf32>, vector<1x10112xf32>, vector<1x10112xf32>, vector<1x10112xf32>, vector<1x10112xf32>, vector<1x10112xf32>, vector<1x10112xf32>, vector<1x10112xf32>, vector<1x10112xf32>, vector<1x10112xf32>, vector<1x10112xf32>, vector<1x10112xf32>, vector<1x10112xf32>, vector<1x10112xf32>, vector<1x10112xf32>, vector<1x10112xf32>, vector<1x10112xf32>, vector<1x10112xf32>, vector<1x10112xf32>, vector<1x10112xf32>, vector<1x10112xf32>, vector<1x10112xf32>, vector<1x10112xf32> -> vector<30x10112xf32>
    %get3A_873 = arith.constant 0 : index
    %get3A_874 = arith.constant 0 : index
    %get3A_875 = vector.load %arg1[%get3A_873, %get3A_874] : memref<10112x128xf32, #tpu.memory_space<vmem>>, vector<10112x128xf32>
    %dot_general3A = arith.constant dense<0.000000e+00> : vector<30x128xf32>
    %dot_general3A_876 = tpu.matmul %concatenate3A, %get3A_875, %dot_general3A {dimension_numbers = #tpu.dot_dimension_numbers<[1], [0], [0], [1], [0, 0, 1, 1], [], []>, transpose_lhs_hint = false} : vector<30x10112xf32>, vector<10112x128xf32>, vector<30x128xf32> -> vector<30x128xf32>
    %get3A_877 = arith.constant 0 : index
    %get3A_878 = arith.constant 0 : index
    %get3A_879 = vector.load %arg4[%get3A_877, %get3A_878] : memref<128x16xf32, #tpu.memory_space<vmem>>, vector<128x16xf32>
    %dot_general3A_880 = arith.constant dense<0.000000e+00> : vector<30x16xf32>
    %dot_general3A_881 = tpu.matmul %dot_general3A_876, %get3A_879, %dot_general3A_880 {dimension_numbers = #tpu.dot_dimension_numbers<[1], [0], [0], [1], [0, 0, 1, 1], [], []>, transpose_lhs_hint = false} : vector<30x128xf32>, vector<128x16xf32>, vector<30x16xf32> -> vector<30x16xf32>
    %get3A_882 = arith.constant 0 : index
    %get3A_883 = arith.constant 0 : index
    %get3A_884 = vector.load %arg5[%get3A_882, %get3A_883] : memref<1x16xf32, #tpu.memory_space<vmem>>, vector<1x16xf32>
    %add3A = vector.broadcast %get3A_884 : vector<1x16xf32> to vector<30x16xf32>
    %add3A_885 = arith.addf %dot_general3A_881, %add3A : vector<30x16xf32>
    %max3A = arith.constant 0.000000e+00 : f32
    %max3A_886 = vector.broadcast %max3A : f32 to vector<30x16xf32>
    %max3A_887 = arith.maximumf %add3A_885, %max3A_886 : vector<30x16xf32>
    %slice3A = vector.extract_strided_slice %max3A_887 {offsets = [0, 0], sizes = [1, 16], strides = [1, 1]} : vector<30x16xf32> to vector<1x16xf32>
    %slice3A_888 = vector.extract_strided_slice %max3A_887 {offsets = [1, 0], sizes = [1, 16], strides = [1, 1]} : vector<30x16xf32> to vector<1x16xf32>
    %max3A_889 = arith.maximumf %slice3A, %slice3A_888 : vector<1x16xf32>
    %slice3A_890 = vector.extract_strided_slice %max3A_887 {offsets = [2, 0], sizes = [1, 16], strides = [1, 1]} : vector<30x16xf32> to vector<1x16xf32>
    %slice3A_891 = vector.extract_strided_slice %max3A_887 {offsets = [3, 0], sizes = [1, 16], strides = [1, 1]} : vector<30x16xf32> to vector<1x16xf32>
    %max3A_892 = arith.maximumf %slice3A_890, %slice3A_891 : vector<1x16xf32>
    %slice3A_893 = vector.extract_strided_slice %max3A_887 {offsets = [4, 0], sizes = [1, 16], strides = [1, 1]} : vector<30x16xf32> to vector<1x16xf32>
    %slice3A_894 = vector.extract_strided_slice %max3A_887 {offsets = [5, 0], sizes = [1, 16], strides = [1, 1]} : vector<30x16xf32> to vector<1x16xf32>
    %max3A_895 = arith.maximumf %slice3A_893, %slice3A_894 : vector<1x16xf32>
    %slice3A_896 = vector.extract_strided_slice %max3A_887 {offsets = [6, 0], sizes = [1, 16], strides = [1, 1]} : vector<30x16xf32> to vector<1x16xf32>
    %slice3A_897 = vector.extract_strided_slice %max3A_887 {offsets = [7, 0], sizes = [1, 16], strides = [1, 1]} : vector<30x16xf32> to vector<1x16xf32>
    %max3A_898 = arith.maximumf %slice3A_896, %slice3A_897 : vector<1x16xf32>
    %slice3A_899 = vector.extract_strided_slice %max3A_887 {offsets = [8, 0], sizes = [1, 16], strides = [1, 1]} : vector<30x16xf32> to vector<1x16xf32>
    %slice3A_900 = vector.extract_strided_slice %max3A_887 {offsets = [9, 0], sizes = [1, 16], strides = [1, 1]} : vector<30x16xf32> to vector<1x16xf32>
    %max3A_901 = arith.maximumf %slice3A_899, %slice3A_900 : vector<1x16xf32>
    %slice3A_902 = vector.extract_strided_slice %max3A_887 {offsets = [10, 0], sizes = [1, 16], strides = [1, 1]} : vector<30x16xf32> to vector<1x16xf32>
    %slice3A_903 = vector.extract_strided_slice %max3A_887 {offsets = [11, 0], sizes = [1, 16], strides = [1, 1]} : vector<30x16xf32> to vector<1x16xf32>
    %max3A_904 = arith.maximumf %slice3A_902, %slice3A_903 : vector<1x16xf32>
    %slice3A_905 = vector.extract_strided_slice %max3A_887 {offsets = [12, 0], sizes = [1, 16], strides = [1, 1]} : vector<30x16xf32> to vector<1x16xf32>
    %slice3A_906 = vector.extract_strided_slice %max3A_887 {offsets = [13, 0], sizes = [1, 16], strides = [1, 1]} : vector<30x16xf32> to vector<1x16xf32>
    %max3A_907 = arith.maximumf %slice3A_905, %slice3A_906 : vector<1x16xf32>
    %slice3A_908 = vector.extract_strided_slice %max3A_887 {offsets = [14, 0], sizes = [1, 16], strides = [1, 1]} : vector<30x16xf32> to vector<1x16xf32>
    %slice3A_909 = vector.extract_strided_slice %max3A_887 {offsets = [15, 0], sizes = [1, 16], strides = [1, 1]} : vector<30x16xf32> to vector<1x16xf32>
    %max3A_910 = arith.maximumf %slice3A_908, %slice3A_909 : vector<1x16xf32>
    %slice3A_911 = vector.extract_strided_slice %max3A_887 {offsets = [16, 0], sizes = [1, 16], strides = [1, 1]} : vector<30x16xf32> to vector<1x16xf32>
    %slice3A_912 = vector.extract_strided_slice %max3A_887 {offsets = [17, 0], sizes = [1, 16], strides = [1, 1]} : vector<30x16xf32> to vector<1x16xf32>
    %max3A_913 = arith.maximumf %slice3A_911, %slice3A_912 : vector<1x16xf32>
    %slice3A_914 = vector.extract_strided_slice %max3A_887 {offsets = [18, 0], sizes = [1, 16], strides = [1, 1]} : vector<30x16xf32> to vector<1x16xf32>
    %slice3A_915 = vector.extract_strided_slice %max3A_887 {offsets = [19, 0], sizes = [1, 16], strides = [1, 1]} : vector<30x16xf32> to vector<1x16xf32>
    %max3A_916 = arith.maximumf %slice3A_914, %slice3A_915 : vector<1x16xf32>
    %slice3A_917 = vector.extract_strided_slice %max3A_887 {offsets = [20, 0], sizes = [1, 16], strides = [1, 1]} : vector<30x16xf32> to vector<1x16xf32>
    %slice3A_918 = vector.extract_strided_slice %max3A_887 {offsets = [21, 0], sizes = [1, 16], strides = [1, 1]} : vector<30x16xf32> to vector<1x16xf32>
    %max3A_919 = arith.maximumf %slice3A_917, %slice3A_918 : vector<1x16xf32>
    %slice3A_920 = vector.extract_strided_slice %max3A_887 {offsets = [22, 0], sizes = [1, 16], strides = [1, 1]} : vector<30x16xf32> to vector<1x16xf32>
    %slice3A_921 = vector.extract_strided_slice %max3A_887 {offsets = [23, 0], sizes = [1, 16], strides = [1, 1]} : vector<30x16xf32> to vector<1x16xf32>
    %max3A_922 = arith.maximumf %slice3A_920, %slice3A_921 : vector<1x16xf32>
    %slice3A_923 = vector.extract_strided_slice %max3A_887 {offsets = [24, 0], sizes = [1, 16], strides = [1, 1]} : vector<30x16xf32> to vector<1x16xf32>
    %slice3A_924 = vector.extract_strided_slice %max3A_887 {offsets = [25, 0], sizes = [1, 16], strides = [1, 1]} : vector<30x16xf32> to vector<1x16xf32>
    %max3A_925 = arith.maximumf %slice3A_923, %slice3A_924 : vector<1x16xf32>
    %slice3A_926 = vector.extract_strided_slice %max3A_887 {offsets = [26, 0], sizes = [1, 16], strides = [1, 1]} : vector<30x16xf32> to vector<1x16xf32>
    %slice3A_927 = vector.extract_strided_slice %max3A_887 {offsets = [27, 0], sizes = [1, 16], strides = [1, 1]} : vector<30x16xf32> to vector<1x16xf32>
    %max3A_928 = arith.maximumf %slice3A_926, %slice3A_927 : vector<1x16xf32>
    %slice3A_929 = vector.extract_strided_slice %max3A_887 {offsets = [28, 0], sizes = [1, 16], strides = [1, 1]} : vector<30x16xf32> to vector<1x16xf32>
    %slice3A_930 = vector.extract_strided_slice %max3A_887 {offsets = [29, 0], sizes = [1, 16], strides = [1, 1]} : vector<30x16xf32> to vector<1x16xf32>
    %max3A_931 = arith.maximumf %slice3A_929, %slice3A_930 : vector<1x16xf32>
    %concatenate3A_932 = tpu.concatenate %max3A_889, %max3A_892, %max3A_895, %max3A_898, %max3A_901, %max3A_904, %max3A_907, %max3A_910, %max3A_913, %max3A_916, %max3A_919, %max3A_922, %max3A_925, %max3A_928, %max3A_931 in 0 : vector<1x16xf32>, vector<1x16xf32>, vector<1x16xf32>, vector<1x16xf32>, vector<1x16xf32>, vector<1x16xf32>, vector<1x16xf32>, vector<1x16xf32>, vector<1x16xf32>, vector<1x16xf32>, vector<1x16xf32>, vector<1x16xf32>, vector<1x16xf32>, vector<1x16xf32>, vector<1x16xf32> -> vector<15x16xf32>
    %slice3A_933 = vector.extract_strided_slice %concatenate3A_932 {offsets = [0, 0], sizes = [11, 16], strides = [1, 1]} : vector<15x16xf32> to vector<11x16xf32>
    %get3A_934 = arith.constant 0 : index
    %get3A_935 = arith.constant 0 : index
    %get3A_936 = arith.constant 0 : index
    %get3A_937 = vector.load %arg6[%get3A_934, %get3A_935, %get3A_936] : memref<5x16x32xf32, #tpu.memory_space<vmem>>, vector<1x16x32xf32>
    %get3A_938 = vector.shape_cast %get3A_937 : vector<1x16x32xf32> to vector<16x32xf32>
    %dot_general3A_939 = arith.constant dense<0.000000e+00> : vector<11x32xf32>
    %dot_general3A_940 = tpu.matmul %slice3A_933, %get3A_938, %dot_general3A_939 {dimension_numbers = #tpu.dot_dimension_numbers<[1], [0], [0], [1], [0, 0, 1, 1], [], []>, transpose_lhs_hint = false} : vector<11x16xf32>, vector<16x32xf32>, vector<11x32xf32> -> vector<11x32xf32>
    %slice3A_941 = vector.extract_strided_slice %concatenate3A_932 {offsets = [1, 0], sizes = [11, 16], strides = [1, 1]} : vector<15x16xf32> to vector<11x16xf32>
    %get3A_942 = arith.constant 1 : index
    %get3A_943 = arith.constant 0 : index
    %get3A_944 = arith.constant 0 : index
    %get3A_945 = vector.load %arg6[%get3A_942, %get3A_943, %get3A_944] : memref<5x16x32xf32, #tpu.memory_space<vmem>>, vector<1x16x32xf32>
    %get3A_946 = vector.shape_cast %get3A_945 : vector<1x16x32xf32> to vector<16x32xf32>
    %dot_general3A_947 = arith.constant dense<0.000000e+00> : vector<11x32xf32>
    %dot_general3A_948 = tpu.matmul %slice3A_941, %get3A_946, %dot_general3A_947 {dimension_numbers = #tpu.dot_dimension_numbers<[1], [0], [0], [1], [0, 0, 1, 1], [], []>, transpose_lhs_hint = false} : vector<11x16xf32>, vector<16x32xf32>, vector<11x32xf32> -> vector<11x32xf32>
    %add3A_949 = arith.addf %dot_general3A_940, %dot_general3A_948 : vector<11x32xf32>
    %slice3A_950 = vector.extract_strided_slice %concatenate3A_932 {offsets = [2, 0], sizes = [11, 16], strides = [1, 1]} : vector<15x16xf32> to vector<11x16xf32>
    %get3A_951 = arith.constant 2 : index
    %get3A_952 = arith.constant 0 : index
    %get3A_953 = arith.constant 0 : index
    %get3A_954 = vector.load %arg6[%get3A_951, %get3A_952, %get3A_953] : memref<5x16x32xf32, #tpu.memory_space<vmem>>, vector<1x16x32xf32>
    %get3A_955 = vector.shape_cast %get3A_954 : vector<1x16x32xf32> to vector<16x32xf32>
    %dot_general3A_956 = arith.constant dense<0.000000e+00> : vector<11x32xf32>
    %dot_general3A_957 = tpu.matmul %slice3A_950, %get3A_955, %dot_general3A_956 {dimension_numbers = #tpu.dot_dimension_numbers<[1], [0], [0], [1], [0, 0, 1, 1], [], []>, transpose_lhs_hint = false} : vector<11x16xf32>, vector<16x32xf32>, vector<11x32xf32> -> vector<11x32xf32>
    %add3A_958 = arith.addf %add3A_949, %dot_general3A_957 : vector<11x32xf32>
    %slice3A_959 = vector.extract_strided_slice %concatenate3A_932 {offsets = [3, 0], sizes = [11, 16], strides = [1, 1]} : vector<15x16xf32> to vector<11x16xf32>
    %get3A_960 = arith.constant 3 : index
    %get3A_961 = arith.constant 0 : index
    %get3A_962 = arith.constant 0 : index
    %get3A_963 = vector.load %arg6[%get3A_960, %get3A_961, %get3A_962] : memref<5x16x32xf32, #tpu.memory_space<vmem>>, vector<1x16x32xf32>
    %get3A_964 = vector.shape_cast %get3A_963 : vector<1x16x32xf32> to vector<16x32xf32>
    %dot_general3A_965 = arith.constant dense<0.000000e+00> : vector<11x32xf32>
    %dot_general3A_966 = tpu.matmul %slice3A_959, %get3A_964, %dot_general3A_965 {dimension_numbers = #tpu.dot_dimension_numbers<[1], [0], [0], [1], [0, 0, 1, 1], [], []>, transpose_lhs_hint = false} : vector<11x16xf32>, vector<16x32xf32>, vector<11x32xf32> -> vector<11x32xf32>
    %add3A_967 = arith.addf %add3A_958, %dot_general3A_966 : vector<11x32xf32>
    %slice3A_968 = vector.extract_strided_slice %concatenate3A_932 {offsets = [4, 0], sizes = [11, 16], strides = [1, 1]} : vector<15x16xf32> to vector<11x16xf32>
    %get3A_969 = arith.constant 4 : index
    %get3A_970 = arith.constant 0 : index
    %get3A_971 = arith.constant 0 : index
    %get3A_972 = vector.load %arg6[%get3A_969, %get3A_970, %get3A_971] : memref<5x16x32xf32, #tpu.memory_space<vmem>>, vector<1x16x32xf32>
    %get3A_973 = vector.shape_cast %get3A_972 : vector<1x16x32xf32> to vector<16x32xf32>
    %dot_general3A_974 = arith.constant dense<0.000000e+00> : vector<11x32xf32>
    %dot_general3A_975 = tpu.matmul %slice3A_968, %get3A_973, %dot_general3A_974 {dimension_numbers = #tpu.dot_dimension_numbers<[1], [0], [0], [1], [0, 0, 1, 1], [], []>, transpose_lhs_hint = false} : vector<11x16xf32>, vector<16x32xf32>, vector<11x32xf32> -> vector<11x32xf32>
    %add3A_976 = arith.addf %add3A_967, %dot_general3A_975 : vector<11x32xf32>
    %get3A_977 = arith.constant 0 : index
    %get3A_978 = arith.constant 0 : index
    %get3A_979 = vector.load %arg7[%get3A_977, %get3A_978] : memref<1x32xf32, #tpu.memory_space<vmem>>, vector<1x32xf32>
    %add3A_980 = vector.broadcast %get3A_979 : vector<1x32xf32> to vector<11x32xf32>
    %add3A_981 = arith.addf %add3A_976, %add3A_980 : vector<11x32xf32>
    %max3A_982 = arith.constant 0.000000e+00 : f32
    %max3A_983 = vector.broadcast %max3A_982 : f32 to vector<11x32xf32>
    %max3A_984 = arith.maximumf %add3A_981, %max3A_983 : vector<11x32xf32>
    %slice3A_985 = vector.extract_strided_slice %max3A_984 {offsets = [0, 0], sizes = [1, 32], strides = [1, 1]} : vector<11x32xf32> to vector<1x32xf32>
    %get3A_986 = arith.constant 0 : index
    %get3A_987 = arith.constant 0 : index
    %get3A_988 = arith.constant 0 : index
    %get3A_989 = vector.load %arg8[%get3A_986, %get3A_987, %get3A_988] : memref<11x32x128xf32, #tpu.memory_space<vmem>>, vector<1x32x128xf32>
    %get3A_990 = vector.shape_cast %get3A_989 : vector<1x32x128xf32> to vector<32x128xf32>
    %dot_general3A_991 = arith.constant dense<0.000000e+00> : vector<1x128xf32>
    %dot_general3A_992 = tpu.matmul %slice3A_985, %get3A_990, %dot_general3A_991 {dimension_numbers = #tpu.dot_dimension_numbers<[1], [0], [0], [1], [0, 0, 1, 1], [], []>, transpose_lhs_hint = false} : vector<1x32xf32>, vector<32x128xf32>, vector<1x128xf32> -> vector<1x128xf32>
    %slice3A_993 = vector.extract_strided_slice %max3A_984 {offsets = [1, 0], sizes = [1, 32], strides = [1, 1]} : vector<11x32xf32> to vector<1x32xf32>
    %get3A_994 = arith.constant 1 : index
    %get3A_995 = arith.constant 0 : index
    %get3A_996 = arith.constant 0 : index
    %get3A_997 = vector.load %arg8[%get3A_994, %get3A_995, %get3A_996] : memref<11x32x128xf32, #tpu.memory_space<vmem>>, vector<1x32x128xf32>
    %get3A_998 = vector.shape_cast %get3A_997 : vector<1x32x128xf32> to vector<32x128xf32>
    %dot_general3A_999 = arith.constant dense<0.000000e+00> : vector<1x128xf32>
    %dot_general3A_1000 = tpu.matmul %slice3A_993, %get3A_998, %dot_general3A_999 {dimension_numbers = #tpu.dot_dimension_numbers<[1], [0], [0], [1], [0, 0, 1, 1], [], []>, transpose_lhs_hint = false} : vector<1x32xf32>, vector<32x128xf32>, vector<1x128xf32> -> vector<1x128xf32>
    %add3A_1001 = arith.addf %dot_general3A_992, %dot_general3A_1000 : vector<1x128xf32>
    %slice3A_1002 = vector.extract_strided_slice %max3A_984 {offsets = [2, 0], sizes = [1, 32], strides = [1, 1]} : vector<11x32xf32> to vector<1x32xf32>
    %get3A_1003 = arith.constant 2 : index
    %get3A_1004 = arith.constant 0 : index
    %get3A_1005 = arith.constant 0 : index
    %get3A_1006 = vector.load %arg8[%get3A_1003, %get3A_1004, %get3A_1005] : memref<11x32x128xf32, #tpu.memory_space<vmem>>, vector<1x32x128xf32>
    %get3A_1007 = vector.shape_cast %get3A_1006 : vector<1x32x128xf32> to vector<32x128xf32>
    %dot_general3A_1008 = arith.constant dense<0.000000e+00> : vector<1x128xf32>
    %dot_general3A_1009 = tpu.matmul %slice3A_1002, %get3A_1007, %dot_general3A_1008 {dimension_numbers = #tpu.dot_dimension_numbers<[1], [0], [0], [1], [0, 0, 1, 1], [], []>, transpose_lhs_hint = false} : vector<1x32xf32>, vector<32x128xf32>, vector<1x128xf32> -> vector<1x128xf32>
    %add3A_1010 = arith.addf %add3A_1001, %dot_general3A_1009 : vector<1x128xf32>
    %slice3A_1011 = vector.extract_strided_slice %max3A_984 {offsets = [3, 0], sizes = [1, 32], strides = [1, 1]} : vector<11x32xf32> to vector<1x32xf32>
    %get3A_1012 = arith.constant 3 : index
    %get3A_1013 = arith.constant 0 : index
    %get3A_1014 = arith.constant 0 : index
    %get3A_1015 = vector.load %arg8[%get3A_1012, %get3A_1013, %get3A_1014] : memref<11x32x128xf32, #tpu.memory_space<vmem>>, vector<1x32x128xf32>
    %get3A_1016 = vector.shape_cast %get3A_1015 : vector<1x32x128xf32> to vector<32x128xf32>
    %dot_general3A_1017 = arith.constant dense<0.000000e+00> : vector<1x128xf32>
    %dot_general3A_1018 = tpu.matmul %slice3A_1011, %get3A_1016, %dot_general3A_1017 {dimension_numbers = #tpu.dot_dimension_numbers<[1], [0], [0], [1], [0, 0, 1, 1], [], []>, transpose_lhs_hint = false} : vector<1x32xf32>, vector<32x128xf32>, vector<1x128xf32> -> vector<1x128xf32>
    %add3A_1019 = arith.addf %add3A_1010, %dot_general3A_1018 : vector<1x128xf32>
    %slice3A_1020 = vector.extract_strided_slice %max3A_984 {offsets = [4, 0], sizes = [1, 32], strides = [1, 1]} : vector<11x32xf32> to vector<1x32xf32>
    %get3A_1021 = arith.constant 4 : index
    %get3A_1022 = arith.constant 0 : index
    %get3A_1023 = arith.constant 0 : index
    %get3A_1024 = vector.load %arg8[%get3A_1021, %get3A_1022, %get3A_1023] : memref<11x32x128xf32, #tpu.memory_space<vmem>>, vector<1x32x128xf32>
    %get3A_1025 = vector.shape_cast %get3A_1024 : vector<1x32x128xf32> to vector<32x128xf32>
    %dot_general3A_1026 = arith.constant dense<0.000000e+00> : vector<1x128xf32>
    %dot_general3A_1027 = tpu.matmul %slice3A_1020, %get3A_1025, %dot_general3A_1026 {dimension_numbers = #tpu.dot_dimension_numbers<[1], [0], [0], [1], [0, 0, 1, 1], [], []>, transpose_lhs_hint = false} : vector<1x32xf32>, vector<32x128xf32>, vector<1x128xf32> -> vector<1x128xf32>
    %add3A_1028 = arith.addf %add3A_1019, %dot_general3A_1027 : vector<1x128xf32>
    %slice3A_1029 = vector.extract_strided_slice %max3A_984 {offsets = [5, 0], sizes = [1, 32], strides = [1, 1]} : vector<11x32xf32> to vector<1x32xf32>
    %get3A_1030 = arith.constant 5 : index
    %get3A_1031 = arith.constant 0 : index
    %get3A_1032 = arith.constant 0 : index
    %get3A_1033 = vector.load %arg8[%get3A_1030, %get3A_1031, %get3A_1032] : memref<11x32x128xf32, #tpu.memory_space<vmem>>, vector<1x32x128xf32>
    %get3A_1034 = vector.shape_cast %get3A_1033 : vector<1x32x128xf32> to vector<32x128xf32>
    %dot_general3A_1035 = arith.constant dense<0.000000e+00> : vector<1x128xf32>
    %dot_general3A_1036 = tpu.matmul %slice3A_1029, %get3A_1034, %dot_general3A_1035 {dimension_numbers = #tpu.dot_dimension_numbers<[1], [0], [0], [1], [0, 0, 1, 1], [], []>, transpose_lhs_hint = false} : vector<1x32xf32>, vector<32x128xf32>, vector<1x128xf32> -> vector<1x128xf32>
    %add3A_1037 = arith.addf %add3A_1028, %dot_general3A_1036 : vector<1x128xf32>
    %slice3A_1038 = vector.extract_strided_slice %max3A_984 {offsets = [6, 0], sizes = [1, 32], strides = [1, 1]} : vector<11x32xf32> to vector<1x32xf32>
    %get3A_1039 = arith.constant 6 : index
    %get3A_1040 = arith.constant 0 : index
    %get3A_1041 = arith.constant 0 : index
    %get3A_1042 = vector.load %arg8[%get3A_1039, %get3A_1040, %get3A_1041] : memref<11x32x128xf32, #tpu.memory_space<vmem>>, vector<1x32x128xf32>
    %get3A_1043 = vector.shape_cast %get3A_1042 : vector<1x32x128xf32> to vector<32x128xf32>
    %dot_general3A_1044 = arith.constant dense<0.000000e+00> : vector<1x128xf32>
    %dot_general3A_1045 = tpu.matmul %slice3A_1038, %get3A_1043, %dot_general3A_1044 {dimension_numbers = #tpu.dot_dimension_numbers<[1], [0], [0], [1], [0, 0, 1, 1], [], []>, transpose_lhs_hint = false} : vector<1x32xf32>, vector<32x128xf32>, vector<1x128xf32> -> vector<1x128xf32>
    %add3A_1046 = arith.addf %add3A_1037, %dot_general3A_1045 : vector<1x128xf32>
    %slice3A_1047 = vector.extract_strided_slice %max3A_984 {offsets = [7, 0], sizes = [1, 32], strides = [1, 1]} : vector<11x32xf32> to vector<1x32xf32>
    %get3A_1048 = arith.constant 7 : index
    %get3A_1049 = arith.constant 0 : index
    %get3A_1050 = arith.constant 0 : index
    %get3A_1051 = vector.load %arg8[%get3A_1048, %get3A_1049, %get3A_1050] : memref<11x32x128xf32, #tpu.memory_space<vmem>>, vector<1x32x128xf32>
    %get3A_1052 = vector.shape_cast %get3A_1051 : vector<1x32x128xf32> to vector<32x128xf32>
    %dot_general3A_1053 = arith.constant dense<0.000000e+00> : vector<1x128xf32>
    %dot_general3A_1054 = tpu.matmul %slice3A_1047, %get3A_1052, %dot_general3A_1053 {dimension_numbers = #tpu.dot_dimension_numbers<[1], [0], [0], [1], [0, 0, 1, 1], [], []>, transpose_lhs_hint = false} : vector<1x32xf32>, vector<32x128xf32>, vector<1x128xf32> -> vector<1x128xf32>
    %add3A_1055 = arith.addf %add3A_1046, %dot_general3A_1054 : vector<1x128xf32>
    %slice3A_1056 = vector.extract_strided_slice %max3A_984 {offsets = [8, 0], sizes = [1, 32], strides = [1, 1]} : vector<11x32xf32> to vector<1x32xf32>
    %get3A_1057 = arith.constant 8 : index
    %get3A_1058 = arith.constant 0 : index
    %get3A_1059 = arith.constant 0 : index
    %get3A_1060 = vector.load %arg8[%get3A_1057, %get3A_1058, %get3A_1059] : memref<11x32x128xf32, #tpu.memory_space<vmem>>, vector<1x32x128xf32>
    %get3A_1061 = vector.shape_cast %get3A_1060 : vector<1x32x128xf32> to vector<32x128xf32>
    %dot_general3A_1062 = arith.constant dense<0.000000e+00> : vector<1x128xf32>
    %dot_general3A_1063 = tpu.matmul %slice3A_1056, %get3A_1061, %dot_general3A_1062 {dimension_numbers = #tpu.dot_dimension_numbers<[1], [0], [0], [1], [0, 0, 1, 1], [], []>, transpose_lhs_hint = false} : vector<1x32xf32>, vector<32x128xf32>, vector<1x128xf32> -> vector<1x128xf32>
    %add3A_1064 = arith.addf %add3A_1055, %dot_general3A_1063 : vector<1x128xf32>
    %slice3A_1065 = vector.extract_strided_slice %max3A_984 {offsets = [9, 0], sizes = [1, 32], strides = [1, 1]} : vector<11x32xf32> to vector<1x32xf32>
    %get3A_1066 = arith.constant 9 : index
    %get3A_1067 = arith.constant 0 : index
    %get3A_1068 = arith.constant 0 : index
    %get3A_1069 = vector.load %arg8[%get3A_1066, %get3A_1067, %get3A_1068] : memref<11x32x128xf32, #tpu.memory_space<vmem>>, vector<1x32x128xf32>
    %get3A_1070 = vector.shape_cast %get3A_1069 : vector<1x32x128xf32> to vector<32x128xf32>
    %dot_general3A_1071 = arith.constant dense<0.000000e+00> : vector<1x128xf32>
    %dot_general3A_1072 = tpu.matmul %slice3A_1065, %get3A_1070, %dot_general3A_1071 {dimension_numbers = #tpu.dot_dimension_numbers<[1], [0], [0], [1], [0, 0, 1, 1], [], []>, transpose_lhs_hint = false} : vector<1x32xf32>, vector<32x128xf32>, vector<1x128xf32> -> vector<1x128xf32>
    %add3A_1073 = arith.addf %add3A_1064, %dot_general3A_1072 : vector<1x128xf32>
    %slice3A_1074 = vector.extract_strided_slice %max3A_984 {offsets = [10, 0], sizes = [1, 32], strides = [1, 1]} : vector<11x32xf32> to vector<1x32xf32>
    %get3A_1075 = arith.constant 10 : index
    %get3A_1076 = arith.constant 0 : index
    %get3A_1077 = arith.constant 0 : index
    %get3A_1078 = vector.load %arg8[%get3A_1075, %get3A_1076, %get3A_1077] : memref<11x32x128xf32, #tpu.memory_space<vmem>>, vector<1x32x128xf32>
    %get3A_1079 = vector.shape_cast %get3A_1078 : vector<1x32x128xf32> to vector<32x128xf32>
    %dot_general3A_1080 = arith.constant dense<0.000000e+00> : vector<1x128xf32>
    %dot_general3A_1081 = tpu.matmul %slice3A_1074, %get3A_1079, %dot_general3A_1080 {dimension_numbers = #tpu.dot_dimension_numbers<[1], [0], [0], [1], [0, 0, 1, 1], [], []>, transpose_lhs_hint = false} : vector<1x32xf32>, vector<32x128xf32>, vector<1x128xf32> -> vector<1x128xf32>
    %add3A_1082 = arith.addf %add3A_1073, %dot_general3A_1081 : vector<1x128xf32>
    %get3A_1083 = arith.constant 0 : index
    %get3A_1084 = arith.constant 0 : index
    %get3A_1085 = vector.load %arg9[%get3A_1083, %get3A_1084] : memref<1x128xf32, #tpu.memory_space<vmem>>, vector<1x128xf32>
    %add3A_1086 = arith.addf %add3A_1082, %get3A_1085 : vector<1x128xf32>
    %max3A_1087 = arith.constant 0.000000e+00 : f32
    %max3A_1088 = vector.broadcast %max3A_1087 : f32 to vector<1x128xf32>
    %max3A_1089 = arith.maximumf %add3A_1086, %max3A_1088 : vector<1x128xf32>
    %get3A_1090 = arith.constant 0 : index
    %get3A_1091 = arith.constant 0 : index
    %get3A_1092 = vector.load %arg10[%get3A_1090, %get3A_1091] : memref<128x10xf32, #tpu.memory_space<vmem>>, vector<128x10xf32>
    %dot_general3A_1093 = arith.constant dense<0.000000e+00> : vector<1x10xf32>
    %dot_general3A_1094 = tpu.matmul %max3A_1089, %get3A_1092, %dot_general3A_1093 {dimension_numbers = #tpu.dot_dimension_numbers<[1], [0], [0], [1], [0, 0, 1, 1], [], []>, transpose_lhs_hint = false} : vector<1x128xf32>, vector<128x10xf32>, vector<1x10xf32> -> vector<1x10xf32>
    %get3A_1095 = arith.constant 0 : index
    %get3A_1096 = arith.constant 0 : index
    %get3A_1097 = vector.load %arg11[%get3A_1095, %get3A_1096] : memref<1x10xf32, #tpu.memory_space<vmem>>, vector<1x10xf32>
    %add3A_1098 = arith.addf %dot_general3A_1094, %get3A_1097 : vector<1x10xf32>
    %reduce_max3A_1099 = arith.constant dense<0xFF800000> : vector<1xf32>
    %reduce_max3A_1100 = vector.multi_reduction <maximumf>, %add3A_1098, %reduce_max3A_1099 [1] : vector<1x10xf32> to vector<1xf32>
    %broadcast_in_dim3A_1101 = vector.shape_cast %reduce_max3A_1100 : vector<1xf32> to vector<1x1xf32>
    %sub3A = vector.broadcast %broadcast_in_dim3A_1101 : vector<1x1xf32> to vector<1x10xf32>
    %sub3A_1102 = arith.subf %add3A_1098, %sub3A : vector<1x10xf32>
    %exp3A = math.exp %sub3A_1102 : vector<1x10xf32>
    %reduce_sum3A_1103 = arith.constant dense<0.000000e+00> : vector<1xf32>
    %reduce_sum3A_1104 = vector.multi_reduction <add>, %exp3A, %reduce_sum3A_1103 [1] : vector<1x10xf32> to vector<1xf32>
    %broadcast_in_dim3A_1105 = vector.shape_cast %reduce_sum3A_1104 : vector<1xf32> to vector<1x1xf32>
    %log3A = math.log %broadcast_in_dim3A_1105 : vector<1x1xf32>
    %sub3A_1106 = vector.broadcast %log3A : vector<1x1xf32> to vector<1x10xf32>
    %sub3A_1107 = arith.subf %sub3A_1102, %sub3A_1106 : vector<1x10xf32>
    %broadcast_in_dim3A_1108 = vector.shape_cast %sub3A_1107 : vector<1x10xf32> to vector<1x1x10xf32>
    %broadcast_in_dim3A_1109 = vector.shape_cast %broadcast_in_dim3A_1108 : vector<1x1x10xf32> to vector<1x1x10xf32>
    %broadcast_in_dim3A_1110 = vector.broadcast %broadcast_in_dim3A_1109 : vector<1x1x10xf32> to vector<1x8x10xf32>
    %swap3A = arith.constant 0 : index
    %swap3A_1111 = arith.constant 0 : index
    %swap3A_1112 = arith.constant 0 : index
    %swap3A_1113 = vector.load %arg12[%swap3A, %swap3A_1111, %swap3A_1112] : memref<1x8x10xf32, #tpu.memory_space<vmem>>, vector<1x8x10xf32>
    tpu.vector_store %arg12[%swap3A, %swap3A_1111, %swap3A_1112], %broadcast_in_dim3A_1110 {strides = array<i32>} : memref<1x8x10xf32, #tpu.memory_space<vmem>>, vector<1x8x10xf32>,
    return
  }
  func.func @transform_0(%arg0: i32) -> (i32, i32) {
    %c0_i32 = arith.constant 0 : i32
    %c0_i32_0 = arith.constant 0 : i32
    %c0_i32_1 = arith.constant 0 : i32
    return %c0_i32, %c0_i32_0 : i32, i32
  }
  func.func @transform_1(%arg0: i32) -> (i32, i32) {
    %c0_i32 = arith.constant 0 : i32
    %c0_i32_0 = arith.constant 0 : i32
    %c0_i32_1 = arith.constant 0 : i32
    return %c0_i32, %c0_i32_0 : i32, i32
  }
  func.func @transform_2(%arg0: i32) -> (i32, i32) {
    %c0_i32 = arith.constant 0 : i32
    %c0_i32_0 = arith.constant 0 : i32
    %c0_i32_1 = arith.constant 0 : i32
    return %c0_i32, %c0_i32_0 : i32, i32
  }
  func.func @transform_3(%arg0: i32) -> (i32, i32) {
    %c0_i32 = arith.constant 0 : i32
    %c0_i32_0 = arith.constant 0 : i32
    %c0_i32_1 = arith.constant 0 : i32
    return %c0_i32, %c0_i32_0 : i32, i32
  }
  func.func @transform_4(%arg0: i32) -> (i32, i32) {
    %c0_i32 = arith.constant 0 : i32
    %c0_i32_0 = arith.constant 0 : i32
    %c0_i32_1 = arith.constant 0 : i32
    return %c0_i32, %c0_i32_0 : i32, i32
  }
  func.func @transform_5(%arg0: i32) -> (i32, i32, i32) {
    %c0_i32 = arith.constant 0 : i32
    %c0_i32_0 = arith.constant 0 : i32
    %c0_i32_1 = arith.constant 0 : i32
    %c0_i32_2 = arith.constant 0 : i32
    return %c0_i32, %c0_i32_0, %c0_i32_1 : i32, i32, i32
  }
  func.func @transform_6(%arg0: i32) -> (i32, i32) {
    %c0_i32 = arith.constant 0 : i32
    %c0_i32_0 = arith.constant 0 : i32
    %c0_i32_1 = arith.constant 0 : i32
    return %c0_i32, %c0_i32_0 : i32, i32
  }
  func.func @transform_7(%arg0: i32) -> (i32, i32, i32) {
    %c0_i32 = arith.constant 0 : i32
    %c0_i32_0 = arith.constant 0 : i32
    %c0_i32_1 = arith.constant 0 : i32
    %c0_i32_2 = arith.constant 0 : i32
    return %c0_i32, %c0_i32_0, %c0_i32_1 : i32, i32, i32
  }
  func.func @transform_8(%arg0: i32) -> (i32, i32) {
    %c0_i32 = arith.constant 0 : i32
    %c0_i32_0 = arith.constant 0 : i32
    %c0_i32_1 = arith.constant 0 : i32
    return %c0_i32, %c0_i32_0 : i32, i32
  }
  func.func @transform_9(%arg0: i32) -> (i32, i32) {
    %c0_i32 = arith.constant 0 : i32
    %c0_i32_0 = arith.constant 0 : i32
    %c0_i32_1 = arith.constant 0 : i32
    return %c0_i32, %c0_i32_0 : i32, i32
  }
  func.func @transform_10(%arg0: i32) -> (i32, i32) {
    %c0_i32 = arith.constant 0 : i32
    %c0_i32_0 = arith.constant 0 : i32
    %c0_i32_1 = arith.constant 0 : i32
    return %c0_i32, %c0_i32_0 : i32, i32
  }
  func.func @transform_11(%arg0: i32) -> (i32, i32, i32) {
    %c0_i32 = arith.constant 0 : i32
    %c0_i32_0 = arith.constant 0 : i32
    %c0_i32_1 = arith.constant 0 : i32
    return %arg0, %c0_i32, %c0_i32_0 : i32, i32, i32
  }
}

</mosaic_0001>

<sc_bundles>
// kernel: kernel.17.cloned.1.call-start
scs
__scs_entry_jumppad:
0x0: {  	(pc) =	sbr.rel $0x88, $3  }
0x1: {  	(tag) =	ssettag $0x0;
	lr =	simm.s32 $0x1  }
0x2: {  	[smem:$0x3F8E] =	sst lr;
	_ =	strace $0xD0000000  }
0x3: {  	_ = 	snop  }
0x4: {  	_ = 	snop  }
0x5: {  	_ = 	snop  }
0x6: {  	_ = 	snop  }
0x7: {  	_ = 	snop  }
__scs_overlays_trampoline_lowered:
0x8: {  	[smem:$0x3F9D] =	sst s0  }
0x9: {  	[smem:$0x3F9E] =	sst s1  }
0xa: {  	[smem:$0x3F9F] =	sst s2  }
0xb: {  	[smem:$0x3FA0] =	sst s3  }
0xc: {  	[smem:$0x3FA1] =	sst s4  }
0xd: {  	[smem:$0x3FA2] =	sst s5  }
0xe: {  	[smem:$0x3FA3] =	sst s6  }
0xf: {  	[smem:$0x3FA4] =	sst s7  }
0x10: {  	[smem:$0x3FA5] =	sst s8  }
0x11: {  	[smem:$0x3FA6] =	sst s9;
	s0 =	simm.s32 @!p0 $0x0  }
0x12: {  	s1 =	sld [smem:$0x3F8C];
	s0 =	simm.s32 @p0 $0x1  }
0x13: {  	[smem:$0x3FA7] =	sst s0;
	s0 =	simm.s32 @!p1 $0x0  }
0x14: {  	s2 =	sld [smem:$0x3F8B];
	s0 =	simm.s32 @p1 $0x1  }
0x15: {  	[smem:$0x3FA8] =	sst s0;
	s0 =	simm.s32 @!p2 $0x0  }
0x16: {  	s3 =	sld [smem:$0x3FDB];
	s0 =	simm.s32 @p2 $0x1  }
0x17: {  	s4 =	simm.s32 $0x1BF5;
	[smem:$0x3FAA] =	sst s0  }
0x18: {  	s0 =	sld [smem:$0x3F8D];
	_ =	swait.ge [sflag:s4], $0x0  }
0x19: {  	s7 =	sld [smem:$0x3F8E]  }
0x1a: {  	s8 =	sadd.s32 $0xFFFFE003, lr  }
0x1b: {  	s9 =	sadd.s32 $0xFFFFFEF7, lr;
	s5 =	simm.s32 $0xFFFFFFFF;
	p2 =	slt.u32 s8, $0xFFFFF086  }
0x1c: {  	p1 =	slt.u32 s9, $0xF7A;
	s5 =	simm.s32 @!p2 $0x0  }
0x1d: {  	s5 =	simm.s32 @p1 $0x1;
	p0 =	seq.s32 s7, s2  }
0x1e: {  	s7 =	smul.u32 @!p0 $0xF7A, s2;
	p2 =	seq.s32 @!p0 s5, $0x0  }
0x1f: {  	s9 =	smul.u32 $0xF7A, s1;
	s8 =	simm.s32 @!p0 $0x1BF5;
	p2 =	por !p2, p0  }
0x20: {  	[sflag:s8] =	ssyncset.s32 @!p0 $0xFFFFF086;
	s6 =	sadd.s32 @!p0 s3, s7;
	s7 =	simm.s32 @!p0 $0x108  }
0x21: {  	s3 =	sadd.s32 s3, s9;
	s6 =	sadd.s32 @!p0 $0x88, s6;
	s7 =	simm.s32 @p2 $0x1082  }
0x22: {  	[simem:s7], [sflag:s8] =	dma.local @!p0 [hbm:s6], $0xF7A  }
0x23: {  	s9 =	sor.u32 $0xD0000000, s2;
	s6 =	simm.s32 $0x108;
	_ =	swait.ge @!p0 [sflag:s8], $0x0  }
0x24: {  	s3 =	sadd.s32 $0x88, s3;
	s6 =	simm.s32 @!p1 $0x1082;
	[sflag:s4] =	ssyncset.s32 $0xFFFFF086  }
0x25: {  	[simem:s6], [sflag:s4] =	dma.local [hbm:s3], $0xF7A  }
0x26: {  	[smem:$0x3F8E] =	sst s1;
	(tag) =	ssettag s2;
	_ =	strace s9  }
0x27: {  	s1 =	sld [smem:$0x3F9E]  }
0x28: {  	s2 =	sld [smem:$0x3F9F]  }
0x29: {  	s4 =	sld [smem:$0x3FA1]  }
0x2a: {  	p0 =	seq.s32 s5, $0x0;
	s5 =	sld [smem:$0x3FA2]  }
0x2b: {  	s6 =	sld [smem:$0x3FA3]  }
0x2c: {  	s7 =	sld [smem:$0x3FA4]  }
0x2d: {  	s3 =	simm.s32 $0x108;
	s8 =	sld [smem:$0x3FA5]  }
0x2e: {  	s3 =	simm.s32 @!p0 $0x1082;
	s9 =	sld [smem:$0x3FA6]  }
0x2f: {  	lr =	sadd.s32 s0, s3;
	s0 =	sld [smem:$0x3F9D]  }
0x30: {  	s3 =	sld [smem:$0x3FA0]  }
0x31: {  	[smem:$0x3FA9] =	sst s10  }
0x32: {  	s10 =	sld [smem:$0x3FA7];
	_ =	sdelay $0x3  }
0x33: {  	p0 =	seq.s32 s10, $0x1;
	s10 =	sld [smem:$0x3FA9];
	_ =	sdelay $0x3  }
0x34: {  	[smem:$0x3FA9] =	sst s10  }
0x35: {  	s10 =	sld [smem:$0x3FA8];
	_ =	sdelay $0x3  }
0x36: {  	p1 =	seq.s32 s10, $0x1;
	s10 =	sld [smem:$0x3FA9];
	_ =	sdelay $0x3  }
0x37: {  	[smem:$0x3FA9] =	sst s10  }
0x38: {  	s10 =	sld [smem:$0x3FAA]  }
0x39: {  	_ = 	snop;
	(pc) =	sbr.ind lr, $3  }
0x3a: {  	_ = 	snop  }
0x3b: {  	_ = 	snop  }
0x3c: {  	p2 =	seq.s32 s10, $0x1;
	s10 =	sld [smem:$0x3FA9]  }
0x3d: {  	_ =	shalt  }
0x3e: {  	_ =	shalt  }
0x3f: {  	_ =	shalt  }
0x40: {  	_ =	shalt  }
0x41: {  	_ =	shalt  }
0x42: {  	_ =	shalt  }
0x43: {  	_ =	shalt  }
0x44: {  	_ =	shalt  }
0x45: {  	_ =	shalt  }
0x46: {  	_ =	shalt  }
0x47: {  	_ =	shalt  }
0x48: {  	_ =	shalt  }
0x49: {  	_ =	shalt  }
0x4a: {  	_ =	shalt  }
0x4b: {  	_ =	shalt  }
0x4c: {  	_ =	shalt  }
0x4d: {  	_ =	shalt  }
0x4e: {  	_ =	shalt  }
0x4f: {  	_ =	shalt  }
0x50: {  	_ =	shalt  }
0x51: {  	_ =	shalt  }
0x52: {  	_ =	shalt  }
0x53: {  	_ =	shalt  }
0x54: {  	_ =	shalt  }
0x55: {  	_ =	shalt  }
0x56: {  	_ =	shalt  }
0x57: {  	_ =	shalt  }
0x58: {  	_ =	shalt  }
0x59: {  	_ =	shalt  }
0x5a: {  	_ =	shalt  }
0x5b: {  	_ =	shalt  }
0x5c: {  	_ =	shalt  }
0x5d: {  	_ =	shalt  }
0x5e: {  	_ =	shalt  }
0x5f: {  	_ =	shalt  }
0x60: {  	_ =	shalt  }
0x61: {  	_ =	shalt  }
0x62: {  	_ =	shalt  }
0x63: {  	_ =	shalt  }
0x64: {  	_ =	shalt  }
0x65: {  	_ =	shalt  }
0x66: {  	_ =	shalt  }
0x67: {  	_ =	shalt  }
0x68: {  	_ =	shalt  }
0x69: {  	_ =	shalt  }
0x6a: {  	_ =	shalt  }
0x6b: {  	_ =	shalt  }
0x6c: {  	_ =	shalt  }
0x6d: {  	_ =	shalt  }
0x6e: {  	_ =	shalt  }
0x6f: {  	_ =	shalt  }
0x70: {  	_ =	shalt  }
0x71: {  	_ =	shalt  }
0x72: {  	_ =	shalt  }
0x73: {  	_ =	shalt  }
0x74: {  	_ =	shalt  }
0x75: {  	_ =	shalt  }
0x76: {  	_ =	shalt  }
0x77: {  	_ =	shalt  }
0x78: {  	_ =	shalt  }
0x79: {  	_ =	shalt  }
0x7a: {  	_ =	shalt  }
0x7b: {  	_ =	shalt  }
0x7c: {  	_ =	shalt  }
0x7d: {  	_ =	shalt  }
0x7e: {  	_ =	shalt  }
0x7f: {  	_ =	shalt  }
0x80: {  	_ =	shalt  }
0x81: {  	_ =	shalt  }
0x82: {  	_ =	shalt  }
0x83: {  	_ =	shalt  }
0x84: {  	_ =	shalt  }
0x85: {  	_ =	shalt  }
0x86: {  	_ =	shalt  }
0x87: {  	_ =	shalt  }
.Lfunc_end0:
.L_simem_size_0:
called_computation_lowered:
.L_overlay_start_0:
0x88: {  	s2 =	sld [smem:$0x3FD9]  }
0x89: {  	s3 =	sld [smem:$0x3FFE];
	_ =	sdelay $0x1  }
0x8a: {  	s1 =	srdreg.scid  }
0x8b: {  	s0 =	sand.u32 $0x1, s1  }
0x8c: {  	s16 =	sshll.u32 s0, $0xA;
	s2 =	sadd.s32 s3, s2  }
0x8d: {  	s2 =	sadd.s32 s2, s16  }
0x8e: {  	[smem:$0x3FB5] =	sst s2  }
0x8f: {  	_ = 	snop  }
0x90: {  	(tm) =	ssettm $0x1  }
0x91: {  	s17 =	sld [smem:$0x3FFB];
	_ =	sdelay $0x3  }
0x92: {  	_ =	strace s17  }
0x93: {  	s2 =	sld [smem:$0x3FFC];
	_ =	sdelay $0x3  }
0x94: {  	_ =	strace s2  }
0x95: {  	s2 =	sld [smem:$0x3FFD];
	_ =	sdelay $0x3  }
0x96: {  	_ =	strace s2  }
0x97: {  	_ =	strace $0x8FFFFFFF  }
0x98: {  	s18 =	sld [smem:$0x3FDB];
	_ =	sdelay $0x1  }
0x99: {  	s19 =	simm.s32 $_scs_section_size  }
0x9a: {  	s4 =	simm.s32 $_size__tile_overlayer_lowered;
	s5 =	simm.s32 $_tile_overlayer_lowered  }
0x9b: {  	s22 =	simm.s32 $0x1BFF;
	s21 =	sshll.u32 s5, $0x1;
	s2 =	sadd.s32 s19, s18  }
0x9c: {  	s6 =	simm.s32 $0x0;
	s20 =	sshll.u32 s4, $0x1;
	s4 =	sadd.s32 s21, s2  }
0x9d: {  	[timem:s6], [sflag:s22] =	dma.local [hbm:s4], s20  }
0x9e: {  	_ =	swait.ge [sflag:s22], s20  }
0x9f: {  	s3 =	ssub.s32 $0x0, s20;
	[sflag:s22] =	ssyncset.done $0x0  }
0xa0: {  	[sflag:s22] =	ssyncadd.s32 s3;
	_ =	sdelay $0x1  }
0xa1: {  	s23 =	simm.s32 $0x1B8B  }
0xa2: {  	_ =	swait.ge [sflag:s23], $0x1  }
0xa3: {  	[sflag:s23] =	ssyncset.done $0x0  }
0xa4: {  	s25 =	simm.s32 $0x1B8E;
	s24 =	sld [smem:$0x3FFE];
	[sflag:s23] =	ssyncadd.s32 $0xFFFFFFFF  }
0xa5: {  	s26 =	simm.s32 $execute0_lowered;
	[smem:$0x3FD2] =	sst s25  }
0xa6: {  	s4 =	sshll.u32 s26, $0x1;
	_ =	strace $0x80000046;
	[dreg:$0x1] =	wrdreg $0xFFFFFFFF  }
0xa7: {  	s28 =	simm.s32 $_size_execute0_lowered;
	s2 =	sadd.s32 s2, s4;
	[dreg:$0x0] =	wrdreg $0x0  }
0xa8: {  	s4 =	sshll.u32 s28, $0x1;
	[dreg:$0x2] =	wrdreg s2  }
0xa9: {  	[dreg:$0x3] =	wrdreg s4  }
0xaa: {  	[dreg:$0x4] =	wrdreg $0xC0  }
0xab: {  	_ =	task [dreg:s6], $0x5FFFF  }
0xac: {  	[dreg:$0x1] =	wrdreg $0xFFFFFFFF  }
0xad: {  	[dreg:$0x0] =	wrdreg $0x60  }
0xae: {  	[dreg:$0x2] =	wrdreg s24  }
0xaf: {  	[dreg:$0x3] =	wrdreg $0x11800  }
0xb0: {  	[dreg:$0x4] =	wrdreg $0x9  }
0xb1: {  	_ =	task.clear_ibuf [dreg:s6], $0x5FFFF;
	_ =	strace $0x90000046  }
0xb2: {  	s29 =	simm.s32 $0x9;
	_ =	strace $0x80000048  }
0xb3: {  	_ =	swait.ge [sflag:s29], $0x1  }
0xb4: {  	[sflag:s29] =	ssyncadd.s32 $0xFFFFFFFF  }
0xb5: {  	_ =	strace $0x90000048  }
0xb6: {  	_ =	sfence  }
0xb7: {  	s30 =	sld [smem:$0x0];
	_ =	sdelay $0x2  }
0xb8: {  	s31 =	sshll.u32 s1, $0xD;
	s1 =	sshrl.u32 s1, $0x2  }
0xb9: {  	s3 =	sand.u32 $0x4000, s31;
	s1 =	sadd.s32 s1, s30  }
0xba: {  	s0 =	sor.u32 s3, s0;
	s1 =	sshll.u32 s1, $0x11  }
0xbb: {  	s0 =	sor.u32 s1, s0  }
0xbc: {  	s0 =	sadd.s32 $0x8F2B, s0  }
0xbd: {  	[sflag:s0] =	ssyncadd.remote.s32 $0x1  }
0xbe: {  	_ =	sfence.sel $0xFFFF  }
0xbf: {  	[dreg:$0x0] =	wrdreg $0xFFFFFFFF;
	(pc) =	sbr.abs _section_cstart, $3  }
0xc0: {  	[dreg:$0x1] =	wrdreg $0xFFFFFFFF  }
0xc1: {  	_ =	task.clear_ibuf [dreg:s6], $0x2FFFF;
	_ =	strace $0x9FFFFFFF  }
0xc2: {  	(tm) =	ssettm $0x7FFFFFFF  }
0xc3: {  	_ =	shalt  }
tec
execute0_lowered:
.L_overlay_start_1:
0x0: {  	(tag) =	ssettag $0x1  }
0x1: {  	s1 =	srdreg.scid  }
0x2: {  	s0 =	stileid.u32;
	s7 =	rddreg [dreg:$0x0]  }
0x3: {  	s2 =	rddreg [dreg:$0x1];
	s3 =	simm.s32 $0x0;
	s12 =	simm.s32 $0x2  }
0x4: {  	s13 =	simm.s32 $0x80;
	s14 =	simm.s32 $0x180;
	s15 =	simm.s32 $0x1  }
0x5: {  	s16 =	simm.s32 $0x100;
	s5 =	sand.u32 $0x1, s1;
	s6 =	smul.u32 $0x4F00, s0  }
0x6: {  	s17 =	simm.s32 $0x0;
	s1 =	rddreg [dreg:$0x2];
	s4 =	smul.u32 $0x2780, s5  }
0x7: {  	[smem:$0x7FF] =	sst s3;
	s31 =	sshll.u32 s0, $0x6;
	s8 =	smul.u32 $0x4F000, s5  }
0x8: {  	_ =	strace $0x80000047;
	s5 =	ssub.s32 $0x2, s5;
	s9 =	sshrl.u32 s6, $0x3  }
0x9: {  	s11 =	sshrl.u32 s5, $0x1;
	s30 =	sadd.s32 s6, s2;
	s4 =	sadd.s32 s4, s6  }
0xa: {  	s8 =	sadd.s32 s6, s8;
	s9 =	sadd.s32 s9, s7;
	s29 =	ssub.s32 s5, s11  }
0xb: {  	s6 =	sor.u32 $0x1C02, s31;
	s11 =	sshrl.u32 s30, $0x3;
	s4 =	sshrl.u32 s4, $0x3  }
0xc: {  	s8 =	sshrl.u32 s8, $0x3;
	s5 =	sadd.s32 $0x16A00, s9;
	s10 =	sadd.s32 s4, s7  }
0xd: {  	s4 =	sadd.s32 $0x20800, s7;
	s7 =	sadd.s32 s8, s7;
	s8 =	smax.u32 s29, $0x1  }
0xe: {  	s7 =	sadd.s32 $0x2A600, s7;
	s9 =	sadd.s32 $0x2E00, s10;
	s10 =	sadd.s32 $0xCC00, s10  }
.LBB2_1:
0xf: {  	[spmem:s11], [sflag:s6] =	dma.local [hbm:s5], $0x9E0  }
0x10: {  	_ =	swait.ge [sflag:s12], $0x9E0  }
0x11: {  	[sflag:s12] =	ssyncset.done $0x0  }
0x12: {  	[sflag:s12] =	ssyncadd.s32 $0xFFFFF620  }
0x13: {  	s18 =	sadd.s32 $0x0, s10;
	[bflag:$0x0] =	sbarrier.arrive $0xFFFF  }
0x14: {  	[tilespmem:s3], [sflag:$0x2] =	stream.linear.gather [hbm4b:s18+s3], $0x80, $0x38;
	[tilespmem:$0x6080] =	vst v63  }
0x15: {  	_ =	swait.ge [sflag:s12], $0x80  }
0x16: {  	[sflag:s12] =	ssyncset.done $0x0  }
0x17: {  	s31 =	sadd.s32 $0x0, s9;
	[sflag:s12] =	ssyncadd.s32 $0xFFFFFF80  }
0x18: {  	[tilespmem:s13], [sflag:$0x2] =	stream.linear.gather [hbm4b:s31+s3], $0x80, $0x38;
	[tilespmem:$0x6080] =	vst v63  }
0x19: {  	_ =	swait.ge [sflag:s12], $0x80  }
0x1a: {  	[sflag:s12] =	ssyncset.done $0x0  }
0x1b: {  	[sflag:s12] =	ssyncadd.s32 $0xFFFFFF80  }
0x1c: {  	v0 =	vld [tilespmem:$0xE0]  }
0x1d: {  	v1 =	vld [tilespmem:$0xD0]  }
0x1e: {  	v3 =	vld [tilespmem:$0xB0]  }
0x1f: {  	v11 =	vld [tilespmem:$0xA0]  }
0x20: {  	v8 =	vld [tilespmem:$0x30]  }
0x21: {  	v5 =	vld [tilespmem:$0x50]  }
0x22: {  	v2 =	vld [tilespmem:$0x20]  }
0x23: {  	v4 =	vld [tilespmem:$0xC0]  }
0x24: {  	v7 =	vld [tilespmem:$0x0]  }
0x25: {  	v10 =	vld [tilespmem:$0x40]  }
0x26: {  	v6 =	vld [tilespmem:$0x80]  }
0x27: {  	v9 =	vld [tilespmem:$0x60];
	vm0 =	veq.s32 v2, v11  }
0x28: {  	s18 =	simm.s32 $0x10;
	v2 =	vld [tilespmem:$0x90];
	v11 =	vsel vm0, $0x2778, v11  }
.LBB2_2:
0x29: {  	p0 =	sne.s32 s18, $0x4E0;
	v12 =	vld [tilespmem:$0xF0];
	s19 =	smov.u32 s18;
	s18 =	sadd.s32 $0x10, s18  }
0x2a: {  	vm0 =	veq.s32 v8, v3;
	[tilespmem:$0x120] =	vst v11;
	vm1 =	veq.s32 v10, v4;
	v8 =	vld [tilespmem:$0x70]  }
0x2b: {  	v3 =	vsel vm0, $0x2778, v3;
	vm0 =	veq.s32 v5, v1;
	vm2 =	veq.s32 v7, v6;
	v7 =	vld [tilespmem:$0x10]  }
0x2c: {  	v5 =	vsel vm2, $0x2778, v6;
	[tilespmem:$0x130] =	vst v3;
	v3 =	vsel vm1, $0x2778, v4;
	vm1 =	veq.s32 v9, v0  }
0x2d: {  	v1 =	vsel vm0, $0x2778, v1;
	[tilespmem:$0x140] =	vst v3;
	v0 =	vsel vm1, $0x2778, v0  }
0x2e: {  	[tilespmem:$0x150] =	vst v1  }
0x2f: {  	[tilespmem:$0x160] =	vst v0;
	vm0 =	veq.s32 v8, v12  }
0x30: {  	[tilespmem:$0x100] =	vst v5;
	vm1 =	veq.s32 v7, v2;
	v0 =	vsel vm0, $0x2778, v12  }
0x31: {  	v1 =	vsel vm1, $0x2778, v2;
	[tilespmem:$0x170] =	vst v0  }
0x32: {  	[tilespmem:$0x110] =	vst v1  }
0x33: {  	[tilespmem:s14], [sflag:$0x1] =	stream.indirect.gather [hbm4b:s4+s13], $0x20, s3, s13, $0xb8;
	[tilespmem:$0x6080] =	vst v63  }
0x34: {  	_ =	swait.ge [sflag:s15], $0x1000  }
0x35: {  	[sflag:s15] =	ssyncset.done $0x0  }
0x36: {  	[sflag:s15] =	ssyncadd.s32 $0xFFFFF000  }
0x37: {  	[spmem:s2] =	stream.indirect.scatter.add.f32 [tilespmem:s14], [sflag:$0x2], $0x20, s16, s13, $0xb8;
	[tilespmem:$0x6080] =	vst v63  }
0x38: {  	s20 =	sadd.s32 s19, s10;
	_ =	swait.ge [sflag:s12], $0x1000  }
0x39: {  	[sflag:s12] =	ssyncset.done $0x0  }
0x3a: {  	[sflag:s12] =	ssyncadd.s32 $0xFFFFF000  }
0x3b: {  	[tilespmem:s3], [sflag:$0x2] =	stream.linear.gather [hbm4b:s20+s3], $0x80, $0x38;
	[tilespmem:$0x6080] =	vst v63  }
0x3c: {  	_ =	swait.ge [sflag:s12], $0x80  }
0x3d: {  	[sflag:s12] =	ssyncset.done $0x0  }
0x3e: {  	s19 =	sadd.s32 s19, s9;
	[sflag:s12] =	ssyncadd.s32 $0xFFFFFF80  }
0x3f: {  	[tilespmem:s13], [sflag:$0x2] =	stream.linear.gather [hbm4b:s19+s3], $0x80, $0x38;
	[tilespmem:$0x6080] =	vst v63  }
0x40: {  	_ =	swait.ge [sflag:s12], $0x80  }
0x41: {  	[sflag:s12] =	ssyncset.done $0x0  }
0x42: {  	[sflag:s12] =	ssyncadd.s32 $0xFFFFFF80  }
0x43: {  	v0 =	vld [tilespmem:$0xE0]  }
0x44: {  	v1 =	vld [tilespmem:$0xD0]  }
0x45: {  	v3 =	vld [tilespmem:$0xB0]  }
0x46: {  	v11 =	vld [tilespmem:$0xA0]  }
0x47: {  	v8 =	vld [tilespmem:$0x30]  }
0x48: {  	v5 =	vld [tilespmem:$0x50]  }
0x49: {  	v2 =	vld [tilespmem:$0x20]  }
0x4a: {  	v4 =	vld [tilespmem:$0xC0]  }
.Ltmp0:
0x4b: {  	v7 =	vld [tilespmem:$0x0];
	(pc) =	sbr.rel @p0 .LBB2_2-.Ltmp0, $4  }
0x4c: {  	v10 =	vld [tilespmem:$0x40]  }
0x4d: {  	v6 =	vld [tilespmem:$0x80]  }
0x4e: {  	vm0 =	veq.s32 v2, v11;
	v9 =	vld [tilespmem:$0x60]  }
0x4f: {  	v2 =	vld [tilespmem:$0x90];
	v11 =	vsel vm0, $0x2778, v11  }
0x50: {  	v12 =	vld [tilespmem:$0xF0]  }
0x51: {  	vm0 =	veq.s32 v8, v3;
	v58 =	vld [tilespmem:$0x70]  }
0x52: {  	[tilespmem:$0x120] =	vst v11;
	v59 =	vld [tilespmem:$0x10];
	vm11 =	veq.s32 v5, v1;
	v3 =	vsel vm0, $0x2778, v3  }
0x53: {  	vm1 =	veq.s32 v10, v4;
	v1 =	vsel vm11, $0x2778, v1;
	[tilespmem:$0x130] =	vst v3  }
0x54: {  	v60 =	vsel vm1, $0x2778, v4;
	vm13 =	veq.s32 v7, v6;
	[tilespmem:$0x150] =	vst v1  }
0x55: {  	vm12 =	veq.s32 v9, v0;
	[tilespmem:$0x140] =	vst v60;
	v61 =	vsel vm13, $0x2778, v6  }
0x56: {  	v0 =	vsel vm12, $0x2778, v0;
	[tilespmem:$0x100] =	vst v61;
	vm14 =	veq.s32 v58, v12  }
0x57: {  	[tilespmem:$0x160] =	vst v0;
	vm15 =	veq.s32 v59, v2;
	v62 =	vsel vm14, $0x2778, v12  }
0x58: {  	v63 =	vsel vm15, $0x2778, v2;
	[tilespmem:$0x170] =	vst v62  }
0x59: {  	[tilespmem:$0x110] =	vst v63  }
0x5a: {  	[tilespmem:s14], [sflag:$0x1] =	stream.indirect.gather [hbm4b:s4+s13], $0x20, s3, s13, $0xb8;
	[tilespmem:$0x6080] =	vst v63  }
0x5b: {  	_ =	swait.ge [sflag:s15], $0x1000  }
0x5c: {  	[sflag:s15] =	ssyncset.done $0x0  }
0x5d: {  	[sflag:s15] =	ssyncadd.s32 $0xFFFFF000  }
0x5e: {  	[spmem:s2] =	stream.indirect.scatter.add.f32 [tilespmem:s14], [sflag:$0x2], $0x20, s16, s13, $0xb8;
	[tilespmem:$0x6080] =	vst v63  }
0x5f: {  	_ =	swait.ge [sflag:s12], $0x1000  }
0x60: {  	s17 =	sadd.s32 $0x1, s17;
	[sflag:s12] =	ssyncset.done $0x0  }
0x61: {  	p0 =	sne.s32 s17, s8;
	[sflag:s12] =	ssyncadd.s32 $0xFFFFF000  }
.Ltmp1:
0x62: {  	[bflag:$0x0] =	sbarrier.arrive $0xFFFF;
	(pc) =	sbr.rel @p0 .LBB2_1-.Ltmp1, $4  }
0x63: {  	[hbm:s7], [sflag:s6] =	dma.local [spmem:s11], $0x9E0  }
0x64: {  	_ =	swait.ge [sflag:s12], $0x9E0  }
0x65: {  	[sflag:s12] =	ssyncset.done $0x0  }
0x66: {  	[sflag:s12] =	ssyncadd.s32 $0xFFFFF620  }
0x67: {  	_ =	sfence.sel $0x180000  }
0x68: {  	[bflag:$0x0] =	sbarrier.arrive $0xFFFF  }
0x69: {  	p0 =	sne.s32 s0, $0x0;
	_ =	strace $0x90000047  }
0x6a: {  	s0 =	sadd.s32 @!p0 $0x100000, s1;
	[bflag:$0x2] =	sbarrier.arrive $0xFFFF  }
0x6b: {  	[sflag:s0] =	ssyncadd.tile.s32 @!p0 $0x1;
	_ =	shalt  }
.Lfunc_end2:
_tile_overlayer_lowered:
.L_overlay_start_2:
0x6c: {  	(tag) =	ssettag $0x2  }
0x6d: {  	s0 =	rddreg [dreg:$0x0];
	s2 =	stileid.u32  }
0x6e: {  	s1 =	rddreg [dreg:$0x1];
	p0 =	sne.s32 s2, $0x0  }
0x6f: {  	s3 =	rddreg [dreg:$0x2];
	[bflag:$0x3] =	sbarrier.arrive $0xFFFF;
	s2 =	simm.s32 @!p0 $0x1C02  }
0x70: {  	[timem:s3], [sflag:s2] =	dma.local @!p0 [hbm:s0], s1  }
0x71: {  	s0 =	simm.s32 @!p0 $0x2  }
0x72: {  	_ =	swait.ge @!p0 [sflag:s0], s1  }
0x73: {  	s1 =	ssub.s32 @!p0 $0x0, s1;
	[sflag:s0] =	ssyncset.done @!p0 $0x0  }
0x74: {  	[sflag:s0] =	ssyncadd.s32 @!p0 s1  }
0x75: {  	[bflag:$0x3] =	sbarrier.arrive $0xFFFF  }
0x76: {  	_ =	shalt  }

// kernel: kernel.20.cloned.1.call-start
scs
__scs_entry_jumppad:
0x0: {  	(pc) =	sbr.rel $0x88, $3  }
0x1: {  	(tag) =	ssettag $0x0;
	lr =	simm.s32 $0x1  }
0x2: {  	[smem:$0x3F8E] =	sst lr;
	_ =	strace $0xD0000000  }
0x3: {  	_ = 	snop  }
0x4: {  	_ = 	snop  }
0x5: {  	_ = 	snop  }
0x6: {  	_ = 	snop  }
0x7: {  	_ = 	snop  }
__scs_overlays_trampoline_lowered:
0x8: {  	[smem:$0x3F9D] =	sst s0  }
0x9: {  	[smem:$0x3F9E] =	sst s1  }
0xa: {  	[smem:$0x3F9F] =	sst s2  }
0xb: {  	[smem:$0x3FA0] =	sst s3  }
0xc: {  	[smem:$0x3FA1] =	sst s4  }
0xd: {  	[smem:$0x3FA2] =	sst s5  }
0xe: {  	[smem:$0x3FA3] =	sst s6  }
0xf: {  	[smem:$0x3FA4] =	sst s7  }
0x10: {  	[smem:$0x3FA5] =	sst s8  }
0x11: {  	[smem:$0x3FA6] =	sst s9;
	s0 =	simm.s32 @!p0 $0x0  }
0x12: {  	s1 =	sld [smem:$0x3F8C];
	s0 =	simm.s32 @p0 $0x1  }
0x13: {  	[smem:$0x3FA7] =	sst s0;
	s0 =	simm.s32 @!p1 $0x0  }
0x14: {  	s2 =	sld [smem:$0x3F8B];
	s0 =	simm.s32 @p1 $0x1  }
0x15: {  	[smem:$0x3FA8] =	sst s0;
	s0 =	simm.s32 @!p2 $0x0  }
0x16: {  	s3 =	sld [smem:$0x3FDB];
	s0 =	simm.s32 @p2 $0x1  }
0x17: {  	s4 =	simm.s32 $0x1BF5;
	[smem:$0x3FAA] =	sst s0  }
0x18: {  	s0 =	sld [smem:$0x3F8D];
	_ =	swait.ge [sflag:s4], $0x0  }
0x19: {  	s7 =	sld [smem:$0x3F8E]  }
0x1a: {  	s8 =	sadd.s32 $0xFFFFE003, lr  }
0x1b: {  	s9 =	sadd.s32 $0xFFFFFEF7, lr;
	s5 =	simm.s32 $0xFFFFFFFF;
	p2 =	slt.u32 s8, $0xFFFFF086  }
0x1c: {  	p1 =	slt.u32 s9, $0xF7A;
	s5 =	simm.s32 @!p2 $0x0  }
0x1d: {  	s5 =	simm.s32 @p1 $0x1;
	p0 =	seq.s32 s7, s2  }
0x1e: {  	s7 =	smul.u32 @!p0 $0xF7A, s2;
	p2 =	seq.s32 @!p0 s5, $0x0  }
0x1f: {  	s9 =	smul.u32 $0xF7A, s1;
	s8 =	simm.s32 @!p0 $0x1BF5;
	p2 =	por !p2, p0  }
0x20: {  	[sflag:s8] =	ssyncset.s32 @!p0 $0xFFFFF086;
	s6 =	sadd.s32 @!p0 s3, s7;
	s7 =	simm.s32 @!p0 $0x108  }
0x21: {  	s3 =	sadd.s32 s3, s9;
	s6 =	sadd.s32 @!p0 $0x88, s6;
	s7 =	simm.s32 @p2 $0x1082  }
0x22: {  	[simem:s7], [sflag:s8] =	dma.local @!p0 [hbm:s6], $0xF7A  }
0x23: {  	s9 =	sor.u32 $0xD0000000, s2;
	s6 =	simm.s32 $0x108;
	_ =	swait.ge @!p0 [sflag:s8], $0x0  }
0x24: {  	s3 =	sadd.s32 $0x88, s3;
	s6 =	simm.s32 @!p1 $0x1082;
	[sflag:s4] =	ssyncset.s32 $0xFFFFF086  }
0x25: {  	[simem:s6], [sflag:s4] =	dma.local [hbm:s3], $0xF7A  }
0x26: {  	[smem:$0x3F8E] =	sst s1;
	(tag) =	ssettag s2;
	_ =	strace s9  }
0x27: {  	s1 =	sld [smem:$0x3F9E]  }
0x28: {  	s2 =	sld [smem:$0x3F9F]  }
0x29: {  	s4 =	sld [smem:$0x3FA1]  }
0x2a: {  	p0 =	seq.s32 s5, $0x0;
	s5 =	sld [smem:$0x3FA2]  }
0x2b: {  	s6 =	sld [smem:$0x3FA3]  }
0x2c: {  	s7 =	sld [smem:$0x3FA4]  }
0x2d: {  	s3 =	simm.s32 $0x108;
	s8 =	sld [smem:$0x3FA5]  }
0x2e: {  	s3 =	simm.s32 @!p0 $0x1082;
	s9 =	sld [smem:$0x3FA6]  }
0x2f: {  	lr =	sadd.s32 s0, s3;
	s0 =	sld [smem:$0x3F9D]  }
0x30: {  	s3 =	sld [smem:$0x3FA0]  }
0x31: {  	[smem:$0x3FA9] =	sst s10  }
0x32: {  	s10 =	sld [smem:$0x3FA7];
	_ =	sdelay $0x3  }
0x33: {  	p0 =	seq.s32 s10, $0x1;
	s10 =	sld [smem:$0x3FA9];
	_ =	sdelay $0x3  }
0x34: {  	[smem:$0x3FA9] =	sst s10  }
0x35: {  	s10 =	sld [smem:$0x3FA8];
	_ =	sdelay $0x3  }
0x36: {  	p1 =	seq.s32 s10, $0x1;
	s10 =	sld [smem:$0x3FA9];
	_ =	sdelay $0x3  }
0x37: {  	[smem:$0x3FA9] =	sst s10  }
0x38: {  	s10 =	sld [smem:$0x3FAA]  }
0x39: {  	_ = 	snop;
	(pc) =	sbr.ind lr, $3  }
0x3a: {  	_ = 	snop  }
0x3b: {  	_ = 	snop  }
0x3c: {  	p2 =	seq.s32 s10, $0x1;
	s10 =	sld [smem:$0x3FA9]  }
0x3d: {  	_ =	shalt  }
0x3e: {  	_ =	shalt  }
0x3f: {  	_ =	shalt  }
0x40: {  	_ =	shalt  }
0x41: {  	_ =	shalt  }
0x42: {  	_ =	shalt  }
0x43: {  	_ =	shalt  }
0x44: {  	_ =	shalt  }
0x45: {  	_ =	shalt  }
0x46: {  	_ =	shalt  }
0x47: {  	_ =	shalt  }
0x48: {  	_ =	shalt  }
0x49: {  	_ =	shalt  }
0x4a: {  	_ =	shalt  }
0x4b: {  	_ =	shalt  }
0x4c: {  	_ =	shalt  }
0x4d: {  	_ =	shalt  }
0x4e: {  	_ =	shalt  }
0x4f: {  	_ =	shalt  }
0x50: {  	_ =	shalt  }
0x51: {  	_ =	shalt  }
0x52: {  	_ =	shalt  }
0x53: {  	_ =	shalt  }
0x54: {  	_ =	shalt  }
0x55: {  	_ =	shalt  }
0x56: {  	_ =	shalt  }
0x57: {  	_ =	shalt  }
0x58: {  	_ =	shalt  }
0x59: {  	_ =	shalt  }
0x5a: {  	_ =	shalt  }
0x5b: {  	_ =	shalt  }
0x5c: {  	_ =	shalt  }
0x5d: {  	_ =	shalt  }
0x5e: {  	_ =	shalt  }
0x5f: {  	_ =	shalt  }
0x60: {  	_ =	shalt  }
0x61: {  	_ =	shalt  }
0x62: {  	_ =	shalt  }
0x63: {  	_ =	shalt  }
0x64: {  	_ =	shalt  }
0x65: {  	_ =	shalt  }
0x66: {  	_ =	shalt  }
0x67: {  	_ =	shalt  }
0x68: {  	_ =	shalt  }
0x69: {  	_ =	shalt  }
0x6a: {  	_ =	shalt  }
0x6b: {  	_ =	shalt  }
0x6c: {  	_ =	shalt  }
0x6d: {  	_ =	shalt  }
0x6e: {  	_ =	shalt  }
0x6f: {  	_ =	shalt  }
0x70: {  	_ =	shalt  }
0x71: {  	_ =	shalt  }
0x72: {  	_ =	shalt  }
0x73: {  	_ =	shalt  }
0x74: {  	_ =	shalt  }
0x75: {  	_ =	shalt  }
0x76: {  	_ =	shalt  }
0x77: {  	_ =	shalt  }
0x78: {  	_ =	shalt  }
0x79: {  	_ =	shalt  }
0x7a: {  	_ =	shalt  }
0x7b: {  	_ =	shalt  }
0x7c: {  	_ =	shalt  }
0x7d: {  	_ =	shalt  }
0x7e: {  	_ =	shalt  }
0x7f: {  	_ =	shalt  }
0x80: {  	_ =	shalt  }
0x81: {  	_ =	shalt  }
0x82: {  	_ =	shalt  }
0x83: {  	_ =	shalt  }
0x84: {  	_ =	shalt  }
0x85: {  	_ =	shalt  }
0x86: {  	_ =	shalt  }
0x87: {  	_ =	shalt  }
.Lfunc_end0:
.L_simem_size_0:
called_computation.1_lowered:
.L_overlay_start_0:
0x88: {  	s2 =	sld [smem:$0x3FD9]  }
0x89: {  	s3 =	sld [smem:$0x3FFE];
	_ =	sdelay $0x1  }
0x8a: {  	s1 =	srdreg.scid  }
0x8b: {  	s0 =	sand.u32 $0x1, s1  }
0x8c: {  	s16 =	sshll.u32 s0, $0xA;
	s2 =	sadd.s32 s3, s2  }
0x8d: {  	s2 =	sadd.s32 s2, s16  }
0x8e: {  	[smem:$0x3FB5] =	sst s2  }
0x8f: {  	_ = 	snop  }
0x90: {  	(tm) =	ssettm $0x1  }
0x91: {  	s17 =	sld [smem:$0x3FFB];
	_ =	sdelay $0x3  }
0x92: {  	_ =	strace s17  }
0x93: {  	s2 =	sld [smem:$0x3FFC];
	_ =	sdelay $0x3  }
0x94: {  	_ =	strace s2  }
0x95: {  	s2 =	sld [smem:$0x3FFD];
	_ =	sdelay $0x3  }
0x96: {  	_ =	strace s2  }
0x97: {  	_ =	strace $0x8FFFFFFF  }
0x98: {  	s18 =	sld [smem:$0x3FDB];
	_ =	sdelay $0x1  }
0x99: {  	s19 =	simm.s32 $_scs_section_size  }
0x9a: {  	s4 =	simm.s32 $_size__tile_overlayer_lowered;
	s5 =	simm.s32 $_tile_overlayer_lowered  }
0x9b: {  	s22 =	simm.s32 $0x1BFF;
	s21 =	sshll.u32 s5, $0x1;
	s2 =	sadd.s32 s19, s18  }
0x9c: {  	s6 =	simm.s32 $0x0;
	s20 =	sshll.u32 s4, $0x1;
	s4 =	sadd.s32 s21, s2  }
0x9d: {  	[timem:s6], [sflag:s22] =	dma.local [hbm:s4], s20  }
0x9e: {  	_ =	swait.ge [sflag:s22], s20  }
0x9f: {  	s3 =	ssub.s32 $0x0, s20;
	[sflag:s22] =	ssyncset.done $0x0  }
0xa0: {  	[sflag:s22] =	ssyncadd.s32 s3;
	_ =	sdelay $0x1  }
0xa1: {  	s23 =	simm.s32 $0x1B8B  }
0xa2: {  	_ =	swait.ge [sflag:s23], $0x1  }
0xa3: {  	[sflag:s23] =	ssyncset.done $0x0  }
0xa4: {  	s25 =	simm.s32 $0x1B8E;
	s24 =	sld [smem:$0x3FFE];
	[sflag:s23] =	ssyncadd.s32 $0xFFFFFFFF  }
0xa5: {  	s26 =	simm.s32 $execute0_lowered;
	[smem:$0x3FD2] =	sst s25  }
0xa6: {  	s4 =	sshll.u32 s26, $0x1;
	_ =	strace $0x80000049;
	[dreg:$0x1] =	wrdreg $0xFFFFFFFF  }
0xa7: {  	s28 =	simm.s32 $_size_execute0_lowered;
	s2 =	sadd.s32 s2, s4;
	[dreg:$0x0] =	wrdreg $0x0  }
0xa8: {  	s4 =	sshll.u32 s28, $0x1;
	[dreg:$0x2] =	wrdreg s2  }
0xa9: {  	[dreg:$0x3] =	wrdreg s4  }
0xaa: {  	[dreg:$0x4] =	wrdreg $0xC0  }
0xab: {  	_ =	task [dreg:s6], $0x5FFFF  }
0xac: {  	[dreg:$0x1] =	wrdreg $0xFFFFFFFF  }
0xad: {  	[dreg:$0x0] =	wrdreg $0x60  }
0xae: {  	[dreg:$0x2] =	wrdreg s24  }
0xaf: {  	[dreg:$0x3] =	wrdreg $0x11800  }
0xb0: {  	[dreg:$0x4] =	wrdreg $0x9  }
0xb1: {  	_ =	task.clear_ibuf [dreg:s6], $0x5FFFF;
	_ =	strace $0x90000049  }
0xb2: {  	s29 =	simm.s32 $0x9;
	_ =	strace $0x8000004B  }
0xb3: {  	_ =	swait.ge [sflag:s29], $0x1  }
0xb4: {  	[sflag:s29] =	ssyncadd.s32 $0xFFFFFFFF  }
0xb5: {  	_ =	strace $0x9000004B  }
0xb6: {  	_ =	sfence  }
0xb7: {  	s30 =	sld [smem:$0x0];
	_ =	sdelay $0x2  }
0xb8: {  	s31 =	sshll.u32 s1, $0xD;
	s1 =	sshrl.u32 s1, $0x2  }
0xb9: {  	s3 =	sand.u32 $0x4000, s31;
	s1 =	sadd.s32 s1, s30  }
0xba: {  	s0 =	sor.u32 s3, s0;
	s1 =	sshll.u32 s1, $0x11  }
0xbb: {  	s0 =	sor.u32 s1, s0  }
0xbc: {  	s0 =	sadd.s32 $0x8F2B, s0  }
0xbd: {  	[sflag:s0] =	ssyncadd.remote.s32 $0x1  }
0xbe: {  	_ =	sfence.sel $0xFFFF  }
0xbf: {  	[dreg:$0x0] =	wrdreg $0xFFFFFFFF;
	(pc) =	sbr.abs _section_cstart, $3  }
0xc0: {  	[dreg:$0x1] =	wrdreg $0xFFFFFFFF  }
0xc1: {  	_ =	task.clear_ibuf [dreg:s6], $0x2FFFF;
	_ =	strace $0x9FFFFFFF  }
0xc2: {  	(tm) =	ssettm $0x7FFFFFFF  }
0xc3: {  	_ =	shalt  }
tec
execute0_lowered:
.L_overlay_start_1:
0x0: {  	(tag) =	ssettag $0x1  }
0x1: {  	s1 =	srdreg.scid  }
0x2: {  	s0 =	stileid.u32;
	s7 =	rddreg [dreg:$0x0]  }
0x3: {  	s2 =	rddreg [dreg:$0x1];
	s3 =	simm.s32 $0x0;
	s12 =	simm.s32 $0x2  }
0x4: {  	s13 =	simm.s32 $0x80;
	s14 =	simm.s32 $0x180;
	s15 =	simm.s32 $0x1  }
0x5: {  	s16 =	simm.s32 $0x100;
	s5 =	sand.u32 $0x1, s1;
	s6 =	smul.u32 $0x4F00, s0  }
0x6: {  	s17 =	simm.s32 $0x0;
	s1 =	rddreg [dreg:$0x2];
	s4 =	smul.u32 $0x2780, s5  }
0x7: {  	[smem:$0x7FF] =	sst s3;
	s31 =	sshll.u32 s0, $0x6;
	s8 =	smul.u32 $0x4F000, s5  }
0x8: {  	_ =	strace $0x8000004A;
	s5 =	ssub.s32 $0x2, s5;
	s9 =	sshrl.u32 s6, $0x3  }
0x9: {  	s11 =	sshrl.u32 s5, $0x1;
	s30 =	sadd.s32 s6, s2;
	s4 =	sadd.s32 s4, s6  }
0xa: {  	s8 =	sadd.s32 s6, s8;
	s9 =	sadd.s32 s9, s7;
	s29 =	ssub.s32 s5, s11  }
0xb: {  	s6 =	sor.u32 $0x1C02, s31;
	s11 =	sshrl.u32 s30, $0x3;
	s4 =	sshrl.u32 s4, $0x3  }
0xc: {  	s8 =	sshrl.u32 s8, $0x3;
	s5 =	sadd.s32 $0x16A00, s9;
	s10 =	sadd.s32 s4, s7  }
0xd: {  	s4 =	sadd.s32 $0x20800, s7;
	s7 =	sadd.s32 s8, s7;
	s8 =	smax.u32 s29, $0x1  }
0xe: {  	s7 =	sadd.s32 $0x2A600, s7;
	s9 =	sadd.s32 $0x2E00, s10;
	s10 =	sadd.s32 $0xCC00, s10  }
.LBB2_1:
0xf: {  	[spmem:s11], [sflag:s6] =	dma.local [hbm:s5], $0x9E0  }
0x10: {  	_ =	swait.ge [sflag:s12], $0x9E0  }
0x11: {  	[sflag:s12] =	ssyncset.done $0x0  }
0x12: {  	[sflag:s12] =	ssyncadd.s32 $0xFFFFF620  }
0x13: {  	s18 =	sadd.s32 $0x0, s10;
	[bflag:$0x0] =	sbarrier.arrive $0xFFFF  }
0x14: {  	[tilespmem:s3], [sflag:$0x2] =	stream.linear.gather [hbm4b:s18+s3], $0x80, $0x38;
	[tilespmem:$0x6080] =	vst v63  }
0x15: {  	_ =	swait.ge [sflag:s12], $0x80  }
0x16: {  	[sflag:s12] =	ssyncset.done $0x0  }
0x17: {  	s31 =	sadd.s32 $0x0, s9;
	[sflag:s12] =	ssyncadd.s32 $0xFFFFFF80  }
0x18: {  	[tilespmem:s13], [sflag:$0x2] =	stream.linear.gather [hbm4b:s31+s3], $0x80, $0x38;
	[tilespmem:$0x6080] =	vst v63  }
0x19: {  	_ =	swait.ge [sflag:s12], $0x80  }
0x1a: {  	[sflag:s12] =	ssyncset.done $0x0  }
0x1b: {  	[sflag:s12] =	ssyncadd.s32 $0xFFFFFF80  }
0x1c: {  	v0 =	vld [tilespmem:$0xE0]  }
0x1d: {  	v1 =	vld [tilespmem:$0xD0]  }
0x1e: {  	v3 =	vld [tilespmem:$0xB0]  }
0x1f: {  	v11 =	vld [tilespmem:$0xA0]  }
0x20: {  	v8 =	vld [tilespmem:$0x30]  }
0x21: {  	v5 =	vld [tilespmem:$0x50]  }
0x22: {  	v2 =	vld [tilespmem:$0x20]  }
0x23: {  	v4 =	vld [tilespmem:$0xC0]  }
0x24: {  	v7 =	vld [tilespmem:$0x0]  }
0x25: {  	v10 =	vld [tilespmem:$0x40]  }
0x26: {  	v6 =	vld [tilespmem:$0x80]  }
0x27: {  	v9 =	vld [tilespmem:$0x60];
	vm0 =	veq.s32 v2, v11  }
0x28: {  	s18 =	simm.s32 $0x10;
	v2 =	vld [tilespmem:$0x90];
	v11 =	vsel vm0, $0x2778, v11  }
.LBB2_2:
0x29: {  	p0 =	sne.s32 s18, $0x4E0;
	v12 =	vld [tilespmem:$0xF0];
	s19 =	smov.u32 s18;
	s18 =	sadd.s32 $0x10, s18  }
0x2a: {  	vm0 =	veq.s32 v8, v3;
	[tilespmem:$0x120] =	vst v11;
	vm1 =	veq.s32 v10, v4;
	v8 =	vld [tilespmem:$0x70]  }
0x2b: {  	v3 =	vsel vm0, $0x2778, v3;
	vm0 =	veq.s32 v5, v1;
	vm2 =	veq.s32 v7, v6;
	v7 =	vld [tilespmem:$0x10]  }
0x2c: {  	v5 =	vsel vm2, $0x2778, v6;
	[tilespmem:$0x130] =	vst v3;
	v3 =	vsel vm1, $0x2778, v4;
	vm1 =	veq.s32 v9, v0  }
0x2d: {  	v1 =	vsel vm0, $0x2778, v1;
	[tilespmem:$0x140] =	vst v3;
	v0 =	vsel vm1, $0x2778, v0  }
0x2e: {  	[tilespmem:$0x150] =	vst v1  }
0x2f: {  	[tilespmem:$0x160] =	vst v0;
	vm0 =	veq.s32 v8, v12  }
0x30: {  	[tilespmem:$0x100] =	vst v5;
	vm1 =	veq.s32 v7, v2;
	v0 =	vsel vm0, $0x2778, v12  }
0x31: {  	v1 =	vsel vm1, $0x2778, v2;
	[tilespmem:$0x170] =	vst v0  }
0x32: {  	[tilespmem:$0x110] =	vst v1  }
0x33: {  	[tilespmem:s14], [sflag:$0x1] =	stream.indirect.gather [hbm4b:s4+s13], $0x20, s3, s13, $0xb8;
	[tilespmem:$0x6080] =	vst v63  }
0x34: {  	_ =	swait.ge [sflag:s15], $0x1000  }
0x35: {  	[sflag:s15] =	ssyncset.done $0x0  }
0x36: {  	[sflag:s15] =	ssyncadd.s32 $0xFFFFF000  }
0x37: {  	[spmem:s2] =	stream.indirect.scatter.add.f32 [tilespmem:s14], [sflag:$0x2], $0x20, s16, s13, $0xb8;
	[tilespmem:$0x6080] =	vst v63  }
0x38: {  	s20 =	sadd.s32 s19, s10;
	_ =	swait.ge [sflag:s12], $0x1000  }
0x39: {  	[sflag:s12] =	ssyncset.done $0x0  }
0x3a: {  	[sflag:s12] =	ssyncadd.s32 $0xFFFFF000  }
0x3b: {  	[tilespmem:s3], [sflag:$0x2] =	stream.linear.gather [hbm4b:s20+s3], $0x80, $0x38;
	[tilespmem:$0x6080] =	vst v63  }
0x3c: {  	_ =	swait.ge [sflag:s12], $0x80  }
0x3d: {  	[sflag:s12] =	ssyncset.done $0x0  }
0x3e: {  	s19 =	sadd.s32 s19, s9;
	[sflag:s12] =	ssyncadd.s32 $0xFFFFFF80  }
0x3f: {  	[tilespmem:s13], [sflag:$0x2] =	stream.linear.gather [hbm4b:s19+s3], $0x80, $0x38;
	[tilespmem:$0x6080] =	vst v63  }
0x40: {  	_ =	swait.ge [sflag:s12], $0x80  }
0x41: {  	[sflag:s12] =	ssyncset.done $0x0  }
0x42: {  	[sflag:s12] =	ssyncadd.s32 $0xFFFFFF80  }
0x43: {  	v0 =	vld [tilespmem:$0xE0]  }
0x44: {  	v1 =	vld [tilespmem:$0xD0]  }
0x45: {  	v3 =	vld [tilespmem:$0xB0]  }
0x46: {  	v11 =	vld [tilespmem:$0xA0]  }
0x47: {  	v8 =	vld [tilespmem:$0x30]  }
0x48: {  	v5 =	vld [tilespmem:$0x50]  }
0x49: {  	v2 =	vld [tilespmem:$0x20]  }
0x4a: {  	v4 =	vld [tilespmem:$0xC0]  }
.Ltmp0:
0x4b: {  	v7 =	vld [tilespmem:$0x0];
	(pc) =	sbr.rel @p0 .LBB2_2-.Ltmp0, $4  }
0x4c: {  	v10 =	vld [tilespmem:$0x40]  }
0x4d: {  	v6 =	vld [tilespmem:$0x80]  }
0x4e: {  	vm0 =	veq.s32 v2, v11;
	v9 =	vld [tilespmem:$0x60]  }
0x4f: {  	v2 =	vld [tilespmem:$0x90];
	v11 =	vsel vm0, $0x2778, v11  }
0x50: {  	v12 =	vld [tilespmem:$0xF0]  }
0x51: {  	vm0 =	veq.s32 v8, v3;
	v58 =	vld [tilespmem:$0x70]  }
0x52: {  	[tilespmem:$0x120] =	vst v11;
	v59 =	vld [tilespmem:$0x10];
	vm11 =	veq.s32 v5, v1;
	v3 =	vsel vm0, $0x2778, v3  }
0x53: {  	vm1 =	veq.s32 v10, v4;
	v1 =	vsel vm11, $0x2778, v1;
	[tilespmem:$0x130] =	vst v3  }
0x54: {  	v60 =	vsel vm1, $0x2778, v4;
	vm13 =	veq.s32 v7, v6;
	[tilespmem:$0x150] =	vst v1  }
0x55: {  	vm12 =	veq.s32 v9, v0;
	[tilespmem:$0x140] =	vst v60;
	v61 =	vsel vm13, $0x2778, v6  }
0x56: {  	v0 =	vsel vm12, $0x2778, v0;
	[tilespmem:$0x100] =	vst v61;
	vm14 =	veq.s32 v58, v12  }
0x57: {  	[tilespmem:$0x160] =	vst v0;
	vm15 =	veq.s32 v59, v2;
	v62 =	vsel vm14, $0x2778, v12  }
0x58: {  	v63 =	vsel vm15, $0x2778, v2;
	[tilespmem:$0x170] =	vst v62  }
0x59: {  	[tilespmem:$0x110] =	vst v63  }
0x5a: {  	[tilespmem:s14], [sflag:$0x1] =	stream.indirect.gather [hbm4b:s4+s13], $0x20, s3, s13, $0xb8;
	[tilespmem:$0x6080] =	vst v63  }
0x5b: {  	_ =	swait.ge [sflag:s15], $0x1000  }
0x5c: {  	[sflag:s15] =	ssyncset.done $0x0  }
0x5d: {  	[sflag:s15] =	ssyncadd.s32 $0xFFFFF000  }
0x5e: {  	[spmem:s2] =	stream.indirect.scatter.add.f32 [tilespmem:s14], [sflag:$0x2], $0x20, s16, s13, $0xb8;
	[tilespmem:$0x6080] =	vst v63  }
0x5f: {  	_ =	swait.ge [sflag:s12], $0x1000  }
0x60: {  	s17 =	sadd.s32 $0x1, s17;
	[sflag:s12] =	ssyncset.done $0x0  }
0x61: {  	p0 =	sne.s32 s17, s8;
	[sflag:s12] =	ssyncadd.s32 $0xFFFFF000  }
.Ltmp1:
0x62: {  	[bflag:$0x0] =	sbarrier.arrive $0xFFFF;
	(pc) =	sbr.rel @p0 .LBB2_1-.Ltmp1, $4  }
0x63: {  	[hbm:s7], [sflag:s6] =	dma.local [spmem:s11], $0x9E0  }
0x64: {  	_ =	swait.ge [sflag:s12], $0x9E0  }
0x65: {  	[sflag:s12] =	ssyncset.done $0x0  }
0x66: {  	[sflag:s12] =	ssyncadd.s32 $0xFFFFF620  }
0x67: {  	_ =	sfence.sel $0x180000  }
0x68: {  	[bflag:$0x0] =	sbarrier.arrive $0xFFFF  }
0x69: {  	p0 =	sne.s32 s0, $0x0;
	_ =	strace $0x9000004A  }
0x6a: {  	s0 =	sadd.s32 @!p0 $0x100000, s1;
	[bflag:$0x2] =	sbarrier.arrive $0xFFFF  }
0x6b: {  	[sflag:s0] =	ssyncadd.tile.s32 @!p0 $0x1;
	_ =	shalt  }
.Lfunc_end2:
_tile_overlayer_lowered:
.L_overlay_start_2:
0x6c: {  	(tag) =	ssettag $0x2  }
0x6d: {  	s0 =	rddreg [dreg:$0x0];
	s2 =	stileid.u32  }
0x6e: {  	s1 =	rddreg [dreg:$0x1];
	p0 =	sne.s32 s2, $0x0  }
0x6f: {  	s3 =	rddreg [dreg:$0x2];
	[bflag:$0x3] =	sbarrier.arrive $0xFFFF;
	s2 =	simm.s32 @!p0 $0x1C02  }
0x70: {  	[timem:s3], [sflag:s2] =	dma.local @!p0 [hbm:s0], s1  }
0x71: {  	s0 =	simm.s32 @!p0 $0x2  }
0x72: {  	_ =	swait.ge @!p0 [sflag:s0], s1  }
0x73: {  	s1 =	ssub.s32 @!p0 $0x0, s1;
	[sflag:s0] =	ssyncset.done @!p0 $0x0  }
0x74: {  	[sflag:s0] =	ssyncadd.s32 @!p0 s1  }
0x75: {  	[bflag:$0x3] =	sbarrier.arrive $0xFFFF  }
0x76: {  	_ =	shalt  }

// kernel: kernel.23.cloned.1.call-start
scs
__scs_entry_jumppad:
0x0: {  	(pc) =	sbr.rel $0x88, $3  }
0x1: {  	(tag) =	ssettag $0x0;
	lr =	simm.s32 $0x1  }
0x2: {  	[smem:$0x3F8E] =	sst lr;
	_ =	strace $0xD0000000  }
0x3: {  	_ = 	snop  }
0x4: {  	_ = 	snop  }
0x5: {  	_ = 	snop  }
0x6: {  	_ = 	snop  }
0x7: {  	_ = 	snop  }
__scs_overlays_trampoline_lowered:
0x8: {  	[smem:$0x3F9D] =	sst s0  }
0x9: {  	[smem:$0x3F9E] =	sst s1  }
0xa: {  	[smem:$0x3F9F] =	sst s2  }
0xb: {  	[smem:$0x3FA0] =	sst s3  }
0xc: {  	[smem:$0x3FA1] =	sst s4  }
0xd: {  	[smem:$0x3FA2] =	sst s5  }
0xe: {  	[smem:$0x3FA3] =	sst s6  }
0xf: {  	[smem:$0x3FA4] =	sst s7  }
0x10: {  	[smem:$0x3FA5] =	sst s8  }
0x11: {  	[smem:$0x3FA6] =	sst s9;
	s0 =	simm.s32 @!p0 $0x0  }
0x12: {  	s1 =	sld [smem:$0x3F8C];
	s0 =	simm.s32 @p0 $0x1  }
0x13: {  	[smem:$0x3FA7] =	sst s0;
	s0 =	simm.s32 @!p1 $0x0  }
0x14: {  	s2 =	sld [smem:$0x3F8B];
	s0 =	simm.s32 @p1 $0x1  }
0x15: {  	[smem:$0x3FA8] =	sst s0;
	s0 =	simm.s32 @!p2 $0x0  }
0x16: {  	s3 =	sld [smem:$0x3FDB];
	s0 =	simm.s32 @p2 $0x1  }
0x17: {  	s4 =	simm.s32 $0x1BF5;
	[smem:$0x3FAA] =	sst s0  }
0x18: {  	s0 =	sld [smem:$0x3F8D];
	_ =	swait.ge [sflag:s4], $0x0  }
0x19: {  	s7 =	sld [smem:$0x3F8E]  }
0x1a: {  	s8 =	sadd.s32 $0xFFFFE003, lr  }
0x1b: {  	s9 =	sadd.s32 $0xFFFFFEF7, lr;
	s5 =	simm.s32 $0xFFFFFFFF;
	p2 =	slt.u32 s8, $0xFFFFF086  }
0x1c: {  	p1 =	slt.u32 s9, $0xF7A;
	s5 =	simm.s32 @!p2 $0x0  }
0x1d: {  	s5 =	simm.s32 @p1 $0x1;
	p0 =	seq.s32 s7, s2  }
0x1e: {  	s7 =	smul.u32 @!p0 $0xF7A, s2;
	p2 =	seq.s32 @!p0 s5, $0x0  }
0x1f: {  	s9 =	smul.u32 $0xF7A, s1;
	s8 =	simm.s32 @!p0 $0x1BF5;
	p2 =	por !p2, p0  }
0x20: {  	[sflag:s8] =	ssyncset.s32 @!p0 $0xFFFFF086;
	s6 =	sadd.s32 @!p0 s3, s7;
	s7 =	simm.s32 @!p0 $0x108  }
0x21: {  	s3 =	sadd.s32 s3, s9;
	s6 =	sadd.s32 @!p0 $0x88, s6;
	s7 =	simm.s32 @p2 $0x1082  }
0x22: {  	[simem:s7], [sflag:s8] =	dma.local @!p0 [hbm:s6], $0xF7A  }
0x23: {  	s9 =	sor.u32 $0xD0000000, s2;
	s6 =	simm.s32 $0x108;
	_ =	swait.ge @!p0 [sflag:s8], $0x0  }
0x24: {  	s3 =	sadd.s32 $0x88, s3;
	s6 =	simm.s32 @!p1 $0x1082;
	[sflag:s4] =	ssyncset.s32 $0xFFFFF086  }
0x25: {  	[simem:s6], [sflag:s4] =	dma.local [hbm:s3], $0xF7A  }
0x26: {  	[smem:$0x3F8E] =	sst s1;
	(tag) =	ssettag s2;
	_ =	strace s9  }
0x27: {  	s1 =	sld [smem:$0x3F9E]  }
0x28: {  	s2 =	sld [smem:$0x3F9F]  }
0x29: {  	s4 =	sld [smem:$0x3FA1]  }
0x2a: {  	p0 =	seq.s32 s5, $0x0;
	s5 =	sld [smem:$0x3FA2]  }
0x2b: {  	s6 =	sld [smem:$0x3FA3]  }
0x2c: {  	s7 =	sld [smem:$0x3FA4]  }
0x2d: {  	s3 =	simm.s32 $0x108;
	s8 =	sld [smem:$0x3FA5]  }
0x2e: {  	s3 =	simm.s32 @!p0 $0x1082;
	s9 =	sld [smem:$0x3FA6]  }
0x2f: {  	lr =	sadd.s32 s0, s3;
	s0 =	sld [smem:$0x3F9D]  }
0x30: {  	s3 =	sld [smem:$0x3FA0]  }
0x31: {  	[smem:$0x3FA9] =	sst s10  }
0x32: {  	s10 =	sld [smem:$0x3FA7];
	_ =	sdelay $0x3  }
0x33: {  	p0 =	seq.s32 s10, $0x1;
	s10 =	sld [smem:$0x3FA9];
	_ =	sdelay $0x3  }
0x34: {  	[smem:$0x3FA9] =	sst s10  }
0x35: {  	s10 =	sld [smem:$0x3FA8];
	_ =	sdelay $0x3  }
0x36: {  	p1 =	seq.s32 s10, $0x1;
	s10 =	sld [smem:$0x3FA9];
	_ =	sdelay $0x3  }
0x37: {  	[smem:$0x3FA9] =	sst s10  }
0x38: {  	s10 =	sld [smem:$0x3FAA]  }
0x39: {  	_ = 	snop;
	(pc) =	sbr.ind lr, $3  }
0x3a: {  	_ = 	snop  }
0x3b: {  	_ = 	snop  }
0x3c: {  	p2 =	seq.s32 s10, $0x1;
	s10 =	sld [smem:$0x3FA9]  }
0x3d: {  	_ =	shalt  }
0x3e: {  	_ =	shalt  }
0x3f: {  	_ =	shalt  }
0x40: {  	_ =	shalt  }
0x41: {  	_ =	shalt  }
0x42: {  	_ =	shalt  }
0x43: {  	_ =	shalt  }
0x44: {  	_ =	shalt  }
0x45: {  	_ =	shalt  }
0x46: {  	_ =	shalt  }
0x47: {  	_ =	shalt  }
0x48: {  	_ =	shalt  }
0x49: {  	_ =	shalt  }
0x4a: {  	_ =	shalt  }
0x4b: {  	_ =	shalt  }
0x4c: {  	_ =	shalt  }
0x4d: {  	_ =	shalt  }
0x4e: {  	_ =	shalt  }
0x4f: {  	_ =	shalt  }
0x50: {  	_ =	shalt  }
0x51: {  	_ =	shalt  }
0x52: {  	_ =	shalt  }
0x53: {  	_ =	shalt  }
0x54: {  	_ =	shalt  }
0x55: {  	_ =	shalt  }
0x56: {  	_ =	shalt  }
0x57: {  	_ =	shalt  }
0x58: {  	_ =	shalt  }
0x59: {  	_ =	shalt  }
0x5a: {  	_ =	shalt  }
0x5b: {  	_ =	shalt  }
0x5c: {  	_ =	shalt  }
0x5d: {  	_ =	shalt  }
0x5e: {  	_ =	shalt  }
0x5f: {  	_ =	shalt  }
0x60: {  	_ =	shalt  }
0x61: {  	_ =	shalt  }
0x62: {  	_ =	shalt  }
0x63: {  	_ =	shalt  }
0x64: {  	_ =	shalt  }
0x65: {  	_ =	shalt  }
0x66: {  	_ =	shalt  }
0x67: {  	_ =	shalt  }
0x68: {  	_ =	shalt  }
0x69: {  	_ =	shalt  }
0x6a: {  	_ =	shalt  }
0x6b: {  	_ =	shalt  }
0x6c: {  	_ =	shalt  }
0x6d: {  	_ =	shalt  }
0x6e: {  	_ =	shalt  }
0x6f: {  	_ =	shalt  }
0x70: {  	_ =	shalt  }
0x71: {  	_ =	shalt  }
0x72: {  	_ =	shalt  }
0x73: {  	_ =	shalt  }
0x74: {  	_ =	shalt  }
0x75: {  	_ =	shalt  }
0x76: {  	_ =	shalt  }
0x77: {  	_ =	shalt  }
0x78: {  	_ =	shalt  }
0x79: {  	_ =	shalt  }
0x7a: {  	_ =	shalt  }
0x7b: {  	_ =	shalt  }
0x7c: {  	_ =	shalt  }
0x7d: {  	_ =	shalt  }
0x7e: {  	_ =	shalt  }
0x7f: {  	_ =	shalt  }
0x80: {  	_ =	shalt  }
0x81: {  	_ =	shalt  }
0x82: {  	_ =	shalt  }
0x83: {  	_ =	shalt  }
0x84: {  	_ =	shalt  }
0x85: {  	_ =	shalt  }
0x86: {  	_ =	shalt  }
0x87: {  	_ =	shalt  }
.Lfunc_end0:
.L_simem_size_0:
called_computation.2_lowered:
.L_overlay_start_0:
0x88: {  	s2 =	sld [smem:$0x3FD9]  }
0x89: {  	s3 =	sld [smem:$0x3FFE];
	_ =	sdelay $0x1  }
0x8a: {  	s1 =	srdreg.scid  }
0x8b: {  	s0 =	sand.u32 $0x1, s1  }
0x8c: {  	s16 =	sshll.u32 s0, $0xA;
	s2 =	sadd.s32 s3, s2  }
0x8d: {  	s2 =	sadd.s32 s2, s16  }
0x8e: {  	[smem:$0x3FB5] =	sst s2  }
0x8f: {  	_ = 	snop  }
0x90: {  	(tm) =	ssettm $0x1  }
0x91: {  	s17 =	sld [smem:$0x3FFB];
	_ =	sdelay $0x3  }
0x92: {  	_ =	strace s17  }
0x93: {  	s2 =	sld [smem:$0x3FFC];
	_ =	sdelay $0x3  }
0x94: {  	_ =	strace s2  }
0x95: {  	s2 =	sld [smem:$0x3FFD];
	_ =	sdelay $0x3  }
0x96: {  	_ =	strace s2  }
0x97: {  	_ =	strace $0x8FFFFFFF  }
0x98: {  	s18 =	sld [smem:$0x3FDB];
	_ =	sdelay $0x1  }
0x99: {  	s19 =	simm.s32 $_scs_section_size  }
0x9a: {  	s4 =	simm.s32 $_size__tile_overlayer_lowered;
	s5 =	simm.s32 $_tile_overlayer_lowered  }
0x9b: {  	s22 =	simm.s32 $0x1BFF;
	s21 =	sshll.u32 s5, $0x1;
	s2 =	sadd.s32 s19, s18  }
0x9c: {  	s6 =	simm.s32 $0x0;
	s20 =	sshll.u32 s4, $0x1;
	s4 =	sadd.s32 s21, s2  }
0x9d: {  	[timem:s6], [sflag:s22] =	dma.local [hbm:s4], s20  }
0x9e: {  	_ =	swait.ge [sflag:s22], s20  }
0x9f: {  	s3 =	ssub.s32 $0x0, s20;
	[sflag:s22] =	ssyncset.done $0x0  }
0xa0: {  	[sflag:s22] =	ssyncadd.s32 s3;
	_ =	sdelay $0x1  }
0xa1: {  	s23 =	simm.s32 $0x1B8B  }
0xa2: {  	_ =	swait.ge [sflag:s23], $0x1  }
0xa3: {  	[sflag:s23] =	ssyncset.done $0x0  }
0xa4: {  	s25 =	simm.s32 $0x1B8E;
	s24 =	sld [smem:$0x3FFE];
	[sflag:s23] =	ssyncadd.s32 $0xFFFFFFFF  }
0xa5: {  	s26 =	simm.s32 $execute0_lowered;
	[smem:$0x3FD2] =	sst s25  }
0xa6: {  	s4 =	sshll.u32 s26, $0x1;
	_ =	strace $0x8000004C;
	[dreg:$0x1] =	wrdreg $0xFFFFFFFF  }
0xa7: {  	s28 =	simm.s32 $_size_execute0_lowered;
	s2 =	sadd.s32 s2, s4;
	[dreg:$0x0] =	wrdreg $0x0  }
0xa8: {  	s4 =	sshll.u32 s28, $0x1;
	[dreg:$0x2] =	wrdreg s2  }
0xa9: {  	[dreg:$0x3] =	wrdreg s4  }
0xaa: {  	[dreg:$0x4] =	wrdreg $0xC0  }
0xab: {  	_ =	task [dreg:s6], $0x5FFFF  }
0xac: {  	[dreg:$0x1] =	wrdreg $0xFFFFFFFF  }
0xad: {  	[dreg:$0x0] =	wrdreg $0x60  }
0xae: {  	[dreg:$0x2] =	wrdreg s24  }
0xaf: {  	[dreg:$0x3] =	wrdreg $0x11800  }
0xb0: {  	[dreg:$0x4] =	wrdreg $0x9  }
0xb1: {  	_ =	task.clear_ibuf [dreg:s6], $0x5FFFF;
	_ =	strace $0x9000004C  }
0xb2: {  	s29 =	simm.s32 $0x9;
	_ =	strace $0x8000004E  }
0xb3: {  	_ =	swait.ge [sflag:s29], $0x1  }
0xb4: {  	[sflag:s29] =	ssyncadd.s32 $0xFFFFFFFF  }
0xb5: {  	_ =	strace $0x9000004E  }
0xb6: {  	_ =	sfence  }
0xb7: {  	s30 =	sld [smem:$0x0];
	_ =	sdelay $0x2  }
0xb8: {  	s31 =	sshll.u32 s1, $0xD;
	s1 =	sshrl.u32 s1, $0x2  }
0xb9: {  	s3 =	sand.u32 $0x4000, s31;
	s1 =	sadd.s32 s1, s30  }
0xba: {  	s0 =	sor.u32 s3, s0;
	s1 =	sshll.u32 s1, $0x11  }
0xbb: {  	s0 =	sor.u32 s1, s0  }
0xbc: {  	s0 =	sadd.s32 $0x8F2B, s0  }
0xbd: {  	[sflag:s0] =	ssyncadd.remote.s32 $0x1  }
0xbe: {  	_ =	sfence.sel $0xFFFF  }
0xbf: {  	[dreg:$0x0] =	wrdreg $0xFFFFFFFF;
	(pc) =	sbr.abs _section_cstart, $3  }
0xc0: {  	[dreg:$0x1] =	wrdreg $0xFFFFFFFF  }
0xc1: {  	_ =	task.clear_ibuf [dreg:s6], $0x2FFFF;
	_ =	strace $0x9FFFFFFF  }
0xc2: {  	(tm) =	ssettm $0x7FFFFFFF  }
0xc3: {  	_ =	shalt  }
tec
execute0_lowered:
.L_overlay_start_1:
0x0: {  	(tag) =	ssettag $0x1  }
0x1: {  	s1 =	srdreg.scid  }
0x2: {  	s0 =	stileid.u32;
	s7 =	rddreg [dreg:$0x0]  }
0x3: {  	s2 =	rddreg [dreg:$0x1];
	s3 =	simm.s32 $0x0;
	s12 =	simm.s32 $0x2  }
0x4: {  	s13 =	simm.s32 $0x80;
	s14 =	simm.s32 $0x180;
	s15 =	simm.s32 $0x1  }
0x5: {  	s16 =	simm.s32 $0x100;
	s5 =	sand.u32 $0x1, s1;
	s6 =	smul.u32 $0x4F00, s0  }
0x6: {  	s17 =	simm.s32 $0x0;
	s1 =	rddreg [dreg:$0x2];
	s4 =	smul.u32 $0x2780, s5  }
0x7: {  	[smem:$0x7FF] =	sst s3;
	s31 =	sshll.u32 s0, $0x6;
	s8 =	smul.u32 $0x4F000, s5  }
0x8: {  	_ =	strace $0x8000004D;
	s5 =	ssub.s32 $0x2, s5;
	s9 =	sshrl.u32 s6, $0x3  }
0x9: {  	s11 =	sshrl.u32 s5, $0x1;
	s30 =	sadd.s32 s6, s2;
	s4 =	sadd.s32 s4, s6  }
0xa: {  	s8 =	sadd.s32 s6, s8;
	s9 =	sadd.s32 s9, s7;
	s29 =	ssub.s32 s5, s11  }
0xb: {  	s6 =	sor.u32 $0x1C02, s31;
	s11 =	sshrl.u32 s30, $0x3;
	s4 =	sshrl.u32 s4, $0x3  }
0xc: {  	s8 =	sshrl.u32 s8, $0x3;
	s5 =	sadd.s32 $0x16A00, s9;
	s10 =	sadd.s32 s4, s7  }
0xd: {  	s4 =	sadd.s32 $0x20800, s7;
	s7 =	sadd.s32 s8, s7;
	s8 =	smax.u32 s29, $0x1  }
0xe: {  	s7 =	sadd.s32 $0x2A600, s7;
	s9 =	sadd.s32 $0x2E00, s10;
	s10 =	sadd.s32 $0xCC00, s10  }
.LBB2_1:
0xf: {  	[spmem:s11], [sflag:s6] =	dma.local [hbm:s5], $0x9E0  }
0x10: {  	_ =	swait.ge [sflag:s12], $0x9E0  }
0x11: {  	[sflag:s12] =	ssyncset.done $0x0  }
0x12: {  	[sflag:s12] =	ssyncadd.s32 $0xFFFFF620  }
0x13: {  	s18 =	sadd.s32 $0x0, s10;
	[bflag:$0x0] =	sbarrier.arrive $0xFFFF  }
0x14: {  	[tilespmem:s3], [sflag:$0x2] =	stream.linear.gather [hbm4b:s18+s3], $0x80, $0x38;
	[tilespmem:$0x6080] =	vst v63  }
0x15: {  	_ =	swait.ge [sflag:s12], $0x80  }
0x16: {  	[sflag:s12] =	ssyncset.done $0x0  }
0x17: {  	s31 =	sadd.s32 $0x0, s9;
	[sflag:s12] =	ssyncadd.s32 $0xFFFFFF80  }
0x18: {  	[tilespmem:s13], [sflag:$0x2] =	stream.linear.gather [hbm4b:s31+s3], $0x80, $0x38;
	[tilespmem:$0x6080] =	vst v63  }
0x19: {  	_ =	swait.ge [sflag:s12], $0x80  }
0x1a: {  	[sflag:s12] =	ssyncset.done $0x0  }
0x1b: {  	[sflag:s12] =	ssyncadd.s32 $0xFFFFFF80  }
0x1c: {  	v0 =	vld [tilespmem:$0xE0]  }
0x1d: {  	v1 =	vld [tilespmem:$0xD0]  }
0x1e: {  	v3 =	vld [tilespmem:$0xB0]  }
0x1f: {  	v11 =	vld [tilespmem:$0xA0]  }
0x20: {  	v8 =	vld [tilespmem:$0x30]  }
0x21: {  	v5 =	vld [tilespmem:$0x50]  }
0x22: {  	v2 =	vld [tilespmem:$0x20]  }
0x23: {  	v4 =	vld [tilespmem:$0xC0]  }
0x24: {  	v7 =	vld [tilespmem:$0x0]  }
0x25: {  	v10 =	vld [tilespmem:$0x40]  }
0x26: {  	v6 =	vld [tilespmem:$0x80]  }
0x27: {  	v9 =	vld [tilespmem:$0x60];
	vm0 =	veq.s32 v2, v11  }
0x28: {  	s18 =	simm.s32 $0x10;
	v2 =	vld [tilespmem:$0x90];
	v11 =	vsel vm0, $0x2778, v11  }
.LBB2_2:
0x29: {  	p0 =	sne.s32 s18, $0x4E0;
	v12 =	vld [tilespmem:$0xF0];
	s19 =	smov.u32 s18;
	s18 =	sadd.s32 $0x10, s18  }
0x2a: {  	vm0 =	veq.s32 v8, v3;
	[tilespmem:$0x120] =	vst v11;
	vm1 =	veq.s32 v10, v4;
	v8 =	vld [tilespmem:$0x70]  }
0x2b: {  	v3 =	vsel vm0, $0x2778, v3;
	vm0 =	veq.s32 v5, v1;
	vm2 =	veq.s32 v7, v6;
	v7 =	vld [tilespmem:$0x10]  }
0x2c: {  	v5 =	vsel vm2, $0x2778, v6;
	[tilespmem:$0x130] =	vst v3;
	v3 =	vsel vm1, $0x2778, v4;
	vm1 =	veq.s32 v9, v0  }
0x2d: {  	v1 =	vsel vm0, $0x2778, v1;
	[tilespmem:$0x140] =	vst v3;
	v0 =	vsel vm1, $0x2778, v0  }
0x2e: {  	[tilespmem:$0x150] =	vst v1  }
0x2f: {  	[tilespmem:$0x160] =	vst v0;
	vm0 =	veq.s32 v8, v12  }
0x30: {  	[tilespmem:$0x100] =	vst v5;
	vm1 =	veq.s32 v7, v2;
	v0 =	vsel vm0, $0x2778, v12  }
0x31: {  	v1 =	vsel vm1, $0x2778, v2;
	[tilespmem:$0x170] =	vst v0  }
0x32: {  	[tilespmem:$0x110] =	vst v1  }
0x33: {  	[tilespmem:s14], [sflag:$0x1] =	stream.indirect.gather [hbm4b:s4+s13], $0x20, s3, s13, $0xb8;
	[tilespmem:$0x6080] =	vst v63  }
0x34: {  	_ =	swait.ge [sflag:s15], $0x1000  }
0x35: {  	[sflag:s15] =	ssyncset.done $0x0  }
0x36: {  	[sflag:s15] =	ssyncadd.s32 $0xFFFFF000  }
0x37: {  	[spmem:s2] =	stream.indirect.scatter.add.f32 [tilespmem:s14], [sflag:$0x2], $0x20, s16, s13, $0xb8;
	[tilespmem:$0x6080] =	vst v63  }
0x38: {  	s20 =	sadd.s32 s19, s10;
	_ =	swait.ge [sflag:s12], $0x1000  }
0x39: {  	[sflag:s12] =	ssyncset.done $0x0  }
0x3a: {  	[sflag:s12] =	ssyncadd.s32 $0xFFFFF000  }
0x3b: {  	[tilespmem:s3], [sflag:$0x2] =	stream.linear.gather [hbm4b:s20+s3], $0x80, $0x38;
	[tilespmem:$0x6080] =	vst v63  }
0x3c: {  	_ =	swait.ge [sflag:s12], $0x80  }
0x3d: {  	[sflag:s12] =	ssyncset.done $0x0  }
0x3e: {  	s19 =	sadd.s32 s19, s9;
	[sflag:s12] =	ssyncadd.s32 $0xFFFFFF80  }
0x3f: {  	[tilespmem:s13], [sflag:$0x2] =	stream.linear.gather [hbm4b:s19+s3], $0x80, $0x38;
	[tilespmem:$0x6080] =	vst v63  }
0x40: {  	_ =	swait.ge [sflag:s12], $0x80  }
0x41: {  	[sflag:s12] =	ssyncset.done $0x0  }
0x42: {  	[sflag:s12] =	ssyncadd.s32 $0xFFFFFF80  }
0x43: {  	v0 =	vld [tilespmem:$0xE0]  }
0x44: {  	v1 =	vld [tilespmem:$0xD0]  }
0x45: {  	v3 =	vld [tilespmem:$0xB0]  }
0x46: {  	v11 =	vld [tilespmem:$0xA0]  }
0x47: {  	v8 =	vld [tilespmem:$0x30]  }
0x48: {  	v5 =	vld [tilespmem:$0x50]  }
0x49: {  	v2 =	vld [tilespmem:$0x20]  }
0x4a: {  	v4 =	vld [tilespmem:$0xC0]  }
.Ltmp0:
0x4b: {  	v7 =	vld [tilespmem:$0x0];
	(pc) =	sbr.rel @p0 .LBB2_2-.Ltmp0, $4  }
0x4c: {  	v10 =	vld [tilespmem:$0x40]  }
0x4d: {  	v6 =	vld [tilespmem:$0x80]  }
0x4e: {  	vm0 =	veq.s32 v2, v11;
	v9 =	vld [tilespmem:$0x60]  }
0x4f: {  	v2 =	vld [tilespmem:$0x90];
	v11 =	vsel vm0, $0x2778, v11  }
0x50: {  	v12 =	vld [tilespmem:$0xF0]  }
0x51: {  	vm0 =	veq.s32 v8, v3;
	v58 =	vld [tilespmem:$0x70]  }
0x52: {  	[tilespmem:$0x120] =	vst v11;
	v59 =	vld [tilespmem:$0x10];
	vm11 =	veq.s32 v5, v1;
	v3 =	vsel vm0, $0x2778, v3  }
0x53: {  	vm1 =	veq.s32 v10, v4;
	v1 =	vsel vm11, $0x2778, v1;
	[tilespmem:$0x130] =	vst v3  }
0x54: {  	v60 =	vsel vm1, $0x2778, v4;
	vm13 =	veq.s32 v7, v6;
	[tilespmem:$0x150] =	vst v1  }
0x55: {  	vm12 =	veq.s32 v9, v0;
	[tilespmem:$0x140] =	vst v60;
	v61 =	vsel vm13, $0x2778, v6  }
0x56: {  	v0 =	vsel vm12, $0x2778, v0;
	[tilespmem:$0x100] =	vst v61;
	vm14 =	veq.s32 v58, v12  }
0x57: {  	[tilespmem:$0x160] =	vst v0;
	vm15 =	veq.s32 v59, v2;
	v62 =	vsel vm14, $0x2778, v12  }
0x58: {  	v63 =	vsel vm15, $0x2778, v2;
	[tilespmem:$0x170] =	vst v62  }
0x59: {  	[tilespmem:$0x110] =	vst v63  }
0x5a: {  	[tilespmem:s14], [sflag:$0x1] =	stream.indirect.gather [hbm4b:s4+s13], $0x20, s3, s13, $0xb8;
	[tilespmem:$0x6080] =	vst v63  }
0x5b: {  	_ =	swait.ge [sflag:s15], $0x1000  }
0x5c: {  	[sflag:s15] =	ssyncset.done $0x0  }
0x5d: {  	[sflag:s15] =	ssyncadd.s32 $0xFFFFF000  }
0x5e: {  	[spmem:s2] =	stream.indirect.scatter.add.f32 [tilespmem:s14], [sflag:$0x2], $0x20, s16, s13, $0xb8;
	[tilespmem:$0x6080] =	vst v63  }
0x5f: {  	_ =	swait.ge [sflag:s12], $0x1000  }
0x60: {  	s17 =	sadd.s32 $0x1, s17;
	[sflag:s12] =	ssyncset.done $0x0  }
0x61: {  	p0 =	sne.s32 s17, s8;
	[sflag:s12] =	ssyncadd.s32 $0xFFFFF000  }
.Ltmp1:
0x62: {  	[bflag:$0x0] =	sbarrier.arrive $0xFFFF;
	(pc) =	sbr.rel @p0 .LBB2_1-.Ltmp1, $4  }
0x63: {  	[hbm:s7], [sflag:s6] =	dma.local [spmem:s11], $0x9E0  }
0x64: {  	_ =	swait.ge [sflag:s12], $0x9E0  }
0x65: {  	[sflag:s12] =	ssyncset.done $0x0  }
0x66: {  	[sflag:s12] =	ssyncadd.s32 $0xFFFFF620  }
0x67: {  	_ =	sfence.sel $0x180000  }
0x68: {  	[bflag:$0x0] =	sbarrier.arrive $0xFFFF  }
0x69: {  	p0 =	sne.s32 s0, $0x0;
	_ =	strace $0x9000004D  }
0x6a: {  	s0 =	sadd.s32 @!p0 $0x100000, s1;
	[bflag:$0x2] =	sbarrier.arrive $0xFFFF  }
0x6b: {  	[sflag:s0] =	ssyncadd.tile.s32 @!p0 $0x1;
	_ =	shalt  }
.Lfunc_end2:
_tile_overlayer_lowered:
.L_overlay_start_2:
0x6c: {  	(tag) =	ssettag $0x2  }
0x6d: {  	s0 =	rddreg [dreg:$0x0];
	s2 =	stileid.u32  }
0x6e: {  	s1 =	rddreg [dreg:$0x1];
	p0 =	sne.s32 s2, $0x0  }
0x6f: {  	s3 =	rddreg [dreg:$0x2];
	[bflag:$0x3] =	sbarrier.arrive $0xFFFF;
	s2 =	simm.s32 @!p0 $0x1C02  }
0x70: {  	[timem:s3], [sflag:s2] =	dma.local @!p0 [hbm:s0], s1  }
0x71: {  	s0 =	simm.s32 @!p0 $0x2  }
0x72: {  	_ =	swait.ge @!p0 [sflag:s0], s1  }
0x73: {  	s1 =	ssub.s32 @!p0 $0x0, s1;
	[sflag:s0] =	ssyncset.done @!p0 $0x0  }
0x74: {  	[sflag:s0] =	ssyncadd.s32 @!p0 s1  }
0x75: {  	[bflag:$0x3] =	sbarrier.arrive $0xFFFF  }
0x76: {  	_ =	shalt  }

// kernel: kernel.26.cloned.1.call-start
scs
__scs_entry_jumppad:
0x0: {  	(pc) =	sbr.rel $0x88, $3  }
0x1: {  	(tag) =	ssettag $0x0;
	lr =	simm.s32 $0x1  }
0x2: {  	[smem:$0x3F8E] =	sst lr;
	_ =	strace $0xD0000000  }
0x3: {  	_ = 	snop  }
0x4: {  	_ = 	snop  }
0x5: {  	_ = 	snop  }
0x6: {  	_ = 	snop  }
0x7: {  	_ = 	snop  }
__scs_overlays_trampoline_lowered:
0x8: {  	[smem:$0x3F9D] =	sst s0  }
0x9: {  	[smem:$0x3F9E] =	sst s1  }
0xa: {  	[smem:$0x3F9F] =	sst s2  }
0xb: {  	[smem:$0x3FA0] =	sst s3  }
0xc: {  	[smem:$0x3FA1] =	sst s4  }
0xd: {  	[smem:$0x3FA2] =	sst s5  }
0xe: {  	[smem:$0x3FA3] =	sst s6  }
0xf: {  	[smem:$0x3FA4] =	sst s7  }
0x10: {  	[smem:$0x3FA5] =	sst s8  }
0x11: {  	[smem:$0x3FA6] =	sst s9;
	s0 =	simm.s32 @!p0 $0x0  }
0x12: {  	s1 =	sld [smem:$0x3F8C];
	s0 =	simm.s32 @p0 $0x1  }
0x13: {  	[smem:$0x3FA7] =	sst s0;
	s0 =	simm.s32 @!p1 $0x0  }
0x14: {  	s2 =	sld [smem:$0x3F8B];
	s0 =	simm.s32 @p1 $0x1  }
0x15: {  	[smem:$0x3FA8] =	sst s0;
	s0 =	simm.s32 @!p2 $0x0  }
0x16: {  	s3 =	sld [smem:$0x3FDB];
	s0 =	simm.s32 @p2 $0x1  }
0x17: {  	s4 =	simm.s32 $0x1BF5;
	[smem:$0x3FAA] =	sst s0  }
0x18: {  	s0 =	sld [smem:$0x3F8D];
	_ =	swait.ge [sflag:s4], $0x0  }
0x19: {  	s7 =	sld [smem:$0x3F8E]  }
0x1a: {  	s8 =	sadd.s32 $0xFFFFE003, lr  }
0x1b: {  	s9 =	sadd.s32 $0xFFFFFEF7, lr;
	s5 =	simm.s32 $0xFFFFFFFF;
	p2 =	slt.u32 s8, $0xFFFFF086  }
0x1c: {  	p1 =	slt.u32 s9, $0xF7A;
	s5 =	simm.s32 @!p2 $0x0  }
0x1d: {  	s5 =	simm.s32 @p1 $0x1;
	p0 =	seq.s32 s7, s2  }
0x1e: {  	s7 =	smul.u32 @!p0 $0xF7A, s2;
	p2 =	seq.s32 @!p0 s5, $0x0  }
0x1f: {  	s9 =	smul.u32 $0xF7A, s1;
	s8 =	simm.s32 @!p0 $0x1BF5;
	p2 =	por !p2, p0  }
0x20: {  	[sflag:s8] =	ssyncset.s32 @!p0 $0xFFFFF086;
	s6 =	sadd.s32 @!p0 s3, s7;
	s7 =	simm.s32 @!p0 $0x108  }
0x21: {  	s3 =	sadd.s32 s3, s9;
	s6 =	sadd.s32 @!p0 $0x88, s6;
	s7 =	simm.s32 @p2 $0x1082  }
0x22: {  	[simem:s7], [sflag:s8] =	dma.local @!p0 [hbm:s6], $0xF7A  }
0x23: {  	s9 =	sor.u32 $0xD0000000, s2;
	s6 =	simm.s32 $0x108;
	_ =	swait.ge @!p0 [sflag:s8], $0x0  }
0x24: {  	s3 =	sadd.s32 $0x88, s3;
	s6 =	simm.s32 @!p1 $0x1082;
	[sflag:s4] =	ssyncset.s32 $0xFFFFF086  }
0x25: {  	[simem:s6], [sflag:s4] =	dma.local [hbm:s3], $0xF7A  }
0x26: {  	[smem:$0x3F8E] =	sst s1;
	(tag) =	ssettag s2;
	_ =	strace s9  }
0x27: {  	s1 =	sld [smem:$0x3F9E]  }
0x28: {  	s2 =	sld [smem:$0x3F9F]  }
0x29: {  	s4 =	sld [smem:$0x3FA1]  }
0x2a: {  	p0 =	seq.s32 s5, $0x0;
	s5 =	sld [smem:$0x3FA2]  }
0x2b: {  	s6 =	sld [smem:$0x3FA3]  }
0x2c: {  	s7 =	sld [smem:$0x3FA4]  }
0x2d: {  	s3 =	simm.s32 $0x108;
	s8 =	sld [smem:$0x3FA5]  }
0x2e: {  	s3 =	simm.s32 @!p0 $0x1082;
	s9 =	sld [smem:$0x3FA6]  }
0x2f: {  	lr =	sadd.s32 s0, s3;
	s0 =	sld [smem:$0x3F9D]  }
0x30: {  	s3 =	sld [smem:$0x3FA0]  }
0x31: {  	[smem:$0x3FA9] =	sst s10  }
0x32: {  	s10 =	sld [smem:$0x3FA7];
	_ =	sdelay $0x3  }
0x33: {  	p0 =	seq.s32 s10, $0x1;
	s10 =	sld [smem:$0x3FA9];
	_ =	sdelay $0x3  }
0x34: {  	[smem:$0x3FA9] =	sst s10  }
0x35: {  	s10 =	sld [smem:$0x3FA8];
	_ =	sdelay $0x3  }
0x36: {  	p1 =	seq.s32 s10, $0x1;
	s10 =	sld [smem:$0x3FA9];
	_ =	sdelay $0x3  }
0x37: {  	[smem:$0x3FA9] =	sst s10  }
0x38: {  	s10 =	sld [smem:$0x3FAA]  }
0x39: {  	_ = 	snop;
	(pc) =	sbr.ind lr, $3  }
0x3a: {  	_ = 	snop  }
0x3b: {  	_ = 	snop  }
0x3c: {  	p2 =	seq.s32 s10, $0x1;
	s10 =	sld [smem:$0x3FA9]  }
0x3d: {  	_ =	shalt  }
0x3e: {  	_ =	shalt  }
0x3f: {  	_ =	shalt  }
0x40: {  	_ =	shalt  }
0x41: {  	_ =	shalt  }
0x42: {  	_ =	shalt  }
0x43: {  	_ =	shalt  }
0x44: {  	_ =	shalt  }
0x45: {  	_ =	shalt  }
0x46: {  	_ =	shalt  }
0x47: {  	_ =	shalt  }
0x48: {  	_ =	shalt  }
0x49: {  	_ =	shalt  }
0x4a: {  	_ =	shalt  }
0x4b: {  	_ =	shalt  }
0x4c: {  	_ =	shalt  }
0x4d: {  	_ =	shalt  }
0x4e: {  	_ =	shalt  }
0x4f: {  	_ =	shalt  }
0x50: {  	_ =	shalt  }
0x51: {  	_ =	shalt  }
0x52: {  	_ =	shalt  }
0x53: {  	_ =	shalt  }
0x54: {  	_ =	shalt  }
0x55: {  	_ =	shalt  }
0x56: {  	_ =	shalt  }
0x57: {  	_ =	shalt  }
0x58: {  	_ =	shalt  }
0x59: {  	_ =	shalt  }
0x5a: {  	_ =	shalt  }
0x5b: {  	_ =	shalt  }
0x5c: {  	_ =	shalt  }
0x5d: {  	_ =	shalt  }
0x5e: {  	_ =	shalt  }
0x5f: {  	_ =	shalt  }
0x60: {  	_ =	shalt  }
0x61: {  	_ =	shalt  }
0x62: {  	_ =	shalt  }
0x63: {  	_ =	shalt  }
0x64: {  	_ =	shalt  }
0x65: {  	_ =	shalt  }
0x66: {  	_ =	shalt  }
0x67: {  	_ =	shalt  }
0x68: {  	_ =	shalt  }
0x69: {  	_ =	shalt  }
0x6a: {  	_ =	shalt  }
0x6b: {  	_ =	shalt  }
0x6c: {  	_ =	shalt  }
0x6d: {  	_ =	shalt  }
0x6e: {  	_ =	shalt  }
0x6f: {  	_ =	shalt  }
0x70: {  	_ =	shalt  }
0x71: {  	_ =	shalt  }
0x72: {  	_ =	shalt  }
0x73: {  	_ =	shalt  }
0x74: {  	_ =	shalt  }
0x75: {  	_ =	shalt  }
0x76: {  	_ =	shalt  }
0x77: {  	_ =	shalt  }
0x78: {  	_ =	shalt  }
0x79: {  	_ =	shalt  }
0x7a: {  	_ =	shalt  }
0x7b: {  	_ =	shalt  }
0x7c: {  	_ =	shalt  }
0x7d: {  	_ =	shalt  }
0x7e: {  	_ =	shalt  }
0x7f: {  	_ =	shalt  }
0x80: {  	_ =	shalt  }
0x81: {  	_ =	shalt  }
0x82: {  	_ =	shalt  }
0x83: {  	_ =	shalt  }
0x84: {  	_ =	shalt  }
0x85: {  	_ =	shalt  }
0x86: {  	_ =	shalt  }
0x87: {  	_ =	shalt  }
.Lfunc_end0:
.L_simem_size_0:
called_computation.3_lowered:
.L_overlay_start_0:
0x88: {  	s2 =	sld [smem:$0x3FD9]  }
0x89: {  	s3 =	sld [smem:$0x3FFE];
	_ =	sdelay $0x1  }
0x8a: {  	s1 =	srdreg.scid  }
0x8b: {  	s0 =	sand.u32 $0x1, s1  }
0x8c: {  	s16 =	sshll.u32 s0, $0xA;
	s2 =	sadd.s32 s3, s2  }
0x8d: {  	s2 =	sadd.s32 s2, s16  }
0x8e: {  	[smem:$0x3FB5] =	sst s2  }
0x8f: {  	_ = 	snop  }
0x90: {  	(tm) =	ssettm $0x1  }
0x91: {  	s17 =	sld [smem:$0x3FFB];
	_ =	sdelay $0x3  }
0x92: {  	_ =	strace s17  }
0x93: {  	s2 =	sld [smem:$0x3FFC];
	_ =	sdelay $0x3  }
0x94: {  	_ =	strace s2  }
0x95: {  	s2 =	sld [smem:$0x3FFD];
	_ =	sdelay $0x3  }
0x96: {  	_ =	strace s2  }
0x97: {  	_ =	strace $0x8FFFFFFF  }
0x98: {  	s18 =	sld [smem:$0x3FDB];
	_ =	sdelay $0x1  }
0x99: {  	s19 =	simm.s32 $_scs_section_size  }
0x9a: {  	s4 =	simm.s32 $_size__tile_overlayer_lowered;
	s5 =	simm.s32 $_tile_overlayer_lowered  }
0x9b: {  	s22 =	simm.s32 $0x1BFF;
	s21 =	sshll.u32 s5, $0x1;
	s2 =	sadd.s32 s19, s18  }
0x9c: {  	s6 =	simm.s32 $0x0;
	s20 =	sshll.u32 s4, $0x1;
	s4 =	sadd.s32 s21, s2  }
0x9d: {  	[timem:s6], [sflag:s22] =	dma.local [hbm:s4], s20  }
0x9e: {  	_ =	swait.ge [sflag:s22], s20  }
0x9f: {  	s3 =	ssub.s32 $0x0, s20;
	[sflag:s22] =	ssyncset.done $0x0  }
0xa0: {  	[sflag:s22] =	ssyncadd.s32 s3;
	_ =	sdelay $0x1  }
0xa1: {  	s23 =	simm.s32 $0x1B8B  }
0xa2: {  	_ =	swait.ge [sflag:s23], $0x1  }
0xa3: {  	[sflag:s23] =	ssyncset.done $0x0  }
0xa4: {  	s25 =	simm.s32 $0x1B8E;
	s24 =	sld [smem:$0x3FFE];
	[sflag:s23] =	ssyncadd.s32 $0xFFFFFFFF  }
0xa5: {  	s26 =	simm.s32 $execute0_lowered;
	[smem:$0x3FD2] =	sst s25  }
0xa6: {  	s4 =	sshll.u32 s26, $0x1;
	_ =	strace $0x8000004F;
	[dreg:$0x1] =	wrdreg $0xFFFFFFFF  }
0xa7: {  	s28 =	simm.s32 $_size_execute0_lowered;
	s2 =	sadd.s32 s2, s4;
	[dreg:$0x0] =	wrdreg $0x0  }
0xa8: {  	s4 =	sshll.u32 s28, $0x1;
	[dreg:$0x2] =	wrdreg s2  }
0xa9: {  	[dreg:$0x3] =	wrdreg s4  }
0xaa: {  	[dreg:$0x4] =	wrdreg $0xC0  }
0xab: {  	_ =	task [dreg:s6], $0x5FFFF  }
0xac: {  	[dreg:$0x1] =	wrdreg $0xFFFFFFFF  }
0xad: {  	[dreg:$0x0] =	wrdreg $0x60  }
0xae: {  	[dreg:$0x2] =	wrdreg s24  }
0xaf: {  	[dreg:$0x3] =	wrdreg $0x11800  }
0xb0: {  	[dreg:$0x4] =	wrdreg $0x9  }
0xb1: {  	_ =	task.clear_ibuf [dreg:s6], $0x5FFFF;
	_ =	strace $0x9000004F  }
0xb2: {  	s29 =	simm.s32 $0x9;
	_ =	strace $0x80000051  }
0xb3: {  	_ =	swait.ge [sflag:s29], $0x1  }
0xb4: {  	[sflag:s29] =	ssyncadd.s32 $0xFFFFFFFF  }
0xb5: {  	_ =	strace $0x90000051  }
0xb6: {  	_ =	sfence  }
0xb7: {  	s30 =	sld [smem:$0x0];
	_ =	sdelay $0x2  }
0xb8: {  	s31 =	sshll.u32 s1, $0xD;
	s1 =	sshrl.u32 s1, $0x2  }
0xb9: {  	s3 =	sand.u32 $0x4000, s31;
	s1 =	sadd.s32 s1, s30  }
0xba: {  	s0 =	sor.u32 s3, s0;
	s1 =	sshll.u32 s1, $0x11  }
0xbb: {  	s0 =	sor.u32 s1, s0  }
0xbc: {  	s0 =	sadd.s32 $0x8F2B, s0  }
0xbd: {  	[sflag:s0] =	ssyncadd.remote.s32 $0x1  }
0xbe: {  	_ =	sfence.sel $0xFFFF  }
0xbf: {  	[dreg:$0x0] =	wrdreg $0xFFFFFFFF;
	(pc) =	sbr.abs _section_cstart, $3  }
0xc0: {  	[dreg:$0x1] =	wrdreg $0xFFFFFFFF  }
0xc1: {  	_ =	task.clear_ibuf [dreg:s6], $0x2FFFF;
	_ =	strace $0x9FFFFFFF  }
0xc2: {  	(tm) =	ssettm $0x7FFFFFFF  }
0xc3: {  	_ =	shalt  }
tec
execute0_lowered:
.L_overlay_start_1:
0x0: {  	(tag) =	ssettag $0x1  }
0x1: {  	s1 =	srdreg.scid  }
0x2: {  	s0 =	stileid.u32;
	s7 =	rddreg [dreg:$0x0]  }
0x3: {  	s2 =	rddreg [dreg:$0x1];
	s3 =	simm.s32 $0x0;
	s12 =	simm.s32 $0x2  }
0x4: {  	s13 =	simm.s32 $0x80;
	s14 =	simm.s32 $0x180;
	s15 =	simm.s32 $0x1  }
0x5: {  	s16 =	simm.s32 $0x100;
	s5 =	sand.u32 $0x1, s1;
	s6 =	smul.u32 $0x4F00, s0  }
0x6: {  	s17 =	simm.s32 $0x0;
	s1 =	rddreg [dreg:$0x2];
	s4 =	smul.u32 $0x2780, s5  }
0x7: {  	[smem:$0x7FF] =	sst s3;
	s31 =	sshll.u32 s0, $0x6;
	s8 =	smul.u32 $0x4F000, s5  }
0x8: {  	_ =	strace $0x80000050;
	s5 =	ssub.s32 $0x2, s5;
	s9 =	sshrl.u32 s6, $0x3  }
0x9: {  	s11 =	sshrl.u32 s5, $0x1;
	s30 =	sadd.s32 s6, s2;
	s4 =	sadd.s32 s4, s6  }
0xa: {  	s8 =	sadd.s32 s6, s8;
	s9 =	sadd.s32 s9, s7;
	s29 =	ssub.s32 s5, s11  }
0xb: {  	s6 =	sor.u32 $0x1C02, s31;
	s11 =	sshrl.u32 s30, $0x3;
	s4 =	sshrl.u32 s4, $0x3  }
0xc: {  	s8 =	sshrl.u32 s8, $0x3;
	s5 =	sadd.s32 $0x16A00, s9;
	s10 =	sadd.s32 s4, s7  }
0xd: {  	s4 =	sadd.s32 $0x20800, s7;
	s7 =	sadd.s32 s8, s7;
	s8 =	smax.u32 s29, $0x1  }
0xe: {  	s7 =	sadd.s32 $0x2A600, s7;
	s9 =	sadd.s32 $0x2E00, s10;
	s10 =	sadd.s32 $0xCC00, s10  }
.LBB2_1:
0xf: {  	[spmem:s11], [sflag:s6] =	dma.local [hbm:s5], $0x9E0  }
0x10: {  	_ =	swait.ge [sflag:s12], $0x9E0  }
0x11: {  	[sflag:s12] =	ssyncset.done $0x0  }
0x12: {  	[sflag:s12] =	ssyncadd.s32 $0xFFFFF620  }
0x13: {  	s18 =	sadd.s32 $0x0, s10;
	[bflag:$0x0] =	sbarrier.arrive $0xFFFF  }
0x14: {  	[tilespmem:s3], [sflag:$0x2] =	stream.linear.gather [hbm4b:s18+s3], $0x80, $0x38;
	[tilespmem:$0x6080] =	vst v63  }
0x15: {  	_ =	swait.ge [sflag:s12], $0x80  }
0x16: {  	[sflag:s12] =	ssyncset.done $0x0  }
0x17: {  	s31 =	sadd.s32 $0x0, s9;
	[sflag:s12] =	ssyncadd.s32 $0xFFFFFF80  }
0x18: {  	[tilespmem:s13], [sflag:$0x2] =	stream.linear.gather [hbm4b:s31+s3], $0x80, $0x38;
	[tilespmem:$0x6080] =	vst v63  }
0x19: {  	_ =	swait.ge [sflag:s12], $0x80  }
0x1a: {  	[sflag:s12] =	ssyncset.done $0x0  }
0x1b: {  	[sflag:s12] =	ssyncadd.s32 $0xFFFFFF80  }
0x1c: {  	v0 =	vld [tilespmem:$0xE0]  }
0x1d: {  	v1 =	vld [tilespmem:$0xD0]  }
0x1e: {  	v3 =	vld [tilespmem:$0xB0]  }
0x1f: {  	v11 =	vld [tilespmem:$0xA0]  }
0x20: {  	v8 =	vld [tilespmem:$0x30]  }
0x21: {  	v5 =	vld [tilespmem:$0x50]  }
0x22: {  	v2 =	vld [tilespmem:$0x20]  }
0x23: {  	v4 =	vld [tilespmem:$0xC0]  }
0x24: {  	v7 =	vld [tilespmem:$0x0]  }
0x25: {  	v10 =	vld [tilespmem:$0x40]  }
0x26: {  	v6 =	vld [tilespmem:$0x80]  }
0x27: {  	v9 =	vld [tilespmem:$0x60];
	vm0 =	veq.s32 v2, v11  }
0x28: {  	s18 =	simm.s32 $0x10;
	v2 =	vld [tilespmem:$0x90];
	v11 =	vsel vm0, $0x2778, v11  }
.LBB2_2:
0x29: {  	p0 =	sne.s32 s18, $0x4E0;
	v12 =	vld [tilespmem:$0xF0];
	s19 =	smov.u32 s18;
	s18 =	sadd.s32 $0x10, s18  }
0x2a: {  	vm0 =	veq.s32 v8, v3;
	[tilespmem:$0x120] =	vst v11;
	vm1 =	veq.s32 v10, v4;
	v8 =	vld [tilespmem:$0x70]  }
0x2b: {  	v3 =	vsel vm0, $0x2778, v3;
	vm0 =	veq.s32 v5, v1;
	vm2 =	veq.s32 v7, v6;
	v7 =	vld [tilespmem:$0x10]  }
0x2c: {  	v5 =	vsel vm2, $0x2778, v6;
	[tilespmem:$0x130] =	vst v3;
	v3 =	vsel vm1, $0x2778, v4;
	vm1 =	veq.s32 v9, v0  }
0x2d: {  	v1 =	vsel vm0, $0x2778, v1;
	[tilespmem:$0x140] =	vst v3;
	v0 =	vsel vm1, $0x2778, v0  }
0x2e: {  	[tilespmem:$0x150] =	vst v1  }
0x2f: {  	[tilespmem:$0x160] =	vst v0;
	vm0 =	veq.s32 v8, v12  }
0x30: {  	[tilespmem:$0x100] =	vst v5;
	vm1 =	veq.s32 v7, v2;
	v0 =	vsel vm0, $0x2778, v12  }
0x31: {  	v1 =	vsel vm1, $0x2778, v2;
	[tilespmem:$0x170] =	vst v0  }
0x32: {  	[tilespmem:$0x110] =	vst v1  }
0x33: {  	[tilespmem:s14], [sflag:$0x1] =	stream.indirect.gather [hbm4b:s4+s13], $0x20, s3, s13, $0xb8;
	[tilespmem:$0x6080] =	vst v63  }
0x34: {  	_ =	swait.ge [sflag:s15], $0x1000  }
0x35: {  	[sflag:s15] =	ssyncset.done $0x0  }
0x36: {  	[sflag:s15] =	ssyncadd.s32 $0xFFFFF000  }
0x37: {  	[spmem:s2] =	stream.indirect.scatter.add.f32 [tilespmem:s14], [sflag:$0x2], $0x20, s16, s13, $0xb8;
	[tilespmem:$0x6080] =	vst v63  }
0x38: {  	s20 =	sadd.s32 s19, s10;
	_ =	swait.ge [sflag:s12], $0x1000  }
0x39: {  	[sflag:s12] =	ssyncset.done $0x0  }
0x3a: {  	[sflag:s12] =	ssyncadd.s32 $0xFFFFF000  }
0x3b: {  	[tilespmem:s3], [sflag:$0x2] =	stream.linear.gather [hbm4b:s20+s3], $0x80, $0x38;
	[tilespmem:$0x6080] =	vst v63  }
0x3c: {  	_ =	swait.ge [sflag:s12], $0x80  }
0x3d: {  	[sflag:s12] =	ssyncset.done $0x0  }
0x3e: {  	s19 =	sadd.s32 s19, s9;
	[sflag:s12] =	ssyncadd.s32 $0xFFFFFF80  }
0x3f: {  	[tilespmem:s13], [sflag:$0x2] =	stream.linear.gather [hbm4b:s19+s3], $0x80, $0x38;
	[tilespmem:$0x6080] =	vst v63  }
0x40: {  	_ =	swait.ge [sflag:s12], $0x80  }
0x41: {  	[sflag:s12] =	ssyncset.done $0x0  }
0x42: {  	[sflag:s12] =	ssyncadd.s32 $0xFFFFFF80  }
0x43: {  	v0 =	vld [tilespmem:$0xE0]  }
0x44: {  	v1 =	vld [tilespmem:$0xD0]  }
0x45: {  	v3 =	vld [tilespmem:$0xB0]  }
0x46: {  	v11 =	vld [tilespmem:$0xA0]  }
0x47: {  	v8 =	vld [tilespmem:$0x30]  }
0x48: {  	v5 =	vld [tilespmem:$0x50]  }
0x49: {  	v2 =	vld [tilespmem:$0x20]  }
0x4a: {  	v4 =	vld [tilespmem:$0xC0]  }
.Ltmp0:
0x4b: {  	v7 =	vld [tilespmem:$0x0];
	(pc) =	sbr.rel @p0 .LBB2_2-.Ltmp0, $4  }
0x4c: {  	v10 =	vld [tilespmem:$0x40]  }
0x4d: {  	v6 =	vld [tilespmem:$0x80]  }
0x4e: {  	vm0 =	veq.s32 v2, v11;
	v9 =	vld [tilespmem:$0x60]  }
0x4f: {  	v2 =	vld [tilespmem:$0x90];
	v11 =	vsel vm0, $0x2778, v11  }
0x50: {  	v12 =	vld [tilespmem:$0xF0]  }
0x51: {  	vm0 =	veq.s32 v8, v3;
	v58 =	vld [tilespmem:$0x70]  }
0x52: {  	[tilespmem:$0x120] =	vst v11;
	v59 =	vld [tilespmem:$0x10];
	vm11 =	veq.s32 v5, v1;
	v3 =	vsel vm0, $0x2778, v3  }
0x53: {  	vm1 =	veq.s32 v10, v4;
	v1 =	vsel vm11, $0x2778, v1;
	[tilespmem:$0x130] =	vst v3  }
0x54: {  	v60 =	vsel vm1, $0x2778, v4;
	vm13 =	veq.s32 v7, v6;
	[tilespmem:$0x150] =	vst v1  }
0x55: {  	vm12 =	veq.s32 v9, v0;
	[tilespmem:$0x140] =	vst v60;
	v61 =	vsel vm13, $0x2778, v6  }
0x56: {  	v0 =	vsel vm12, $0x2778, v0;
	[tilespmem:$0x100] =	vst v61;
	vm14 =	veq.s32 v58, v12  }
0x57: {  	[tilespmem:$0x160] =	vst v0;
	vm15 =	veq.s32 v59, v2;
	v62 =	vsel vm14, $0x2778, v12  }
0x58: {  	v63 =	vsel vm15, $0x2778, v2;
	[tilespmem:$0x170] =	vst v62  }
0x59: {  	[tilespmem:$0x110] =	vst v63  }
0x5a: {  	[tilespmem:s14], [sflag:$0x1] =	stream.indirect.gather [hbm4b:s4+s13], $0x20, s3, s13, $0xb8;
	[tilespmem:$0x6080] =	vst v63  }
0x5b: {  	_ =	swait.ge [sflag:s15], $0x1000  }
0x5c: {  	[sflag:s15] =	ssyncset.done $0x0  }
0x5d: {  	[sflag:s15] =	ssyncadd.s32 $0xFFFFF000  }
0x5e: {  	[spmem:s2] =	stream.indirect.scatter.add.f32 [tilespmem:s14], [sflag:$0x2], $0x20, s16, s13, $0xb8;
	[tilespmem:$0x6080] =	vst v63  }
0x5f: {  	_ =	swait.ge [sflag:s12], $0x1000  }
0x60: {  	s17 =	sadd.s32 $0x1, s17;
	[sflag:s12] =	ssyncset.done $0x0  }
0x61: {  	p0 =	sne.s32 s17, s8;
	[sflag:s12] =	ssyncadd.s32 $0xFFFFF000  }
.Ltmp1:
0x62: {  	[bflag:$0x0] =	sbarrier.arrive $0xFFFF;
	(pc) =	sbr.rel @p0 .LBB2_1-.Ltmp1, $4  }
0x63: {  	[hbm:s7], [sflag:s6] =	dma.local [spmem:s11], $0x9E0  }
0x64: {  	_ =	swait.ge [sflag:s12], $0x9E0  }
0x65: {  	[sflag:s12] =	ssyncset.done $0x0  }
0x66: {  	[sflag:s12] =	ssyncadd.s32 $0xFFFFF620  }
0x67: {  	_ =	sfence.sel $0x180000  }
0x68: {  	[bflag:$0x0] =	sbarrier.arrive $0xFFFF  }
0x69: {  	p0 =	sne.s32 s0, $0x0;
	_ =	strace $0x90000050  }
0x6a: {  	s0 =	sadd.s32 @!p0 $0x100000, s1;
	[bflag:$0x2] =	sbarrier.arrive $0xFFFF  }
0x6b: {  	[sflag:s0] =	ssyncadd.tile.s32 @!p0 $0x1;
	_ =	shalt  }
.Lfunc_end2:
_tile_overlayer_lowered:
.L_overlay_start_2:
0x6c: {  	(tag) =	ssettag $0x2  }
0x6d: {  	s0 =	rddreg [dreg:$0x0];
	s2 =	stileid.u32  }
0x6e: {  	s1 =	rddreg [dreg:$0x1];
	p0 =	sne.s32 s2, $0x0  }
0x6f: {  	s3 =	rddreg [dreg:$0x2];
	[bflag:$0x3] =	sbarrier.arrive $0xFFFF;
	s2 =	simm.s32 @!p0 $0x1C02  }
0x70: {  	[timem:s3], [sflag:s2] =	dma.local @!p0 [hbm:s0], s1  }
0x71: {  	s0 =	simm.s32 @!p0 $0x2  }
0x72: {  	_ =	swait.ge @!p0 [sflag:s0], s1  }
0x73: {  	s1 =	ssub.s32 @!p0 $0x0, s1;
	[sflag:s0] =	ssyncset.done @!p0 $0x0  }
0x74: {  	[sflag:s0] =	ssyncadd.s32 @!p0 s1  }
0x75: {  	[bflag:$0x3] =	sbarrier.arrive $0xFFFF  }
0x76: {  	_ =	shalt  }

// kernel: kernel.29.cloned.1.call-start
scs
__scs_entry_jumppad:
0x0: {  	(pc) =	sbr.rel $0x88, $3  }
0x1: {  	(tag) =	ssettag $0x0;
	lr =	simm.s32 $0x1  }
0x2: {  	[smem:$0x3F8E] =	sst lr;
	_ =	strace $0xD0000000  }
0x3: {  	_ = 	snop  }
0x4: {  	_ = 	snop  }
0x5: {  	_ = 	snop  }
0x6: {  	_ = 	snop  }
0x7: {  	_ = 	snop  }
__scs_overlays_trampoline_lowered:
0x8: {  	[smem:$0x3F9D] =	sst s0  }
0x9: {  	[smem:$0x3F9E] =	sst s1  }
0xa: {  	[smem:$0x3F9F] =	sst s2  }
0xb: {  	[smem:$0x3FA0] =	sst s3  }
0xc: {  	[smem:$0x3FA1] =	sst s4  }
0xd: {  	[smem:$0x3FA2] =	sst s5  }
0xe: {  	[smem:$0x3FA3] =	sst s6  }
0xf: {  	[smem:$0x3FA4] =	sst s7  }
0x10: {  	[smem:$0x3FA5] =	sst s8  }
0x11: {  	[smem:$0x3FA6] =	sst s9;
	s0 =	simm.s32 @!p0 $0x0  }
0x12: {  	s1 =	sld [smem:$0x3F8C];
	s0 =	simm.s32 @p0 $0x1  }
0x13: {  	[smem:$0x3FA7] =	sst s0;
	s0 =	simm.s32 @!p1 $0x0  }
0x14: {  	s2 =	sld [smem:$0x3F8B];
	s0 =	simm.s32 @p1 $0x1  }
0x15: {  	[smem:$0x3FA8] =	sst s0;
	s0 =	simm.s32 @!p2 $0x0  }
0x16: {  	s3 =	sld [smem:$0x3FDB];
	s0 =	simm.s32 @p2 $0x1  }
0x17: {  	s4 =	simm.s32 $0x1BF5;
	[smem:$0x3FAA] =	sst s0  }
0x18: {  	s0 =	sld [smem:$0x3F8D];
	_ =	swait.ge [sflag:s4], $0x0  }
0x19: {  	s7 =	sld [smem:$0x3F8E]  }
0x1a: {  	s8 =	sadd.s32 $0xFFFFE003, lr  }
0x1b: {  	s9 =	sadd.s32 $0xFFFFFEF7, lr;
	s5 =	simm.s32 $0xFFFFFFFF;
	p2 =	slt.u32 s8, $0xFFFFF086  }
0x1c: {  	p1 =	slt.u32 s9, $0xF7A;
	s5 =	simm.s32 @!p2 $0x0  }
0x1d: {  	s5 =	simm.s32 @p1 $0x1;
	p0 =	seq.s32 s7, s2  }
0x1e: {  	s7 =	smul.u32 @!p0 $0xF7A, s2;
	p2 =	seq.s32 @!p0 s5, $0x0  }
0x1f: {  	s9 =	smul.u32 $0xF7A, s1;
	s8 =	simm.s32 @!p0 $0x1BF5;
	p2 =	por !p2, p0  }
0x20: {  	[sflag:s8] =	ssyncset.s32 @!p0 $0xFFFFF086;
	s6 =	sadd.s32 @!p0 s3, s7;
	s7 =	simm.s32 @!p0 $0x108  }
0x21: {  	s3 =	sadd.s32 s3, s9;
	s6 =	sadd.s32 @!p0 $0x88, s6;
	s7 =	simm.s32 @p2 $0x1082  }
0x22: {  	[simem:s7], [sflag:s8] =	dma.local @!p0 [hbm:s6], $0xF7A  }
0x23: {  	s9 =	sor.u32 $0xD0000000, s2;
	s6 =	simm.s32 $0x108;
	_ =	swait.ge @!p0 [sflag:s8], $0x0  }
0x24: {  	s3 =	sadd.s32 $0x88, s3;
	s6 =	simm.s32 @!p1 $0x1082;
	[sflag:s4] =	ssyncset.s32 $0xFFFFF086  }
0x25: {  	[simem:s6], [sflag:s4] =	dma.local [hbm:s3], $0xF7A  }
0x26: {  	[smem:$0x3F8E] =	sst s1;
	(tag) =	ssettag s2;
	_ =	strace s9  }
0x27: {  	s1 =	sld [smem:$0x3F9E]  }
0x28: {  	s2 =	sld [smem:$0x3F9F]  }
0x29: {  	s4 =	sld [smem:$0x3FA1]  }
0x2a: {  	p0 =	seq.s32 s5, $0x0;
	s5 =	sld [smem:$0x3FA2]  }
0x2b: {  	s6 =	sld [smem:$0x3FA3]  }
0x2c: {  	s7 =	sld [smem:$0x3FA4]  }
0x2d: {  	s3 =	simm.s32 $0x108;
	s8 =	sld [smem:$0x3FA5]  }
0x2e: {  	s3 =	simm.s32 @!p0 $0x1082;
	s9 =	sld [smem:$0x3FA6]  }
0x2f: {  	lr =	sadd.s32 s0, s3;
	s0 =	sld [smem:$0x3F9D]  }
0x30: {  	s3 =	sld [smem:$0x3FA0]  }
0x31: {  	[smem:$0x3FA9] =	sst s10  }
0x32: {  	s10 =	sld [smem:$0x3FA7];
	_ =	sdelay $0x3  }
0x33: {  	p0 =	seq.s32 s10, $0x1;
	s10 =	sld [smem:$0x3FA9];
	_ =	sdelay $0x3  }
0x34: {  	[smem:$0x3FA9] =	sst s10  }
0x35: {  	s10 =	sld [smem:$0x3FA8];
	_ =	sdelay $0x3  }
0x36: {  	p1 =	seq.s32 s10, $0x1;
	s10 =	sld [smem:$0x3FA9];
	_ =	sdelay $0x3  }
0x37: {  	[smem:$0x3FA9] =	sst s10  }
0x38: {  	s10 =	sld [smem:$0x3FAA]  }
0x39: {  	_ = 	snop;
	(pc) =	sbr.ind lr, $3  }
0x3a: {  	_ = 	snop  }
0x3b: {  	_ = 	snop  }
0x3c: {  	p2 =	seq.s32 s10, $0x1;
	s10 =	sld [smem:$0x3FA9]  }
0x3d: {  	_ =	shalt  }
0x3e: {  	_ =	shalt  }
0x3f: {  	_ =	shalt  }
0x40: {  	_ =	shalt  }
0x41: {  	_ =	shalt  }
0x42: {  	_ =	shalt  }
0x43: {  	_ =	shalt  }
0x44: {  	_ =	shalt  }
0x45: {  	_ =	shalt  }
0x46: {  	_ =	shalt  }
0x47: {  	_ =	shalt  }
0x48: {  	_ =	shalt  }
0x49: {  	_ =	shalt  }
0x4a: {  	_ =	shalt  }
0x4b: {  	_ =	shalt  }
0x4c: {  	_ =	shalt  }
0x4d: {  	_ =	shalt  }
0x4e: {  	_ =	shalt  }
0x4f: {  	_ =	shalt  }
0x50: {  	_ =	shalt  }
0x51: {  	_ =	shalt  }
0x52: {  	_ =	shalt  }
0x53: {  	_ =	shalt  }
0x54: {  	_ =	shalt  }
0x55: {  	_ =	shalt  }
0x56: {  	_ =	shalt  }
0x57: {  	_ =	shalt  }
0x58: {  	_ =	shalt  }
0x59: {  	_ =	shalt  }
0x5a: {  	_ =	shalt  }
0x5b: {  	_ =	shalt  }
0x5c: {  	_ =	shalt  }
0x5d: {  	_ =	shalt  }
0x5e: {  	_ =	shalt  }
0x5f: {  	_ =	shalt  }
0x60: {  	_ =	shalt  }
0x61: {  	_ =	shalt  }
0x62: {  	_ =	shalt  }
0x63: {  	_ =	shalt  }
0x64: {  	_ =	shalt  }
0x65: {  	_ =	shalt  }
0x66: {  	_ =	shalt  }
0x67: {  	_ =	shalt  }
0x68: {  	_ =	shalt  }
0x69: {  	_ =	shalt  }
0x6a: {  	_ =	shalt  }
0x6b: {  	_ =	shalt  }
0x6c: {  	_ =	shalt  }
0x6d: {  	_ =	shalt  }
0x6e: {  	_ =	shalt  }
0x6f: {  	_ =	shalt  }
0x70: {  	_ =	shalt  }
0x71: {  	_ =	shalt  }
0x72: {  	_ =	shalt  }
0x73: {  	_ =	shalt  }
0x74: {  	_ =	shalt  }
0x75: {  	_ =	shalt  }
0x76: {  	_ =	shalt  }
0x77: {  	_ =	shalt  }
0x78: {  	_ =	shalt  }
0x79: {  	_ =	shalt  }
0x7a: {  	_ =	shalt  }
0x7b: {  	_ =	shalt  }
0x7c: {  	_ =	shalt  }
0x7d: {  	_ =	shalt  }
0x7e: {  	_ =	shalt  }
0x7f: {  	_ =	shalt  }
0x80: {  	_ =	shalt  }
0x81: {  	_ =	shalt  }
0x82: {  	_ =	shalt  }
0x83: {  	_ =	shalt  }
0x84: {  	_ =	shalt  }
0x85: {  	_ =	shalt  }
0x86: {  	_ =	shalt  }
0x87: {  	_ =	shalt  }
.Lfunc_end0:
.L_simem_size_0:
called_computation.4_lowered:
.L_overlay_start_0:
0x88: {  	s2 =	sld [smem:$0x3FD9]  }
0x89: {  	s3 =	sld [smem:$0x3FFE];
	_ =	sdelay $0x1  }
0x8a: {  	s1 =	srdreg.scid  }
0x8b: {  	s0 =	sand.u32 $0x1, s1  }
0x8c: {  	s16 =	sshll.u32 s0, $0xA;
	s2 =	sadd.s32 s3, s2  }
0x8d: {  	s2 =	sadd.s32 s2, s16  }
0x8e: {  	[smem:$0x3FB5] =	sst s2  }
0x8f: {  	_ = 	snop  }
0x90: {  	(tm) =	ssettm $0x1  }
0x91: {  	s17 =	sld [smem:$0x3FFB];
	_ =	sdelay $0x3  }
0x92: {  	_ =	strace s17  }
0x93: {  	s2 =	sld [smem:$0x3FFC];
	_ =	sdelay $0x3  }
0x94: {  	_ =	strace s2  }
0x95: {  	s2 =	sld [smem:$0x3FFD];
	_ =	sdelay $0x3  }
0x96: {  	_ =	strace s2  }
0x97: {  	_ =	strace $0x8FFFFFFF  }
0x98: {  	s18 =	sld [smem:$0x3FDB];
	_ =	sdelay $0x1  }
0x99: {  	s19 =	simm.s32 $_scs_section_size  }
0x9a: {  	s4 =	simm.s32 $_size__tile_overlayer_lowered;
	s5 =	simm.s32 $_tile_overlayer_lowered  }
0x9b: {  	s22 =	simm.s32 $0x1BFF;
	s21 =	sshll.u32 s5, $0x1;
	s2 =	sadd.s32 s19, s18  }
0x9c: {  	s6 =	simm.s32 $0x0;
	s20 =	sshll.u32 s4, $0x1;
	s4 =	sadd.s32 s21, s2  }
0x9d: {  	[timem:s6], [sflag:s22] =	dma.local [hbm:s4], s20  }
0x9e: {  	_ =	swait.ge [sflag:s22], s20  }
0x9f: {  	s3 =	ssub.s32 $0x0, s20;
	[sflag:s22] =	ssyncset.done $0x0  }
0xa0: {  	[sflag:s22] =	ssyncadd.s32 s3;
	_ =	sdelay $0x1  }
0xa1: {  	s23 =	simm.s32 $0x1B8B  }
0xa2: {  	_ =	swait.ge [sflag:s23], $0x1  }
0xa3: {  	[sflag:s23] =	ssyncset.done $0x0  }
0xa4: {  	s25 =	simm.s32 $0x1B8E;
	s24 =	sld [smem:$0x3FFE];
	[sflag:s23] =	ssyncadd.s32 $0xFFFFFFFF  }
0xa5: {  	s26 =	simm.s32 $execute0_lowered;
	[smem:$0x3FD2] =	sst s25  }
0xa6: {  	s4 =	sshll.u32 s26, $0x1;
	_ =	strace $0x80000052;
	[dreg:$0x1] =	wrdreg $0xFFFFFFFF  }
0xa7: {  	s28 =	simm.s32 $_size_execute0_lowered;
	s2 =	sadd.s32 s2, s4;
	[dreg:$0x0] =	wrdreg $0x0  }
0xa8: {  	s4 =	sshll.u32 s28, $0x1;
	[dreg:$0x2] =	wrdreg s2  }
0xa9: {  	[dreg:$0x3] =	wrdreg s4  }
0xaa: {  	[dreg:$0x4] =	wrdreg $0xC0  }
0xab: {  	_ =	task [dreg:s6], $0x5FFFF  }
0xac: {  	[dreg:$0x1] =	wrdreg $0xFFFFFFFF  }
0xad: {  	[dreg:$0x0] =	wrdreg $0x60  }
0xae: {  	[dreg:$0x2] =	wrdreg s24  }
0xaf: {  	[dreg:$0x3] =	wrdreg $0x11800  }
0xb0: {  	[dreg:$0x4] =	wrdreg $0x9  }
0xb1: {  	_ =	task.clear_ibuf [dreg:s6], $0x5FFFF;
	_ =	strace $0x90000052  }
0xb2: {  	s29 =	simm.s32 $0x9;
	_ =	strace $0x80000054  }
0xb3: {  	_ =	swait.ge [sflag:s29], $0x1  }
0xb4: {  	[sflag:s29] =	ssyncadd.s32 $0xFFFFFFFF  }
0xb5: {  	_ =	strace $0x90000054  }
0xb6: {  	_ =	sfence  }
0xb7: {  	s30 =	sld [smem:$0x0];
	_ =	sdelay $0x2  }
0xb8: {  	s31 =	sshll.u32 s1, $0xD;
	s1 =	sshrl.u32 s1, $0x2  }
0xb9: {  	s3 =	sand.u32 $0x4000, s31;
	s1 =	sadd.s32 s1, s30  }
0xba: {  	s0 =	sor.u32 s3, s0;
	s1 =	sshll.u32 s1, $0x11  }
0xbb: {  	s0 =	sor.u32 s1, s0  }
0xbc: {  	s0 =	sadd.s32 $0x8F2B, s0  }
0xbd: {  	[sflag:s0] =	ssyncadd.remote.s32 $0x1  }
0xbe: {  	_ =	sfence.sel $0xFFFF  }
0xbf: {  	[dreg:$0x0] =	wrdreg $0xFFFFFFFF;
	(pc) =	sbr.abs _section_cstart, $3  }
0xc0: {  	[dreg:$0x1] =	wrdreg $0xFFFFFFFF  }
0xc1: {  	_ =	task.clear_ibuf [dreg:s6], $0x2FFFF;
	_ =	strace $0x9FFFFFFF  }
0xc2: {  	(tm) =	ssettm $0x7FFFFFFF  }
0xc3: {  	_ =	shalt  }
tec
execute0_lowered:
.L_overlay_start_1:
0x0: {  	(tag) =	ssettag $0x1  }
0x1: {  	s1 =	srdreg.scid  }
0x2: {  	s0 =	stileid.u32;
	s7 =	rddreg [dreg:$0x0]  }
0x3: {  	s2 =	rddreg [dreg:$0x1];
	s3 =	simm.s32 $0x0;
	s12 =	simm.s32 $0x2  }
0x4: {  	s13 =	simm.s32 $0x80;
	s14 =	simm.s32 $0x180;
	s15 =	simm.s32 $0x1  }
0x5: {  	s16 =	simm.s32 $0x100;
	s5 =	sand.u32 $0x1, s1;
	s6 =	smul.u32 $0x4F00, s0  }
0x6: {  	s17 =	simm.s32 $0x0;
	s1 =	rddreg [dreg:$0x2];
	s4 =	smul.u32 $0x2780, s5  }
0x7: {  	[smem:$0x7FF] =	sst s3;
	s31 =	sshll.u32 s0, $0x6;
	s8 =	smul.u32 $0x4F000, s5  }
0x8: {  	_ =	strace $0x80000053;
	s5 =	ssub.s32 $0x2, s5;
	s9 =	sshrl.u32 s6, $0x3  }
0x9: {  	s11 =	sshrl.u32 s5, $0x1;
	s30 =	sadd.s32 s6, s2;
	s4 =	sadd.s32 s4, s6  }
0xa: {  	s8 =	sadd.s32 s6, s8;
	s9 =	sadd.s32 s9, s7;
	s29 =	ssub.s32 s5, s11  }
0xb: {  	s6 =	sor.u32 $0x1C02, s31;
	s11 =	sshrl.u32 s30, $0x3;
	s4 =	sshrl.u32 s4, $0x3  }
0xc: {  	s8 =	sshrl.u32 s8, $0x3;
	s5 =	sadd.s32 $0x16A00, s9;
	s10 =	sadd.s32 s4, s7  }
0xd: {  	s4 =	sadd.s32 $0x20800, s7;
	s7 =	sadd.s32 s8, s7;
	s8 =	smax.u32 s29, $0x1  }
0xe: {  	s7 =	sadd.s32 $0x2A600, s7;
	s9 =	sadd.s32 $0x2E00, s10;
	s10 =	sadd.s32 $0xCC00, s10  }
.LBB2_1:
0xf: {  	[spmem:s11], [sflag:s6] =	dma.local [hbm:s5], $0x9E0  }
0x10: {  	_ =	swait.ge [sflag:s12], $0x9E0  }
0x11: {  	[sflag:s12] =	ssyncset.done $0x0  }
0x12: {  	[sflag:s12] =	ssyncadd.s32 $0xFFFFF620  }
0x13: {  	s18 =	sadd.s32 $0x0, s10;
	[bflag:$0x0] =	sbarrier.arrive $0xFFFF  }
0x14: {  	[tilespmem:s3], [sflag:$0x2] =	stream.linear.gather [hbm4b:s18+s3], $0x80, $0x38;
	[tilespmem:$0x6080] =	vst v63  }
0x15: {  	_ =	swait.ge [sflag:s12], $0x80  }
0x16: {  	[sflag:s12] =	ssyncset.done $0x0  }
0x17: {  	s31 =	sadd.s32 $0x0, s9;
	[sflag:s12] =	ssyncadd.s32 $0xFFFFFF80  }
0x18: {  	[tilespmem:s13], [sflag:$0x2] =	stream.linear.gather [hbm4b:s31+s3], $0x80, $0x38;
	[tilespmem:$0x6080] =	vst v63  }
0x19: {  	_ =	swait.ge [sflag:s12], $0x80  }
0x1a: {  	[sflag:s12] =	ssyncset.done $0x0  }
0x1b: {  	[sflag:s12] =	ssyncadd.s32 $0xFFFFFF80  }
0x1c: {  	v0 =	vld [tilespmem:$0xE0]  }
0x1d: {  	v1 =	vld [tilespmem:$0xD0]  }
0x1e: {  	v3 =	vld [tilespmem:$0xB0]  }
0x1f: {  	v11 =	vld [tilespmem:$0xA0]  }
0x20: {  	v8 =	vld [tilespmem:$0x30]  }
0x21: {  	v5 =	vld [tilespmem:$0x50]  }
0x22: {  	v2 =	vld [tilespmem:$0x20]  }
0x23: {  	v4 =	vld [tilespmem:$0xC0]  }
0x24: {  	v7 =	vld [tilespmem:$0x0]  }
0x25: {  	v10 =	vld [tilespmem:$0x40]  }
0x26: {  	v6 =	vld [tilespmem:$0x80]  }
0x27: {  	v9 =	vld [tilespmem:$0x60];
	vm0 =	veq.s32 v2, v11  }
0x28: {  	s18 =	simm.s32 $0x10;
	v2 =	vld [tilespmem:$0x90];
	v11 =	vsel vm0, $0x2778, v11  }
.LBB2_2:
0x29: {  	p0 =	sne.s32 s18, $0x4E0;
	v12 =	vld [tilespmem:$0xF0];
	s19 =	smov.u32 s18;
	s18 =	sadd.s32 $0x10, s18  }
0x2a: {  	vm0 =	veq.s32 v8, v3;
	[tilespmem:$0x120] =	vst v11;
	vm1 =	veq.s32 v10, v4;
	v8 =	vld [tilespmem:$0x70]  }
0x2b: {  	v3 =	vsel vm0, $0x2778, v3;
	vm0 =	veq.s32 v5, v1;
	vm2 =	veq.s32 v7, v6;
	v7 =	vld [tilespmem:$0x10]  }
0x2c: {  	v5 =	vsel vm2, $0x2778, v6;
	[tilespmem:$0x130] =	vst v3;
	v3 =	vsel vm1, $0x2778, v4;
	vm1 =	veq.s32 v9, v0  }
0x2d: {  	v1 =	vsel vm0, $0x2778, v1;
	[tilespmem:$0x140] =	vst v3;
	v0 =	vsel vm1, $0x2778, v0  }
0x2e: {  	[tilespmem:$0x150] =	vst v1  }
0x2f: {  	[tilespmem:$0x160] =	vst v0;
	vm0 =	veq.s32 v8, v12  }
0x30: {  	[tilespmem:$0x100] =	vst v5;
	vm1 =	veq.s32 v7, v2;
	v0 =	vsel vm0, $0x2778, v12  }
0x31: {  	v1 =	vsel vm1, $0x2778, v2;
	[tilespmem:$0x170] =	vst v0  }
0x32: {  	[tilespmem:$0x110] =	vst v1  }
0x33: {  	[tilespmem:s14], [sflag:$0x1] =	stream.indirect.gather [hbm4b:s4+s13], $0x20, s3, s13, $0xb8;
	[tilespmem:$0x6080] =	vst v63  }
0x34: {  	_ =	swait.ge [sflag:s15], $0x1000  }
0x35: {  	[sflag:s15] =	ssyncset.done $0x0  }
0x36: {  	[sflag:s15] =	ssyncadd.s32 $0xFFFFF000  }
0x37: {  	[spmem:s2] =	stream.indirect.scatter.add.f32 [tilespmem:s14], [sflag:$0x2], $0x20, s16, s13, $0xb8;
	[tilespmem:$0x6080] =	vst v63  }
0x38: {  	s20 =	sadd.s32 s19, s10;
	_ =	swait.ge [sflag:s12], $0x1000  }
0x39: {  	[sflag:s12] =	ssyncset.done $0x0  }
0x3a: {  	[sflag:s12] =	ssyncadd.s32 $0xFFFFF000  }
0x3b: {  	[tilespmem:s3], [sflag:$0x2] =	stream.linear.gather [hbm4b:s20+s3], $0x80, $0x38;
	[tilespmem:$0x6080] =	vst v63  }
0x3c: {  	_ =	swait.ge [sflag:s12], $0x80  }
0x3d: {  	[sflag:s12] =	ssyncset.done $0x0  }
0x3e: {  	s19 =	sadd.s32 s19, s9;
	[sflag:s12] =	ssyncadd.s32 $0xFFFFFF80  }
0x3f: {  	[tilespmem:s13], [sflag:$0x2] =	stream.linear.gather [hbm4b:s19+s3], $0x80, $0x38;
	[tilespmem:$0x6080] =	vst v63  }
0x40: {  	_ =	swait.ge [sflag:s12], $0x80  }
0x41: {  	[sflag:s12] =	ssyncset.done $0x0  }
0x42: {  	[sflag:s12] =	ssyncadd.s32 $0xFFFFFF80  }
0x43: {  	v0 =	vld [tilespmem:$0xE0]  }
0x44: {  	v1 =	vld [tilespmem:$0xD0]  }
0x45: {  	v3 =	vld [tilespmem:$0xB0]  }
0x46: {  	v11 =	vld [tilespmem:$0xA0]  }
0x47: {  	v8 =	vld [tilespmem:$0x30]  }
0x48: {  	v5 =	vld [tilespmem:$0x50]  }
0x49: {  	v2 =	vld [tilespmem:$0x20]  }
0x4a: {  	v4 =	vld [tilespmem:$0xC0]  }
.Ltmp0:
0x4b: {  	v7 =	vld [tilespmem:$0x0];
	(pc) =	sbr.rel @p0 .LBB2_2-.Ltmp0, $4  }
0x4c: {  	v10 =	vld [tilespmem:$0x40]  }
0x4d: {  	v6 =	vld [tilespmem:$0x80]  }
0x4e: {  	vm0 =	veq.s32 v2, v11;
	v9 =	vld [tilespmem:$0x60]  }
0x4f: {  	v2 =	vld [tilespmem:$0x90];
	v11 =	vsel vm0, $0x2778, v11  }
0x50: {  	v12 =	vld [tilespmem:$0xF0]  }
0x51: {  	vm0 =	veq.s32 v8, v3;
	v58 =	vld [tilespmem:$0x70]  }
0x52: {  	[tilespmem:$0x120] =	vst v11;
	v59 =	vld [tilespmem:$0x10];
	vm11 =	veq.s32 v5, v1;
	v3 =	vsel vm0, $0x2778, v3  }
0x53: {  	vm1 =	veq.s32 v10, v4;
	v1 =	vsel vm11, $0x2778, v1;
	[tilespmem:$0x130] =	vst v3  }
0x54: {  	v60 =	vsel vm1, $0x2778, v4;
	vm13 =	veq.s32 v7, v6;
	[tilespmem:$0x150] =	vst v1  }
0x55: {  	vm12 =	veq.s32 v9, v0;
	[tilespmem:$0x140] =	vst v60;
	v61 =	vsel vm13, $0x2778, v6  }
0x56: {  	v0 =	vsel vm12, $0x2778, v0;
	[tilespmem:$0x100] =	vst v61;
	vm14 =	veq.s32 v58, v12  }
0x57: {  	[tilespmem:$0x160] =	vst v0;
	vm15 =	veq.s32 v59, v2;
	v62 =	vsel vm14, $0x2778, v12  }
0x58: {  	v63 =	vsel vm15, $0x2778, v2;
	[tilespmem:$0x170] =	vst v62  }
0x59: {  	[tilespmem:$0x110] =	vst v63  }
0x5a: {  	[tilespmem:s14], [sflag:$0x1] =	stream.indirect.gather [hbm4b:s4+s13], $0x20, s3, s13, $0xb8;
	[tilespmem:$0x6080] =	vst v63  }
0x5b: {  	_ =	swait.ge [sflag:s15], $0x1000  }
0x5c: {  	[sflag:s15] =	ssyncset.done $0x0  }
0x5d: {  	[sflag:s15] =	ssyncadd.s32 $0xFFFFF000  }
0x5e: {  	[spmem:s2] =	stream.indirect.scatter.add.f32 [tilespmem:s14], [sflag:$0x2], $0x20, s16, s13, $0xb8;
	[tilespmem:$0x6080] =	vst v63  }
0x5f: {  	_ =	swait.ge [sflag:s12], $0x1000  }
0x60: {  	s17 =	sadd.s32 $0x1, s17;
	[sflag:s12] =	ssyncset.done $0x0  }
0x61: {  	p0 =	sne.s32 s17, s8;
	[sflag:s12] =	ssyncadd.s32 $0xFFFFF000  }
.Ltmp1:
0x62: {  	[bflag:$0x0] =	sbarrier.arrive $0xFFFF;
	(pc) =	sbr.rel @p0 .LBB2_1-.Ltmp1, $4  }
0x63: {  	[hbm:s7], [sflag:s6] =	dma.local [spmem:s11], $0x9E0  }
0x64: {  	_ =	swait.ge [sflag:s12], $0x9E0  }
0x65: {  	[sflag:s12] =	ssyncset.done $0x0  }
0x66: {  	[sflag:s12] =	ssyncadd.s32 $0xFFFFF620  }
0x67: {  	_ =	sfence.sel $0x180000  }
0x68: {  	[bflag:$0x0] =	sbarrier.arrive $0xFFFF  }
0x69: {  	p0 =	sne.s32 s0, $0x0;
	_ =	strace $0x90000053  }
0x6a: {  	s0 =	sadd.s32 @!p0 $0x100000, s1;
	[bflag:$0x2] =	sbarrier.arrive $0xFFFF  }
0x6b: {  	[sflag:s0] =	ssyncadd.tile.s32 @!p0 $0x1;
	_ =	shalt  }
.Lfunc_end2:
_tile_overlayer_lowered:
.L_overlay_start_2:
0x6c: {  	(tag) =	ssettag $0x2  }
0x6d: {  	s0 =	rddreg [dreg:$0x0];
	s2 =	stileid.u32  }
0x6e: {  	s1 =	rddreg [dreg:$0x1];
	p0 =	sne.s32 s2, $0x0  }
0x6f: {  	s3 =	rddreg [dreg:$0x2];
	[bflag:$0x3] =	sbarrier.arrive $0xFFFF;
	s2 =	simm.s32 @!p0 $0x1C02  }
0x70: {  	[timem:s3], [sflag:s2] =	dma.local @!p0 [hbm:s0], s1  }
0x71: {  	s0 =	simm.s32 @!p0 $0x2  }
0x72: {  	_ =	swait.ge @!p0 [sflag:s0], s1  }
0x73: {  	s1 =	ssub.s32 @!p0 $0x0, s1;
	[sflag:s0] =	ssyncset.done @!p0 $0x0  }
0x74: {  	[sflag:s0] =	ssyncadd.s32 @!p0 s1  }
0x75: {  	[bflag:$0x3] =	sbarrier.arrive $0xFFFF  }
0x76: {  	_ =	shalt  }

</sc_bundles>
